<compile_context>
chip_gen: v7x
topology: tpu7x:2x2x1
jax: 0.10.2.dev20260603
libtpu: 0.0.44.dev20260713+nightly
codegen_flags: <defaults>
</compile_context>

<pallas_src>
import jax
import jax.numpy as jnp
from jax import lax
from jax.experimental import pallas as pl
from jax.experimental.pallas import tpu as pltpu
from jax.experimental.pallas import tpu_sc as plsc

_N = 100000
_EH = 800000
_NC, _NS = 2, 16
_NW = _NC * _NS
_CHUNK = 128
_GRP = 4
_SUP = 28
_OUT = 7
_PERW = _CHUNK * _SUP * _OUT
_EHPAD = _NW * _PERW
_EROWS = _EHPAD // _CHUNK
_BROWS = _SUP * _OUT
_NT = 100096
_ZROWS = _NT // _NS
_SROWS = _NT // 16
_VROWS = _N // 16
_BR = 2000
_NB = _N // _BR
_EPS = 1e-5
_SLOPE = 0.1

_mesh = plsc.VectorSubcoreMesh(core_axis_name="c", subcore_axis_name="s")
_sc_params = pltpu.CompilerParams(use_tc_tiling_on_sc=False,
                                  needs_layout_passes=False)



def _sc_recip8(epad, zeros1):

  def body(e_hbm, zeros_hbm, out_hbm, ia_v, ib_v, ones_v, zcnt_v, rexp_v,
           cnt_sp, sem):
    cid = lax.axis_index("c")
    sid = lax.axis_index("s")

    @pl.when(cid == 0)
    def _():
      for i in range(_CHUNK // 16):
        ones_v[pl.ds(i * 16, 16)] = jnp.ones((16,), jnp.float32)
      pltpu.sync_copy(zeros_hbm, zcnt_v)
      pltpu.sync_copy(zcnt_v, cnt_sp.at[pl.ds(sid * _ZROWS, _ZROWS)])
      plsc.subcore_barrier()

      def outer(o, _):
        blk = sid * 2 + o // _OUT
        oo = o % _OUT
        rowbase = blk * _BROWS + oo * _SUP
        pltpu.sync_copy(e_hbm.at[0, pl.ds(rowbase, _SUP)], ia_v)
        pltpu.sync_copy(e_hbm.at[1, pl.ds(rowbase, _SUP)], ib_v)

        def inner(p, _):
          j0 = p * _GRP
          sds = []
          for b in range(_GRP):
            sds.append(pltpu.async_copy(
                ones_v, cnt_sp.at[ia_v.at[j0 + b]], sem, add=True))
            sds.append(pltpu.async_copy(
                ones_v, cnt_sp.at[ib_v.at[j0 + b]], sem, add=True))
          for sd in sds:
            sd.wait()
          return 0

        lax.fori_loop(0, _SUP // _GRP, inner, 0)
        return 0

      lax.fori_loop(0, 2 * _OUT, outer, 0)
      plsc.subcore_barrier()
      pltpu.sync_copy(cnt_sp.at[pl.ds(sid * _ZROWS, _ZROWS)], zcnt_v)

      def expand(i, _):
        c = zcnt_v[pl.ds(i * 16, 16)]
        r = 1.0 / jnp.maximum(c, 1.0)
        rows = i * 16 + lax.iota(jnp.int32, 16)
        for f in range(8):
          plsc.store_scatter(rexp_v, [rows, jnp.full((16,), f, jnp.int32)], r)
        return 0

      lax.fori_loop(0, _ZROWS // 16, expand, 0)
      pltpu.sync_copy(rexp_v, out_hbm.at[sid])

  f = pl.kernel(
      body,
      out_type=jax.ShapeDtypeStruct((_NS, _ZROWS, 8), jnp.float32),
      mesh=_mesh,
      compiler_params=_sc_params,
      scratch_types=[
          pltpu.VMEM((_SUP, _CHUNK), jnp.int32),
          pltpu.VMEM((_SUP, _CHUNK), jnp.int32),
          pltpu.VMEM((_CHUNK,), jnp.float32),
          pltpu.VMEM((_ZROWS,), jnp.float32),
          pltpu.VMEM((_ZROWS, 8), jnp.float32),
          pltpu.VMEM_SHARED((_NT,), jnp.float32),
          pltpu.SemaphoreType.DMA,
      ],
  )
  return f(epad, zeros1)


def _sc_agg(xt, epad, zeros8):

  def body(x_hbm, e_hbm, zeros_hbm, out_hbm,
           ia_v, ib_v, rows_v, zrow_v, agg_sp, gsem, ssem):
    cid = lax.axis_index("c")
    sid = lax.axis_index("s")
    wid = sid * _NC + cid
    pltpu.sync_copy(zeros_hbm, zrow_v)
    pltpu.sync_copy(zrow_v, agg_sp.at[pl.ds(sid * _ZROWS, _ZROWS)])
    plsc.subcore_barrier()

    def outer(o, _):
      rowbase = wid * _BROWS + o * _SUP
      pltpu.sync_copy(e_hbm.at[0, pl.ds(rowbase, _SUP)], ia_v)
      pltpu.sync_copy(e_hbm.at[1, pl.ds(rowbase, _SUP)], ib_v)

      def inner(p, _):
        j0 = p * _GRP
        gds = []
        for b in range(_GRP):
          gds.append(pltpu.async_copy(
              x_hbm.at[ia_v.at[j0 + b]], rows_v.at[b], gsem))
          gds.append(pltpu.async_copy(
              x_hbm.at[ib_v.at[j0 + b]], rows_v.at[_GRP + b], gsem))
        sds = []
        for b in range(_GRP):
          gds[2 * b].wait()
          sds.append(pltpu.async_copy(
              rows_v.at[b], agg_sp.at[ib_v.at[j0 + b]], ssem, add=True))
          gds[2 * b + 1].wait()
          sds.append(pltpu.async_copy(
              rows_v.at[_GRP + b], agg_sp.at[ia_v.at[j0 + b]], ssem,
              add=True))
        for sd in sds:
          sd.wait()
        return 0

      lax.fori_loop(0, _SUP // _GRP, inner, 0)
      return 0

    lax.fori_loop(0, _OUT, outer, 0)
    plsc.subcore_barrier()
    pltpu.sync_copy(agg_sp.at[pl.ds(sid * _ZROWS, _ZROWS)], zrow_v)
    pltpu.sync_copy(zrow_v, out_hbm.at[cid, sid])

  f = pl.kernel(
      body,
      out_type=jax.ShapeDtypeStruct((_NC, _NS, _ZROWS, 8), jnp.float32),
      mesh=_mesh,
      compiler_params=_sc_params,
      scratch_types=[
          pltpu.VMEM((_SUP, _CHUNK), jnp.int32),
          pltpu.VMEM((_SUP, _CHUNK), jnp.int32),
          pltpu.VMEM((2 * _GRP, _CHUNK, 8), jnp.float32),
          pltpu.VMEM((_ZROWS, 8), jnp.float32),
          pltpu.VMEM_SHARED((_NT, 8), jnp.float32),
          pltpu.SemaphoreType.DMA,
          pltpu.SemaphoreType.DMA,
      ],
  )
  return f(xt, epad, zeros8)



def _acc_stats(i, y, st_ref):
  part = jnp.stack([jnp.sum(y, 0), jnp.sum(y * y, 0)])

  @pl.when(i == 0)
  def _():
    st_ref[...] = part

  @pl.when(i > 0)
  def _():
    st_ref[...] += part


def _bn_act(y, m, v, g, b):
  xh = (y - m) * lax.rsqrt(v + _EPS) * g + b
  return jnp.where(xh >= 0, xh, _SLOPE * xh)


def _b16(x):
  return x.astype(jnp.bfloat16)


def _mv(st):
  m = st[0] * (1.0 / _N)
  v = st[1] * (1.0 / _N) - m * m
  return m[None, :], v[None, :]


def _whole(shape):
  return pl.BlockSpec(shape, lambda i: tuple(0 for _ in shape))


def _row_spec(d):
  return pl.BlockSpec((_BR, d), lambda i: (i, 0))


def _tc_mlp1(lf, h, s, W64, wh, ws, b1):

  def body(lf_ref, h_ref, s_ref, w_ref, wh_ref, ws_ref, b_ref, y_ref, st_ref):
    i = pl.program_id(0)
    y = jnp.dot(_b16(lf_ref[...]), _b16(w_ref[...].T),
                preferred_element_type=jnp.float32)
    hc = _b16(h_ref[...]).astype(jnp.float32) * _b16(wh_ref[...]).astype(jnp.float32)
    sc = _b16(s_ref[...]).astype(jnp.float32) * _b16(ws_ref[...]).astype(jnp.float32)
    y = y + hc + sc + b_ref[...]
    y_ref[...] = y
    _acc_stats(i, y, st_ref)

  return pl.pallas_call(
      body,
      grid=(_NB,),
      in_specs=[
          _row_spec(64), _row_spec(1), _row_spec(1),
          _whole((32, 64)), _whole((1, 32)), _whole((1, 32)), _whole((1, 32)),
      ],
      out_specs=[_row_spec(32), _whole((2, 32))],
      out_shape=[
          jax.ShapeDtypeStruct((_N, 32), jnp.float32),
          jax.ShapeDtypeStruct((2, 32), jnp.float32),
      ],
  )(lf, h, s, W64, wh, ws, b1)


def _tc_mid(y_in, st_in, g, bbn, W, b, din, dout):

  def body(y_ref, st_ref_in, g_ref, bbn_ref, w_ref, b_ref, y_ref_out, st_ref):
    i = pl.program_id(0)
    m, v = _mv(st_ref_in[...])
    x = _bn_act(y_ref[...], m, v, g_ref[...], bbn_ref[...])
    y = jnp.dot(_b16(x), _b16(w_ref[...].T),
                preferred_element_type=jnp.float32) + b_ref[...]
    y_ref_out[...] = y
    _acc_stats(i, y, st_ref)

  return pl.pallas_call(
      body,
      grid=(_NB,),
      in_specs=[
          _row_spec(din),
          _whole((2, din)), _whole((1, din)), _whole((1, din)),
          _whole((dout, din)), _whole((1, dout)),
      ],
      out_specs=[_row_spec(dout), _whole((2, dout))],
      out_shape=[
          jax.ShapeDtypeStruct((_N, dout), jnp.float32),
          jax.ShapeDtypeStruct((2, dout), jnp.float32),
      ],
  )(y_in, st_in, g, bbn, W, b)



def _tc_bnact_s6(y_s, st, T, g128, b128):

  def body(y_ref, st_ref, t_ref, g_ref, b_ref, x_ref):
    ss = jnp.dot(st_ref[...], t_ref[...], preferred_element_type=jnp.float32)
    m = ss[0] * (1.0 / _N)
    v = ss[1] * (1.0 / _N) - m * m
    x = _bn_act(y_ref[...], m[None, :], v[None, :], g_ref[...], b_ref[...])
    x_ref[...] = jnp.concatenate(
        [x, jnp.zeros((_SROWS - _VROWS, 128), jnp.float32)], axis=0)

  return pl.pallas_call(
      body,
      out_shape=jax.ShapeDtypeStruct((_SROWS, 128), jnp.float32),
  )(y_s, st, T, g128, b128)

def _tc_combine_s(agg2, recip8, x, Wlbig, blbig, Wrbig):

  def body(a_ref, r_ref, x_ref, wl_ref, bl_ref, wr_ref, z_ref, st_ref):
    mean = (a_ref[0] + a_ref[1]) * r_ref[...]
    z = (jnp.dot(_b16(mean), _b16(wl_ref[...]),
                 preferred_element_type=jnp.float32)
         + jnp.dot(_b16(x_ref[...]), _b16(wr_ref[...]),
                   preferred_element_type=jnp.float32)
         + bl_ref[...])
    z_ref[...] = z
    rowid = lax.broadcasted_iota(jnp.int32, (_SROWS, 128), 0)
    zm = jnp.where(rowid < _VROWS, z, 0.0)
    st_ref[...] = jnp.stack([jnp.sum(zm, 0), jnp.sum(zm * zm, 0)])

  return pl.pallas_call(
      body,
      out_shape=[
          jax.ShapeDtypeStruct((_SROWS, 128), jnp.float32),
          jax.ShapeDtypeStruct((2, 128), jnp.float32),
      ],
  )(agg2, recip8, x, Wlbig, blbig, Wrbig)


def _tc_bnact_s(z, st, S, g128, b128):

  def body(z_ref, st_ref, s_ref, g_ref, b_ref, x_ref):
    ss = jnp.dot(st_ref[...], s_ref[...], preferred_element_type=jnp.float32)
    m = ss[0] * (1.0 / _N)
    v = ss[1] * (1.0 / _N) - m * m
    x_ref[...] = _bn_act(z_ref[...], m[None, :], v[None, :], g_ref[...],
                         b_ref[...])

  return pl.pallas_call(
      body,
      out_shape=jax.ShapeDtypeStruct((_SROWS, 128), jnp.float32),
  )(z, st, S, g128, b128)


def _tc_bnact_cls_s(z, st, S, g128, b128, Wcbig, bc48):

  def body(z_ref, st_ref, s_ref, g_ref, b_ref, w_ref, bc_ref, o_ref):
    ss = jnp.dot(st_ref[...], s_ref[...], preferred_element_type=jnp.float32)
    m = ss[0] * (1.0 / _N)
    v = ss[1] * (1.0 / _N) - m * m
    x = _bn_act(z_ref[...], m[None, :], v[None, :], g_ref[...], b_ref[...])
    res = jnp.dot(_b16(x), _b16(w_ref[...]),
                  preferred_element_type=jnp.float32) + bc_ref[...]
    o_ref[...] = res[:_VROWS]

  return pl.pallas_call(
      body,
      out_shape=jax.ShapeDtypeStruct((_VROWS, 48), jnp.float32),
  )(z, st, S, g128, b128, Wcbig, bc48)



def kernel(latent_features, edge_data, history, is_subgoal, params):
  p = params
  lf = latent_features.astype(jnp.float32)
  h = history.astype(jnp.float32).reshape(_N, 1)
  s = is_subgoal.astype(jnp.float32).reshape(_N, 1)

  epad = jnp.pad(edge_data.astype(jnp.int32), ((0, 0), (0, _EHPAD - _EH)),
                 constant_values=_N).reshape(2, _EROWS, _CHUNK)
  zeros1 = jnp.zeros((_ZROWS,), jnp.float32)
  zeros8 = jnp.zeros((_ZROWS, 8), jnp.float32)

  recip8 = _sc_recip8(epad, zeros1).reshape(_SROWS, 128)

  lane = jnp.arange(128)
  S = (lane[:, None] % 8 == lane[None, :] % 8).astype(jnp.float32)
  T = (jnp.arange(8)[:, None] == lane[None, :] % 8).astype(jnp.float32)
  eye16 = jnp.eye(16, dtype=jnp.float32)

  W1 = p['fc1_W']
  y1, st1 = _tc_mlp1(lf, h, s, W1[:, :64],
                     W1[:, 64].reshape(1, 32), W1[:, 65].reshape(1, 32),
                     p['fc1_b'].reshape(1, 32))
  y2, st2 = _tc_mid(y1, st1, p['fc1bn_g'].reshape(1, 32),
                    p['fc1bn_b'].reshape(1, 32), p['fc2_W'],
                    p['fc2_b'].reshape(1, 16), 32, 16)
  y3, st3 = _tc_mid(y2, st2, p['fc2bn_g'].reshape(1, 16),
                    p['fc2bn_b'].reshape(1, 16), p['fc3_W'],
                    p['fc3_b'].reshape(1, 8), 16, 8)
  st3 = st3 + 0.0 * recip8[0, 0]
  xts = _tc_bnact_s6(y3.reshape(_VROWS, 128), st3, T,
                     jnp.tile(p['fc3bn_g'], 16).reshape(1, 128),
                     jnp.tile(p['fc3bn_b'], 16).reshape(1, 128))

  z, stz = None, None
  for k in (1, 2, 3):
    agg_parts = _sc_agg(xts.reshape(_NT, 8), epad, zeros8)
    agg2 = agg_parts.reshape(_NC, _SROWS, 128)
    Wlbig = jnp.kron(eye16, p['conv%d_Wl' % k].T)
    Wrbig = jnp.kron(eye16, p['conv%d_Wr' % k].T)
    blbig = jnp.tile(p['conv%d_bl' % k], 16).reshape(1, 128)
    z, stz = _tc_combine_s(agg2, recip8, xts, Wlbig, blbig, Wrbig)
    if k < 3:
      g128 = jnp.tile(p['conv%dbn_g' % k], 16).reshape(1, 128)
      b128 = jnp.tile(p['conv%dbn_b' % k], 16).reshape(1, 128)
      xts = _tc_bnact_s(z, stz, S, g128, b128)

  g128 = jnp.tile(p['conv3bn_g'], 16).reshape(1, 128)
  b128 = jnp.tile(p['conv3bn_b'], 16).reshape(1, 128)
  Wcbig = jnp.kron(eye16, p['cls_W'].T)
  bc48 = jnp.tile(p['cls_b'], 16).reshape(1, 48)
  out = _tc_bnact_cls_s(z, stz, S, g128, b128, Wcbig, bc48)
  return out.reshape(_N, 3)

# --- scband reference (transcript-rebuilt; emitter-appended) ---
"""Pipeline reference for scband-lspconditional-gnn-56100862820768 (READ-ONLY COPY).

The authoritative reference and input builder live on the scoring server;
editing this copy changes nothing except your own understanding.
"""

import jax, jax.numpy as jnp
import numpy as np

N = 100000
EH = 800000


def _init_params(key):
    ks = jax.random.split(key, 8)
    def lin(k, o, i):
        w = jax.random.normal(k, (o, i), jnp.float32) * (1.0 / np.sqrt(i))
        b = jnp.zeros((o,), jnp.float32)
        return w, b
    p = {}
    p['fc1_W'], p['fc1_b'] = lin(ks[0], 32, 66)
    p['fc2_W'], p['fc2_b'] = lin(ks[1], 16, 32)
    p['fc3_W'], p['fc3_b'] = lin(ks[2], 8, 16)
    for i, k in zip((1, 2, 3), (ks[3], ks[4], ks[5])):
        k1, k2 = jax.random.split(k)
        p['conv%d_Wl' % i], p['conv%d_bl' % i] = lin(k1, 8, 8)
        p['conv%d_Wr' % i] = jax.random.normal(k2, (8, 8), jnp.float32) * (1.0 / np.sqrt(8))
    p['cls_W'], p['cls_b'] = lin(ks[6], 3, 8)
    for name, d in (('fc1bn', 32), ('fc2bn', 16), ('fc3bn', 8), ('conv1bn', 8), ('conv2bn', 8), ('conv3bn', 8)):
        p[name + '_g'] = jnp.ones((d,), jnp.float32)
        p[name + '_b'] = jnp.zeros((d,), jnp.float32)
    return p


def setup_inputs(seed: int = 0):
    key = jax.random.key(seed)
    k0, k1, k2, k3, k4 = jax.random.split(key, 5)
    return {
        'latent_features': jax.random.normal(k0, (N, 64), jnp.float32),
        'edge_data': jax.random.randint(k1, (2, EH), 0, N),
        'history': jax.random.uniform(k2, (N,), jnp.float32),
        'is_subgoal': jax.random.uniform(k3, (N,), jnp.float32),
        'params': _init_params(k4),
    }


def _bn(x, g, b):
    m = jnp.mean(x, 0)
    v = jnp.mean((x - m) ** 2, 0)
    return (x - m) / jnp.sqrt(v + 1e-5) * g + b


def _lrelu(x):
    return jnp.where(x >= 0, x, 0.1 * x)


def _sage(x, src, dst, Wl, bl, Wr, n):
    # PyG SAGEConv (mean aggregation): lin_l(mean_{j->i} x_j) + lin_r(x_i)
    msg = x[src]
    agg = jax.ops.segment_sum(msg, dst, num_segments=n)
    cnt = jax.ops.segment_sum(jnp.ones((src.shape[0],), x.dtype), dst, num_segments=n)
    mean = agg / jnp.clip(cnt, 1.0)[:, None]
    return mean @ Wl.T + bl + x @ Wr.T


def _forward(lf, history, is_subgoal, p, edge_index):
    n = lf.shape[0]
    h = jnp.concatenate((lf, history.reshape(-1, 1), is_subgoal.reshape(-1, 1)), 1)
    h = _lrelu(_bn(h @ p['fc1_W'].T + p['fc1_b'], p['fc1bn_g'], p['fc1bn_b']))
    h = _lrelu(_bn(h @ p['fc2_W'].T + p['fc2_b'], p['fc2bn_g'], p['fc2bn_b']))
    h = _lrelu(_bn(h @ p['fc3_W'].T + p['fc3_b'], p['fc3bn_g'], p['fc3bn_b']))
    src, dst = edge_index[0], edge_index[1]
    h = _lrelu(_bn(_sage(h, src, dst, p['conv1_Wl'], p['conv1_bl'], p['conv1_Wr'], n), p['conv1bn_g'], p['conv1bn_b']))
    h = _lrelu(_bn(_sage(h, src, dst, p['conv2_Wl'], p['conv2_bl'], p['conv2_Wr'], n), p['conv2bn_g'], p['conv2bn_b']))
    h = _lrelu(_bn(_sage(h, src, dst, p['conv3_Wl'], p['conv3_bl'], p['conv3_Wr'], n), p['conv3bn_g'], p['conv3bn_b']))
    return h @ p['cls_W'].T + p['cls_b']


def reference(latent_features, edge_data, history, is_subgoal, params):
    # Symmetrize edges exactly like the torch forward
    a = jnp.concatenate((edge_data[0], edge_data[1]), 0)
    b = jnp.concatenate((edge_data[1], edge_data[0]), 0)
    edge_index = jnp.reshape(jnp.concatenate((a, b), 0), (2, -1))
    return _forward(latent_features, history, is_subgoal, params, edge_index)

if __name__ == "__main__":
    import jax
    _d = setup_inputs()
    print(jax.jit(kernel)(*tuple(_d.values())))

</pallas_src>

<mosaic_0001>
#map = affine_map<(d0, d1) -> (0, 0)>
#map1 = affine_map<(d0, d1) -> (0, 0, 0)>
#map2 = affine_map<(d0, d1) -> (0, 0, 0, 0)>
module attributes {stable_mosaic.version = 14 : i64} {
  func.func @body(%arg0: i32, %arg1: i32, %arg2: memref<100096x8xf32, #tpu.memory_space<hbm>>, %arg3: memref<2x6272x128xi32, #tpu.memory_space<hbm>>, %arg4: memref<6256x8xf32, #tpu.memory_space<hbm>>, %arg5: memref<2x16x6256x8xf32, #tpu.memory_space<hbm>>, %arg6: memref<28x128xi32, #tpu.memory_space<vmem>>, %arg7: memref<28x128xi32, #tpu.memory_space<vmem>>, %arg8: memref<8x128x8xf32, #tpu.memory_space<vmem>>, %arg9: memref<6256x8xf32, #tpu.memory_space<vmem>>, %arg10: memref<100096x8xf32, #tpu.memory_space<vmem_shared>>, %arg11: memref<!tpu.dma_semaphore, #tpu.memory_space<semaphore_mem>>, %arg12: memref<!tpu.dma_semaphore, #tpu.memory_space<semaphore_mem>>) attributes {dimension_semantics = [#tpu.dimension_semantics<core_parallel>, #tpu.dimension_semantics<subcore_parallel>], iteration_bounds = array<i64: 2, 16>, scalar_prefetch = 0 : i64, scratch_operands = 7 : i64, tpu.core_type = #tpu.core_type<sc_vector_subcore>, window_params = [{transform_indices = #map}, {transform_indices = #map1}, {transform_indices = #map}, {transform_indices = #map2}]} {
    %mul3A = arith.constant 2 : i32
    %mul3A_0 = arith.muli %arg1, %mul3A : i32
    %add3A = arith.addi %mul3A_0, %arg0 : i32
    "tpu.region"() ({
      %run_scoped3A = tpu.sem_alloc : memref<!tpu.dma_semaphore, #tpu.memory_space<semaphore_mem>>
      tpu.enqueue_dma source(%arg4 : memref<6256x8xf32, #tpu.memory_space<hbm>>) target(%arg9 : memref<6256x8xf32, #tpu.memory_space<vmem>>) target_semaphore(%run_scoped3A : memref<!tpu.dma_semaphore, #tpu.memory_space<semaphore_mem>>)
      tpu.wait_dma2 semaphore(%run_scoped3A : memref<!tpu.dma_semaphore, #tpu.memory_space<semaphore_mem>>) src(%arg4 : memref<6256x8xf32, #tpu.memory_space<hbm>>) dst(%arg9 : memref<6256x8xf32, #tpu.memory_space<vmem>>)
      tpu.yield
    }) : () -> ()
    %mul3A_1 = arith.constant 6256 : i32
    %mul3A_2 = arith.muli %arg1, %mul3A_1 : i32
    "tpu.region"() ({
      %run_scoped3A = tpu.sem_alloc : memref<!tpu.dma_semaphore, #tpu.memory_space<semaphore_mem>>
      %dma_start3A = arith.constant 0 : i32
      %dma_start3A_12 = tpu.memref_slice %arg10[%mul3A_2, %dma_start3A] : memref<100096x8xf32, #tpu.memory_space<vmem_shared>> -> memref<6256x8xf32, #tpu.memory_space<vmem_shared>>
      %dma_start3A_13 = arith.constant 0 : i32
      %dma_start3A_14 = tpu.memref_slice %arg10[%mul3A_2, %dma_start3A_13] : memref<100096x8xf32, #tpu.memory_space<vmem_shared>> -> memref<6256x8xf32, #tpu.memory_space<vmem_shared>>
      tpu.enqueue_dma source(%arg9 : memref<6256x8xf32, #tpu.memory_space<vmem>>) target(%dma_start3A_14 : memref<6256x8xf32, #tpu.memory_space<vmem_shared>>) target_semaphore(%run_scoped3A : memref<!tpu.dma_semaphore, #tpu.memory_space<semaphore_mem>>)
      %dma_wait3A = arith.constant 0 : i32
      %dma_wait3A_15 = tpu.memref_slice %arg10[%mul3A_2, %dma_wait3A] : memref<100096x8xf32, #tpu.memory_space<vmem_shared>> -> memref<6256x8xf32, #tpu.memory_space<vmem_shared>>
      %dma_wait3A_16 = arith.constant 0 : i32
      %dma_wait3A_17 = tpu.memref_slice %arg10[%mul3A_2, %dma_wait3A_16] : memref<100096x8xf32, #tpu.memory_space<vmem_shared>> -> memref<6256x8xf32, #tpu.memory_space<vmem_shared>>
      tpu.wait_dma2 semaphore(%run_scoped3A : memref<!tpu.dma_semaphore, #tpu.memory_space<semaphore_mem>>) src(%arg9 : memref<6256x8xf32, #tpu.memory_space<vmem>>) dst(%dma_wait3A_17 : memref<6256x8xf32, #tpu.memory_space<vmem_shared>>)
      tpu.yield
    }) : () -> ()
    %barrier3A = arith.constant 0 : index
    tpu.barrier barrier_id(%barrier3A)
    %scan3A = arith.constant 0 : i32
    %scan3A_3 = arith.constant 0 : i32
    %scan3A_4 = arith.constant 7 : i32
    %scan3A_5 = arith.addi %scan3A_3, %scan3A_4 : i32
    %scan3A_6 = arith.constant 1 : i32
    %scan3A_7 = scf.for %scan3A_12 = %scan3A_3 to %scan3A_5 step %scan3A_6 iter_args(%scan3A_13 = %scan3A) -> (i32)  : i32 {
      %mul3A_14 = arith.constant 196 : i32
      %mul3A_15 = arith.muli %add3A, %mul3A_14 : i32
      %mul3A_16 = arith.constant 28 : i32
      %mul3A_17 = arith.muli %scan3A_12, %mul3A_16 : i32
      %add3A_18 = arith.addi %mul3A_15, %mul3A_17 : i32
      %run_scoped3A = arith.constant 0 : i32
      "tpu.region"() ({
        %run_scoped3A_28 = tpu.sem_alloc : memref<!tpu.dma_semaphore, #tpu.memory_space<semaphore_mem>>
        %dma_start3A = arith.constant 0 : i32
        %dma_start3A_29 = tpu.memref_slice %arg3[%run_scoped3A, %add3A_18, %dma_start3A] : memref<2x6272x128xi32, #tpu.memory_space<hbm>> -> memref<1x28x128xi32, #tpu.memory_space<hbm>>
        %dma_start3A_30 = tpu.memref_squeeze %dma_start3A_29 : memref<1x28x128xi32, #tpu.memory_space<hbm>> -> memref<28x128xi32, #tpu.memory_space<hbm>>
        %dma_start3A_31 = arith.constant 0 : i32
        %dma_start3A_32 = tpu.memref_slice %arg3[%run_scoped3A, %add3A_18, %dma_start3A_31] : memref<2x6272x128xi32, #tpu.memory_space<hbm>> -> memref<1x28x128xi32, #tpu.memory_space<hbm>>
        %dma_start3A_33 = tpu.memref_squeeze %dma_start3A_32 : memref<1x28x128xi32, #tpu.memory_space<hbm>> -> memref<28x128xi32, #tpu.memory_space<hbm>>
        tpu.enqueue_dma source(%dma_start3A_33 : memref<28x128xi32, #tpu.memory_space<hbm>>) target(%arg6 : memref<28x128xi32, #tpu.memory_space<vmem>>) target_semaphore(%run_scoped3A_28 : memref<!tpu.dma_semaphore, #tpu.memory_space<semaphore_mem>>)
        %dma_wait3A = arith.constant 0 : i32
        %dma_wait3A_34 = tpu.memref_slice %arg3[%run_scoped3A, %add3A_18, %dma_wait3A] : memref<2x6272x128xi32, #tpu.memory_space<hbm>> -> memref<1x28x128xi32, #tpu.memory_space<hbm>>
        %dma_wait3A_35 = tpu.memref_squeeze %dma_wait3A_34 : memref<1x28x128xi32, #tpu.memory_space<hbm>> -> memref<28x128xi32, #tpu.memory_space<hbm>>
        %dma_wait3A_36 = arith.constant 0 : i32
        %dma_wait3A_37 = tpu.memref_slice %arg3[%run_scoped3A, %add3A_18, %dma_wait3A_36] : memref<2x6272x128xi32, #tpu.memory_space<hbm>> -> memref<1x28x128xi32, #tpu.memory_space<hbm>>
        %dma_wait3A_38 = tpu.memref_squeeze %dma_wait3A_37 : memref<1x28x128xi32, #tpu.memory_space<hbm>> -> memref<28x128xi32, #tpu.memory_space<hbm>>
        tpu.wait_dma2 semaphore(%run_scoped3A_28 : memref<!tpu.dma_semaphore, #tpu.memory_space<semaphore_mem>>) src(%dma_wait3A_38 : memref<28x128xi32, #tpu.memory_space<hbm>>) dst(%arg6 : memref<28x128xi32, #tpu.memory_space<vmem>>)
        tpu.yield
      }) : () -> ()
      %run_scoped3A_19 = arith.constant 1 : i32
      "tpu.region"() ({
        %run_scoped3A_28 = tpu.sem_alloc : memref<!tpu.dma_semaphore, #tpu.memory_space<semaphore_mem>>
        %dma_start3A = arith.constant 0 : i32
        %dma_start3A_29 = tpu.memref_slice %arg3[%run_scoped3A_19, %add3A_18, %dma_start3A] : memref<2x6272x128xi32, #tpu.memory_space<hbm>> -> memref<1x28x128xi32, #tpu.memory_space<hbm>>
        %dma_start3A_30 = tpu.memref_squeeze %dma_start3A_29 : memref<1x28x128xi32, #tpu.memory_space<hbm>> -> memref<28x128xi32, #tpu.memory_space<hbm>>
        %dma_start3A_31 = arith.constant 0 : i32
        %dma_start3A_32 = tpu.memref_slice %arg3[%run_scoped3A_19, %add3A_18, %dma_start3A_31] : memref<2x6272x128xi32, #tpu.memory_space<hbm>> -> memref<1x28x128xi32, #tpu.memory_space<hbm>>
        %dma_start3A_33 = tpu.memref_squeeze %dma_start3A_32 : memref<1x28x128xi32, #tpu.memory_space<hbm>> -> memref<28x128xi32, #tpu.memory_space<hbm>>
        tpu.enqueue_dma source(%dma_start3A_33 : memref<28x128xi32, #tpu.memory_space<hbm>>) target(%arg7 : memref<28x128xi32, #tpu.memory_space<vmem>>) target_semaphore(%run_scoped3A_28 : memref<!tpu.dma_semaphore, #tpu.memory_space<semaphore_mem>>)
        %dma_wait3A = arith.constant 0 : i32
        %dma_wait3A_34 = tpu.memref_slice %arg3[%run_scoped3A_19, %add3A_18, %dma_wait3A] : memref<2x6272x128xi32, #tpu.memory_space<hbm>> -> memref<1x28x128xi32, #tpu.memory_space<hbm>>
        %dma_wait3A_35 = tpu.memref_squeeze %dma_wait3A_34 : memref<1x28x128xi32, #tpu.memory_space<hbm>> -> memref<28x128xi32, #tpu.memory_space<hbm>>
        %dma_wait3A_36 = arith.constant 0 : i32
        %dma_wait3A_37 = tpu.memref_slice %arg3[%run_scoped3A_19, %add3A_18, %dma_wait3A_36] : memref<2x6272x128xi32, #tpu.memory_space<hbm>> -> memref<1x28x128xi32, #tpu.memory_space<hbm>>
        %dma_wait3A_38 = tpu.memref_squeeze %dma_wait3A_37 : memref<1x28x128xi32, #tpu.memory_space<hbm>> -> memref<28x128xi32, #tpu.memory_space<hbm>>
        tpu.wait_dma2 semaphore(%run_scoped3A_28 : memref<!tpu.dma_semaphore, #tpu.memory_space<semaphore_mem>>) src(%dma_wait3A_38 : memref<28x128xi32, #tpu.memory_space<hbm>>) dst(%arg7 : memref<28x128xi32, #tpu.memory_space<vmem>>)
        tpu.yield
      }) : () -> ()
      %scan3A_20 = arith.constant 0 : i32
      %scan3A_21 = arith.constant 0 : i32
      %scan3A_22 = arith.constant 7 : i32
      %scan3A_23 = arith.addi %scan3A_21, %scan3A_22 : i32
      %scan3A_24 = arith.constant 1 : i32
      %scan3A_25 = scf.for %scan3A_28 = %scan3A_21 to %scan3A_23 step %scan3A_24 iter_args(%scan3A_29 = %scan3A_20) -> (i32)  : i32 {
        %mul3A_30 = arith.constant 4 : i32
        %mul3A_31 = arith.muli %scan3A_28, %mul3A_30 : i32
        %add3A_32 = arith.constant 0 : i32
        %add3A_33 = arith.addi %mul3A_31, %add3A_32 : i32
        %dma_start3A = arith.constant 0 : i32
        %dma_start3A_34 = arith.constant 0 : i32
        %dma_start3A_35 = arith.constant 0 : i32
        %dma_start3A_36 = tpu.memref_slice %arg8[%dma_start3A, %dma_start3A_34, %dma_start3A_35] : memref<8x128x8xf32, #tpu.memory_space<vmem>> -> memref<1x128x8xf32, #tpu.memory_space<vmem>>
        %dma_start3A_37 = tpu.memref_squeeze %dma_start3A_36 : memref<1x128x8xf32, #tpu.memory_space<vmem>> -> memref<128x8xf32, #tpu.memory_space<vmem>>
        %dma_start3A_38 = arith.constant 0 : i32
        %dma_start3A_39 = tpu.memref_slice %arg6[%add3A_33, %dma_start3A_38] : memref<28x128xi32, #tpu.memory_space<vmem>> -> memref<1x128xi32, #tpu.memory_space<vmem>>
        %dma_start3A_40 = tpu.memref_squeeze %dma_start3A_39 : memref<1x128xi32, #tpu.memory_space<vmem>> -> memref<128xi32, #tpu.memory_space<vmem>>
        %dma_start3A_41 = arith.constant 0 : i32
        %dma_start3A_42 = arith.constant 0 : i32
        %dma_start3A_43 = tpu.memref_slice %arg2[%dma_start3A_41, %dma_start3A_42] : memref<100096x8xf32, #tpu.memory_space<hbm>> -> memref<100096x8xf32, #tpu.memory_space<hbm>>
        tpu.enqueue_indirect_dma source(%dma_start3A_43 : memref<100096x8xf32, #tpu.memory_space<hbm>>) target(%dma_start3A_37 : memref<128x8xf32, #tpu.memory_space<vmem>>) offsets(%dma_start3A_40 : memref<128xi32, #tpu.memory_space<vmem>>) semaphore(%arg11 : memref<!tpu.dma_semaphore, #tpu.memory_space<semaphore_mem>>)
        %add3A_44 = arith.constant 0 : i32
        %add3A_45 = arith.addi %mul3A_31, %add3A_44 : i32
        %dma_start3A_46 = arith.constant 4 : i32
        %dma_start3A_47 = arith.constant 0 : i32
        %dma_start3A_48 = arith.constant 0 : i32
        %dma_start3A_49 = tpu.memref_slice %arg8[%dma_start3A_46, %dma_start3A_47, %dma_start3A_48] : memref<8x128x8xf32, #tpu.memory_space<vmem>> -> memref<1x128x8xf32, #tpu.memory_space<vmem>>
        %dma_start3A_50 = tpu.memref_squeeze %dma_start3A_49 : memref<1x128x8xf32, #tpu.memory_space<vmem>> -> memref<128x8xf32, #tpu.memory_space<vmem>>
        %dma_start3A_51 = arith.constant 0 : i32
        %dma_start3A_52 = tpu.memref_slice %arg7[%add3A_45, %dma_start3A_51] : memref<28x128xi32, #tpu.memory_space<vmem>> -> memref<1x128xi32, #tpu.memory_space<vmem>>
        %dma_start3A_53 = tpu.memref_squeeze %dma_start3A_52 : memref<1x128xi32, #tpu.memory_space<vmem>> -> memref<128xi32, #tpu.memory_space<vmem>>
        %dma_start3A_54 = arith.constant 0 : i32
        %dma_start3A_55 = arith.constant 0 : i32
        %dma_start3A_56 = tpu.memref_slice %arg2[%dma_start3A_54, %dma_start3A_55] : memref<100096x8xf32, #tpu.memory_space<hbm>> -> memref<100096x8xf32, #tpu.memory_space<hbm>>
        tpu.enqueue_indirect_dma source(%dma_start3A_56 : memref<100096x8xf32, #tpu.memory_space<hbm>>) target(%dma_start3A_50 : memref<128x8xf32, #tpu.memory_space<vmem>>) offsets(%dma_start3A_53 : memref<128xi32, #tpu.memory_space<vmem>>) semaphore(%arg11 : memref<!tpu.dma_semaphore, #tpu.memory_space<semaphore_mem>>)
        %add3A_57 = arith.constant 1 : i32
        %add3A_58 = arith.addi %mul3A_31, %add3A_57 : i32
        %dma_start3A_59 = arith.constant 1 : i32
        %dma_start3A_60 = arith.constant 0 : i32
        %dma_start3A_61 = arith.constant 0 : i32
        %dma_start3A_62 = tpu.memref_slice %arg8[%dma_start3A_59, %dma_start3A_60, %dma_start3A_61] : memref<8x128x8xf32, #tpu.memory_space<vmem>> -> memref<1x128x8xf32, #tpu.memory_space<vmem>>
        %dma_start3A_63 = tpu.memref_squeeze %dma_start3A_62 : memref<1x128x8xf32, #tpu.memory_space<vmem>> -> memref<128x8xf32, #tpu.memory_space<vmem>>
        %dma_start3A_64 = arith.constant 0 : i32
        %dma_start3A_65 = tpu.memref_slice %arg6[%add3A_58, %dma_start3A_64] : memref<28x128xi32, #tpu.memory_space<vmem>> -> memref<1x128xi32, #tpu.memory_space<vmem>>
        %dma_start3A_66 = tpu.memref_squeeze %dma_start3A_65 : memref<1x128xi32, #tpu.memory_space<vmem>> -> memref<128xi32, #tpu.memory_space<vmem>>
        %dma_start3A_67 = arith.constant 0 : i32
        %dma_start3A_68 = arith.constant 0 : i32
        %dma_start3A_69 = tpu.memref_slice %arg2[%dma_start3A_67, %dma_start3A_68] : memref<100096x8xf32, #tpu.memory_space<hbm>> -> memref<100096x8xf32, #tpu.memory_space<hbm>>
        tpu.enqueue_indirect_dma source(%dma_start3A_69 : memref<100096x8xf32, #tpu.memory_space<hbm>>) target(%dma_start3A_63 : memref<128x8xf32, #tpu.memory_space<vmem>>) offsets(%dma_start3A_66 : memref<128xi32, #tpu.memory_space<vmem>>) semaphore(%arg11 : memref<!tpu.dma_semaphore, #tpu.memory_space<semaphore_mem>>)
        %add3A_70 = arith.constant 1 : i32
        %add3A_71 = arith.addi %mul3A_31, %add3A_70 : i32
        %dma_start3A_72 = arith.constant 5 : i32
        %dma_start3A_73 = arith.constant 0 : i32
        %dma_start3A_74 = arith.constant 0 : i32
        %dma_start3A_75 = tpu.memref_slice %arg8[%dma_start3A_72, %dma_start3A_73, %dma_start3A_74] : memref<8x128x8xf32, #tpu.memory_space<vmem>> -> memref<1x128x8xf32, #tpu.memory_space<vmem>>
        %dma_start3A_76 = tpu.memref_squeeze %dma_start3A_75 : memref<1x128x8xf32, #tpu.memory_space<vmem>> -> memref<128x8xf32, #tpu.memory_space<vmem>>
        %dma_start3A_77 = arith.constant 0 : i32
        %dma_start3A_78 = tpu.memref_slice %arg7[%add3A_71, %dma_start3A_77] : memref<28x128xi32, #tpu.memory_space<vmem>> -> memref<1x128xi32, #tpu.memory_space<vmem>>
        %dma_start3A_79 = tpu.memref_squeeze %dma_start3A_78 : memref<1x128xi32, #tpu.memory_space<vmem>> -> memref<128xi32, #tpu.memory_space<vmem>>
        %dma_start3A_80 = arith.constant 0 : i32
        %dma_start3A_81 = arith.constant 0 : i32
        %dma_start3A_82 = tpu.memref_slice %arg2[%dma_start3A_80, %dma_start3A_81] : memref<100096x8xf32, #tpu.memory_space<hbm>> -> memref<100096x8xf32, #tpu.memory_space<hbm>>
        tpu.enqueue_indirect_dma source(%dma_start3A_82 : memref<100096x8xf32, #tpu.memory_space<hbm>>) target(%dma_start3A_76 : memref<128x8xf32, #tpu.memory_space<vmem>>) offsets(%dma_start3A_79 : memref<128xi32, #tpu.memory_space<vmem>>) semaphore(%arg11 : memref<!tpu.dma_semaphore, #tpu.memory_space<semaphore_mem>>)
        %add3A_83 = arith.constant 2 : i32
        %add3A_84 = arith.addi %mul3A_31, %add3A_83 : i32
        %dma_start3A_85 = arith.constant 2 : i32
        %dma_start3A_86 = arith.constant 0 : i32
        %dma_start3A_87 = arith.constant 0 : i32
        %dma_start3A_88 = tpu.memref_slice %arg8[%dma_start3A_85, %dma_start3A_86, %dma_start3A_87] : memref<8x128x8xf32, #tpu.memory_space<vmem>> -> memref<1x128x8xf32, #tpu.memory_space<vmem>>
        %dma_start3A_89 = tpu.memref_squeeze %dma_start3A_88 : memref<1x128x8xf32, #tpu.memory_space<vmem>> -> memref<128x8xf32, #tpu.memory_space<vmem>>
        %dma_start3A_90 = arith.constant 0 : i32
        %dma_start3A_91 = tpu.memref_slice %arg6[%add3A_84, %dma_start3A_90] : memref<28x128xi32, #tpu.memory_space<vmem>> -> memref<1x128xi32, #tpu.memory_space<vmem>>
        %dma_start3A_92 = tpu.memref_squeeze %dma_start3A_91 : memref<1x128xi32, #tpu.memory_space<vmem>> -> memref<128xi32, #tpu.memory_space<vmem>>
        %dma_start3A_93 = arith.constant 0 : i32
        %dma_start3A_94 = arith.constant 0 : i32
        %dma_start3A_95 = tpu.memref_slice %arg2[%dma_start3A_93, %dma_start3A_94] : memref<100096x8xf32, #tpu.memory_space<hbm>> -> memref<100096x8xf32, #tpu.memory_space<hbm>>
        tpu.enqueue_indirect_dma source(%dma_start3A_95 : memref<100096x8xf32, #tpu.memory_space<hbm>>) target(%dma_start3A_89 : memref<128x8xf32, #tpu.memory_space<vmem>>) offsets(%dma_start3A_92 : memref<128xi32, #tpu.memory_space<vmem>>) semaphore(%arg11 : memref<!tpu.dma_semaphore, #tpu.memory_space<semaphore_mem>>)
        %add3A_96 = arith.constant 2 : i32
        %add3A_97 = arith.addi %mul3A_31, %add3A_96 : i32
        %dma_start3A_98 = arith.constant 6 : i32
        %dma_start3A_99 = arith.constant 0 : i32
        %dma_start3A_100 = arith.constant 0 : i32
        %dma_start3A_101 = tpu.memref_slice %arg8[%dma_start3A_98, %dma_start3A_99, %dma_start3A_100] : memref<8x128x8xf32, #tpu.memory_space<vmem>> -> memref<1x128x8xf32, #tpu.memory_space<vmem>>
        %dma_start3A_102 = tpu.memref_squeeze %dma_start3A_101 : memref<1x128x8xf32, #tpu.memory_space<vmem>> -> memref<128x8xf32, #tpu.memory_space<vmem>>
        %dma_start3A_103 = arith.constant 0 : i32
        %dma_start3A_104 = tpu.memref_slice %arg7[%add3A_97, %dma_start3A_103] : memref<28x128xi32, #tpu.memory_space<vmem>> -> memref<1x128xi32, #tpu.memory_space<vmem>>
        %dma_start3A_105 = tpu.memref_squeeze %dma_start3A_104 : memref<1x128xi32, #tpu.memory_space<vmem>> -> memref<128xi32, #tpu.memory_space<vmem>>
        %dma_start3A_106 = arith.constant 0 : i32
        %dma_start3A_107 = arith.constant 0 : i32
        %dma_start3A_108 = tpu.memref_slice %arg2[%dma_start3A_106, %dma_start3A_107] : memref<100096x8xf32, #tpu.memory_space<hbm>> -> memref<100096x8xf32, #tpu.memory_space<hbm>>
        tpu.enqueue_indirect_dma source(%dma_start3A_108 : memref<100096x8xf32, #tpu.memory_space<hbm>>) target(%dma_start3A_102 : memref<128x8xf32, #tpu.memory_space<vmem>>) offsets(%dma_start3A_105 : memref<128xi32, #tpu.memory_space<vmem>>) semaphore(%arg11 : memref<!tpu.dma_semaphore, #tpu.memory_space<semaphore_mem>>)
        %add3A_109 = arith.constant 3 : i32
        %add3A_110 = arith.addi %mul3A_31, %add3A_109 : i32
        %dma_start3A_111 = arith.constant 3 : i32
        %dma_start3A_112 = arith.constant 0 : i32
        %dma_start3A_113 = arith.constant 0 : i32
        %dma_start3A_114 = tpu.memref_slice %arg8[%dma_start3A_111, %dma_start3A_112, %dma_start3A_113] : memref<8x128x8xf32, #tpu.memory_space<vmem>> -> memref<1x128x8xf32, #tpu.memory_space<vmem>>
        %dma_start3A_115 = tpu.memref_squeeze %dma_start3A_114 : memref<1x128x8xf32, #tpu.memory_space<vmem>> -> memref<128x8xf32, #tpu.memory_space<vmem>>
        %dma_start3A_116 = arith.constant 0 : i32
        %dma_start3A_117 = tpu.memref_slice %arg6[%add3A_110, %dma_start3A_116] : memref<28x128xi32, #tpu.memory_space<vmem>> -> memref<1x128xi32, #tpu.memory_space<vmem>>
        %dma_start3A_118 = tpu.memref_squeeze %dma_start3A_117 : memref<1x128xi32, #tpu.memory_space<vmem>> -> memref<128xi32, #tpu.memory_space<vmem>>
        %dma_start3A_119 = arith.constant 0 : i32
        %dma_start3A_120 = arith.constant 0 : i32
        %dma_start3A_121 = tpu.memref_slice %arg2[%dma_start3A_119, %dma_start3A_120] : memref<100096x8xf32, #tpu.memory_space<hbm>> -> memref<100096x8xf32, #tpu.memory_space<hbm>>
        tpu.enqueue_indirect_dma source(%dma_start3A_121 : memref<100096x8xf32, #tpu.memory_space<hbm>>) target(%dma_start3A_115 : memref<128x8xf32, #tpu.memory_space<vmem>>) offsets(%dma_start3A_118 : memref<128xi32, #tpu.memory_space<vmem>>) semaphore(%arg11 : memref<!tpu.dma_semaphore, #tpu.memory_space<semaphore_mem>>)
        %add3A_122 = arith.constant 3 : i32
        %add3A_123 = arith.addi %mul3A_31, %add3A_122 : i32
        %dma_start3A_124 = arith.constant 7 : i32
        %dma_start3A_125 = arith.constant 0 : i32
        %dma_start3A_126 = arith.constant 0 : i32
        %dma_start3A_127 = tpu.memref_slice %arg8[%dma_start3A_124, %dma_start3A_125, %dma_start3A_126] : memref<8x128x8xf32, #tpu.memory_space<vmem>> -> memref<1x128x8xf32, #tpu.memory_space<vmem>>
        %dma_start3A_128 = tpu.memref_squeeze %dma_start3A_127 : memref<1x128x8xf32, #tpu.memory_space<vmem>> -> memref<128x8xf32, #tpu.memory_space<vmem>>
        %dma_start3A_129 = arith.constant 0 : i32
        %dma_start3A_130 = tpu.memref_slice %arg7[%add3A_123, %dma_start3A_129] : memref<28x128xi32, #tpu.memory_space<vmem>> -> memref<1x128xi32, #tpu.memory_space<vmem>>
        %dma_start3A_131 = tpu.memref_squeeze %dma_start3A_130 : memref<1x128xi32, #tpu.memory_space<vmem>> -> memref<128xi32, #tpu.memory_space<vmem>>
        %dma_start3A_132 = arith.constant 0 : i32
        %dma_start3A_133 = arith.constant 0 : i32
        %dma_start3A_134 = tpu.memref_slice %arg2[%dma_start3A_132, %dma_start3A_133] : memref<100096x8xf32, #tpu.memory_space<hbm>> -> memref<100096x8xf32, #tpu.memory_space<hbm>>
        tpu.enqueue_indirect_dma source(%dma_start3A_134 : memref<100096x8xf32, #tpu.memory_space<hbm>>) target(%dma_start3A_128 : memref<128x8xf32, #tpu.memory_space<vmem>>) offsets(%dma_start3A_131 : memref<128xi32, #tpu.memory_space<vmem>>) semaphore(%arg11 : memref<!tpu.dma_semaphore, #tpu.memory_space<semaphore_mem>>)
        %dma_wait3A = arith.constant 0 : i32
        %dma_wait3A_135 = arith.constant 0 : i32
        %dma_wait3A_136 = arith.constant 0 : i32
        %dma_wait3A_137 = tpu.memref_slice %arg8[%dma_wait3A, %dma_wait3A_135, %dma_wait3A_136] : memref<8x128x8xf32, #tpu.memory_space<vmem>> -> memref<1x128x8xf32, #tpu.memory_space<vmem>>
        %dma_wait3A_138 = tpu.memref_squeeze %dma_wait3A_137 : memref<1x128x8xf32, #tpu.memory_space<vmem>> -> memref<128x8xf32, #tpu.memory_space<vmem>>
        %dma_wait3A_139 = arith.constant 0 : i32
        %dma_wait3A_140 = tpu.memref_slice %arg6[%add3A_33, %dma_wait3A_139] : memref<28x128xi32, #tpu.memory_space<vmem>> -> memref<1x128xi32, #tpu.memory_space<vmem>>
        %dma_wait3A_141 = tpu.memref_squeeze %dma_wait3A_140 : memref<1x128xi32, #tpu.memory_space<vmem>> -> memref<128xi32, #tpu.memory_space<vmem>>
        %dma_wait3A_142 = arith.constant 0 : i32
        %dma_wait3A_143 = arith.constant 0 : i32
        %dma_wait3A_144 = tpu.memref_slice %arg2[%dma_wait3A_142, %dma_wait3A_143] : memref<100096x8xf32, #tpu.memory_space<hbm>> -> memref<100096x8xf32, #tpu.memory_space<hbm>>
        tpu.wait_indirect_dma semaphore(%arg11 : memref<!tpu.dma_semaphore, #tpu.memory_space<semaphore_mem>>) src(%dma_wait3A_144 : memref<100096x8xf32, #tpu.memory_space<hbm>>) dst(%dma_wait3A_138 : memref<128x8xf32, #tpu.memory_space<vmem>>)
        %add3A_145 = arith.constant 0 : i32
        %add3A_146 = arith.addi %mul3A_31, %add3A_145 : i32
        %dma_start3A_147 = arith.constant 0 : i32
        %dma_start3A_148 = arith.constant 0 : i32
        %dma_start3A_149 = arith.constant 0 : i32
        %dma_start3A_150 = tpu.memref_slice %arg8[%dma_start3A_147, %dma_start3A_148, %dma_start3A_149] : memref<8x128x8xf32, #tpu.memory_space<vmem>> -> memref<1x128x8xf32, #tpu.memory_space<vmem>>
        %dma_start3A_151 = tpu.memref_squeeze %dma_start3A_150 : memref<1x128x8xf32, #tpu.memory_space<vmem>> -> memref<128x8xf32, #tpu.memory_space<vmem>>
        %dma_start3A_152 = arith.constant 0 : i32
        %dma_start3A_153 = tpu.memref_slice %arg7[%add3A_146, %dma_start3A_152] : memref<28x128xi32, #tpu.memory_space<vmem>> -> memref<1x128xi32, #tpu.memory_space<vmem>>
        %dma_start3A_154 = tpu.memref_squeeze %dma_start3A_153 : memref<1x128xi32, #tpu.memory_space<vmem>> -> memref<128xi32, #tpu.memory_space<vmem>>
        %dma_start3A_155 = arith.constant 0 : i32
        %dma_start3A_156 = arith.constant 0 : i32
        %dma_start3A_157 = tpu.memref_slice %arg10[%dma_start3A_155, %dma_start3A_156] : memref<100096x8xf32, #tpu.memory_space<vmem_shared>> -> memref<100096x8xf32, #tpu.memory_space<vmem_shared>>
        tpu.enqueue_indirect_dma source(%dma_start3A_151 : memref<128x8xf32, #tpu.memory_space<vmem>>) target(%dma_start3A_157 : memref<100096x8xf32, #tpu.memory_space<vmem_shared>>) offsets(%dma_start3A_154 : memref<128xi32, #tpu.memory_space<vmem>>) semaphore(%arg12 : memref<!tpu.dma_semaphore, #tpu.memory_space<semaphore_mem>>) {add = true}
        %dma_wait3A_158 = arith.constant 4 : i32
        %dma_wait3A_159 = arith.constant 0 : i32
        %dma_wait3A_160 = arith.constant 0 : i32
        %dma_wait3A_161 = tpu.memref_slice %arg8[%dma_wait3A_158, %dma_wait3A_159, %dma_wait3A_160] : memref<8x128x8xf32, #tpu.memory_space<vmem>> -> memref<1x128x8xf32, #tpu.memory_space<vmem>>
        %dma_wait3A_162 = tpu.memref_squeeze %dma_wait3A_161 : memref<1x128x8xf32, #tpu.memory_space<vmem>> -> memref<128x8xf32, #tpu.memory_space<vmem>>
        %dma_wait3A_163 = arith.constant 0 : i32
        %dma_wait3A_164 = tpu.memref_slice %arg7[%add3A_45, %dma_wait3A_163] : memref<28x128xi32, #tpu.memory_space<vmem>> -> memref<1x128xi32, #tpu.memory_space<vmem>>
        %dma_wait3A_165 = tpu.memref_squeeze %dma_wait3A_164 : memref<1x128xi32, #tpu.memory_space<vmem>> -> memref<128xi32, #tpu.memory_space<vmem>>
        %dma_wait3A_166 = arith.constant 0 : i32
        %dma_wait3A_167 = arith.constant 0 : i32
        %dma_wait3A_168 = tpu.memref_slice %arg2[%dma_wait3A_166, %dma_wait3A_167] : memref<100096x8xf32, #tpu.memory_space<hbm>> -> memref<100096x8xf32, #tpu.memory_space<hbm>>
        tpu.wait_indirect_dma semaphore(%arg11 : memref<!tpu.dma_semaphore, #tpu.memory_space<semaphore_mem>>) src(%dma_wait3A_168 : memref<100096x8xf32, #tpu.memory_space<hbm>>) dst(%dma_wait3A_162 : memref<128x8xf32, #tpu.memory_space<vmem>>)
        %add3A_169 = arith.constant 0 : i32
        %add3A_170 = arith.addi %mul3A_31, %add3A_169 : i32
        %dma_start3A_171 = arith.constant 4 : i32
        %dma_start3A_172 = arith.constant 0 : i32
        %dma_start3A_173 = arith.constant 0 : i32
        %dma_start3A_174 = tpu.memref_slice %arg8[%dma_start3A_171, %dma_start3A_172, %dma_start3A_173] : memref<8x128x8xf32, #tpu.memory_space<vmem>> -> memref<1x128x8xf32, #tpu.memory_space<vmem>>
        %dma_start3A_175 = tpu.memref_squeeze %dma_start3A_174 : memref<1x128x8xf32, #tpu.memory_space<vmem>> -> memref<128x8xf32, #tpu.memory_space<vmem>>
        %dma_start3A_176 = arith.constant 0 : i32
        %dma_start3A_177 = tpu.memref_slice %arg6[%add3A_170, %dma_start3A_176] : memref<28x128xi32, #tpu.memory_space<vmem>> -> memref<1x128xi32, #tpu.memory_space<vmem>>
        %dma_start3A_178 = tpu.memref_squeeze %dma_start3A_177 : memref<1x128xi32, #tpu.memory_space<vmem>> -> memref<128xi32, #tpu.memory_space<vmem>>
        %dma_start3A_179 = arith.constant 0 : i32
        %dma_start3A_180 = arith.constant 0 : i32
        %dma_start3A_181 = tpu.memref_slice %arg10[%dma_start3A_179, %dma_start3A_180] : memref<100096x8xf32, #tpu.memory_space<vmem_shared>> -> memref<100096x8xf32, #tpu.memory_space<vmem_shared>>
        tpu.enqueue_indirect_dma source(%dma_start3A_175 : memref<128x8xf32, #tpu.memory_space<vmem>>) target(%dma_start3A_181 : memref<100096x8xf32, #tpu.memory_space<vmem_shared>>) offsets(%dma_start3A_178 : memref<128xi32, #tpu.memory_space<vmem>>) semaphore(%arg12 : memref<!tpu.dma_semaphore, #tpu.memory_space<semaphore_mem>>) {add = true}
        %dma_wait3A_182 = arith.constant 1 : i32
        %dma_wait3A_183 = arith.constant 0 : i32
        %dma_wait3A_184 = arith.constant 0 : i32
        %dma_wait3A_185 = tpu.memref_slice %arg8[%dma_wait3A_182, %dma_wait3A_183, %dma_wait3A_184] : memref<8x128x8xf32, #tpu.memory_space<vmem>> -> memref<1x128x8xf32, #tpu.memory_space<vmem>>
        %dma_wait3A_186 = tpu.memref_squeeze %dma_wait3A_185 : memref<1x128x8xf32, #tpu.memory_space<vmem>> -> memref<128x8xf32, #tpu.memory_space<vmem>>
        %dma_wait3A_187 = arith.constant 0 : i32
        %dma_wait3A_188 = tpu.memref_slice %arg6[%add3A_58, %dma_wait3A_187] : memref<28x128xi32, #tpu.memory_space<vmem>> -> memref<1x128xi32, #tpu.memory_space<vmem>>
        %dma_wait3A_189 = tpu.memref_squeeze %dma_wait3A_188 : memref<1x128xi32, #tpu.memory_space<vmem>> -> memref<128xi32, #tpu.memory_space<vmem>>
        %dma_wait3A_190 = arith.constant 0 : i32
        %dma_wait3A_191 = arith.constant 0 : i32
        %dma_wait3A_192 = tpu.memref_slice %arg2[%dma_wait3A_190, %dma_wait3A_191] : memref<100096x8xf32, #tpu.memory_space<hbm>> -> memref<100096x8xf32, #tpu.memory_space<hbm>>
        tpu.wait_indirect_dma semaphore(%arg11 : memref<!tpu.dma_semaphore, #tpu.memory_space<semaphore_mem>>) src(%dma_wait3A_192 : memref<100096x8xf32, #tpu.memory_space<hbm>>) dst(%dma_wait3A_186 : memref<128x8xf32, #tpu.memory_space<vmem>>)
        %add3A_193 = arith.constant 1 : i32
        %add3A_194 = arith.addi %mul3A_31, %add3A_193 : i32
        %dma_start3A_195 = arith.constant 1 : i32
        %dma_start3A_196 = arith.constant 0 : i32
        %dma_start3A_197 = arith.constant 0 : i32
        %dma_start3A_198 = tpu.memref_slice %arg8[%dma_start3A_195, %dma_start3A_196, %dma_start3A_197] : memref<8x128x8xf32, #tpu.memory_space<vmem>> -> memref<1x128x8xf32, #tpu.memory_space<vmem>>
        %dma_start3A_199 = tpu.memref_squeeze %dma_start3A_198 : memref<1x128x8xf32, #tpu.memory_space<vmem>> -> memref<128x8xf32, #tpu.memory_space<vmem>>
        %dma_start3A_200 = arith.constant 0 : i32
        %dma_start3A_201 = tpu.memref_slice %arg7[%add3A_194, %dma_start3A_200] : memref<28x128xi32, #tpu.memory_space<vmem>> -> memref<1x128xi32, #tpu.memory_space<vmem>>
        %dma_start3A_202 = tpu.memref_squeeze %dma_start3A_201 : memref<1x128xi32, #tpu.memory_space<vmem>> -> memref<128xi32, #tpu.memory_space<vmem>>
        %dma_start3A_203 = arith.constant 0 : i32
        %dma_start3A_204 = arith.constant 0 : i32
        %dma_start3A_205 = tpu.memref_slice %arg10[%dma_start3A_203, %dma_start3A_204] : memref<100096x8xf32, #tpu.memory_space<vmem_shared>> -> memref<100096x8xf32, #tpu.memory_space<vmem_shared>>
        tpu.enqueue_indirect_dma source(%dma_start3A_199 : memref<128x8xf32, #tpu.memory_space<vmem>>) target(%dma_start3A_205 : memref<100096x8xf32, #tpu.memory_space<vmem_shared>>) offsets(%dma_start3A_202 : memref<128xi32, #tpu.memory_space<vmem>>) semaphore(%arg12 : memref<!tpu.dma_semaphore, #tpu.memory_space<semaphore_mem>>) {add = true}
        %dma_wait3A_206 = arith.constant 5 : i32
        %dma_wait3A_207 = arith.constant 0 : i32
        %dma_wait3A_208 = arith.constant 0 : i32
        %dma_wait3A_209 = tpu.memref_slice %arg8[%dma_wait3A_206, %dma_wait3A_207, %dma_wait3A_208] : memref<8x128x8xf32, #tpu.memory_space<vmem>> -> memref<1x128x8xf32, #tpu.memory_space<vmem>>
        %dma_wait3A_210 = tpu.memref_squeeze %dma_wait3A_209 : memref<1x128x8xf32, #tpu.memory_space<vmem>> -> memref<128x8xf32, #tpu.memory_space<vmem>>
        %dma_wait3A_211 = arith.constant 0 : i32
        %dma_wait3A_212 = tpu.memref_slice %arg7[%add3A_71, %dma_wait3A_211] : memref<28x128xi32, #tpu.memory_space<vmem>> -> memref<1x128xi32, #tpu.memory_space<vmem>>
        %dma_wait3A_213 = tpu.memref_squeeze %dma_wait3A_212 : memref<1x128xi32, #tpu.memory_space<vmem>> -> memref<128xi32, #tpu.memory_space<vmem>>
        %dma_wait3A_214 = arith.constant 0 : i32
        %dma_wait3A_215 = arith.constant 0 : i32
        %dma_wait3A_216 = tpu.memref_slice %arg2[%dma_wait3A_214, %dma_wait3A_215] : memref<100096x8xf32, #tpu.memory_space<hbm>> -> memref<100096x8xf32, #tpu.memory_space<hbm>>
        tpu.wait_indirect_dma semaphore(%arg11 : memref<!tpu.dma_semaphore, #tpu.memory_space<semaphore_mem>>) src(%dma_wait3A_216 : memref<100096x8xf32, #tpu.memory_space<hbm>>) dst(%dma_wait3A_210 : memref<128x8xf32, #tpu.memory_space<vmem>>)
        %add3A_217 = arith.constant 1 : i32
        %add3A_218 = arith.addi %mul3A_31, %add3A_217 : i32
        %dma_start3A_219 = arith.constant 5 : i32
        %dma_start3A_220 = arith.constant 0 : i32
        %dma_start3A_221 = arith.constant 0 : i32
        %dma_start3A_222 = tpu.memref_slice %arg8[%dma_start3A_219, %dma_start3A_220, %dma_start3A_221] : memref<8x128x8xf32, #tpu.memory_space<vmem>> -> memref<1x128x8xf32, #tpu.memory_space<vmem>>
        %dma_start3A_223 = tpu.memref_squeeze %dma_start3A_222 : memref<1x128x8xf32, #tpu.memory_space<vmem>> -> memref<128x8xf32, #tpu.memory_space<vmem>>
        %dma_start3A_224 = arith.constant 0 : i32
        %dma_start3A_225 = tpu.memref_slice %arg6[%add3A_218, %dma_start3A_224] : memref<28x128xi32, #tpu.memory_space<vmem>> -> memref<1x128xi32, #tpu.memory_space<vmem>>
        %dma_start3A_226 = tpu.memref_squeeze %dma_start3A_225 : memref<1x128xi32, #tpu.memory_space<vmem>> -> memref<128xi32, #tpu.memory_space<vmem>>
        %dma_start3A_227 = arith.constant 0 : i32
        %dma_start3A_228 = arith.constant 0 : i32
        %dma_start3A_229 = tpu.memref_slice %arg10[%dma_start3A_227, %dma_start3A_228] : memref<100096x8xf32, #tpu.memory_space<vmem_shared>> -> memref<100096x8xf32, #tpu.memory_space<vmem_shared>>
        tpu.enqueue_indirect_dma source(%dma_start3A_223 : memref<128x8xf32, #tpu.memory_space<vmem>>) target(%dma_start3A_229 : memref<100096x8xf32, #tpu.memory_space<vmem_shared>>) offsets(%dma_start3A_226 : memref<128xi32, #tpu.memory_space<vmem>>) semaphore(%arg12 : memref<!tpu.dma_semaphore, #tpu.memory_space<semaphore_mem>>) {add = true}
        %dma_wait3A_230 = arith.constant 2 : i32
        %dma_wait3A_231 = arith.constant 0 : i32
        %dma_wait3A_232 = arith.constant 0 : i32
        %dma_wait3A_233 = tpu.memref_slice %arg8[%dma_wait3A_230, %dma_wait3A_231, %dma_wait3A_232] : memref<8x128x8xf32, #tpu.memory_space<vmem>> -> memref<1x128x8xf32, #tpu.memory_space<vmem>>
        %dma_wait3A_234 = tpu.memref_squeeze %dma_wait3A_233 : memref<1x128x8xf32, #tpu.memory_space<vmem>> -> memref<128x8xf32, #tpu.memory_space<vmem>>
        %dma_wait3A_235 = arith.constant 0 : i32
        %dma_wait3A_236 = tpu.memref_slice %arg6[%add3A_84, %dma_wait3A_235] : memref<28x128xi32, #tpu.memory_space<vmem>> -> memref<1x128xi32, #tpu.memory_space<vmem>>
        %dma_wait3A_237 = tpu.memref_squeeze %dma_wait3A_236 : memref<1x128xi32, #tpu.memory_space<vmem>> -> memref<128xi32, #tpu.memory_space<vmem>>
        %dma_wait3A_238 = arith.constant 0 : i32
        %dma_wait3A_239 = arith.constant 0 : i32
        %dma_wait3A_240 = tpu.memref_slice %arg2[%dma_wait3A_238, %dma_wait3A_239] : memref<100096x8xf32, #tpu.memory_space<hbm>> -> memref<100096x8xf32, #tpu.memory_space<hbm>>
        tpu.wait_indirect_dma semaphore(%arg11 : memref<!tpu.dma_semaphore, #tpu.memory_space<semaphore_mem>>) src(%dma_wait3A_240 : memref<100096x8xf32, #tpu.memory_space<hbm>>) dst(%dma_wait3A_234 : memref<128x8xf32, #tpu.memory_space<vmem>>)
        %add3A_241 = arith.constant 2 : i32
        %add3A_242 = arith.addi %mul3A_31, %add3A_241 : i32
        %dma_start3A_243 = arith.constant 2 : i32
        %dma_start3A_244 = arith.constant 0 : i32
        %dma_start3A_245 = arith.constant 0 : i32
        %dma_start3A_246 = tpu.memref_slice %arg8[%dma_start3A_243, %dma_start3A_244, %dma_start3A_245] : memref<8x128x8xf32, #tpu.memory_space<vmem>> -> memref<1x128x8xf32, #tpu.memory_space<vmem>>
        %dma_start3A_247 = tpu.memref_squeeze %dma_start3A_246 : memref<1x128x8xf32, #tpu.memory_space<vmem>> -> memref<128x8xf32, #tpu.memory_space<vmem>>
        %dma_start3A_248 = arith.constant 0 : i32
        %dma_start3A_249 = tpu.memref_slice %arg7[%add3A_242, %dma_start3A_248] : memref<28x128xi32, #tpu.memory_space<vmem>> -> memref<1x128xi32, #tpu.memory_space<vmem>>
        %dma_start3A_250 = tpu.memref_squeeze %dma_start3A_249 : memref<1x128xi32, #tpu.memory_space<vmem>> -> memref<128xi32, #tpu.memory_space<vmem>>
        %dma_start3A_251 = arith.constant 0 : i32
        %dma_start3A_252 = arith.constant 0 : i32
        %dma_start3A_253 = tpu.memref_slice %arg10[%dma_start3A_251, %dma_start3A_252] : memref<100096x8xf32, #tpu.memory_space<vmem_shared>> -> memref<100096x8xf32, #tpu.memory_space<vmem_shared>>
        tpu.enqueue_indirect_dma source(%dma_start3A_247 : memref<128x8xf32, #tpu.memory_space<vmem>>) target(%dma_start3A_253 : memref<100096x8xf32, #tpu.memory_space<vmem_shared>>) offsets(%dma_start3A_250 : memref<128xi32, #tpu.memory_space<vmem>>) semaphore(%arg12 : memref<!tpu.dma_semaphore, #tpu.memory_space<semaphore_mem>>) {add = true}
        %dma_wait3A_254 = arith.constant 6 : i32
        %dma_wait3A_255 = arith.constant 0 : i32
        %dma_wait3A_256 = arith.constant 0 : i32
        %dma_wait3A_257 = tpu.memref_slice %arg8[%dma_wait3A_254, %dma_wait3A_255, %dma_wait3A_256] : memref<8x128x8xf32, #tpu.memory_space<vmem>> -> memref<1x128x8xf32, #tpu.memory_space<vmem>>
        %dma_wait3A_258 = tpu.memref_squeeze %dma_wait3A_257 : memref<1x128x8xf32, #tpu.memory_space<vmem>> -> memref<128x8xf32, #tpu.memory_space<vmem>>
        %dma_wait3A_259 = arith.constant 0 : i32
        %dma_wait3A_260 = tpu.memref_slice %arg7[%add3A_97, %dma_wait3A_259] : memref<28x128xi32, #tpu.memory_space<vmem>> -> memref<1x128xi32, #tpu.memory_space<vmem>>
        %dma_wait3A_261 = tpu.memref_squeeze %dma_wait3A_260 : memref<1x128xi32, #tpu.memory_space<vmem>> -> memref<128xi32, #tpu.memory_space<vmem>>
        %dma_wait3A_262 = arith.constant 0 : i32
        %dma_wait3A_263 = arith.constant 0 : i32
        %dma_wait3A_264 = tpu.memref_slice %arg2[%dma_wait3A_262, %dma_wait3A_263] : memref<100096x8xf32, #tpu.memory_space<hbm>> -> memref<100096x8xf32, #tpu.memory_space<hbm>>
        tpu.wait_indirect_dma semaphore(%arg11 : memref<!tpu.dma_semaphore, #tpu.memory_space<semaphore_mem>>) src(%dma_wait3A_264 : memref<100096x8xf32, #tpu.memory_space<hbm>>) dst(%dma_wait3A_258 : memref<128x8xf32, #tpu.memory_space<vmem>>)
        %add3A_265 = arith.constant 2 : i32
        %add3A_266 = arith.addi %mul3A_31, %add3A_265 : i32
        %dma_start3A_267 = arith.constant 6 : i32
        %dma_start3A_268 = arith.constant 0 : i32
        %dma_start3A_269 = arith.constant 0 : i32
        %dma_start3A_270 = tpu.memref_slice %arg8[%dma_start3A_267, %dma_start3A_268, %dma_start3A_269] : memref<8x128x8xf32, #tpu.memory_space<vmem>> -> memref<1x128x8xf32, #tpu.memory_space<vmem>>
        %dma_start3A_271 = tpu.memref_squeeze %dma_start3A_270 : memref<1x128x8xf32, #tpu.memory_space<vmem>> -> memref<128x8xf32, #tpu.memory_space<vmem>>
        %dma_start3A_272 = arith.constant 0 : i32
        %dma_start3A_273 = tpu.memref_slice %arg6[%add3A_266, %dma_start3A_272] : memref<28x128xi32, #tpu.memory_space<vmem>> -> memref<1x128xi32, #tpu.memory_space<vmem>>
        %dma_start3A_274 = tpu.memref_squeeze %dma_start3A_273 : memref<1x128xi32, #tpu.memory_space<vmem>> -> memref<128xi32, #tpu.memory_space<vmem>>
        %dma_start3A_275 = arith.constant 0 : i32
        %dma_start3A_276 = arith.constant 0 : i32
        %dma_start3A_277 = tpu.memref_slice %arg10[%dma_start3A_275, %dma_start3A_276] : memref<100096x8xf32, #tpu.memory_space<vmem_shared>> -> memref<100096x8xf32, #tpu.memory_space<vmem_shared>>
        tpu.enqueue_indirect_dma source(%dma_start3A_271 : memref<128x8xf32, #tpu.memory_space<vmem>>) target(%dma_start3A_277 : memref<100096x8xf32, #tpu.memory_space<vmem_shared>>) offsets(%dma_start3A_274 : memref<128xi32, #tpu.memory_space<vmem>>) semaphore(%arg12 : memref<!tpu.dma_semaphore, #tpu.memory_space<semaphore_mem>>) {add = true}
        %dma_wait3A_278 = arith.constant 3 : i32
        %dma_wait3A_279 = arith.constant 0 : i32
        %dma_wait3A_280 = arith.constant 0 : i32
        %dma_wait3A_281 = tpu.memref_slice %arg8[%dma_wait3A_278, %dma_wait3A_279, %dma_wait3A_280] : memref<8x128x8xf32, #tpu.memory_space<vmem>> -> memref<1x128x8xf32, #tpu.memory_space<vmem>>
        %dma_wait3A_282 = tpu.memref_squeeze %dma_wait3A_281 : memref<1x128x8xf32, #tpu.memory_space<vmem>> -> memref<128x8xf32, #tpu.memory_space<vmem>>
        %dma_wait3A_283 = arith.constant 0 : i32
        %dma_wait3A_284 = tpu.memref_slice %arg6[%add3A_110, %dma_wait3A_283] : memref<28x128xi32, #tpu.memory_space<vmem>> -> memref<1x128xi32, #tpu.memory_space<vmem>>
        %dma_wait3A_285 = tpu.memref_squeeze %dma_wait3A_284 : memref<1x128xi32, #tpu.memory_space<vmem>> -> memref<128xi32, #tpu.memory_space<vmem>>
        %dma_wait3A_286 = arith.constant 0 : i32
        %dma_wait3A_287 = arith.constant 0 : i32
        %dma_wait3A_288 = tpu.memref_slice %arg2[%dma_wait3A_286, %dma_wait3A_287] : memref<100096x8xf32, #tpu.memory_space<hbm>> -> memref<100096x8xf32, #tpu.memory_space<hbm>>
        tpu.wait_indirect_dma semaphore(%arg11 : memref<!tpu.dma_semaphore, #tpu.memory_space<semaphore_mem>>) src(%dma_wait3A_288 : memref<100096x8xf32, #tpu.memory_space<hbm>>) dst(%dma_wait3A_282 : memref<128x8xf32, #tpu.memory_space<vmem>>)
        %add3A_289 = arith.constant 3 : i32
        %add3A_290 = arith.addi %mul3A_31, %add3A_289 : i32
        %dma_start3A_291 = arith.constant 3 : i32
        %dma_start3A_292 = arith.constant 0 : i32
        %dma_start3A_293 = arith.constant 0 : i32
        %dma_start3A_294 = tpu.memref_slice %arg8[%dma_start3A_291, %dma_start3A_292, %dma_start3A_293] : memref<8x128x8xf32, #tpu.memory_space<vmem>> -> memref<1x128x8xf32, #tpu.memory_space<vmem>>
        %dma_start3A_295 = tpu.memref_squeeze %dma_start3A_294 : memref<1x128x8xf32, #tpu.memory_space<vmem>> -> memref<128x8xf32, #tpu.memory_space<vmem>>
        %dma_start3A_296 = arith.constant 0 : i32
        %dma_start3A_297 = tpu.memref_slice %arg7[%add3A_290, %dma_start3A_296] : memref<28x128xi32, #tpu.memory_space<vmem>> -> memref<1x128xi32, #tpu.memory_space<vmem>>
        %dma_start3A_298 = tpu.memref_squeeze %dma_start3A_297 : memref<1x128xi32, #tpu.memory_space<vmem>> -> memref<128xi32, #tpu.memory_space<vmem>>
        %dma_start3A_299 = arith.constant 0 : i32
        %dma_start3A_300 = arith.constant 0 : i32
        %dma_start3A_301 = tpu.memref_slice %arg10[%dma_start3A_299, %dma_start3A_300] : memref<100096x8xf32, #tpu.memory_space<vmem_shared>> -> memref<100096x8xf32, #tpu.memory_space<vmem_shared>>
        tpu.enqueue_indirect_dma source(%dma_start3A_295 : memref<128x8xf32, #tpu.memory_space<vmem>>) target(%dma_start3A_301 : memref<100096x8xf32, #tpu.memory_space<vmem_shared>>) offsets(%dma_start3A_298 : memref<128xi32, #tpu.memory_space<vmem>>) semaphore(%arg12 : memref<!tpu.dma_semaphore, #tpu.memory_space<semaphore_mem>>) {add = true}
        %dma_wait3A_302 = arith.constant 7 : i32
        %dma_wait3A_303 = arith.constant 0 : i32
        %dma_wait3A_304 = arith.constant 0 : i32
        %dma_wait3A_305 = tpu.memref_slice %arg8[%dma_wait3A_302, %dma_wait3A_303, %dma_wait3A_304] : memref<8x128x8xf32, #tpu.memory_space<vmem>> -> memref<1x128x8xf32, #tpu.memory_space<vmem>>
        %dma_wait3A_306 = tpu.memref_squeeze %dma_wait3A_305 : memref<1x128x8xf32, #tpu.memory_space<vmem>> -> memref<128x8xf32, #tpu.memory_space<vmem>>
        %dma_wait3A_307 = arith.constant 0 : i32
        %dma_wait3A_308 = tpu.memref_slice %arg7[%add3A_123, %dma_wait3A_307] : memref<28x128xi32, #tpu.memory_space<vmem>> -> memref<1x128xi32, #tpu.memory_space<vmem>>
        %dma_wait3A_309 = tpu.memref_squeeze %dma_wait3A_308 : memref<1x128xi32, #tpu.memory_space<vmem>> -> memref<128xi32, #tpu.memory_space<vmem>>
        %dma_wait3A_310 = arith.constant 0 : i32
        %dma_wait3A_311 = arith.constant 0 : i32
        %dma_wait3A_312 = tpu.memref_slice %arg2[%dma_wait3A_310, %dma_wait3A_311] : memref<100096x8xf32, #tpu.memory_space<hbm>> -> memref<100096x8xf32, #tpu.memory_space<hbm>>
        tpu.wait_indirect_dma semaphore(%arg11 : memref<!tpu.dma_semaphore, #tpu.memory_space<semaphore_mem>>) src(%dma_wait3A_312 : memref<100096x8xf32, #tpu.memory_space<hbm>>) dst(%dma_wait3A_306 : memref<128x8xf32, #tpu.memory_space<vmem>>)
        %add3A_313 = arith.constant 3 : i32
        %add3A_314 = arith.addi %mul3A_31, %add3A_313 : i32
        %dma_start3A_315 = arith.constant 7 : i32
        %dma_start3A_316 = arith.constant 0 : i32
        %dma_start3A_317 = arith.constant 0 : i32
        %dma_start3A_318 = tpu.memref_slice %arg8[%dma_start3A_315, %dma_start3A_316, %dma_start3A_317] : memref<8x128x8xf32, #tpu.memory_space<vmem>> -> memref<1x128x8xf32, #tpu.memory_space<vmem>>
        %dma_start3A_319 = tpu.memref_squeeze %dma_start3A_318 : memref<1x128x8xf32, #tpu.memory_space<vmem>> -> memref<128x8xf32, #tpu.memory_space<vmem>>
        %dma_start3A_320 = arith.constant 0 : i32
        %dma_start3A_321 = tpu.memref_slice %arg6[%add3A_314, %dma_start3A_320] : memref<28x128xi32, #tpu.memory_space<vmem>> -> memref<1x128xi32, #tpu.memory_space<vmem>>
        %dma_start3A_322 = tpu.memref_squeeze %dma_start3A_321 : memref<1x128xi32, #tpu.memory_space<vmem>> -> memref<128xi32, #tpu.memory_space<vmem>>
        %dma_start3A_323 = arith.constant 0 : i32
        %dma_start3A_324 = arith.constant 0 : i32
        %dma_start3A_325 = tpu.memref_slice %arg10[%dma_start3A_323, %dma_start3A_324] : memref<100096x8xf32, #tpu.memory_space<vmem_shared>> -> memref<100096x8xf32, #tpu.memory_space<vmem_shared>>
        tpu.enqueue_indirect_dma source(%dma_start3A_319 : memref<128x8xf32, #tpu.memory_space<vmem>>) target(%dma_start3A_325 : memref<100096x8xf32, #tpu.memory_space<vmem_shared>>) offsets(%dma_start3A_322 : memref<128xi32, #tpu.memory_space<vmem>>) semaphore(%arg12 : memref<!tpu.dma_semaphore, #tpu.memory_space<semaphore_mem>>) {add = true}
        %dma_wait3A_326 = arith.constant 0 : i32
        %dma_wait3A_327 = arith.constant 0 : i32
        %dma_wait3A_328 = arith.constant 0 : i32
        %dma_wait3A_329 = tpu.memref_slice %arg8[%dma_wait3A_326, %dma_wait3A_327, %dma_wait3A_328] : memref<8x128x8xf32, #tpu.memory_space<vmem>> -> memref<1x128x8xf32, #tpu.memory_space<vmem>>
        %dma_wait3A_330 = tpu.memref_squeeze %dma_wait3A_329 : memref<1x128x8xf32, #tpu.memory_space<vmem>> -> memref<128x8xf32, #tpu.memory_space<vmem>>
        %dma_wait3A_331 = arith.constant 0 : i32
        %dma_wait3A_332 = tpu.memref_slice %arg7[%add3A_146, %dma_wait3A_331] : memref<28x128xi32, #tpu.memory_space<vmem>> -> memref<1x128xi32, #tpu.memory_space<vmem>>
        %dma_wait3A_333 = tpu.memref_squeeze %dma_wait3A_332 : memref<1x128xi32, #tpu.memory_space<vmem>> -> memref<128xi32, #tpu.memory_space<vmem>>
        %dma_wait3A_334 = arith.constant 0 : i32
        %dma_wait3A_335 = arith.constant 0 : i32
        %dma_wait3A_336 = tpu.memref_slice %arg10[%dma_wait3A_334, %dma_wait3A_335] : memref<100096x8xf32, #tpu.memory_space<vmem_shared>> -> memref<100096x8xf32, #tpu.memory_space<vmem_shared>>
        tpu.wait_indirect_dma semaphore(%arg12 : memref<!tpu.dma_semaphore, #tpu.memory_space<semaphore_mem>>) src(%dma_wait3A_330 : memref<128x8xf32, #tpu.memory_space<vmem>>) dst(%dma_wait3A_336 : memref<100096x8xf32, #tpu.memory_space<vmem_shared>>)
        %dma_wait3A_337 = arith.constant 4 : i32
        %dma_wait3A_338 = arith.constant 0 : i32
        %dma_wait3A_339 = arith.constant 0 : i32
        %dma_wait3A_340 = tpu.memref_slice %arg8[%dma_wait3A_337, %dma_wait3A_338, %dma_wait3A_339] : memref<8x128x8xf32, #tpu.memory_space<vmem>> -> memref<1x128x8xf32, #tpu.memory_space<vmem>>
        %dma_wait3A_341 = tpu.memref_squeeze %dma_wait3A_340 : memref<1x128x8xf32, #tpu.memory_space<vmem>> -> memref<128x8xf32, #tpu.memory_space<vmem>>
        %dma_wait3A_342 = arith.constant 0 : i32
        %dma_wait3A_343 = tpu.memref_slice %arg6[%add3A_170, %dma_wait3A_342] : memref<28x128xi32, #tpu.memory_space<vmem>> -> memref<1x128xi32, #tpu.memory_space<vmem>>
        %dma_wait3A_344 = tpu.memref_squeeze %dma_wait3A_343 : memref<1x128xi32, #tpu.memory_space<vmem>> -> memref<128xi32, #tpu.memory_space<vmem>>
        %dma_wait3A_345 = arith.constant 0 : i32
        %dma_wait3A_346 = arith.constant 0 : i32
        %dma_wait3A_347 = tpu.memref_slice %arg10[%dma_wait3A_345, %dma_wait3A_346] : memref<100096x8xf32, #tpu.memory_space<vmem_shared>> -> memref<100096x8xf32, #tpu.memory_space<vmem_shared>>
        tpu.wait_indirect_dma semaphore(%arg12 : memref<!tpu.dma_semaphore, #tpu.memory_space<semaphore_mem>>) src(%dma_wait3A_341 : memref<128x8xf32, #tpu.memory_space<vmem>>) dst(%dma_wait3A_347 : memref<100096x8xf32, #tpu.memory_space<vmem_shared>>)
        %dma_wait3A_348 = arith.constant 1 : i32
        %dma_wait3A_349 = arith.constant 0 : i32
        %dma_wait3A_350 = arith.constant 0 : i32
        %dma_wait3A_351 = tpu.memref_slice %arg8[%dma_wait3A_348, %dma_wait3A_349, %dma_wait3A_350] : memref<8x128x8xf32, #tpu.memory_space<vmem>> -> memref<1x128x8xf32, #tpu.memory_space<vmem>>
        %dma_wait3A_352 = tpu.memref_squeeze %dma_wait3A_351 : memref<1x128x8xf32, #tpu.memory_space<vmem>> -> memref<128x8xf32, #tpu.memory_space<vmem>>
        %dma_wait3A_353 = arith.constant 0 : i32
        %dma_wait3A_354 = tpu.memref_slice %arg7[%add3A_194, %dma_wait3A_353] : memref<28x128xi32, #tpu.memory_space<vmem>> -> memref<1x128xi32, #tpu.memory_space<vmem>>
        %dma_wait3A_355 = tpu.memref_squeeze %dma_wait3A_354 : memref<1x128xi32, #tpu.memory_space<vmem>> -> memref<128xi32, #tpu.memory_space<vmem>>
        %dma_wait3A_356 = arith.constant 0 : i32
        %dma_wait3A_357 = arith.constant 0 : i32
        %dma_wait3A_358 = tpu.memref_slice %arg10[%dma_wait3A_356, %dma_wait3A_357] : memref<100096x8xf32, #tpu.memory_space<vmem_shared>> -> memref<100096x8xf32, #tpu.memory_space<vmem_shared>>
        tpu.wait_indirect_dma semaphore(%arg12 : memref<!tpu.dma_semaphore, #tpu.memory_space<semaphore_mem>>) src(%dma_wait3A_352 : memref<128x8xf32, #tpu.memory_space<vmem>>) dst(%dma_wait3A_358 : memref<100096x8xf32, #tpu.memory_space<vmem_shared>>)
        %dma_wait3A_359 = arith.constant 5 : i32
        %dma_wait3A_360 = arith.constant 0 : i32
        %dma_wait3A_361 = arith.constant 0 : i32
        %dma_wait3A_362 = tpu.memref_slice %arg8[%dma_wait3A_359, %dma_wait3A_360, %dma_wait3A_361] : memref<8x128x8xf32, #tpu.memory_space<vmem>> -> memref<1x128x8xf32, #tpu.memory_space<vmem>>
        %dma_wait3A_363 = tpu.memref_squeeze %dma_wait3A_362 : memref<1x128x8xf32, #tpu.memory_space<vmem>> -> memref<128x8xf32, #tpu.memory_space<vmem>>
        %dma_wait3A_364 = arith.constant 0 : i32
        %dma_wait3A_365 = tpu.memref_slice %arg6[%add3A_218, %dma_wait3A_364] : memref<28x128xi32, #tpu.memory_space<vmem>> -> memref<1x128xi32, #tpu.memory_space<vmem>>
        %dma_wait3A_366 = tpu.memref_squeeze %dma_wait3A_365 : memref<1x128xi32, #tpu.memory_space<vmem>> -> memref<128xi32, #tpu.memory_space<vmem>>
        %dma_wait3A_367 = arith.constant 0 : i32
        %dma_wait3A_368 = arith.constant 0 : i32
        %dma_wait3A_369 = tpu.memref_slice %arg10[%dma_wait3A_367, %dma_wait3A_368] : memref<100096x8xf32, #tpu.memory_space<vmem_shared>> -> memref<100096x8xf32, #tpu.memory_space<vmem_shared>>
        tpu.wait_indirect_dma semaphore(%arg12 : memref<!tpu.dma_semaphore, #tpu.memory_space<semaphore_mem>>) src(%dma_wait3A_363 : memref<128x8xf32, #tpu.memory_space<vmem>>) dst(%dma_wait3A_369 : memref<100096x8xf32, #tpu.memory_space<vmem_shared>>)
        %dma_wait3A_370 = arith.constant 2 : i32
        %dma_wait3A_371 = arith.constant 0 : i32
        %dma_wait3A_372 = arith.constant 0 : i32
        %dma_wait3A_373 = tpu.memref_slice %arg8[%dma_wait3A_370, %dma_wait3A_371, %dma_wait3A_372] : memref<8x128x8xf32, #tpu.memory_space<vmem>> -> memref<1x128x8xf32, #tpu.memory_space<vmem>>
        %dma_wait3A_374 = tpu.memref_squeeze %dma_wait3A_373 : memref<1x128x8xf32, #tpu.memory_space<vmem>> -> memref<128x8xf32, #tpu.memory_space<vmem>>
        %dma_wait3A_375 = arith.constant 0 : i32
        %dma_wait3A_376 = tpu.memref_slice %arg7[%add3A_242, %dma_wait3A_375] : memref<28x128xi32, #tpu.memory_space<vmem>> -> memref<1x128xi32, #tpu.memory_space<vmem>>
        %dma_wait3A_377 = tpu.memref_squeeze %dma_wait3A_376 : memref<1x128xi32, #tpu.memory_space<vmem>> -> memref<128xi32, #tpu.memory_space<vmem>>
        %dma_wait3A_378 = arith.constant 0 : i32
        %dma_wait3A_379 = arith.constant 0 : i32
        %dma_wait3A_380 = tpu.memref_slice %arg10[%dma_wait3A_378, %dma_wait3A_379] : memref<100096x8xf32, #tpu.memory_space<vmem_shared>> -> memref<100096x8xf32, #tpu.memory_space<vmem_shared>>
        tpu.wait_indirect_dma semaphore(%arg12 : memref<!tpu.dma_semaphore, #tpu.memory_space<semaphore_mem>>) src(%dma_wait3A_374 : memref<128x8xf32, #tpu.memory_space<vmem>>) dst(%dma_wait3A_380 : memref<100096x8xf32, #tpu.memory_space<vmem_shared>>)
        %dma_wait3A_381 = arith.constant 6 : i32
        %dma_wait3A_382 = arith.constant 0 : i32
        %dma_wait3A_383 = arith.constant 0 : i32
        %dma_wait3A_384 = tpu.memref_slice %arg8[%dma_wait3A_381, %dma_wait3A_382, %dma_wait3A_383] : memref<8x128x8xf32, #tpu.memory_space<vmem>> -> memref<1x128x8xf32, #tpu.memory_space<vmem>>
        %dma_wait3A_385 = tpu.memref_squeeze %dma_wait3A_384 : memref<1x128x8xf32, #tpu.memory_space<vmem>> -> memref<128x8xf32, #tpu.memory_space<vmem>>
        %dma_wait3A_386 = arith.constant 0 : i32
        %dma_wait3A_387 = tpu.memref_slice %arg6[%add3A_266, %dma_wait3A_386] : memref<28x128xi32, #tpu.memory_space<vmem>> -> memref<1x128xi32, #tpu.memory_space<vmem>>
        %dma_wait3A_388 = tpu.memref_squeeze %dma_wait3A_387 : memref<1x128xi32, #tpu.memory_space<vmem>> -> memref<128xi32, #tpu.memory_space<vmem>>
        %dma_wait3A_389 = arith.constant 0 : i32
        %dma_wait3A_390 = arith.constant 0 : i32
        %dma_wait3A_391 = tpu.memref_slice %arg10[%dma_wait3A_389, %dma_wait3A_390] : memref<100096x8xf32, #tpu.memory_space<vmem_shared>> -> memref<100096x8xf32, #tpu.memory_space<vmem_shared>>
        tpu.wait_indirect_dma semaphore(%arg12 : memref<!tpu.dma_semaphore, #tpu.memory_space<semaphore_mem>>) src(%dma_wait3A_385 : memref<128x8xf32, #tpu.memory_space<vmem>>) dst(%dma_wait3A_391 : memref<100096x8xf32, #tpu.memory_space<vmem_shared>>)
        %dma_wait3A_392 = arith.constant 3 : i32
        %dma_wait3A_393 = arith.constant 0 : i32
        %dma_wait3A_394 = arith.constant 0 : i32
        %dma_wait3A_395 = tpu.memref_slice %arg8[%dma_wait3A_392, %dma_wait3A_393, %dma_wait3A_394] : memref<8x128x8xf32, #tpu.memory_space<vmem>> -> memref<1x128x8xf32, #tpu.memory_space<vmem>>
        %dma_wait3A_396 = tpu.memref_squeeze %dma_wait3A_395 : memref<1x128x8xf32, #tpu.memory_space<vmem>> -> memref<128x8xf32, #tpu.memory_space<vmem>>
        %dma_wait3A_397 = arith.constant 0 : i32
        %dma_wait3A_398 = tpu.memref_slice %arg7[%add3A_290, %dma_wait3A_397] : memref<28x128xi32, #tpu.memory_space<vmem>> -> memref<1x128xi32, #tpu.memory_space<vmem>>
        %dma_wait3A_399 = tpu.memref_squeeze %dma_wait3A_398 : memref<1x128xi32, #tpu.memory_space<vmem>> -> memref<128xi32, #tpu.memory_space<vmem>>
        %dma_wait3A_400 = arith.constant 0 : i32
        %dma_wait3A_401 = arith.constant 0 : i32
        %dma_wait3A_402 = tpu.memref_slice %arg10[%dma_wait3A_400, %dma_wait3A_401] : memref<100096x8xf32, #tpu.memory_space<vmem_shared>> -> memref<100096x8xf32, #tpu.memory_space<vmem_shared>>
        tpu.wait_indirect_dma semaphore(%arg12 : memref<!tpu.dma_semaphore, #tpu.memory_space<semaphore_mem>>) src(%dma_wait3A_396 : memref<128x8xf32, #tpu.memory_space<vmem>>) dst(%dma_wait3A_402 : memref<100096x8xf32, #tpu.memory_space<vmem_shared>>)
        %dma_wait3A_403 = arith.constant 7 : i32
        %dma_wait3A_404 = arith.constant 0 : i32
        %dma_wait3A_405 = arith.constant 0 : i32
        %dma_wait3A_406 = tpu.memref_slice %arg8[%dma_wait3A_403, %dma_wait3A_404, %dma_wait3A_405] : memref<8x128x8xf32, #tpu.memory_space<vmem>> -> memref<1x128x8xf32, #tpu.memory_space<vmem>>
        %dma_wait3A_407 = tpu.memref_squeeze %dma_wait3A_406 : memref<1x128x8xf32, #tpu.memory_space<vmem>> -> memref<128x8xf32, #tpu.memory_space<vmem>>
        %dma_wait3A_408 = arith.constant 0 : i32
        %dma_wait3A_409 = tpu.memref_slice %arg6[%add3A_314, %dma_wait3A_408] : memref<28x128xi32, #tpu.memory_space<vmem>> -> memref<1x128xi32, #tpu.memory_space<vmem>>
        %dma_wait3A_410 = tpu.memref_squeeze %dma_wait3A_409 : memref<1x128xi32, #tpu.memory_space<vmem>> -> memref<128xi32, #tpu.memory_space<vmem>>
        %dma_wait3A_411 = arith.constant 0 : i32
        %dma_wait3A_412 = arith.constant 0 : i32
        %dma_wait3A_413 = tpu.memref_slice %arg10[%dma_wait3A_411, %dma_wait3A_412] : memref<100096x8xf32, #tpu.memory_space<vmem_shared>> -> memref<100096x8xf32, #tpu.memory_space<vmem_shared>>
        tpu.wait_indirect_dma semaphore(%arg12 : memref<!tpu.dma_semaphore, #tpu.memory_space<semaphore_mem>>) src(%dma_wait3A_407 : memref<128x8xf32, #tpu.memory_space<vmem>>) dst(%dma_wait3A_413 : memref<100096x8xf32, #tpu.memory_space<vmem_shared>>)
        %scan3A_414 = arith.constant 0 : i32
        scf.yield %scan3A_414 : i32
      }
      %scan3A_26 = arith.constant 7 : i32
      %scan3A_27 = arith.constant 0 : i32
      scf.yield %scan3A_27 : i32
    }
    %scan3A_8 = arith.constant 7 : i32
    %barrier3A_9 = arith.constant 0 : index
    tpu.barrier barrier_id(%barrier3A_9)
    %mul3A_10 = arith.constant 6256 : i32
    %mul3A_11 = arith.muli %arg1, %mul3A_10 : i32
    "tpu.region"() ({
      %run_scoped3A = tpu.sem_alloc : memref<!tpu.dma_semaphore, #tpu.memory_space<semaphore_mem>>
      %dma_start3A = arith.constant 0 : i32
      %dma_start3A_12 = tpu.memref_slice %arg10[%mul3A_11, %dma_start3A] : memref<100096x8xf32, #tpu.memory_space<vmem_shared>> -> memref<6256x8xf32, #tpu.memory_space<vmem_shared>>
      %dma_start3A_13 = arith.constant 0 : i32
      %dma_start3A_14 = tpu.memref_slice %arg10[%mul3A_11, %dma_start3A_13] : memref<100096x8xf32, #tpu.memory_space<vmem_shared>> -> memref<6256x8xf32, #tpu.memory_space<vmem_shared>>
      tpu.enqueue_dma source(%dma_start3A_14 : memref<6256x8xf32, #tpu.memory_space<vmem_shared>>) target(%arg9 : memref<6256x8xf32, #tpu.memory_space<vmem>>) target_semaphore(%run_scoped3A : memref<!tpu.dma_semaphore, #tpu.memory_space<semaphore_mem>>)
      %dma_wait3A = arith.constant 0 : i32
      %dma_wait3A_15 = tpu.memref_slice %arg10[%mul3A_11, %dma_wait3A] : memref<100096x8xf32, #tpu.memory_space<vmem_shared>> -> memref<6256x8xf32, #tpu.memory_space<vmem_shared>>
      %dma_wait3A_16 = arith.constant 0 : i32
      %dma_wait3A_17 = tpu.memref_slice %arg10[%mul3A_11, %dma_wait3A_16] : memref<100096x8xf32, #tpu.memory_space<vmem_shared>> -> memref<6256x8xf32, #tpu.memory_space<vmem_shared>>
      tpu.wait_dma2 semaphore(%run_scoped3A : memref<!tpu.dma_semaphore, #tpu.memory_space<semaphore_mem>>) src(%dma_wait3A_17 : memref<6256x8xf32, #tpu.memory_space<vmem_shared>>) dst(%arg9 : memref<6256x8xf32, #tpu.memory_space<vmem>>)
      tpu.yield
    }) : () -> ()
    "tpu.region"() ({
      %run_scoped3A = tpu.sem_alloc : memref<!tpu.dma_semaphore, #tpu.memory_space<semaphore_mem>>
      %dma_start3A = arith.constant 0 : i32
      %dma_start3A_12 = arith.constant 0 : i32
      %dma_start3A_13 = tpu.memref_slice %arg5[%arg0, %arg1, %dma_start3A, %dma_start3A_12] : memref<2x16x6256x8xf32, #tpu.memory_space<hbm>> -> memref<1x1x6256x8xf32, #tpu.memory_space<hbm>>
      %dma_start3A_14 = tpu.memref_squeeze %dma_start3A_13 : memref<1x1x6256x8xf32, #tpu.memory_space<hbm>> -> memref<6256x8xf32, #tpu.memory_space<hbm>>
      %dma_start3A_15 = arith.constant 0 : i32
      %dma_start3A_16 = arith.constant 0 : i32
      %dma_start3A_17 = tpu.memref_slice %arg5[%arg0, %arg1, %dma_start3A_15, %dma_start3A_16] : memref<2x16x6256x8xf32, #tpu.memory_space<hbm>> -> memref<1x1x6256x8xf32, #tpu.memory_space<hbm>>
      %dma_start3A_18 = tpu.memref_squeeze %dma_start3A_17 : memref<1x1x6256x8xf32, #tpu.memory_space<hbm>> -> memref<6256x8xf32, #tpu.memory_space<hbm>>
      tpu.enqueue_dma source(%arg9 : memref<6256x8xf32, #tpu.memory_space<vmem>>) target(%dma_start3A_18 : memref<6256x8xf32, #tpu.memory_space<hbm>>) target_semaphore(%run_scoped3A : memref<!tpu.dma_semaphore, #tpu.memory_space<semaphore_mem>>)
      %dma_wait3A = arith.constant 0 : i32
      %dma_wait3A_19 = arith.constant 0 : i32
      %dma_wait3A_20 = tpu.memref_slice %arg5[%arg0, %arg1, %dma_wait3A, %dma_wait3A_19] : memref<2x16x6256x8xf32, #tpu.memory_space<hbm>> -> memref<1x1x6256x8xf32, #tpu.memory_space<hbm>>
      %dma_wait3A_21 = tpu.memref_squeeze %dma_wait3A_20 : memref<1x1x6256x8xf32, #tpu.memory_space<hbm>> -> memref<6256x8xf32, #tpu.memory_space<hbm>>
      %dma_wait3A_22 = arith.constant 0 : i32
      %dma_wait3A_23 = arith.constant 0 : i32
      %dma_wait3A_24 = tpu.memref_slice %arg5[%arg0, %arg1, %dma_wait3A_22, %dma_wait3A_23] : memref<2x16x6256x8xf32, #tpu.memory_space<hbm>> -> memref<1x1x6256x8xf32, #tpu.memory_space<hbm>>
      %dma_wait3A_25 = tpu.memref_squeeze %dma_wait3A_24 : memref<1x1x6256x8xf32, #tpu.memory_space<hbm>> -> memref<6256x8xf32, #tpu.memory_space<hbm>>
      tpu.wait_dma2 semaphore(%run_scoped3A : memref<!tpu.dma_semaphore, #tpu.memory_space<semaphore_mem>>) src(%arg9 : memref<6256x8xf32, #tpu.memory_space<vmem>>) dst(%dma_wait3A_25 : memref<6256x8xf32, #tpu.memory_space<hbm>>)
      tpu.yield
    }) : () -> ()
    return
  }
}

#map = affine_map<(d0, d1) -> (0, 0, 0)>
#map1 = affine_map<(d0, d1) -> (0)>
module attributes {stable_mosaic.version = 14 : i64} {
  func.func @body(%arg0: i32, %arg1: i32, %arg2: memref<2x6272x128xi32, #tpu.memory_space<hbm>>, %arg3: memref<6256xf32, #tpu.memory_space<hbm>>, %arg4: memref<16x6256x8xf32, #tpu.memory_space<hbm>>, %arg5: memref<28x128xi32, #tpu.memory_space<vmem>>, %arg6: memref<28x128xi32, #tpu.memory_space<vmem>>, %arg7: memref<128xf32, #tpu.memory_space<vmem>>, %arg8: memref<6256xf32, #tpu.memory_space<vmem>>, %arg9: memref<6256x8xf32, #tpu.memory_space<vmem>>, %arg10: memref<100096xf32, #tpu.memory_space<vmem_shared>>, %arg11: memref<!tpu.dma_semaphore, #tpu.memory_space<semaphore_mem>>) attributes {dimension_semantics = [#tpu.dimension_semantics<core_parallel>, #tpu.dimension_semantics<subcore_parallel>], iteration_bounds = array<i64: 2, 16>, scalar_prefetch = 0 : i64, scratch_operands = 7 : i64, tpu.core_type = #tpu.core_type<sc_vector_subcore>, window_params = [{transform_indices = #map}, {transform_indices = #map1}, {transform_indices = #map}]} {
    %eq3A = arith.constant 0 : i32
    %eq3A_0 = arith.cmpi eq, %arg0, %eq3A : i32
    %convert_element_type3A = arith.extui %eq3A_0 : i1 to i32
    %cond3A = arith.constant 0 : i32
    %cond3A_1 = arith.cmpi ne, %convert_element_type3A, %cond3A : i32
    scf.if %cond3A_1 {
      %broadcast_in_dim3A = arith.constant 1.000000e+00 : f32
      %broadcast_in_dim3A_2 = vector.broadcast %broadcast_in_dim3A : f32 to vector<16xf32>
      %swap3A = arith.constant 0 : index
      %swap3A_3 = tpu.vector_load %arg7[%swap3A] {strides = array<i32>} : memref<128xf32, #tpu.memory_space<vmem>>, vector<16xf32>,
      tpu.vector_store %arg7[%swap3A], %broadcast_in_dim3A_2 {strides = array<i32>} : memref<128xf32, #tpu.memory_space<vmem>>, vector<16xf32>,
      %broadcast_in_dim3A_4 = arith.constant 1.000000e+00 : f32
      %broadcast_in_dim3A_5 = vector.broadcast %broadcast_in_dim3A_4 : f32 to vector<16xf32>
      %swap3A_6 = arith.constant 16 : index
      %swap3A_7 = tpu.vector_load %arg7[%swap3A_6] {strides = array<i32>} : memref<128xf32, #tpu.memory_space<vmem>>, vector<16xf32>,
      tpu.vector_store %arg7[%swap3A_6], %broadcast_in_dim3A_5 {strides = array<i32>} : memref<128xf32, #tpu.memory_space<vmem>>, vector<16xf32>,
      %broadcast_in_dim3A_8 = arith.constant 1.000000e+00 : f32
      %broadcast_in_dim3A_9 = vector.broadcast %broadcast_in_dim3A_8 : f32 to vector<16xf32>
      %swap3A_10 = arith.constant 32 : index
      %swap3A_11 = tpu.vector_load %arg7[%swap3A_10] {strides = array<i32>} : memref<128xf32, #tpu.memory_space<vmem>>, vector<16xf32>,
      tpu.vector_store %arg7[%swap3A_10], %broadcast_in_dim3A_9 {strides = array<i32>} : memref<128xf32, #tpu.memory_space<vmem>>, vector<16xf32>,
      %broadcast_in_dim3A_12 = arith.constant 1.000000e+00 : f32
      %broadcast_in_dim3A_13 = vector.broadcast %broadcast_in_dim3A_12 : f32 to vector<16xf32>
      %swap3A_14 = arith.constant 48 : index
      %swap3A_15 = tpu.vector_load %arg7[%swap3A_14] {strides = array<i32>} : memref<128xf32, #tpu.memory_space<vmem>>, vector<16xf32>,
      tpu.vector_store %arg7[%swap3A_14], %broadcast_in_dim3A_13 {strides = array<i32>} : memref<128xf32, #tpu.memory_space<vmem>>, vector<16xf32>,
      %broadcast_in_dim3A_16 = arith.constant 1.000000e+00 : f32
      %broadcast_in_dim3A_17 = vector.broadcast %broadcast_in_dim3A_16 : f32 to vector<16xf32>
      %swap3A_18 = arith.constant 64 : index
      %swap3A_19 = tpu.vector_load %arg7[%swap3A_18] {strides = array<i32>} : memref<128xf32, #tpu.memory_space<vmem>>, vector<16xf32>,
      tpu.vector_store %arg7[%swap3A_18], %broadcast_in_dim3A_17 {strides = array<i32>} : memref<128xf32, #tpu.memory_space<vmem>>, vector<16xf32>,
      %broadcast_in_dim3A_20 = arith.constant 1.000000e+00 : f32
      %broadcast_in_dim3A_21 = vector.broadcast %broadcast_in_dim3A_20 : f32 to vector<16xf32>
      %swap3A_22 = arith.constant 80 : index
      %swap3A_23 = tpu.vector_load %arg7[%swap3A_22] {strides = array<i32>} : memref<128xf32, #tpu.memory_space<vmem>>, vector<16xf32>,
      tpu.vector_store %arg7[%swap3A_22], %broadcast_in_dim3A_21 {strides = array<i32>} : memref<128xf32, #tpu.memory_space<vmem>>, vector<16xf32>,
      %broadcast_in_dim3A_24 = arith.constant 1.000000e+00 : f32
      %broadcast_in_dim3A_25 = vector.broadcast %broadcast_in_dim3A_24 : f32 to vector<16xf32>
      %swap3A_26 = arith.constant 96 : index
      %swap3A_27 = tpu.vector_load %arg7[%swap3A_26] {strides = array<i32>} : memref<128xf32, #tpu.memory_space<vmem>>, vector<16xf32>,
      tpu.vector_store %arg7[%swap3A_26], %broadcast_in_dim3A_25 {strides = array<i32>} : memref<128xf32, #tpu.memory_space<vmem>>, vector<16xf32>,
      %broadcast_in_dim3A_28 = arith.constant 1.000000e+00 : f32
      %broadcast_in_dim3A_29 = vector.broadcast %broadcast_in_dim3A_28 : f32 to vector<16xf32>
      %swap3A_30 = arith.constant 112 : index
      %swap3A_31 = tpu.vector_load %arg7[%swap3A_30] {strides = array<i32>} : memref<128xf32, #tpu.memory_space<vmem>>, vector<16xf32>,
      tpu.vector_store %arg7[%swap3A_30], %broadcast_in_dim3A_29 {strides = array<i32>} : memref<128xf32, #tpu.memory_space<vmem>>, vector<16xf32>,
      "tpu.region"() ({
        %run_scoped3A = tpu.sem_alloc : memref<!tpu.dma_semaphore, #tpu.memory_space<semaphore_mem>>
        tpu.enqueue_dma source(%arg3 : memref<6256xf32, #tpu.memory_space<hbm>>) target(%arg8 : memref<6256xf32, #tpu.memory_space<vmem>>) target_semaphore(%run_scoped3A : memref<!tpu.dma_semaphore, #tpu.memory_space<semaphore_mem>>)
        tpu.wait_dma2 semaphore(%run_scoped3A : memref<!tpu.dma_semaphore, #tpu.memory_space<semaphore_mem>>) src(%arg3 : memref<6256xf32, #tpu.memory_space<hbm>>) dst(%arg8 : memref<6256xf32, #tpu.memory_space<vmem>>)
        tpu.yield
      }) : () -> ()
      %mul3A = arith.constant 6256 : i32
      %mul3A_32 = arith.muli %arg1, %mul3A : i32
      "tpu.region"() ({
        %run_scoped3A = tpu.sem_alloc : memref<!tpu.dma_semaphore, #tpu.memory_space<semaphore_mem>>
        %dma_start3A = tpu.memref_slice %arg10[%mul3A_32] : memref<100096xf32, #tpu.memory_space<vmem_shared>> -> memref<6256xf32, #tpu.memory_space<vmem_shared>>
        %dma_start3A_49 = tpu.memref_slice %arg10[%mul3A_32] : memref<100096xf32, #tpu.memory_space<vmem_shared>> -> memref<6256xf32, #tpu.memory_space<vmem_shared>>
        tpu.enqueue_dma source(%arg8 : memref<6256xf32, #tpu.memory_space<vmem>>) target(%dma_start3A_49 : memref<6256xf32, #tpu.memory_space<vmem_shared>>) target_semaphore(%run_scoped3A : memref<!tpu.dma_semaphore, #tpu.memory_space<semaphore_mem>>)
        %dma_wait3A = tpu.memref_slice %arg10[%mul3A_32] : memref<100096xf32, #tpu.memory_space<vmem_shared>> -> memref<6256xf32, #tpu.memory_space<vmem_shared>>
        %dma_wait3A_50 = tpu.memref_slice %arg10[%mul3A_32] : memref<100096xf32, #tpu.memory_space<vmem_shared>> -> memref<6256xf32, #tpu.memory_space<vmem_shared>>
        tpu.wait_dma2 semaphore(%run_scoped3A : memref<!tpu.dma_semaphore, #tpu.memory_space<semaphore_mem>>) src(%arg8 : memref<6256xf32, #tpu.memory_space<vmem>>) dst(%dma_wait3A_50 : memref<6256xf32, #tpu.memory_space<vmem_shared>>)
        tpu.yield
      }) : () -> ()
      %barrier3A = arith.constant 0 : index
      tpu.barrier barrier_id(%barrier3A)
      %scan3A = arith.constant 0 : i32
      %scan3A_33 = arith.constant 0 : i32
      %scan3A_34 = arith.constant 14 : i32
      %scan3A_35 = arith.addi %scan3A_33, %scan3A_34 : i32
      %scan3A_36 = arith.constant 1 : i32
      %scan3A_37 = scf.for %scan3A_49 = %scan3A_33 to %scan3A_35 step %scan3A_36 iter_args(%scan3A_50 = %scan3A) -> (i32)  : i32 {
        %mul3A_51 = arith.constant 2 : i32
        %mul3A_52 = arith.muli %arg1, %mul3A_51 : i32
        %jit3A = arith.constant 7 : i32
        %div3A = arith.divsi %scan3A_49, %jit3A : i32
        %sign3A = arith.constant 0 : i32
        %sign3A_53 = arith.cmpi sgt, %scan3A_49, %sign3A : i32
        %sign3A_54 = arith.extui %sign3A_53 : i1 to i32
        %sign3A_55 = arith.constant 0 : i32
        %sign3A_56 = arith.cmpi slt, %scan3A_49, %sign3A_55 : i32
        %sign3A_57 = arith.extui %sign3A_56 : i1 to i32
        %sign3A_58 = arith.subi %sign3A_54, %sign3A_57 : i32
        %sign3A_59 = arith.constant 0 : i32
        %sign3A_60 = arith.cmpi sgt, %jit3A, %sign3A_59 : i32
        %sign3A_61 = arith.extui %sign3A_60 : i1 to i32
        %sign3A_62 = arith.constant 0 : i32
        %sign3A_63 = arith.cmpi slt, %jit3A, %sign3A_62 : i32
        %sign3A_64 = arith.extui %sign3A_63 : i1 to i32
        %sign3A_65 = arith.subi %sign3A_61, %sign3A_64 : i32
        %ne3A = arith.cmpi ne, %sign3A_58, %sign3A_65 : i32
        %rem3A = arith.remsi %scan3A_49, %jit3A : i32
        %ne3A_66 = arith.constant 0 : i32
        %ne3A_67 = arith.cmpi ne, %rem3A, %ne3A_66 : i32
        %and3A = arith.andi %ne3A, %ne3A_67 : i1
        %sub3A = arith.constant 1 : i32
        %sub3A_68 = arith.subi %div3A, %sub3A : i32
        %select_n3A = arith.select %and3A, %sub3A_68, %div3A : i32
        %add3A = arith.addi %mul3A_52, %select_n3A : i32
        %jit3A_69 = arith.constant 7 : i32
        %eq3A_70 = arith.constant 0 : i32
        %eq3A_71 = arith.cmpi eq, %jit3A_69, %eq3A_70 : i32
        %jit3A_72 = arith.constant 1 : i32
        %select_n3A_73 = arith.select %eq3A_71, %jit3A_72, %jit3A_69 : i32
        %rem3A_74 = arith.remsi %scan3A_49, %select_n3A_73 : i32
        %ne3A_75 = arith.constant 0 : i32
        %ne3A_76 = arith.cmpi ne, %rem3A_74, %ne3A_75 : i32
        %lt3A = arith.constant 0 : i32
        %lt3A_77 = arith.cmpi slt, %rem3A_74, %lt3A : i32
        %lt3A_78 = arith.constant 0 : i32
        %lt3A_79 = arith.cmpi slt, %select_n3A_73, %lt3A_78 : i32
        %ne3A_80 = arith.xori %lt3A_77, %lt3A_79 : i1
        %and3A_81 = arith.andi %ne3A_80, %ne3A_76 : i1
        %add3A_82 = arith.addi %rem3A_74, %select_n3A_73 : i32
        %select_n3A_83 = arith.select %and3A_81, %add3A_82, %rem3A_74 : i32
        %mul3A_84 = arith.constant 196 : i32
        %mul3A_85 = arith.muli %add3A, %mul3A_84 : i32
        %mul3A_86 = arith.constant 28 : i32
        %mul3A_87 = arith.muli %select_n3A_83, %mul3A_86 : i32
        %add3A_88 = arith.addi %mul3A_85, %mul3A_87 : i32
        %run_scoped3A = arith.constant 0 : i32
        "tpu.region"() ({
          %run_scoped3A_98 = tpu.sem_alloc : memref<!tpu.dma_semaphore, #tpu.memory_space<semaphore_mem>>
          %dma_start3A = arith.constant 0 : i32
          %dma_start3A_99 = tpu.memref_slice %arg2[%run_scoped3A, %add3A_88, %dma_start3A] : memref<2x6272x128xi32, #tpu.memory_space<hbm>> -> memref<1x28x128xi32, #tpu.memory_space<hbm>>
          %dma_start3A_100 = tpu.memref_squeeze %dma_start3A_99 : memref<1x28x128xi32, #tpu.memory_space<hbm>> -> memref<28x128xi32, #tpu.memory_space<hbm>>
          %dma_start3A_101 = arith.constant 0 : i32
          %dma_start3A_102 = tpu.memref_slice %arg2[%run_scoped3A, %add3A_88, %dma_start3A_101] : memref<2x6272x128xi32, #tpu.memory_space<hbm>> -> memref<1x28x128xi32, #tpu.memory_space<hbm>>
          %dma_start3A_103 = tpu.memref_squeeze %dma_start3A_102 : memref<1x28x128xi32, #tpu.memory_space<hbm>> -> memref<28x128xi32, #tpu.memory_space<hbm>>
          tpu.enqueue_dma source(%dma_start3A_103 : memref<28x128xi32, #tpu.memory_space<hbm>>) target(%arg5 : memref<28x128xi32, #tpu.memory_space<vmem>>) target_semaphore(%run_scoped3A_98 : memref<!tpu.dma_semaphore, #tpu.memory_space<semaphore_mem>>)
          %dma_wait3A = arith.constant 0 : i32
          %dma_wait3A_104 = tpu.memref_slice %arg2[%run_scoped3A, %add3A_88, %dma_wait3A] : memref<2x6272x128xi32, #tpu.memory_space<hbm>> -> memref<1x28x128xi32, #tpu.memory_space<hbm>>
          %dma_wait3A_105 = tpu.memref_squeeze %dma_wait3A_104 : memref<1x28x128xi32, #tpu.memory_space<hbm>> -> memref<28x128xi32, #tpu.memory_space<hbm>>
          %dma_wait3A_106 = arith.constant 0 : i32
          %dma_wait3A_107 = tpu.memref_slice %arg2[%run_scoped3A, %add3A_88, %dma_wait3A_106] : memref<2x6272x128xi32, #tpu.memory_space<hbm>> -> memref<1x28x128xi32, #tpu.memory_space<hbm>>
          %dma_wait3A_108 = tpu.memref_squeeze %dma_wait3A_107 : memref<1x28x128xi32, #tpu.memory_space<hbm>> -> memref<28x128xi32, #tpu.memory_space<hbm>>
          tpu.wait_dma2 semaphore(%run_scoped3A_98 : memref<!tpu.dma_semaphore, #tpu.memory_space<semaphore_mem>>) src(%dma_wait3A_108 : memref<28x128xi32, #tpu.memory_space<hbm>>) dst(%arg5 : memref<28x128xi32, #tpu.memory_space<vmem>>)
          tpu.yield
        }) : () -> ()
        %run_scoped3A_89 = arith.constant 1 : i32
        "tpu.region"() ({
          %run_scoped3A_98 = tpu.sem_alloc : memref<!tpu.dma_semaphore, #tpu.memory_space<semaphore_mem>>
          %dma_start3A = arith.constant 0 : i32
          %dma_start3A_99 = tpu.memref_slice %arg2[%run_scoped3A_89, %add3A_88, %dma_start3A] : memref<2x6272x128xi32, #tpu.memory_space<hbm>> -> memref<1x28x128xi32, #tpu.memory_space<hbm>>
          %dma_start3A_100 = tpu.memref_squeeze %dma_start3A_99 : memref<1x28x128xi32, #tpu.memory_space<hbm>> -> memref<28x128xi32, #tpu.memory_space<hbm>>
          %dma_start3A_101 = arith.constant 0 : i32
          %dma_start3A_102 = tpu.memref_slice %arg2[%run_scoped3A_89, %add3A_88, %dma_start3A_101] : memref<2x6272x128xi32, #tpu.memory_space<hbm>> -> memref<1x28x128xi32, #tpu.memory_space<hbm>>
          %dma_start3A_103 = tpu.memref_squeeze %dma_start3A_102 : memref<1x28x128xi32, #tpu.memory_space<hbm>> -> memref<28x128xi32, #tpu.memory_space<hbm>>
          tpu.enqueue_dma source(%dma_start3A_103 : memref<28x128xi32, #tpu.memory_space<hbm>>) target(%arg6 : memref<28x128xi32, #tpu.memory_space<vmem>>) target_semaphore(%run_scoped3A_98 : memref<!tpu.dma_semaphore, #tpu.memory_space<semaphore_mem>>)
          %dma_wait3A = arith.constant 0 : i32
          %dma_wait3A_104 = tpu.memref_slice %arg2[%run_scoped3A_89, %add3A_88, %dma_wait3A] : memref<2x6272x128xi32, #tpu.memory_space<hbm>> -> memref<1x28x128xi32, #tpu.memory_space<hbm>>
          %dma_wait3A_105 = tpu.memref_squeeze %dma_wait3A_104 : memref<1x28x128xi32, #tpu.memory_space<hbm>> -> memref<28x128xi32, #tpu.memory_space<hbm>>
          %dma_wait3A_106 = arith.constant 0 : i32
          %dma_wait3A_107 = tpu.memref_slice %arg2[%run_scoped3A_89, %add3A_88, %dma_wait3A_106] : memref<2x6272x128xi32, #tpu.memory_space<hbm>> -> memref<1x28x128xi32, #tpu.memory_space<hbm>>
          %dma_wait3A_108 = tpu.memref_squeeze %dma_wait3A_107 : memref<1x28x128xi32, #tpu.memory_space<hbm>> -> memref<28x128xi32, #tpu.memory_space<hbm>>
          tpu.wait_dma2 semaphore(%run_scoped3A_98 : memref<!tpu.dma_semaphore, #tpu.memory_space<semaphore_mem>>) src(%dma_wait3A_108 : memref<28x128xi32, #tpu.memory_space<hbm>>) dst(%arg6 : memref<28x128xi32, #tpu.memory_space<vmem>>)
          tpu.yield
        }) : () -> ()
        %scan3A_90 = arith.constant 0 : i32
        %scan3A_91 = arith.constant 0 : i32
        %scan3A_92 = arith.constant 7 : i32
        %scan3A_93 = arith.addi %scan3A_91, %scan3A_92 : i32
        %scan3A_94 = arith.constant 1 : i32
        %scan3A_95 = scf.for %scan3A_98 = %scan3A_91 to %scan3A_93 step %scan3A_94 iter_args(%scan3A_99 = %scan3A_90) -> (i32)  : i32 {
          %mul3A_100 = arith.constant 4 : i32
          %mul3A_101 = arith.muli %scan3A_98, %mul3A_100 : i32
          %add3A_102 = arith.constant 0 : i32
          %add3A_103 = arith.addi %mul3A_101, %add3A_102 : i32
          %dma_start3A = arith.constant 0 : i32
          %dma_start3A_104 = tpu.memref_slice %arg5[%add3A_103, %dma_start3A] : memref<28x128xi32, #tpu.memory_space<vmem>> -> memref<1x128xi32, #tpu.memory_space<vmem>>
          %dma_start3A_105 = tpu.memref_squeeze %dma_start3A_104 : memref<1x128xi32, #tpu.memory_space<vmem>> -> memref<128xi32, #tpu.memory_space<vmem>>
          %dma_start3A_106 = arith.constant 0 : i32
          %dma_start3A_107 = tpu.memref_slice %arg10[%dma_start3A_106] : memref<100096xf32, #tpu.memory_space<vmem_shared>> -> memref<100096xf32, #tpu.memory_space<vmem_shared>>
          tpu.enqueue_indirect_dma source(%arg7 : memref<128xf32, #tpu.memory_space<vmem>>) target(%dma_start3A_107 : memref<100096xf32, #tpu.memory_space<vmem_shared>>) offsets(%dma_start3A_105 : memref<128xi32, #tpu.memory_space<vmem>>) semaphore(%arg11 : memref<!tpu.dma_semaphore, #tpu.memory_space<semaphore_mem>>) {add = true}
          %add3A_108 = arith.constant 0 : i32
          %add3A_109 = arith.addi %mul3A_101, %add3A_108 : i32
          %dma_start3A_110 = arith.constant 0 : i32
          %dma_start3A_111 = tpu.memref_slice %arg6[%add3A_109, %dma_start3A_110] : memref<28x128xi32, #tpu.memory_space<vmem>> -> memref<1x128xi32, #tpu.memory_space<vmem>>
          %dma_start3A_112 = tpu.memref_squeeze %dma_start3A_111 : memref<1x128xi32, #tpu.memory_space<vmem>> -> memref<128xi32, #tpu.memory_space<vmem>>
          %dma_start3A_113 = arith.constant 0 : i32
          %dma_start3A_114 = tpu.memref_slice %arg10[%dma_start3A_113] : memref<100096xf32, #tpu.memory_space<vmem_shared>> -> memref<100096xf32, #tpu.memory_space<vmem_shared>>
          tpu.enqueue_indirect_dma source(%arg7 : memref<128xf32, #tpu.memory_space<vmem>>) target(%dma_start3A_114 : memref<100096xf32, #tpu.memory_space<vmem_shared>>) offsets(%dma_start3A_112 : memref<128xi32, #tpu.memory_space<vmem>>) semaphore(%arg11 : memref<!tpu.dma_semaphore, #tpu.memory_space<semaphore_mem>>) {add = true}
          %add3A_115 = arith.constant 1 : i32
          %add3A_116 = arith.addi %mul3A_101, %add3A_115 : i32
          %dma_start3A_117 = arith.constant 0 : i32
          %dma_start3A_118 = tpu.memref_slice %arg5[%add3A_116, %dma_start3A_117] : memref<28x128xi32, #tpu.memory_space<vmem>> -> memref<1x128xi32, #tpu.memory_space<vmem>>
          %dma_start3A_119 = tpu.memref_squeeze %dma_start3A_118 : memref<1x128xi32, #tpu.memory_space<vmem>> -> memref<128xi32, #tpu.memory_space<vmem>>
          %dma_start3A_120 = arith.constant 0 : i32
          %dma_start3A_121 = tpu.memref_slice %arg10[%dma_start3A_120] : memref<100096xf32, #tpu.memory_space<vmem_shared>> -> memref<100096xf32, #tpu.memory_space<vmem_shared>>
          tpu.enqueue_indirect_dma source(%arg7 : memref<128xf32, #tpu.memory_space<vmem>>) target(%dma_start3A_121 : memref<100096xf32, #tpu.memory_space<vmem_shared>>) offsets(%dma_start3A_119 : memref<128xi32, #tpu.memory_space<vmem>>) semaphore(%arg11 : memref<!tpu.dma_semaphore, #tpu.memory_space<semaphore_mem>>) {add = true}
          %add3A_122 = arith.constant 1 : i32
          %add3A_123 = arith.addi %mul3A_101, %add3A_122 : i32
          %dma_start3A_124 = arith.constant 0 : i32
          %dma_start3A_125 = tpu.memref_slice %arg6[%add3A_123, %dma_start3A_124] : memref<28x128xi32, #tpu.memory_space<vmem>> -> memref<1x128xi32, #tpu.memory_space<vmem>>
          %dma_start3A_126 = tpu.memref_squeeze %dma_start3A_125 : memref<1x128xi32, #tpu.memory_space<vmem>> -> memref<128xi32, #tpu.memory_space<vmem>>
          %dma_start3A_127 = arith.constant 0 : i32
          %dma_start3A_128 = tpu.memref_slice %arg10[%dma_start3A_127] : memref<100096xf32, #tpu.memory_space<vmem_shared>> -> memref<100096xf32, #tpu.memory_space<vmem_shared>>
          tpu.enqueue_indirect_dma source(%arg7 : memref<128xf32, #tpu.memory_space<vmem>>) target(%dma_start3A_128 : memref<100096xf32, #tpu.memory_space<vmem_shared>>) offsets(%dma_start3A_126 : memref<128xi32, #tpu.memory_space<vmem>>) semaphore(%arg11 : memref<!tpu.dma_semaphore, #tpu.memory_space<semaphore_mem>>) {add = true}
          %add3A_129 = arith.constant 2 : i32
          %add3A_130 = arith.addi %mul3A_101, %add3A_129 : i32
          %dma_start3A_131 = arith.constant 0 : i32
          %dma_start3A_132 = tpu.memref_slice %arg5[%add3A_130, %dma_start3A_131] : memref<28x128xi32, #tpu.memory_space<vmem>> -> memref<1x128xi32, #tpu.memory_space<vmem>>
          %dma_start3A_133 = tpu.memref_squeeze %dma_start3A_132 : memref<1x128xi32, #tpu.memory_space<vmem>> -> memref<128xi32, #tpu.memory_space<vmem>>
          %dma_start3A_134 = arith.constant 0 : i32
          %dma_start3A_135 = tpu.memref_slice %arg10[%dma_start3A_134] : memref<100096xf32, #tpu.memory_space<vmem_shared>> -> memref<100096xf32, #tpu.memory_space<vmem_shared>>
          tpu.enqueue_indirect_dma source(%arg7 : memref<128xf32, #tpu.memory_space<vmem>>) target(%dma_start3A_135 : memref<100096xf32, #tpu.memory_space<vmem_shared>>) offsets(%dma_start3A_133 : memref<128xi32, #tpu.memory_space<vmem>>) semaphore(%arg11 : memref<!tpu.dma_semaphore, #tpu.memory_space<semaphore_mem>>) {add = true}
          %add3A_136 = arith.constant 2 : i32
          %add3A_137 = arith.addi %mul3A_101, %add3A_136 : i32
          %dma_start3A_138 = arith.constant 0 : i32
          %dma_start3A_139 = tpu.memref_slice %arg6[%add3A_137, %dma_start3A_138] : memref<28x128xi32, #tpu.memory_space<vmem>> -> memref<1x128xi32, #tpu.memory_space<vmem>>
          %dma_start3A_140 = tpu.memref_squeeze %dma_start3A_139 : memref<1x128xi32, #tpu.memory_space<vmem>> -> memref<128xi32, #tpu.memory_space<vmem>>
          %dma_start3A_141 = arith.constant 0 : i32
          %dma_start3A_142 = tpu.memref_slice %arg10[%dma_start3A_141] : memref<100096xf32, #tpu.memory_space<vmem_shared>> -> memref<100096xf32, #tpu.memory_space<vmem_shared>>
          tpu.enqueue_indirect_dma source(%arg7 : memref<128xf32, #tpu.memory_space<vmem>>) target(%dma_start3A_142 : memref<100096xf32, #tpu.memory_space<vmem_shared>>) offsets(%dma_start3A_140 : memref<128xi32, #tpu.memory_space<vmem>>) semaphore(%arg11 : memref<!tpu.dma_semaphore, #tpu.memory_space<semaphore_mem>>) {add = true}
          %add3A_143 = arith.constant 3 : i32
          %add3A_144 = arith.addi %mul3A_101, %add3A_143 : i32
          %dma_start3A_145 = arith.constant 0 : i32
          %dma_start3A_146 = tpu.memref_slice %arg5[%add3A_144, %dma_start3A_145] : memref<28x128xi32, #tpu.memory_space<vmem>> -> memref<1x128xi32, #tpu.memory_space<vmem>>
          %dma_start3A_147 = tpu.memref_squeeze %dma_start3A_146 : memref<1x128xi32, #tpu.memory_space<vmem>> -> memref<128xi32, #tpu.memory_space<vmem>>
          %dma_start3A_148 = arith.constant 0 : i32
          %dma_start3A_149 = tpu.memref_slice %arg10[%dma_start3A_148] : memref<100096xf32, #tpu.memory_space<vmem_shared>> -> memref<100096xf32, #tpu.memory_space<vmem_shared>>
          tpu.enqueue_indirect_dma source(%arg7 : memref<128xf32, #tpu.memory_space<vmem>>) target(%dma_start3A_149 : memref<100096xf32, #tpu.memory_space<vmem_shared>>) offsets(%dma_start3A_147 : memref<128xi32, #tpu.memory_space<vmem>>) semaphore(%arg11 : memref<!tpu.dma_semaphore, #tpu.memory_space<semaphore_mem>>) {add = true}
          %add3A_150 = arith.constant 3 : i32
          %add3A_151 = arith.addi %mul3A_101, %add3A_150 : i32
          %dma_start3A_152 = arith.constant 0 : i32
          %dma_start3A_153 = tpu.memref_slice %arg6[%add3A_151, %dma_start3A_152] : memref<28x128xi32, #tpu.memory_space<vmem>> -> memref<1x128xi32, #tpu.memory_space<vmem>>
          %dma_start3A_154 = tpu.memref_squeeze %dma_start3A_153 : memref<1x128xi32, #tpu.memory_space<vmem>> -> memref<128xi32, #tpu.memory_space<vmem>>
          %dma_start3A_155 = arith.constant 0 : i32
          %dma_start3A_156 = tpu.memref_slice %arg10[%dma_start3A_155] : memref<100096xf32, #tpu.memory_space<vmem_shared>> -> memref<100096xf32, #tpu.memory_space<vmem_shared>>
          tpu.enqueue_indirect_dma source(%arg7 : memref<128xf32, #tpu.memory_space<vmem>>) target(%dma_start3A_156 : memref<100096xf32, #tpu.memory_space<vmem_shared>>) offsets(%dma_start3A_154 : memref<128xi32, #tpu.memory_space<vmem>>) semaphore(%arg11 : memref<!tpu.dma_semaphore, #tpu.memory_space<semaphore_mem>>) {add = true}
          %dma_wait3A = arith.constant 0 : i32
          %dma_wait3A_157 = tpu.memref_slice %arg5[%add3A_103, %dma_wait3A] : memref<28x128xi32, #tpu.memory_space<vmem>> -> memref<1x128xi32, #tpu.memory_space<vmem>>
          %dma_wait3A_158 = tpu.memref_squeeze %dma_wait3A_157 : memref<1x128xi32, #tpu.memory_space<vmem>> -> memref<128xi32, #tpu.memory_space<vmem>>
          %dma_wait3A_159 = arith.constant 0 : i32
          %dma_wait3A_160 = tpu.memref_slice %arg10[%dma_wait3A_159] : memref<100096xf32, #tpu.memory_space<vmem_shared>> -> memref<100096xf32, #tpu.memory_space<vmem_shared>>
          tpu.wait_indirect_dma semaphore(%arg11 : memref<!tpu.dma_semaphore, #tpu.memory_space<semaphore_mem>>) src(%arg7 : memref<128xf32, #tpu.memory_space<vmem>>) dst(%dma_wait3A_160 : memref<100096xf32, #tpu.memory_space<vmem_shared>>)
          %dma_wait3A_161 = arith.constant 0 : i32
          %dma_wait3A_162 = tpu.memref_slice %arg6[%add3A_109, %dma_wait3A_161] : memref<28x128xi32, #tpu.memory_space<vmem>> -> memref<1x128xi32, #tpu.memory_space<vmem>>
          %dma_wait3A_163 = tpu.memref_squeeze %dma_wait3A_162 : memref<1x128xi32, #tpu.memory_space<vmem>> -> memref<128xi32, #tpu.memory_space<vmem>>
          %dma_wait3A_164 = arith.constant 0 : i32
          %dma_wait3A_165 = tpu.memref_slice %arg10[%dma_wait3A_164] : memref<100096xf32, #tpu.memory_space<vmem_shared>> -> memref<100096xf32, #tpu.memory_space<vmem_shared>>
          tpu.wait_indirect_dma semaphore(%arg11 : memref<!tpu.dma_semaphore, #tpu.memory_space<semaphore_mem>>) src(%arg7 : memref<128xf32, #tpu.memory_space<vmem>>) dst(%dma_wait3A_165 : memref<100096xf32, #tpu.memory_space<vmem_shared>>)
          %dma_wait3A_166 = arith.constant 0 : i32
          %dma_wait3A_167 = tpu.memref_slice %arg5[%add3A_116, %dma_wait3A_166] : memref<28x128xi32, #tpu.memory_space<vmem>> -> memref<1x128xi32, #tpu.memory_space<vmem>>
          %dma_wait3A_168 = tpu.memref_squeeze %dma_wait3A_167 : memref<1x128xi32, #tpu.memory_space<vmem>> -> memref<128xi32, #tpu.memory_space<vmem>>
          %dma_wait3A_169 = arith.constant 0 : i32
          %dma_wait3A_170 = tpu.memref_slice %arg10[%dma_wait3A_169] : memref<100096xf32, #tpu.memory_space<vmem_shared>> -> memref<100096xf32, #tpu.memory_space<vmem_shared>>
          tpu.wait_indirect_dma semaphore(%arg11 : memref<!tpu.dma_semaphore, #tpu.memory_space<semaphore_mem>>) src(%arg7 : memref<128xf32, #tpu.memory_space<vmem>>) dst(%dma_wait3A_170 : memref<100096xf32, #tpu.memory_space<vmem_shared>>)
          %dma_wait3A_171 = arith.constant 0 : i32
          %dma_wait3A_172 = tpu.memref_slice %arg6[%add3A_123, %dma_wait3A_171] : memref<28x128xi32, #tpu.memory_space<vmem>> -> memref<1x128xi32, #tpu.memory_space<vmem>>
          %dma_wait3A_173 = tpu.memref_squeeze %dma_wait3A_172 : memref<1x128xi32, #tpu.memory_space<vmem>> -> memref<128xi32, #tpu.memory_space<vmem>>
          %dma_wait3A_174 = arith.constant 0 : i32
          %dma_wait3A_175 = tpu.memref_slice %arg10[%dma_wait3A_174] : memref<100096xf32, #tpu.memory_space<vmem_shared>> -> memref<100096xf32, #tpu.memory_space<vmem_shared>>
          tpu.wait_indirect_dma semaphore(%arg11 : memref<!tpu.dma_semaphore, #tpu.memory_space<semaphore_mem>>) src(%arg7 : memref<128xf32, #tpu.memory_space<vmem>>) dst(%dma_wait3A_175 : memref<100096xf32, #tpu.memory_space<vmem_shared>>)
          %dma_wait3A_176 = arith.constant 0 : i32
          %dma_wait3A_177 = tpu.memref_slice %arg5[%add3A_130, %dma_wait3A_176] : memref<28x128xi32, #tpu.memory_space<vmem>> -> memref<1x128xi32, #tpu.memory_space<vmem>>
          %dma_wait3A_178 = tpu.memref_squeeze %dma_wait3A_177 : memref<1x128xi32, #tpu.memory_space<vmem>> -> memref<128xi32, #tpu.memory_space<vmem>>
          %dma_wait3A_179 = arith.constant 0 : i32
          %dma_wait3A_180 = tpu.memref_slice %arg10[%dma_wait3A_179] : memref<100096xf32, #tpu.memory_space<vmem_shared>> -> memref<100096xf32, #tpu.memory_space<vmem_shared>>
          tpu.wait_indirect_dma semaphore(%arg11 : memref<!tpu.dma_semaphore, #tpu.memory_space<semaphore_mem>>) src(%arg7 : memref<128xf32, #tpu.memory_space<vmem>>) dst(%dma_wait3A_180 : memref<100096xf32, #tpu.memory_space<vmem_shared>>)
          %dma_wait3A_181 = arith.constant 0 : i32
          %dma_wait3A_182 = tpu.memref_slice %arg6[%add3A_137, %dma_wait3A_181] : memref<28x128xi32, #tpu.memory_space<vmem>> -> memref<1x128xi32, #tpu.memory_space<vmem>>
          %dma_wait3A_183 = tpu.memref_squeeze %dma_wait3A_182 : memref<1x128xi32, #tpu.memory_space<vmem>> -> memref<128xi32, #tpu.memory_space<vmem>>
          %dma_wait3A_184 = arith.constant 0 : i32
          %dma_wait3A_185 = tpu.memref_slice %arg10[%dma_wait3A_184] : memref<100096xf32, #tpu.memory_space<vmem_shared>> -> memref<100096xf32, #tpu.memory_space<vmem_shared>>
          tpu.wait_indirect_dma semaphore(%arg11 : memref<!tpu.dma_semaphore, #tpu.memory_space<semaphore_mem>>) src(%arg7 : memref<128xf32, #tpu.memory_space<vmem>>) dst(%dma_wait3A_185 : memref<100096xf32, #tpu.memory_space<vmem_shared>>)
          %dma_wait3A_186 = arith.constant 0 : i32
          %dma_wait3A_187 = tpu.memref_slice %arg5[%add3A_144, %dma_wait3A_186] : memref<28x128xi32, #tpu.memory_space<vmem>> -> memref<1x128xi32, #tpu.memory_space<vmem>>
          %dma_wait3A_188 = tpu.memref_squeeze %dma_wait3A_187 : memref<1x128xi32, #tpu.memory_space<vmem>> -> memref<128xi32, #tpu.memory_space<vmem>>
          %dma_wait3A_189 = arith.constant 0 : i32
          %dma_wait3A_190 = tpu.memref_slice %arg10[%dma_wait3A_189] : memref<100096xf32, #tpu.memory_space<vmem_shared>> -> memref<100096xf32, #tpu.memory_space<vmem_shared>>
          tpu.wait_indirect_dma semaphore(%arg11 : memref<!tpu.dma_semaphore, #tpu.memory_space<semaphore_mem>>) src(%arg7 : memref<128xf32, #tpu.memory_space<vmem>>) dst(%dma_wait3A_190 : memref<100096xf32, #tpu.memory_space<vmem_shared>>)
          %dma_wait3A_191 = arith.constant 0 : i32
          %dma_wait3A_192 = tpu.memref_slice %arg6[%add3A_151, %dma_wait3A_191] : memref<28x128xi32, #tpu.memory_space<vmem>> -> memref<1x128xi32, #tpu.memory_space<vmem>>
          %dma_wait3A_193 = tpu.memref_squeeze %dma_wait3A_192 : memref<1x128xi32, #tpu.memory_space<vmem>> -> memref<128xi32, #tpu.memory_space<vmem>>
          %dma_wait3A_194 = arith.constant 0 : i32
          %dma_wait3A_195 = tpu.memref_slice %arg10[%dma_wait3A_194] : memref<100096xf32, #tpu.memory_space<vmem_shared>> -> memref<100096xf32, #tpu.memory_space<vmem_shared>>
          tpu.wait_indirect_dma semaphore(%arg11 : memref<!tpu.dma_semaphore, #tpu.memory_space<semaphore_mem>>) src(%arg7 : memref<128xf32, #tpu.memory_space<vmem>>) dst(%dma_wait3A_195 : memref<100096xf32, #tpu.memory_space<vmem_shared>>)
          %scan3A_196 = arith.constant 0 : i32
          scf.yield %scan3A_196 : i32
        }
        %scan3A_96 = arith.constant 7 : i32
        %scan3A_97 = arith.constant 0 : i32
        scf.yield %scan3A_97 : i32
      }
      %scan3A_38 = arith.constant 14 : i32
      %barrier3A_39 = arith.constant 0 : index
      tpu.barrier barrier_id(%barrier3A_39)
      %mul3A_40 = arith.constant 6256 : i32
      %mul3A_41 = arith.muli %arg1, %mul3A_40 : i32
      "tpu.region"() ({
        %run_scoped3A = tpu.sem_alloc : memref<!tpu.dma_semaphore, #tpu.memory_space<semaphore_mem>>
        %dma_start3A = tpu.memref_slice %arg10[%mul3A_41] : memref<100096xf32, #tpu.memory_space<vmem_shared>> -> memref<6256xf32, #tpu.memory_space<vmem_shared>>
        %dma_start3A_49 = tpu.memref_slice %arg10[%mul3A_41] : memref<100096xf32, #tpu.memory_space<vmem_shared>> -> memref<6256xf32, #tpu.memory_space<vmem_shared>>
        tpu.enqueue_dma source(%dma_start3A_49 : memref<6256xf32, #tpu.memory_space<vmem_shared>>) target(%arg8 : memref<6256xf32, #tpu.memory_space<vmem>>) target_semaphore(%run_scoped3A : memref<!tpu.dma_semaphore, #tpu.memory_space<semaphore_mem>>)
        %dma_wait3A = tpu.memref_slice %arg10[%mul3A_41] : memref<100096xf32, #tpu.memory_space<vmem_shared>> -> memref<6256xf32, #tpu.memory_space<vmem_shared>>
        %dma_wait3A_50 = tpu.memref_slice %arg10[%mul3A_41] : memref<100096xf32, #tpu.memory_space<vmem_shared>> -> memref<6256xf32, #tpu.memory_space<vmem_shared>>
        tpu.wait_dma2 semaphore(%run_scoped3A : memref<!tpu.dma_semaphore, #tpu.memory_space<semaphore_mem>>) src(%dma_wait3A_50 : memref<6256xf32, #tpu.memory_space<vmem_shared>>) dst(%arg8 : memref<6256xf32, #tpu.memory_space<vmem>>)
        tpu.yield
      }) : () -> ()
      %scan3A_42 = arith.constant 0 : i32
      %scan3A_43 = arith.constant 0 : i32
      %scan3A_44 = arith.constant 391 : i32
      %scan3A_45 = arith.addi %scan3A_43, %scan3A_44 : i32
      %scan3A_46 = arith.constant 1 : i32
      %scan3A_47 = scf.for %scan3A_49 = %scan3A_43 to %scan3A_45 step %scan3A_46 iter_args(%scan3A_50 = %scan3A_42) -> (i32)  : i32 {
        %mul3A_51 = arith.constant 16 : i32
        %mul3A_52 = arith.muli %scan3A_49, %mul3A_51 : i32
        %get3A = arith.index_cast %mul3A_52 : i32 to index
        %get3A_53 = tpu.vector_load %arg8[%get3A] {strides = array<i32>} : memref<6256xf32, #tpu.memory_space<vmem>>, vector<16xf32>,
        %max3A = arith.constant 1.000000e+00 : f32
        %max3A_54 = vector.broadcast %max3A : f32 to vector<16xf32>
        %max3A_55 = arith.maximumf %get3A_53, %max3A_54 : vector<16xf32>
        %div3A = arith.constant 1.000000e+00 : f32
        %div3A_56 = vector.broadcast %div3A : f32 to vector<16xf32>
        %div3A_57 = arith.divf %div3A_56, %max3A_55 : vector<16xf32>
        %mul3A_58 = arith.constant 16 : i32
        %mul3A_59 = arith.muli %scan3A_49, %mul3A_58 : i32
        %iota3A = tpu.iota {dimensions = array<i32: 0>} : vector<16xi32>
        %add3A = vector.broadcast %mul3A_59 : i32 to vector<16xi32>
        %add3A_60 = arith.addi %add3A, %iota3A : vector<16xi32>
        %broadcast_in_dim3A_61 = arith.constant 0 : i32
        %broadcast_in_dim3A_62 = vector.broadcast %broadcast_in_dim3A_61 : i32 to vector<16xi32>
        tpu.vector_store_idx %arg9[%add3A_60, %broadcast_in_dim3A_62], %div3A_57 : memref<6256x8xf32, #tpu.memory_space<vmem>>[vector<16xi32>, vector<16xi32>], vector<16xf32>,
        %broadcast_in_dim3A_63 = arith.constant 1 : i32
        %broadcast_in_dim3A_64 = vector.broadcast %broadcast_in_dim3A_63 : i32 to vector<16xi32>
        tpu.vector_store_idx %arg9[%add3A_60, %broadcast_in_dim3A_64], %div3A_57 : memref<6256x8xf32, #tpu.memory_space<vmem>>[vector<16xi32>, vector<16xi32>], vector<16xf32>,
        %broadcast_in_dim3A_65 = arith.constant 2 : i32
        %broadcast_in_dim3A_66 = vector.broadcast %broadcast_in_dim3A_65 : i32 to vector<16xi32>
        tpu.vector_store_idx %arg9[%add3A_60, %broadcast_in_dim3A_66], %div3A_57 : memref<6256x8xf32, #tpu.memory_space<vmem>>[vector<16xi32>, vector<16xi32>], vector<16xf32>,
        %broadcast_in_dim3A_67 = arith.constant 3 : i32
        %broadcast_in_dim3A_68 = vector.broadcast %broadcast_in_dim3A_67 : i32 to vector<16xi32>
        tpu.vector_store_idx %arg9[%add3A_60, %broadcast_in_dim3A_68], %div3A_57 : memref<6256x8xf32, #tpu.memory_space<vmem>>[vector<16xi32>, vector<16xi32>], vector<16xf32>,
        %broadcast_in_dim3A_69 = arith.constant 4 : i32
        %broadcast_in_dim3A_70 = vector.broadcast %broadcast_in_dim3A_69 : i32 to vector<16xi32>
        tpu.vector_store_idx %arg9[%add3A_60, %broadcast_in_dim3A_70], %div3A_57 : memref<6256x8xf32, #tpu.memory_space<vmem>>[vector<16xi32>, vector<16xi32>], vector<16xf32>,
        %broadcast_in_dim3A_71 = arith.constant 5 : i32
        %broadcast_in_dim3A_72 = vector.broadcast %broadcast_in_dim3A_71 : i32 to vector<16xi32>
        tpu.vector_store_idx %arg9[%add3A_60, %broadcast_in_dim3A_72], %div3A_57 : memref<6256x8xf32, #tpu.memory_space<vmem>>[vector<16xi32>, vector<16xi32>], vector<16xf32>,
        %broadcast_in_dim3A_73 = arith.constant 6 : i32
        %broadcast_in_dim3A_74 = vector.broadcast %broadcast_in_dim3A_73 : i32 to vector<16xi32>
        tpu.vector_store_idx %arg9[%add3A_60, %broadcast_in_dim3A_74], %div3A_57 : memref<6256x8xf32, #tpu.memory_space<vmem>>[vector<16xi32>, vector<16xi32>], vector<16xf32>,
        %broadcast_in_dim3A_75 = arith.constant 7 : i32
        %broadcast_in_dim3A_76 = vector.broadcast %broadcast_in_dim3A_75 : i32 to vector<16xi32>
        tpu.vector_store_idx %arg9[%add3A_60, %broadcast_in_dim3A_76], %div3A_57 : memref<6256x8xf32, #tpu.memory_space<vmem>>[vector<16xi32>, vector<16xi32>], vector<16xf32>,
        %scan3A_77 = arith.constant 0 : i32
        scf.yield %scan3A_77 : i32
      }
      %scan3A_48 = arith.constant 391 : i32
      "tpu.region"() ({
        %run_scoped3A = tpu.sem_alloc : memref<!tpu.dma_semaphore, #tpu.memory_space<semaphore_mem>>
        %dma_start3A = arith.constant 0 : i32
        %dma_start3A_49 = arith.constant 0 : i32
        %dma_start3A_50 = tpu.memref_slice %arg4[%arg1, %dma_start3A, %dma_start3A_49] : memref<16x6256x8xf32, #tpu.memory_space<hbm>> -> memref<1x6256x8xf32, #tpu.memory_space<hbm>>
        %dma_start3A_51 = tpu.memref_squeeze %dma_start3A_50 : memref<1x6256x8xf32, #tpu.memory_space<hbm>> -> memref<6256x8xf32, #tpu.memory_space<hbm>>
        %dma_start3A_52 = arith.constant 0 : i32
        %dma_start3A_53 = arith.constant 0 : i32
        %dma_start3A_54 = tpu.memref_slice %arg4[%arg1, %dma_start3A_52, %dma_start3A_53] : memref<16x6256x8xf32, #tpu.memory_space<hbm>> -> memref<1x6256x8xf32, #tpu.memory_space<hbm>>
        %dma_start3A_55 = tpu.memref_squeeze %dma_start3A_54 : memref<1x6256x8xf32, #tpu.memory_space<hbm>> -> memref<6256x8xf32, #tpu.memory_space<hbm>>
        tpu.enqueue_dma source(%arg9 : memref<6256x8xf32, #tpu.memory_space<vmem>>) target(%dma_start3A_55 : memref<6256x8xf32, #tpu.memory_space<hbm>>) target_semaphore(%run_scoped3A : memref<!tpu.dma_semaphore, #tpu.memory_space<semaphore_mem>>)
        %dma_wait3A = arith.constant 0 : i32
        %dma_wait3A_56 = arith.constant 0 : i32
        %dma_wait3A_57 = tpu.memref_slice %arg4[%arg1, %dma_wait3A, %dma_wait3A_56] : memref<16x6256x8xf32, #tpu.memory_space<hbm>> -> memref<1x6256x8xf32, #tpu.memory_space<hbm>>
        %dma_wait3A_58 = tpu.memref_squeeze %dma_wait3A_57 : memref<1x6256x8xf32, #tpu.memory_space<hbm>> -> memref<6256x8xf32, #tpu.memory_space<hbm>>
        %dma_wait3A_59 = arith.constant 0 : i32
        %dma_wait3A_60 = arith.constant 0 : i32
        %dma_wait3A_61 = tpu.memref_slice %arg4[%arg1, %dma_wait3A_59, %dma_wait3A_60] : memref<16x6256x8xf32, #tpu.memory_space<hbm>> -> memref<1x6256x8xf32, #tpu.memory_space<hbm>>
        %dma_wait3A_62 = tpu.memref_squeeze %dma_wait3A_61 : memref<1x6256x8xf32, #tpu.memory_space<hbm>> -> memref<6256x8xf32, #tpu.memory_space<hbm>>
        tpu.wait_dma2 semaphore(%run_scoped3A : memref<!tpu.dma_semaphore, #tpu.memory_space<semaphore_mem>>) src(%arg9 : memref<6256x8xf32, #tpu.memory_space<vmem>>) dst(%dma_wait3A_62 : memref<6256x8xf32, #tpu.memory_space<hbm>>)
        tpu.yield
      }) : () -> ()
    } else {
    }
    return
  }
}

#map = affine_map<(d0, d1) -> (0, 0)>
#map1 = affine_map<(d0, d1) -> (0, 0, 0)>
#map2 = affine_map<(d0, d1) -> (0, 0, 0, 0)>
module attributes {stable_mosaic.version = 14 : i64} {
  func.func @body(%arg0: i32, %arg1: i32, %arg2: memref<100096x8xf32, #tpu.memory_space<hbm>>, %arg3: memref<2x6272x128xi32, #tpu.memory_space<hbm>>, %arg4: memref<6256x8xf32, #tpu.memory_space<hbm>>, %arg5: memref<2x16x6256x8xf32, #tpu.memory_space<hbm>>, %arg6: memref<28x128xi32, #tpu.memory_space<vmem>>, %arg7: memref<28x128xi32, #tpu.memory_space<vmem>>, %arg8: memref<8x128x8xf32, #tpu.memory_space<vmem>>, %arg9: memref<6256x8xf32, #tpu.memory_space<vmem>>, %arg10: memref<100096x8xf32, #tpu.memory_space<vmem_shared>>, %arg11: memref<!tpu.dma_semaphore, #tpu.memory_space<semaphore_mem>>, %arg12: memref<!tpu.dma_semaphore, #tpu.memory_space<semaphore_mem>>) attributes {dimension_semantics = [#tpu.dimension_semantics<core_parallel>, #tpu.dimension_semantics<subcore_parallel>], iteration_bounds = array<i64: 2, 16>, scalar_prefetch = 0 : i64, scratch_operands = 7 : i64, tpu.core_type = #tpu.core_type<sc_vector_subcore>, window_params = [{transform_indices = #map}, {transform_indices = #map1}, {transform_indices = #map}, {transform_indices = #map2}]} {
    %mul3A = arith.constant 2 : i32
    %mul3A_0 = arith.muli %arg1, %mul3A : i32
    %add3A = arith.addi %mul3A_0, %arg0 : i32
    "tpu.region"() ({
      %run_scoped3A = tpu.sem_alloc : memref<!tpu.dma_semaphore, #tpu.memory_space<semaphore_mem>>
      tpu.enqueue_dma source(%arg4 : memref<6256x8xf32, #tpu.memory_space<hbm>>) target(%arg9 : memref<6256x8xf32, #tpu.memory_space<vmem>>) target_semaphore(%run_scoped3A : memref<!tpu.dma_semaphore, #tpu.memory_space<semaphore_mem>>)
      tpu.wait_dma2 semaphore(%run_scoped3A : memref<!tpu.dma_semaphore, #tpu.memory_space<semaphore_mem>>) src(%arg4 : memref<6256x8xf32, #tpu.memory_space<hbm>>) dst(%arg9 : memref<6256x8xf32, #tpu.memory_space<vmem>>)
      tpu.yield
    }) : () -> ()
    %mul3A_1 = arith.constant 6256 : i32
    %mul3A_2 = arith.muli %arg1, %mul3A_1 : i32
    "tpu.region"() ({
      %run_scoped3A = tpu.sem_alloc : memref<!tpu.dma_semaphore, #tpu.memory_space<semaphore_mem>>
      %dma_start3A = arith.constant 0 : i32
      %dma_start3A_12 = tpu.memref_slice %arg10[%mul3A_2, %dma_start3A] : memref<100096x8xf32, #tpu.memory_space<vmem_shared>> -> memref<6256x8xf32, #tpu.memory_space<vmem_shared>>
      %dma_start3A_13 = arith.constant 0 : i32
      %dma_start3A_14 = tpu.memref_slice %arg10[%mul3A_2, %dma_start3A_13] : memref<100096x8xf32, #tpu.memory_space<vmem_shared>> -> memref<6256x8xf32, #tpu.memory_space<vmem_shared>>
      tpu.enqueue_dma source(%arg9 : memref<6256x8xf32, #tpu.memory_space<vmem>>) target(%dma_start3A_14 : memref<6256x8xf32, #tpu.memory_space<vmem_shared>>) target_semaphore(%run_scoped3A : memref<!tpu.dma_semaphore, #tpu.memory_space<semaphore_mem>>)
      %dma_wait3A = arith.constant 0 : i32
      %dma_wait3A_15 = tpu.memref_slice %arg10[%mul3A_2, %dma_wait3A] : memref<100096x8xf32, #tpu.memory_space<vmem_shared>> -> memref<6256x8xf32, #tpu.memory_space<vmem_shared>>
      %dma_wait3A_16 = arith.constant 0 : i32
      %dma_wait3A_17 = tpu.memref_slice %arg10[%mul3A_2, %dma_wait3A_16] : memref<100096x8xf32, #tpu.memory_space<vmem_shared>> -> memref<6256x8xf32, #tpu.memory_space<vmem_shared>>
      tpu.wait_dma2 semaphore(%run_scoped3A : memref<!tpu.dma_semaphore, #tpu.memory_space<semaphore_mem>>) src(%arg9 : memref<6256x8xf32, #tpu.memory_space<vmem>>) dst(%dma_wait3A_17 : memref<6256x8xf32, #tpu.memory_space<vmem_shared>>)
      tpu.yield
    }) : () -> ()
    %barrier3A = arith.constant 0 : index
    tpu.barrier barrier_id(%barrier3A)
    %scan3A = arith.constant 0 : i32
    %scan3A_3 = arith.constant 0 : i32
    %scan3A_4 = arith.constant 7 : i32
    %scan3A_5 = arith.addi %scan3A_3, %scan3A_4 : i32
    %scan3A_6 = arith.constant 1 : i32
    %scan3A_7 = scf.for %scan3A_12 = %scan3A_3 to %scan3A_5 step %scan3A_6 iter_args(%scan3A_13 = %scan3A) -> (i32)  : i32 {
      %mul3A_14 = arith.constant 196 : i32
      %mul3A_15 = arith.muli %add3A, %mul3A_14 : i32
      %mul3A_16 = arith.constant 28 : i32
      %mul3A_17 = arith.muli %scan3A_12, %mul3A_16 : i32
      %add3A_18 = arith.addi %mul3A_15, %mul3A_17 : i32
      %run_scoped3A = arith.constant 0 : i32
      "tpu.region"() ({
        %run_scoped3A_28 = tpu.sem_alloc : memref<!tpu.dma_semaphore, #tpu.memory_space<semaphore_mem>>
        %dma_start3A = arith.constant 0 : i32
        %dma_start3A_29 = tpu.memref_slice %arg3[%run_scoped3A, %add3A_18, %dma_start3A] : memref<2x6272x128xi32, #tpu.memory_space<hbm>> -> memref<1x28x128xi32, #tpu.memory_space<hbm>>
        %dma_start3A_30 = tpu.memref_squeeze %dma_start3A_29 : memref<1x28x128xi32, #tpu.memory_space<hbm>> -> memref<28x128xi32, #tpu.memory_space<hbm>>
        %dma_start3A_31 = arith.constant 0 : i32
        %dma_start3A_32 = tpu.memref_slice %arg3[%run_scoped3A, %add3A_18, %dma_start3A_31] : memref<2x6272x128xi32, #tpu.memory_space<hbm>> -> memref<1x28x128xi32, #tpu.memory_space<hbm>>
        %dma_start3A_33 = tpu.memref_squeeze %dma_start3A_32 : memref<1x28x128xi32, #tpu.memory_space<hbm>> -> memref<28x128xi32, #tpu.memory_space<hbm>>
        tpu.enqueue_dma source(%dma_start3A_33 : memref<28x128xi32, #tpu.memory_space<hbm>>) target(%arg6 : memref<28x128xi32, #tpu.memory_space<vmem>>) target_semaphore(%run_scoped3A_28 : memref<!tpu.dma_semaphore, #tpu.memory_space<semaphore_mem>>)
        %dma_wait3A = arith.constant 0 : i32
        %dma_wait3A_34 = tpu.memref_slice %arg3[%run_scoped3A, %add3A_18, %dma_wait3A] : memref<2x6272x128xi32, #tpu.memory_space<hbm>> -> memref<1x28x128xi32, #tpu.memory_space<hbm>>
        %dma_wait3A_35 = tpu.memref_squeeze %dma_wait3A_34 : memref<1x28x128xi32, #tpu.memory_space<hbm>> -> memref<28x128xi32, #tpu.memory_space<hbm>>
        %dma_wait3A_36 = arith.constant 0 : i32
        %dma_wait3A_37 = tpu.memref_slice %arg3[%run_scoped3A, %add3A_18, %dma_wait3A_36] : memref<2x6272x128xi32, #tpu.memory_space<hbm>> -> memref<1x28x128xi32, #tpu.memory_space<hbm>>
        %dma_wait3A_38 = tpu.memref_squeeze %dma_wait3A_37 : memref<1x28x128xi32, #tpu.memory_space<hbm>> -> memref<28x128xi32, #tpu.memory_space<hbm>>
        tpu.wait_dma2 semaphore(%run_scoped3A_28 : memref<!tpu.dma_semaphore, #tpu.memory_space<semaphore_mem>>) src(%dma_wait3A_38 : memref<28x128xi32, #tpu.memory_space<hbm>>) dst(%arg6 : memref<28x128xi32, #tpu.memory_space<vmem>>)
        tpu.yield
      }) : () -> ()
      %run_scoped3A_19 = arith.constant 1 : i32
      "tpu.region"() ({
        %run_scoped3A_28 = tpu.sem_alloc : memref<!tpu.dma_semaphore, #tpu.memory_space<semaphore_mem>>
        %dma_start3A = arith.constant 0 : i32
        %dma_start3A_29 = tpu.memref_slice %arg3[%run_scoped3A_19, %add3A_18, %dma_start3A] : memref<2x6272x128xi32, #tpu.memory_space<hbm>> -> memref<1x28x128xi32, #tpu.memory_space<hbm>>
        %dma_start3A_30 = tpu.memref_squeeze %dma_start3A_29 : memref<1x28x128xi32, #tpu.memory_space<hbm>> -> memref<28x128xi32, #tpu.memory_space<hbm>>
        %dma_start3A_31 = arith.constant 0 : i32
        %dma_start3A_32 = tpu.memref_slice %arg3[%run_scoped3A_19, %add3A_18, %dma_start3A_31] : memref<2x6272x128xi32, #tpu.memory_space<hbm>> -> memref<1x28x128xi32, #tpu.memory_space<hbm>>
        %dma_start3A_33 = tpu.memref_squeeze %dma_start3A_32 : memref<1x28x128xi32, #tpu.memory_space<hbm>> -> memref<28x128xi32, #tpu.memory_space<hbm>>
        tpu.enqueue_dma source(%dma_start3A_33 : memref<28x128xi32, #tpu.memory_space<hbm>>) target(%arg7 : memref<28x128xi32, #tpu.memory_space<vmem>>) target_semaphore(%run_scoped3A_28 : memref<!tpu.dma_semaphore, #tpu.memory_space<semaphore_mem>>)
        %dma_wait3A = arith.constant 0 : i32
        %dma_wait3A_34 = tpu.memref_slice %arg3[%run_scoped3A_19, %add3A_18, %dma_wait3A] : memref<2x6272x128xi32, #tpu.memory_space<hbm>> -> memref<1x28x128xi32, #tpu.memory_space<hbm>>
        %dma_wait3A_35 = tpu.memref_squeeze %dma_wait3A_34 : memref<1x28x128xi32, #tpu.memory_space<hbm>> -> memref<28x128xi32, #tpu.memory_space<hbm>>
        %dma_wait3A_36 = arith.constant 0 : i32
        %dma_wait3A_37 = tpu.memref_slice %arg3[%run_scoped3A_19, %add3A_18, %dma_wait3A_36] : memref<2x6272x128xi32, #tpu.memory_space<hbm>> -> memref<1x28x128xi32, #tpu.memory_space<hbm>>
        %dma_wait3A_38 = tpu.memref_squeeze %dma_wait3A_37 : memref<1x28x128xi32, #tpu.memory_space<hbm>> -> memref<28x128xi32, #tpu.memory_space<hbm>>
        tpu.wait_dma2 semaphore(%run_scoped3A_28 : memref<!tpu.dma_semaphore, #tpu.memory_space<semaphore_mem>>) src(%dma_wait3A_38 : memref<28x128xi32, #tpu.memory_space<hbm>>) dst(%arg7 : memref<28x128xi32, #tpu.memory_space<vmem>>)
        tpu.yield
      }) : () -> ()
      %scan3A_20 = arith.constant 0 : i32
      %scan3A_21 = arith.constant 0 : i32
      %scan3A_22 = arith.constant 7 : i32
      %scan3A_23 = arith.addi %scan3A_21, %scan3A_22 : i32
      %scan3A_24 = arith.constant 1 : i32
      %scan3A_25 = scf.for %scan3A_28 = %scan3A_21 to %scan3A_23 step %scan3A_24 iter_args(%scan3A_29 = %scan3A_20) -> (i32)  : i32 {
        %mul3A_30 = arith.constant 4 : i32
        %mul3A_31 = arith.muli %scan3A_28, %mul3A_30 : i32
        %add3A_32 = arith.constant 0 : i32
        %add3A_33 = arith.addi %mul3A_31, %add3A_32 : i32
        %dma_start3A = arith.constant 0 : i32
        %dma_start3A_34 = arith.constant 0 : i32
        %dma_start3A_35 = arith.constant 0 : i32
        %dma_start3A_36 = tpu.memref_slice %arg8[%dma_start3A, %dma_start3A_34, %dma_start3A_35] : memref<8x128x8xf32, #tpu.memory_space<vmem>> -> memref<1x128x8xf32, #tpu.memory_space<vmem>>
        %dma_start3A_37 = tpu.memref_squeeze %dma_start3A_36 : memref<1x128x8xf32, #tpu.memory_space<vmem>> -> memref<128x8xf32, #tpu.memory_space<vmem>>
        %dma_start3A_38 = arith.constant 0 : i32
        %dma_start3A_39 = tpu.memref_slice %arg6[%add3A_33, %dma_start3A_38] : memref<28x128xi32, #tpu.memory_space<vmem>> -> memref<1x128xi32, #tpu.memory_space<vmem>>
        %dma_start3A_40 = tpu.memref_squeeze %dma_start3A_39 : memref<1x128xi32, #tpu.memory_space<vmem>> -> memref<128xi32, #tpu.memory_space<vmem>>
        %dma_start3A_41 = arith.constant 0 : i32
        %dma_start3A_42 = arith.constant 0 : i32
        %dma_start3A_43 = tpu.memref_slice %arg2[%dma_start3A_41, %dma_start3A_42] : memref<100096x8xf32, #tpu.memory_space<hbm>> -> memref<100096x8xf32, #tpu.memory_space<hbm>>
        tpu.enqueue_indirect_dma source(%dma_start3A_43 : memref<100096x8xf32, #tpu.memory_space<hbm>>) target(%dma_start3A_37 : memref<128x8xf32, #tpu.memory_space<vmem>>) offsets(%dma_start3A_40 : memref<128xi32, #tpu.memory_space<vmem>>) semaphore(%arg11 : memref<!tpu.dma_semaphore, #tpu.memory_space<semaphore_mem>>)
        %add3A_44 = arith.constant 0 : i32
        %add3A_45 = arith.addi %mul3A_31, %add3A_44 : i32
        %dma_start3A_46 = arith.constant 4 : i32
        %dma_start3A_47 = arith.constant 0 : i32
        %dma_start3A_48 = arith.constant 0 : i32
        %dma_start3A_49 = tpu.memref_slice %arg8[%dma_start3A_46, %dma_start3A_47, %dma_start3A_48] : memref<8x128x8xf32, #tpu.memory_space<vmem>> -> memref<1x128x8xf32, #tpu.memory_space<vmem>>
        %dma_start3A_50 = tpu.memref_squeeze %dma_start3A_49 : memref<1x128x8xf32, #tpu.memory_space<vmem>> -> memref<128x8xf32, #tpu.memory_space<vmem>>
        %dma_start3A_51 = arith.constant 0 : i32
        %dma_start3A_52 = tpu.memref_slice %arg7[%add3A_45, %dma_start3A_51] : memref<28x128xi32, #tpu.memory_space<vmem>> -> memref<1x128xi32, #tpu.memory_space<vmem>>
        %dma_start3A_53 = tpu.memref_squeeze %dma_start3A_52 : memref<1x128xi32, #tpu.memory_space<vmem>> -> memref<128xi32, #tpu.memory_space<vmem>>
        %dma_start3A_54 = arith.constant 0 : i32
        %dma_start3A_55 = arith.constant 0 : i32
        %dma_start3A_56 = tpu.memref_slice %arg2[%dma_start3A_54, %dma_start3A_55] : memref<100096x8xf32, #tpu.memory_space<hbm>> -> memref<100096x8xf32, #tpu.memory_space<hbm>>
        tpu.enqueue_indirect_dma source(%dma_start3A_56 : memref<100096x8xf32, #tpu.memory_space<hbm>>) target(%dma_start3A_50 : memref<128x8xf32, #tpu.memory_space<vmem>>) offsets(%dma_start3A_53 : memref<128xi32, #tpu.memory_space<vmem>>) semaphore(%arg11 : memref<!tpu.dma_semaphore, #tpu.memory_space<semaphore_mem>>)
        %add3A_57 = arith.constant 1 : i32
        %add3A_58 = arith.addi %mul3A_31, %add3A_57 : i32
        %dma_start3A_59 = arith.constant 1 : i32
        %dma_start3A_60 = arith.constant 0 : i32
        %dma_start3A_61 = arith.constant 0 : i32
        %dma_start3A_62 = tpu.memref_slice %arg8[%dma_start3A_59, %dma_start3A_60, %dma_start3A_61] : memref<8x128x8xf32, #tpu.memory_space<vmem>> -> memref<1x128x8xf32, #tpu.memory_space<vmem>>
        %dma_start3A_63 = tpu.memref_squeeze %dma_start3A_62 : memref<1x128x8xf32, #tpu.memory_space<vmem>> -> memref<128x8xf32, #tpu.memory_space<vmem>>
        %dma_start3A_64 = arith.constant 0 : i32
        %dma_start3A_65 = tpu.memref_slice %arg6[%add3A_58, %dma_start3A_64] : memref<28x128xi32, #tpu.memory_space<vmem>> -> memref<1x128xi32, #tpu.memory_space<vmem>>
        %dma_start3A_66 = tpu.memref_squeeze %dma_start3A_65 : memref<1x128xi32, #tpu.memory_space<vmem>> -> memref<128xi32, #tpu.memory_space<vmem>>
        %dma_start3A_67 = arith.constant 0 : i32
        %dma_start3A_68 = arith.constant 0 : i32
        %dma_start3A_69 = tpu.memref_slice %arg2[%dma_start3A_67, %dma_start3A_68] : memref<100096x8xf32, #tpu.memory_space<hbm>> -> memref<100096x8xf32, #tpu.memory_space<hbm>>
        tpu.enqueue_indirect_dma source(%dma_start3A_69 : memref<100096x8xf32, #tpu.memory_space<hbm>>) target(%dma_start3A_63 : memref<128x8xf32, #tpu.memory_space<vmem>>) offsets(%dma_start3A_66 : memref<128xi32, #tpu.memory_space<vmem>>) semaphore(%arg11 : memref<!tpu.dma_semaphore, #tpu.memory_space<semaphore_mem>>)
        %add3A_70 = arith.constant 1 : i32
        %add3A_71 = arith.addi %mul3A_31, %add3A_70 : i32
        %dma_start3A_72 = arith.constant 5 : i32
        %dma_start3A_73 = arith.constant 0 : i32
        %dma_start3A_74 = arith.constant 0 : i32
        %dma_start3A_75 = tpu.memref_slice %arg8[%dma_start3A_72, %dma_start3A_73, %dma_start3A_74] : memref<8x128x8xf32, #tpu.memory_space<vmem>> -> memref<1x128x8xf32, #tpu.memory_space<vmem>>
        %dma_start3A_76 = tpu.memref_squeeze %dma_start3A_75 : memref<1x128x8xf32, #tpu.memory_space<vmem>> -> memref<128x8xf32, #tpu.memory_space<vmem>>
        %dma_start3A_77 = arith.constant 0 : i32
        %dma_start3A_78 = tpu.memref_slice %arg7[%add3A_71, %dma_start3A_77] : memref<28x128xi32, #tpu.memory_space<vmem>> -> memref<1x128xi32, #tpu.memory_space<vmem>>
        %dma_start3A_79 = tpu.memref_squeeze %dma_start3A_78 : memref<1x128xi32, #tpu.memory_space<vmem>> -> memref<128xi32, #tpu.memory_space<vmem>>
        %dma_start3A_80 = arith.constant 0 : i32
        %dma_start3A_81 = arith.constant 0 : i32
        %dma_start3A_82 = tpu.memref_slice %arg2[%dma_start3A_80, %dma_start3A_81] : memref<100096x8xf32, #tpu.memory_space<hbm>> -> memref<100096x8xf32, #tpu.memory_space<hbm>>
        tpu.enqueue_indirect_dma source(%dma_start3A_82 : memref<100096x8xf32, #tpu.memory_space<hbm>>) target(%dma_start3A_76 : memref<128x8xf32, #tpu.memory_space<vmem>>) offsets(%dma_start3A_79 : memref<128xi32, #tpu.memory_space<vmem>>) semaphore(%arg11 : memref<!tpu.dma_semaphore, #tpu.memory_space<semaphore_mem>>)
        %add3A_83 = arith.constant 2 : i32
        %add3A_84 = arith.addi %mul3A_31, %add3A_83 : i32
        %dma_start3A_85 = arith.constant 2 : i32
        %dma_start3A_86 = arith.constant 0 : i32
        %dma_start3A_87 = arith.constant 0 : i32
        %dma_start3A_88 = tpu.memref_slice %arg8[%dma_start3A_85, %dma_start3A_86, %dma_start3A_87] : memref<8x128x8xf32, #tpu.memory_space<vmem>> -> memref<1x128x8xf32, #tpu.memory_space<vmem>>
        %dma_start3A_89 = tpu.memref_squeeze %dma_start3A_88 : memref<1x128x8xf32, #tpu.memory_space<vmem>> -> memref<128x8xf32, #tpu.memory_space<vmem>>
        %dma_start3A_90 = arith.constant 0 : i32
        %dma_start3A_91 = tpu.memref_slice %arg6[%add3A_84, %dma_start3A_90] : memref<28x128xi32, #tpu.memory_space<vmem>> -> memref<1x128xi32, #tpu.memory_space<vmem>>
        %dma_start3A_92 = tpu.memref_squeeze %dma_start3A_91 : memref<1x128xi32, #tpu.memory_space<vmem>> -> memref<128xi32, #tpu.memory_space<vmem>>
        %dma_start3A_93 = arith.constant 0 : i32
        %dma_start3A_94 = arith.constant 0 : i32
        %dma_start3A_95 = tpu.memref_slice %arg2[%dma_start3A_93, %dma_start3A_94] : memref<100096x8xf32, #tpu.memory_space<hbm>> -> memref<100096x8xf32, #tpu.memory_space<hbm>>
        tpu.enqueue_indirect_dma source(%dma_start3A_95 : memref<100096x8xf32, #tpu.memory_space<hbm>>) target(%dma_start3A_89 : memref<128x8xf32, #tpu.memory_space<vmem>>) offsets(%dma_start3A_92 : memref<128xi32, #tpu.memory_space<vmem>>) semaphore(%arg11 : memref<!tpu.dma_semaphore, #tpu.memory_space<semaphore_mem>>)
        %add3A_96 = arith.constant 2 : i32
        %add3A_97 = arith.addi %mul3A_31, %add3A_96 : i32
        %dma_start3A_98 = arith.constant 6 : i32
        %dma_start3A_99 = arith.constant 0 : i32
        %dma_start3A_100 = arith.constant 0 : i32
        %dma_start3A_101 = tpu.memref_slice %arg8[%dma_start3A_98, %dma_start3A_99, %dma_start3A_100] : memref<8x128x8xf32, #tpu.memory_space<vmem>> -> memref<1x128x8xf32, #tpu.memory_space<vmem>>
        %dma_start3A_102 = tpu.memref_squeeze %dma_start3A_101 : memref<1x128x8xf32, #tpu.memory_space<vmem>> -> memref<128x8xf32, #tpu.memory_space<vmem>>
        %dma_start3A_103 = arith.constant 0 : i32
        %dma_start3A_104 = tpu.memref_slice %arg7[%add3A_97, %dma_start3A_103] : memref<28x128xi32, #tpu.memory_space<vmem>> -> memref<1x128xi32, #tpu.memory_space<vmem>>
        %dma_start3A_105 = tpu.memref_squeeze %dma_start3A_104 : memref<1x128xi32, #tpu.memory_space<vmem>> -> memref<128xi32, #tpu.memory_space<vmem>>
        %dma_start3A_106 = arith.constant 0 : i32
        %dma_start3A_107 = arith.constant 0 : i32
        %dma_start3A_108 = tpu.memref_slice %arg2[%dma_start3A_106, %dma_start3A_107] : memref<100096x8xf32, #tpu.memory_space<hbm>> -> memref<100096x8xf32, #tpu.memory_space<hbm>>
        tpu.enqueue_indirect_dma source(%dma_start3A_108 : memref<100096x8xf32, #tpu.memory_space<hbm>>) target(%dma_start3A_102 : memref<128x8xf32, #tpu.memory_space<vmem>>) offsets(%dma_start3A_105 : memref<128xi32, #tpu.memory_space<vmem>>) semaphore(%arg11 : memref<!tpu.dma_semaphore, #tpu.memory_space<semaphore_mem>>)
        %add3A_109 = arith.constant 3 : i32
        %add3A_110 = arith.addi %mul3A_31, %add3A_109 : i32
        %dma_start3A_111 = arith.constant 3 : i32
        %dma_start3A_112 = arith.constant 0 : i32
        %dma_start3A_113 = arith.constant 0 : i32
        %dma_start3A_114 = tpu.memref_slice %arg8[%dma_start3A_111, %dma_start3A_112, %dma_start3A_113] : memref<8x128x8xf32, #tpu.memory_space<vmem>> -> memref<1x128x8xf32, #tpu.memory_space<vmem>>
        %dma_start3A_115 = tpu.memref_squeeze %dma_start3A_114 : memref<1x128x8xf32, #tpu.memory_space<vmem>> -> memref<128x8xf32, #tpu.memory_space<vmem>>
        %dma_start3A_116 = arith.constant 0 : i32
        %dma_start3A_117 = tpu.memref_slice %arg6[%add3A_110, %dma_start3A_116] : memref<28x128xi32, #tpu.memory_space<vmem>> -> memref<1x128xi32, #tpu.memory_space<vmem>>
        %dma_start3A_118 = tpu.memref_squeeze %dma_start3A_117 : memref<1x128xi32, #tpu.memory_space<vmem>> -> memref<128xi32, #tpu.memory_space<vmem>>
        %dma_start3A_119 = arith.constant 0 : i32
        %dma_start3A_120 = arith.constant 0 : i32
        %dma_start3A_121 = tpu.memref_slice %arg2[%dma_start3A_119, %dma_start3A_120] : memref<100096x8xf32, #tpu.memory_space<hbm>> -> memref<100096x8xf32, #tpu.memory_space<hbm>>
        tpu.enqueue_indirect_dma source(%dma_start3A_121 : memref<100096x8xf32, #tpu.memory_space<hbm>>) target(%dma_start3A_115 : memref<128x8xf32, #tpu.memory_space<vmem>>) offsets(%dma_start3A_118 : memref<128xi32, #tpu.memory_space<vmem>>) semaphore(%arg11 : memref<!tpu.dma_semaphore, #tpu.memory_space<semaphore_mem>>)
        %add3A_122 = arith.constant 3 : i32
        %add3A_123 = arith.addi %mul3A_31, %add3A_122 : i32
        %dma_start3A_124 = arith.constant 7 : i32
        %dma_start3A_125 = arith.constant 0 : i32
        %dma_start3A_126 = arith.constant 0 : i32
        %dma_start3A_127 = tpu.memref_slice %arg8[%dma_start3A_124, %dma_start3A_125, %dma_start3A_126] : memref<8x128x8xf32, #tpu.memory_space<vmem>> -> memref<1x128x8xf32, #tpu.memory_space<vmem>>
        %dma_start3A_128 = tpu.memref_squeeze %dma_start3A_127 : memref<1x128x8xf32, #tpu.memory_space<vmem>> -> memref<128x8xf32, #tpu.memory_space<vmem>>
        %dma_start3A_129 = arith.constant 0 : i32
        %dma_start3A_130 = tpu.memref_slice %arg7[%add3A_123, %dma_start3A_129] : memref<28x128xi32, #tpu.memory_space<vmem>> -> memref<1x128xi32, #tpu.memory_space<vmem>>
        %dma_start3A_131 = tpu.memref_squeeze %dma_start3A_130 : memref<1x128xi32, #tpu.memory_space<vmem>> -> memref<128xi32, #tpu.memory_space<vmem>>
        %dma_start3A_132 = arith.constant 0 : i32
        %dma_start3A_133 = arith.constant 0 : i32
        %dma_start3A_134 = tpu.memref_slice %arg2[%dma_start3A_132, %dma_start3A_133] : memref<100096x8xf32, #tpu.memory_space<hbm>> -> memref<100096x8xf32, #tpu.memory_space<hbm>>
        tpu.enqueue_indirect_dma source(%dma_start3A_134 : memref<100096x8xf32, #tpu.memory_space<hbm>>) target(%dma_start3A_128 : memref<128x8xf32, #tpu.memory_space<vmem>>) offsets(%dma_start3A_131 : memref<128xi32, #tpu.memory_space<vmem>>) semaphore(%arg11 : memref<!tpu.dma_semaphore, #tpu.memory_space<semaphore_mem>>)
        %dma_wait3A = arith.constant 0 : i32
        %dma_wait3A_135 = arith.constant 0 : i32
        %dma_wait3A_136 = arith.constant 0 : i32
        %dma_wait3A_137 = tpu.memref_slice %arg8[%dma_wait3A, %dma_wait3A_135, %dma_wait3A_136] : memref<8x128x8xf32, #tpu.memory_space<vmem>> -> memref<1x128x8xf32, #tpu.memory_space<vmem>>
        %dma_wait3A_138 = tpu.memref_squeeze %dma_wait3A_137 : memref<1x128x8xf32, #tpu.memory_space<vmem>> -> memref<128x8xf32, #tpu.memory_space<vmem>>
        %dma_wait3A_139 = arith.constant 0 : i32
        %dma_wait3A_140 = tpu.memref_slice %arg6[%add3A_33, %dma_wait3A_139] : memref<28x128xi32, #tpu.memory_space<vmem>> -> memref<1x128xi32, #tpu.memory_space<vmem>>
        %dma_wait3A_141 = tpu.memref_squeeze %dma_wait3A_140 : memref<1x128xi32, #tpu.memory_space<vmem>> -> memref<128xi32, #tpu.memory_space<vmem>>
        %dma_wait3A_142 = arith.constant 0 : i32
        %dma_wait3A_143 = arith.constant 0 : i32
        %dma_wait3A_144 = tpu.memref_slice %arg2[%dma_wait3A_142, %dma_wait3A_143] : memref<100096x8xf32, #tpu.memory_space<hbm>> -> memref<100096x8xf32, #tpu.memory_space<hbm>>
        tpu.wait_indirect_dma semaphore(%arg11 : memref<!tpu.dma_semaphore, #tpu.memory_space<semaphore_mem>>) src(%dma_wait3A_144 : memref<100096x8xf32, #tpu.memory_space<hbm>>) dst(%dma_wait3A_138 : memref<128x8xf32, #tpu.memory_space<vmem>>)
        %add3A_145 = arith.constant 0 : i32
        %add3A_146 = arith.addi %mul3A_31, %add3A_145 : i32
        %dma_start3A_147 = arith.constant 0 : i32
        %dma_start3A_148 = arith.constant 0 : i32
        %dma_start3A_149 = arith.constant 0 : i32
        %dma_start3A_150 = tpu.memref_slice %arg8[%dma_start3A_147, %dma_start3A_148, %dma_start3A_149] : memref<8x128x8xf32, #tpu.memory_space<vmem>> -> memref<1x128x8xf32, #tpu.memory_space<vmem>>
        %dma_start3A_151 = tpu.memref_squeeze %dma_start3A_150 : memref<1x128x8xf32, #tpu.memory_space<vmem>> -> memref<128x8xf32, #tpu.memory_space<vmem>>
        %dma_start3A_152 = arith.constant 0 : i32
        %dma_start3A_153 = tpu.memref_slice %arg7[%add3A_146, %dma_start3A_152] : memref<28x128xi32, #tpu.memory_space<vmem>> -> memref<1x128xi32, #tpu.memory_space<vmem>>
        %dma_start3A_154 = tpu.memref_squeeze %dma_start3A_153 : memref<1x128xi32, #tpu.memory_space<vmem>> -> memref<128xi32, #tpu.memory_space<vmem>>
        %dma_start3A_155 = arith.constant 0 : i32
        %dma_start3A_156 = arith.constant 0 : i32
        %dma_start3A_157 = tpu.memref_slice %arg10[%dma_start3A_155, %dma_start3A_156] : memref<100096x8xf32, #tpu.memory_space<vmem_shared>> -> memref<100096x8xf32, #tpu.memory_space<vmem_shared>>
        tpu.enqueue_indirect_dma source(%dma_start3A_151 : memref<128x8xf32, #tpu.memory_space<vmem>>) target(%dma_start3A_157 : memref<100096x8xf32, #tpu.memory_space<vmem_shared>>) offsets(%dma_start3A_154 : memref<128xi32, #tpu.memory_space<vmem>>) semaphore(%arg12 : memref<!tpu.dma_semaphore, #tpu.memory_space<semaphore_mem>>) {add = true}
        %dma_wait3A_158 = arith.constant 4 : i32
        %dma_wait3A_159 = arith.constant 0 : i32
        %dma_wait3A_160 = arith.constant 0 : i32
        %dma_wait3A_161 = tpu.memref_slice %arg8[%dma_wait3A_158, %dma_wait3A_159, %dma_wait3A_160] : memref<8x128x8xf32, #tpu.memory_space<vmem>> -> memref<1x128x8xf32, #tpu.memory_space<vmem>>
        %dma_wait3A_162 = tpu.memref_squeeze %dma_wait3A_161 : memref<1x128x8xf32, #tpu.memory_space<vmem>> -> memref<128x8xf32, #tpu.memory_space<vmem>>
        %dma_wait3A_163 = arith.constant 0 : i32
        %dma_wait3A_164 = tpu.memref_slice %arg7[%add3A_45, %dma_wait3A_163] : memref<28x128xi32, #tpu.memory_space<vmem>> -> memref<1x128xi32, #tpu.memory_space<vmem>>
        %dma_wait3A_165 = tpu.memref_squeeze %dma_wait3A_164 : memref<1x128xi32, #tpu.memory_space<vmem>> -> memref<128xi32, #tpu.memory_space<vmem>>
        %dma_wait3A_166 = arith.constant 0 : i32
        %dma_wait3A_167 = arith.constant 0 : i32
        %dma_wait3A_168 = tpu.memref_slice %arg2[%dma_wait3A_166, %dma_wait3A_167] : memref<100096x8xf32, #tpu.memory_space<hbm>> -> memref<100096x8xf32, #tpu.memory_space<hbm>>
        tpu.wait_indirect_dma semaphore(%arg11 : memref<!tpu.dma_semaphore, #tpu.memory_space<semaphore_mem>>) src(%dma_wait3A_168 : memref<100096x8xf32, #tpu.memory_space<hbm>>) dst(%dma_wait3A_162 : memref<128x8xf32, #tpu.memory_space<vmem>>)
        %add3A_169 = arith.constant 0 : i32
        %add3A_170 = arith.addi %mul3A_31, %add3A_169 : i32
        %dma_start3A_171 = arith.constant 4 : i32
        %dma_start3A_172 = arith.constant 0 : i32
        %dma_start3A_173 = arith.constant 0 : i32
        %dma_start3A_174 = tpu.memref_slice %arg8[%dma_start3A_171, %dma_start3A_172, %dma_start3A_173] : memref<8x128x8xf32, #tpu.memory_space<vmem>> -> memref<1x128x8xf32, #tpu.memory_space<vmem>>
        %dma_start3A_175 = tpu.memref_squeeze %dma_start3A_174 : memref<1x128x8xf32, #tpu.memory_space<vmem>> -> memref<128x8xf32, #tpu.memory_space<vmem>>
        %dma_start3A_176 = arith.constant 0 : i32
        %dma_start3A_177 = tpu.memref_slice %arg6[%add3A_170, %dma_start3A_176] : memref<28x128xi32, #tpu.memory_space<vmem>> -> memref<1x128xi32, #tpu.memory_space<vmem>>
        %dma_start3A_178 = tpu.memref_squeeze %dma_start3A_177 : memref<1x128xi32, #tpu.memory_space<vmem>> -> memref<128xi32, #tpu.memory_space<vmem>>
        %dma_start3A_179 = arith.constant 0 : i32
        %dma_start3A_180 = arith.constant 0 : i32
        %dma_start3A_181 = tpu.memref_slice %arg10[%dma_start3A_179, %dma_start3A_180] : memref<100096x8xf32, #tpu.memory_space<vmem_shared>> -> memref<100096x8xf32, #tpu.memory_space<vmem_shared>>
        tpu.enqueue_indirect_dma source(%dma_start3A_175 : memref<128x8xf32, #tpu.memory_space<vmem>>) target(%dma_start3A_181 : memref<100096x8xf32, #tpu.memory_space<vmem_shared>>) offsets(%dma_start3A_178 : memref<128xi32, #tpu.memory_space<vmem>>) semaphore(%arg12 : memref<!tpu.dma_semaphore, #tpu.memory_space<semaphore_mem>>) {add = true}
        %dma_wait3A_182 = arith.constant 1 : i32
        %dma_wait3A_183 = arith.constant 0 : i32
        %dma_wait3A_184 = arith.constant 0 : i32
        %dma_wait3A_185 = tpu.memref_slice %arg8[%dma_wait3A_182, %dma_wait3A_183, %dma_wait3A_184] : memref<8x128x8xf32, #tpu.memory_space<vmem>> -> memref<1x128x8xf32, #tpu.memory_space<vmem>>
        %dma_wait3A_186 = tpu.memref_squeeze %dma_wait3A_185 : memref<1x128x8xf32, #tpu.memory_space<vmem>> -> memref<128x8xf32, #tpu.memory_space<vmem>>
        %dma_wait3A_187 = arith.constant 0 : i32
        %dma_wait3A_188 = tpu.memref_slice %arg6[%add3A_58, %dma_wait3A_187] : memref<28x128xi32, #tpu.memory_space<vmem>> -> memref<1x128xi32, #tpu.memory_space<vmem>>
        %dma_wait3A_189 = tpu.memref_squeeze %dma_wait3A_188 : memref<1x128xi32, #tpu.memory_space<vmem>> -> memref<128xi32, #tpu.memory_space<vmem>>
        %dma_wait3A_190 = arith.constant 0 : i32
        %dma_wait3A_191 = arith.constant 0 : i32
        %dma_wait3A_192 = tpu.memref_slice %arg2[%dma_wait3A_190, %dma_wait3A_191] : memref<100096x8xf32, #tpu.memory_space<hbm>> -> memref<100096x8xf32, #tpu.memory_space<hbm>>
        tpu.wait_indirect_dma semaphore(%arg11 : memref<!tpu.dma_semaphore, #tpu.memory_space<semaphore_mem>>) src(%dma_wait3A_192 : memref<100096x8xf32, #tpu.memory_space<hbm>>) dst(%dma_wait3A_186 : memref<128x8xf32, #tpu.memory_space<vmem>>)
        %add3A_193 = arith.constant 1 : i32
        %add3A_194 = arith.addi %mul3A_31, %add3A_193 : i32
        %dma_start3A_195 = arith.constant 1 : i32
        %dma_start3A_196 = arith.constant 0 : i32
        %dma_start3A_197 = arith.constant 0 : i32
        %dma_start3A_198 = tpu.memref_slice %arg8[%dma_start3A_195, %dma_start3A_196, %dma_start3A_197] : memref<8x128x8xf32, #tpu.memory_space<vmem>> -> memref<1x128x8xf32, #tpu.memory_space<vmem>>
        %dma_start3A_199 = tpu.memref_squeeze %dma_start3A_198 : memref<1x128x8xf32, #tpu.memory_space<vmem>> -> memref<128x8xf32, #tpu.memory_space<vmem>>
        %dma_start3A_200 = arith.constant 0 : i32
        %dma_start3A_201 = tpu.memref_slice %arg7[%add3A_194, %dma_start3A_200] : memref<28x128xi32, #tpu.memory_space<vmem>> -> memref<1x128xi32, #tpu.memory_space<vmem>>
        %dma_start3A_202 = tpu.memref_squeeze %dma_start3A_201 : memref<1x128xi32, #tpu.memory_space<vmem>> -> memref<128xi32, #tpu.memory_space<vmem>>
        %dma_start3A_203 = arith.constant 0 : i32
        %dma_start3A_204 = arith.constant 0 : i32
        %dma_start3A_205 = tpu.memref_slice %arg10[%dma_start3A_203, %dma_start3A_204] : memref<100096x8xf32, #tpu.memory_space<vmem_shared>> -> memref<100096x8xf32, #tpu.memory_space<vmem_shared>>
        tpu.enqueue_indirect_dma source(%dma_start3A_199 : memref<128x8xf32, #tpu.memory_space<vmem>>) target(%dma_start3A_205 : memref<100096x8xf32, #tpu.memory_space<vmem_shared>>) offsets(%dma_start3A_202 : memref<128xi32, #tpu.memory_space<vmem>>) semaphore(%arg12 : memref<!tpu.dma_semaphore, #tpu.memory_space<semaphore_mem>>) {add = true}
        %dma_wait3A_206 = arith.constant 5 : i32
        %dma_wait3A_207 = arith.constant 0 : i32
        %dma_wait3A_208 = arith.constant 0 : i32
        %dma_wait3A_209 = tpu.memref_slice %arg8[%dma_wait3A_206, %dma_wait3A_207, %dma_wait3A_208] : memref<8x128x8xf32, #tpu.memory_space<vmem>> -> memref<1x128x8xf32, #tpu.memory_space<vmem>>
        %dma_wait3A_210 = tpu.memref_squeeze %dma_wait3A_209 : memref<1x128x8xf32, #tpu.memory_space<vmem>> -> memref<128x8xf32, #tpu.memory_space<vmem>>
        %dma_wait3A_211 = arith.constant 0 : i32
        %dma_wait3A_212 = tpu.memref_slice %arg7[%add3A_71, %dma_wait3A_211] : memref<28x128xi32, #tpu.memory_space<vmem>> -> memref<1x128xi32, #tpu.memory_space<vmem>>
        %dma_wait3A_213 = tpu.memref_squeeze %dma_wait3A_212 : memref<1x128xi32, #tpu.memory_space<vmem>> -> memref<128xi32, #tpu.memory_space<vmem>>
        %dma_wait3A_214 = arith.constant 0 : i32
        %dma_wait3A_215 = arith.constant 0 : i32
        %dma_wait3A_216 = tpu.memref_slice %arg2[%dma_wait3A_214, %dma_wait3A_215] : memref<100096x8xf32, #tpu.memory_space<hbm>> -> memref<100096x8xf32, #tpu.memory_space<hbm>>
        tpu.wait_indirect_dma semaphore(%arg11 : memref<!tpu.dma_semaphore, #tpu.memory_space<semaphore_mem>>) src(%dma_wait3A_216 : memref<100096x8xf32, #tpu.memory_space<hbm>>) dst(%dma_wait3A_210 : memref<128x8xf32, #tpu.memory_space<vmem>>)
        %add3A_217 = arith.constant 1 : i32
        %add3A_218 = arith.addi %mul3A_31, %add3A_217 : i32
        %dma_start3A_219 = arith.constant 5 : i32
        %dma_start3A_220 = arith.constant 0 : i32
        %dma_start3A_221 = arith.constant 0 : i32
        %dma_start3A_222 = tpu.memref_slice %arg8[%dma_start3A_219, %dma_start3A_220, %dma_start3A_221] : memref<8x128x8xf32, #tpu.memory_space<vmem>> -> memref<1x128x8xf32, #tpu.memory_space<vmem>>
        %dma_start3A_223 = tpu.memref_squeeze %dma_start3A_222 : memref<1x128x8xf32, #tpu.memory_space<vmem>> -> memref<128x8xf32, #tpu.memory_space<vmem>>
        %dma_start3A_224 = arith.constant 0 : i32
        %dma_start3A_225 = tpu.memref_slice %arg6[%add3A_218, %dma_start3A_224] : memref<28x128xi32, #tpu.memory_space<vmem>> -> memref<1x128xi32, #tpu.memory_space<vmem>>
        %dma_start3A_226 = tpu.memref_squeeze %dma_start3A_225 : memref<1x128xi32, #tpu.memory_space<vmem>> -> memref<128xi32, #tpu.memory_space<vmem>>
        %dma_start3A_227 = arith.constant 0 : i32
        %dma_start3A_228 = arith.constant 0 : i32
        %dma_start3A_229 = tpu.memref_slice %arg10[%dma_start3A_227, %dma_start3A_228] : memref<100096x8xf32, #tpu.memory_space<vmem_shared>> -> memref<100096x8xf32, #tpu.memory_space<vmem_shared>>
        tpu.enqueue_indirect_dma source(%dma_start3A_223 : memref<128x8xf32, #tpu.memory_space<vmem>>) target(%dma_start3A_229 : memref<100096x8xf32, #tpu.memory_space<vmem_shared>>) offsets(%dma_start3A_226 : memref<128xi32, #tpu.memory_space<vmem>>) semaphore(%arg12 : memref<!tpu.dma_semaphore, #tpu.memory_space<semaphore_mem>>) {add = true}
        %dma_wait3A_230 = arith.constant 2 : i32
        %dma_wait3A_231 = arith.constant 0 : i32
        %dma_wait3A_232 = arith.constant 0 : i32
        %dma_wait3A_233 = tpu.memref_slice %arg8[%dma_wait3A_230, %dma_wait3A_231, %dma_wait3A_232] : memref<8x128x8xf32, #tpu.memory_space<vmem>> -> memref<1x128x8xf32, #tpu.memory_space<vmem>>
        %dma_wait3A_234 = tpu.memref_squeeze %dma_wait3A_233 : memref<1x128x8xf32, #tpu.memory_space<vmem>> -> memref<128x8xf32, #tpu.memory_space<vmem>>
        %dma_wait3A_235 = arith.constant 0 : i32
        %dma_wait3A_236 = tpu.memref_slice %arg6[%add3A_84, %dma_wait3A_235] : memref<28x128xi32, #tpu.memory_space<vmem>> -> memref<1x128xi32, #tpu.memory_space<vmem>>
        %dma_wait3A_237 = tpu.memref_squeeze %dma_wait3A_236 : memref<1x128xi32, #tpu.memory_space<vmem>> -> memref<128xi32, #tpu.memory_space<vmem>>
        %dma_wait3A_238 = arith.constant 0 : i32
        %dma_wait3A_239 = arith.constant 0 : i32
        %dma_wait3A_240 = tpu.memref_slice %arg2[%dma_wait3A_238, %dma_wait3A_239] : memref<100096x8xf32, #tpu.memory_space<hbm>> -> memref<100096x8xf32, #tpu.memory_space<hbm>>
        tpu.wait_indirect_dma semaphore(%arg11 : memref<!tpu.dma_semaphore, #tpu.memory_space<semaphore_mem>>) src(%dma_wait3A_240 : memref<100096x8xf32, #tpu.memory_space<hbm>>) dst(%dma_wait3A_234 : memref<128x8xf32, #tpu.memory_space<vmem>>)
        %add3A_241 = arith.constant 2 : i32
        %add3A_242 = arith.addi %mul3A_31, %add3A_241 : i32
        %dma_start3A_243 = arith.constant 2 : i32
        %dma_start3A_244 = arith.constant 0 : i32
        %dma_start3A_245 = arith.constant 0 : i32
        %dma_start3A_246 = tpu.memref_slice %arg8[%dma_start3A_243, %dma_start3A_244, %dma_start3A_245] : memref<8x128x8xf32, #tpu.memory_space<vmem>> -> memref<1x128x8xf32, #tpu.memory_space<vmem>>
        %dma_start3A_247 = tpu.memref_squeeze %dma_start3A_246 : memref<1x128x8xf32, #tpu.memory_space<vmem>> -> memref<128x8xf32, #tpu.memory_space<vmem>>
        %dma_start3A_248 = arith.constant 0 : i32
        %dma_start3A_249 = tpu.memref_slice %arg7[%add3A_242, %dma_start3A_248] : memref<28x128xi32, #tpu.memory_space<vmem>> -> memref<1x128xi32, #tpu.memory_space<vmem>>
        %dma_start3A_250 = tpu.memref_squeeze %dma_start3A_249 : memref<1x128xi32, #tpu.memory_space<vmem>> -> memref<128xi32, #tpu.memory_space<vmem>>
        %dma_start3A_251 = arith.constant 0 : i32
        %dma_start3A_252 = arith.constant 0 : i32
        %dma_start3A_253 = tpu.memref_slice %arg10[%dma_start3A_251, %dma_start3A_252] : memref<100096x8xf32, #tpu.memory_space<vmem_shared>> -> memref<100096x8xf32, #tpu.memory_space<vmem_shared>>
        tpu.enqueue_indirect_dma source(%dma_start3A_247 : memref<128x8xf32, #tpu.memory_space<vmem>>) target(%dma_start3A_253 : memref<100096x8xf32, #tpu.memory_space<vmem_shared>>) offsets(%dma_start3A_250 : memref<128xi32, #tpu.memory_space<vmem>>) semaphore(%arg12 : memref<!tpu.dma_semaphore, #tpu.memory_space<semaphore_mem>>) {add = true}
        %dma_wait3A_254 = arith.constant 6 : i32
        %dma_wait3A_255 = arith.constant 0 : i32
        %dma_wait3A_256 = arith.constant 0 : i32
        %dma_wait3A_257 = tpu.memref_slice %arg8[%dma_wait3A_254, %dma_wait3A_255, %dma_wait3A_256] : memref<8x128x8xf32, #tpu.memory_space<vmem>> -> memref<1x128x8xf32, #tpu.memory_space<vmem>>
        %dma_wait3A_258 = tpu.memref_squeeze %dma_wait3A_257 : memref<1x128x8xf32, #tpu.memory_space<vmem>> -> memref<128x8xf32, #tpu.memory_space<vmem>>
        %dma_wait3A_259 = arith.constant 0 : i32
        %dma_wait3A_260 = tpu.memref_slice %arg7[%add3A_97, %dma_wait3A_259] : memref<28x128xi32, #tpu.memory_space<vmem>> -> memref<1x128xi32, #tpu.memory_space<vmem>>
        %dma_wait3A_261 = tpu.memref_squeeze %dma_wait3A_260 : memref<1x128xi32, #tpu.memory_space<vmem>> -> memref<128xi32, #tpu.memory_space<vmem>>
        %dma_wait3A_262 = arith.constant 0 : i32
        %dma_wait3A_263 = arith.constant 0 : i32
        %dma_wait3A_264 = tpu.memref_slice %arg2[%dma_wait3A_262, %dma_wait3A_263] : memref<100096x8xf32, #tpu.memory_space<hbm>> -> memref<100096x8xf32, #tpu.memory_space<hbm>>
        tpu.wait_indirect_dma semaphore(%arg11 : memref<!tpu.dma_semaphore, #tpu.memory_space<semaphore_mem>>) src(%dma_wait3A_264 : memref<100096x8xf32, #tpu.memory_space<hbm>>) dst(%dma_wait3A_258 : memref<128x8xf32, #tpu.memory_space<vmem>>)
        %add3A_265 = arith.constant 2 : i32
        %add3A_266 = arith.addi %mul3A_31, %add3A_265 : i32
        %dma_start3A_267 = arith.constant 6 : i32
        %dma_start3A_268 = arith.constant 0 : i32
        %dma_start3A_269 = arith.constant 0 : i32
        %dma_start3A_270 = tpu.memref_slice %arg8[%dma_start3A_267, %dma_start3A_268, %dma_start3A_269] : memref<8x128x8xf32, #tpu.memory_space<vmem>> -> memref<1x128x8xf32, #tpu.memory_space<vmem>>
        %dma_start3A_271 = tpu.memref_squeeze %dma_start3A_270 : memref<1x128x8xf32, #tpu.memory_space<vmem>> -> memref<128x8xf32, #tpu.memory_space<vmem>>
        %dma_start3A_272 = arith.constant 0 : i32
        %dma_start3A_273 = tpu.memref_slice %arg6[%add3A_266, %dma_start3A_272] : memref<28x128xi32, #tpu.memory_space<vmem>> -> memref<1x128xi32, #tpu.memory_space<vmem>>
        %dma_start3A_274 = tpu.memref_squeeze %dma_start3A_273 : memref<1x128xi32, #tpu.memory_space<vmem>> -> memref<128xi32, #tpu.memory_space<vmem>>
        %dma_start3A_275 = arith.constant 0 : i32
        %dma_start3A_276 = arith.constant 0 : i32
        %dma_start3A_277 = tpu.memref_slice %arg10[%dma_start3A_275, %dma_start3A_276] : memref<100096x8xf32, #tpu.memory_space<vmem_shared>> -> memref<100096x8xf32, #tpu.memory_space<vmem_shared>>
        tpu.enqueue_indirect_dma source(%dma_start3A_271 : memref<128x8xf32, #tpu.memory_space<vmem>>) target(%dma_start3A_277 : memref<100096x8xf32, #tpu.memory_space<vmem_shared>>) offsets(%dma_start3A_274 : memref<128xi32, #tpu.memory_space<vmem>>) semaphore(%arg12 : memref<!tpu.dma_semaphore, #tpu.memory_space<semaphore_mem>>) {add = true}
        %dma_wait3A_278 = arith.constant 3 : i32
        %dma_wait3A_279 = arith.constant 0 : i32
        %dma_wait3A_280 = arith.constant 0 : i32
        %dma_wait3A_281 = tpu.memref_slice %arg8[%dma_wait3A_278, %dma_wait3A_279, %dma_wait3A_280] : memref<8x128x8xf32, #tpu.memory_space<vmem>> -> memref<1x128x8xf32, #tpu.memory_space<vmem>>
        %dma_wait3A_282 = tpu.memref_squeeze %dma_wait3A_281 : memref<1x128x8xf32, #tpu.memory_space<vmem>> -> memref<128x8xf32, #tpu.memory_space<vmem>>
        %dma_wait3A_283 = arith.constant 0 : i32
        %dma_wait3A_284 = tpu.memref_slice %arg6[%add3A_110, %dma_wait3A_283] : memref<28x128xi32, #tpu.memory_space<vmem>> -> memref<1x128xi32, #tpu.memory_space<vmem>>
        %dma_wait3A_285 = tpu.memref_squeeze %dma_wait3A_284 : memref<1x128xi32, #tpu.memory_space<vmem>> -> memref<128xi32, #tpu.memory_space<vmem>>
        %dma_wait3A_286 = arith.constant 0 : i32
        %dma_wait3A_287 = arith.constant 0 : i32
        %dma_wait3A_288 = tpu.memref_slice %arg2[%dma_wait3A_286, %dma_wait3A_287] : memref<100096x8xf32, #tpu.memory_space<hbm>> -> memref<100096x8xf32, #tpu.memory_space<hbm>>
        tpu.wait_indirect_dma semaphore(%arg11 : memref<!tpu.dma_semaphore, #tpu.memory_space<semaphore_mem>>) src(%dma_wait3A_288 : memref<100096x8xf32, #tpu.memory_space<hbm>>) dst(%dma_wait3A_282 : memref<128x8xf32, #tpu.memory_space<vmem>>)
        %add3A_289 = arith.constant 3 : i32
        %add3A_290 = arith.addi %mul3A_31, %add3A_289 : i32
        %dma_start3A_291 = arith.constant 3 : i32
        %dma_start3A_292 = arith.constant 0 : i32
        %dma_start3A_293 = arith.constant 0 : i32
        %dma_start3A_294 = tpu.memref_slice %arg8[%dma_start3A_291, %dma_start3A_292, %dma_start3A_293] : memref<8x128x8xf32, #tpu.memory_space<vmem>> -> memref<1x128x8xf32, #tpu.memory_space<vmem>>
        %dma_start3A_295 = tpu.memref_squeeze %dma_start3A_294 : memref<1x128x8xf32, #tpu.memory_space<vmem>> -> memref<128x8xf32, #tpu.memory_space<vmem>>
        %dma_start3A_296 = arith.constant 0 : i32
        %dma_start3A_297 = tpu.memref_slice %arg7[%add3A_290, %dma_start3A_296] : memref<28x128xi32, #tpu.memory_space<vmem>> -> memref<1x128xi32, #tpu.memory_space<vmem>>
        %dma_start3A_298 = tpu.memref_squeeze %dma_start3A_297 : memref<1x128xi32, #tpu.memory_space<vmem>> -> memref<128xi32, #tpu.memory_space<vmem>>
        %dma_start3A_299 = arith.constant 0 : i32
        %dma_start3A_300 = arith.constant 0 : i32
        %dma_start3A_301 = tpu.memref_slice %arg10[%dma_start3A_299, %dma_start3A_300] : memref<100096x8xf32, #tpu.memory_space<vmem_shared>> -> memref<100096x8xf32, #tpu.memory_space<vmem_shared>>
        tpu.enqueue_indirect_dma source(%dma_start3A_295 : memref<128x8xf32, #tpu.memory_space<vmem>>) target(%dma_start3A_301 : memref<100096x8xf32, #tpu.memory_space<vmem_shared>>) offsets(%dma_start3A_298 : memref<128xi32, #tpu.memory_space<vmem>>) semaphore(%arg12 : memref<!tpu.dma_semaphore, #tpu.memory_space<semaphore_mem>>) {add = true}
        %dma_wait3A_302 = arith.constant 7 : i32
        %dma_wait3A_303 = arith.constant 0 : i32
        %dma_wait3A_304 = arith.constant 0 : i32
        %dma_wait3A_305 = tpu.memref_slice %arg8[%dma_wait3A_302, %dma_wait3A_303, %dma_wait3A_304] : memref<8x128x8xf32, #tpu.memory_space<vmem>> -> memref<1x128x8xf32, #tpu.memory_space<vmem>>
        %dma_wait3A_306 = tpu.memref_squeeze %dma_wait3A_305 : memref<1x128x8xf32, #tpu.memory_space<vmem>> -> memref<128x8xf32, #tpu.memory_space<vmem>>
        %dma_wait3A_307 = arith.constant 0 : i32
        %dma_wait3A_308 = tpu.memref_slice %arg7[%add3A_123, %dma_wait3A_307] : memref<28x128xi32, #tpu.memory_space<vmem>> -> memref<1x128xi32, #tpu.memory_space<vmem>>
        %dma_wait3A_309 = tpu.memref_squeeze %dma_wait3A_308 : memref<1x128xi32, #tpu.memory_space<vmem>> -> memref<128xi32, #tpu.memory_space<vmem>>
        %dma_wait3A_310 = arith.constant 0 : i32
        %dma_wait3A_311 = arith.constant 0 : i32
        %dma_wait3A_312 = tpu.memref_slice %arg2[%dma_wait3A_310, %dma_wait3A_311] : memref<100096x8xf32, #tpu.memory_space<hbm>> -> memref<100096x8xf32, #tpu.memory_space<hbm>>
        tpu.wait_indirect_dma semaphore(%arg11 : memref<!tpu.dma_semaphore, #tpu.memory_space<semaphore_mem>>) src(%dma_wait3A_312 : memref<100096x8xf32, #tpu.memory_space<hbm>>) dst(%dma_wait3A_306 : memref<128x8xf32, #tpu.memory_space<vmem>>)
        %add3A_313 = arith.constant 3 : i32
        %add3A_314 = arith.addi %mul3A_31, %add3A_313 : i32
        %dma_start3A_315 = arith.constant 7 : i32
        %dma_start3A_316 = arith.constant 0 : i32
        %dma_start3A_317 = arith.constant 0 : i32
        %dma_start3A_318 = tpu.memref_slice %arg8[%dma_start3A_315, %dma_start3A_316, %dma_start3A_317] : memref<8x128x8xf32, #tpu.memory_space<vmem>> -> memref<1x128x8xf32, #tpu.memory_space<vmem>>
        %dma_start3A_319 = tpu.memref_squeeze %dma_start3A_318 : memref<1x128x8xf32, #tpu.memory_space<vmem>> -> memref<128x8xf32, #tpu.memory_space<vmem>>
        %dma_start3A_320 = arith.constant 0 : i32
        %dma_start3A_321 = tpu.memref_slice %arg6[%add3A_314, %dma_start3A_320] : memref<28x128xi32, #tpu.memory_space<vmem>> -> memref<1x128xi32, #tpu.memory_space<vmem>>
        %dma_start3A_322 = tpu.memref_squeeze %dma_start3A_321 : memref<1x128xi32, #tpu.memory_space<vmem>> -> memref<128xi32, #tpu.memory_space<vmem>>
        %dma_start3A_323 = arith.constant 0 : i32
        %dma_start3A_324 = arith.constant 0 : i32
        %dma_start3A_325 = tpu.memref_slice %arg10[%dma_start3A_323, %dma_start3A_324] : memref<100096x8xf32, #tpu.memory_space<vmem_shared>> -> memref<100096x8xf32, #tpu.memory_space<vmem_shared>>
        tpu.enqueue_indirect_dma source(%dma_start3A_319 : memref<128x8xf32, #tpu.memory_space<vmem>>) target(%dma_start3A_325 : memref<100096x8xf32, #tpu.memory_space<vmem_shared>>) offsets(%dma_start3A_322 : memref<128xi32, #tpu.memory_space<vmem>>) semaphore(%arg12 : memref<!tpu.dma_semaphore, #tpu.memory_space<semaphore_mem>>) {add = true}
        %dma_wait3A_326 = arith.constant 0 : i32
        %dma_wait3A_327 = arith.constant 0 : i32
        %dma_wait3A_328 = arith.constant 0 : i32
        %dma_wait3A_329 = tpu.memref_slice %arg8[%dma_wait3A_326, %dma_wait3A_327, %dma_wait3A_328] : memref<8x128x8xf32, #tpu.memory_space<vmem>> -> memref<1x128x8xf32, #tpu.memory_space<vmem>>
        %dma_wait3A_330 = tpu.memref_squeeze %dma_wait3A_329 : memref<1x128x8xf32, #tpu.memory_space<vmem>> -> memref<128x8xf32, #tpu.memory_space<vmem>>
        %dma_wait3A_331 = arith.constant 0 : i32
        %dma_wait3A_332 = tpu.memref_slice %arg7[%add3A_146, %dma_wait3A_331] : memref<28x128xi32, #tpu.memory_space<vmem>> -> memref<1x128xi32, #tpu.memory_space<vmem>>
        %dma_wait3A_333 = tpu.memref_squeeze %dma_wait3A_332 : memref<1x128xi32, #tpu.memory_space<vmem>> -> memref<128xi32, #tpu.memory_space<vmem>>
        %dma_wait3A_334 = arith.constant 0 : i32
        %dma_wait3A_335 = arith.constant 0 : i32
        %dma_wait3A_336 = tpu.memref_slice %arg10[%dma_wait3A_334, %dma_wait3A_335] : memref<100096x8xf32, #tpu.memory_space<vmem_shared>> -> memref<100096x8xf32, #tpu.memory_space<vmem_shared>>
        tpu.wait_indirect_dma semaphore(%arg12 : memref<!tpu.dma_semaphore, #tpu.memory_space<semaphore_mem>>) src(%dma_wait3A_330 : memref<128x8xf32, #tpu.memory_space<vmem>>) dst(%dma_wait3A_336 : memref<100096x8xf32, #tpu.memory_space<vmem_shared>>)
        %dma_wait3A_337 = arith.constant 4 : i32
        %dma_wait3A_338 = arith.constant 0 : i32
        %dma_wait3A_339 = arith.constant 0 : i32
        %dma_wait3A_340 = tpu.memref_slice %arg8[%dma_wait3A_337, %dma_wait3A_338, %dma_wait3A_339] : memref<8x128x8xf32, #tpu.memory_space<vmem>> -> memref<1x128x8xf32, #tpu.memory_space<vmem>>
        %dma_wait3A_341 = tpu.memref_squeeze %dma_wait3A_340 : memref<1x128x8xf32, #tpu.memory_space<vmem>> -> memref<128x8xf32, #tpu.memory_space<vmem>>
        %dma_wait3A_342 = arith.constant 0 : i32
        %dma_wait3A_343 = tpu.memref_slice %arg6[%add3A_170, %dma_wait3A_342] : memref<28x128xi32, #tpu.memory_space<vmem>> -> memref<1x128xi32, #tpu.memory_space<vmem>>
        %dma_wait3A_344 = tpu.memref_squeeze %dma_wait3A_343 : memref<1x128xi32, #tpu.memory_space<vmem>> -> memref<128xi32, #tpu.memory_space<vmem>>
        %dma_wait3A_345 = arith.constant 0 : i32
        %dma_wait3A_346 = arith.constant 0 : i32
        %dma_wait3A_347 = tpu.memref_slice %arg10[%dma_wait3A_345, %dma_wait3A_346] : memref<100096x8xf32, #tpu.memory_space<vmem_shared>> -> memref<100096x8xf32, #tpu.memory_space<vmem_shared>>
        tpu.wait_indirect_dma semaphore(%arg12 : memref<!tpu.dma_semaphore, #tpu.memory_space<semaphore_mem>>) src(%dma_wait3A_341 : memref<128x8xf32, #tpu.memory_space<vmem>>) dst(%dma_wait3A_347 : memref<100096x8xf32, #tpu.memory_space<vmem_shared>>)
        %dma_wait3A_348 = arith.constant 1 : i32
        %dma_wait3A_349 = arith.constant 0 : i32
        %dma_wait3A_350 = arith.constant 0 : i32
        %dma_wait3A_351 = tpu.memref_slice %arg8[%dma_wait3A_348, %dma_wait3A_349, %dma_wait3A_350] : memref<8x128x8xf32, #tpu.memory_space<vmem>> -> memref<1x128x8xf32, #tpu.memory_space<vmem>>
        %dma_wait3A_352 = tpu.memref_squeeze %dma_wait3A_351 : memref<1x128x8xf32, #tpu.memory_space<vmem>> -> memref<128x8xf32, #tpu.memory_space<vmem>>
        %dma_wait3A_353 = arith.constant 0 : i32
        %dma_wait3A_354 = tpu.memref_slice %arg7[%add3A_194, %dma_wait3A_353] : memref<28x128xi32, #tpu.memory_space<vmem>> -> memref<1x128xi32, #tpu.memory_space<vmem>>
        %dma_wait3A_355 = tpu.memref_squeeze %dma_wait3A_354 : memref<1x128xi32, #tpu.memory_space<vmem>> -> memref<128xi32, #tpu.memory_space<vmem>>
        %dma_wait3A_356 = arith.constant 0 : i32
        %dma_wait3A_357 = arith.constant 0 : i32
        %dma_wait3A_358 = tpu.memref_slice %arg10[%dma_wait3A_356, %dma_wait3A_357] : memref<100096x8xf32, #tpu.memory_space<vmem_shared>> -> memref<100096x8xf32, #tpu.memory_space<vmem_shared>>
        tpu.wait_indirect_dma semaphore(%arg12 : memref<!tpu.dma_semaphore, #tpu.memory_space<semaphore_mem>>) src(%dma_wait3A_352 : memref<128x8xf32, #tpu.memory_space<vmem>>) dst(%dma_wait3A_358 : memref<100096x8xf32, #tpu.memory_space<vmem_shared>>)
        %dma_wait3A_359 = arith.constant 5 : i32
        %dma_wait3A_360 = arith.constant 0 : i32
        %dma_wait3A_361 = arith.constant 0 : i32
        %dma_wait3A_362 = tpu.memref_slice %arg8[%dma_wait3A_359, %dma_wait3A_360, %dma_wait3A_361] : memref<8x128x8xf32, #tpu.memory_space<vmem>> -> memref<1x128x8xf32, #tpu.memory_space<vmem>>
        %dma_wait3A_363 = tpu.memref_squeeze %dma_wait3A_362 : memref<1x128x8xf32, #tpu.memory_space<vmem>> -> memref<128x8xf32, #tpu.memory_space<vmem>>
        %dma_wait3A_364 = arith.constant 0 : i32
        %dma_wait3A_365 = tpu.memref_slice %arg6[%add3A_218, %dma_wait3A_364] : memref<28x128xi32, #tpu.memory_space<vmem>> -> memref<1x128xi32, #tpu.memory_space<vmem>>
        %dma_wait3A_366 = tpu.memref_squeeze %dma_wait3A_365 : memref<1x128xi32, #tpu.memory_space<vmem>> -> memref<128xi32, #tpu.memory_space<vmem>>
        %dma_wait3A_367 = arith.constant 0 : i32
        %dma_wait3A_368 = arith.constant 0 : i32
        %dma_wait3A_369 = tpu.memref_slice %arg10[%dma_wait3A_367, %dma_wait3A_368] : memref<100096x8xf32, #tpu.memory_space<vmem_shared>> -> memref<100096x8xf32, #tpu.memory_space<vmem_shared>>
        tpu.wait_indirect_dma semaphore(%arg12 : memref<!tpu.dma_semaphore, #tpu.memory_space<semaphore_mem>>) src(%dma_wait3A_363 : memref<128x8xf32, #tpu.memory_space<vmem>>) dst(%dma_wait3A_369 : memref<100096x8xf32, #tpu.memory_space<vmem_shared>>)
        %dma_wait3A_370 = arith.constant 2 : i32
        %dma_wait3A_371 = arith.constant 0 : i32
        %dma_wait3A_372 = arith.constant 0 : i32
        %dma_wait3A_373 = tpu.memref_slice %arg8[%dma_wait3A_370, %dma_wait3A_371, %dma_wait3A_372] : memref<8x128x8xf32, #tpu.memory_space<vmem>> -> memref<1x128x8xf32, #tpu.memory_space<vmem>>
        %dma_wait3A_374 = tpu.memref_squeeze %dma_wait3A_373 : memref<1x128x8xf32, #tpu.memory_space<vmem>> -> memref<128x8xf32, #tpu.memory_space<vmem>>
        %dma_wait3A_375 = arith.constant 0 : i32
        %dma_wait3A_376 = tpu.memref_slice %arg7[%add3A_242, %dma_wait3A_375] : memref<28x128xi32, #tpu.memory_space<vmem>> -> memref<1x128xi32, #tpu.memory_space<vmem>>
        %dma_wait3A_377 = tpu.memref_squeeze %dma_wait3A_376 : memref<1x128xi32, #tpu.memory_space<vmem>> -> memref<128xi32, #tpu.memory_space<vmem>>
        %dma_wait3A_378 = arith.constant 0 : i32
        %dma_wait3A_379 = arith.constant 0 : i32
        %dma_wait3A_380 = tpu.memref_slice %arg10[%dma_wait3A_378, %dma_wait3A_379] : memref<100096x8xf32, #tpu.memory_space<vmem_shared>> -> memref<100096x8xf32, #tpu.memory_space<vmem_shared>>
        tpu.wait_indirect_dma semaphore(%arg12 : memref<!tpu.dma_semaphore, #tpu.memory_space<semaphore_mem>>) src(%dma_wait3A_374 : memref<128x8xf32, #tpu.memory_space<vmem>>) dst(%dma_wait3A_380 : memref<100096x8xf32, #tpu.memory_space<vmem_shared>>)
        %dma_wait3A_381 = arith.constant 6 : i32
        %dma_wait3A_382 = arith.constant 0 : i32
        %dma_wait3A_383 = arith.constant 0 : i32
        %dma_wait3A_384 = tpu.memref_slice %arg8[%dma_wait3A_381, %dma_wait3A_382, %dma_wait3A_383] : memref<8x128x8xf32, #tpu.memory_space<vmem>> -> memref<1x128x8xf32, #tpu.memory_space<vmem>>
        %dma_wait3A_385 = tpu.memref_squeeze %dma_wait3A_384 : memref<1x128x8xf32, #tpu.memory_space<vmem>> -> memref<128x8xf32, #tpu.memory_space<vmem>>
        %dma_wait3A_386 = arith.constant 0 : i32
        %dma_wait3A_387 = tpu.memref_slice %arg6[%add3A_266, %dma_wait3A_386] : memref<28x128xi32, #tpu.memory_space<vmem>> -> memref<1x128xi32, #tpu.memory_space<vmem>>
        %dma_wait3A_388 = tpu.memref_squeeze %dma_wait3A_387 : memref<1x128xi32, #tpu.memory_space<vmem>> -> memref<128xi32, #tpu.memory_space<vmem>>
        %dma_wait3A_389 = arith.constant 0 : i32
        %dma_wait3A_390 = arith.constant 0 : i32
        %dma_wait3A_391 = tpu.memref_slice %arg10[%dma_wait3A_389, %dma_wait3A_390] : memref<100096x8xf32, #tpu.memory_space<vmem_shared>> -> memref<100096x8xf32, #tpu.memory_space<vmem_shared>>
        tpu.wait_indirect_dma semaphore(%arg12 : memref<!tpu.dma_semaphore, #tpu.memory_space<semaphore_mem>>) src(%dma_wait3A_385 : memref<128x8xf32, #tpu.memory_space<vmem>>) dst(%dma_wait3A_391 : memref<100096x8xf32, #tpu.memory_space<vmem_shared>>)
        %dma_wait3A_392 = arith.constant 3 : i32
        %dma_wait3A_393 = arith.constant 0 : i32
        %dma_wait3A_394 = arith.constant 0 : i32
        %dma_wait3A_395 = tpu.memref_slice %arg8[%dma_wait3A_392, %dma_wait3A_393, %dma_wait3A_394] : memref<8x128x8xf32, #tpu.memory_space<vmem>> -> memref<1x128x8xf32, #tpu.memory_space<vmem>>
        %dma_wait3A_396 = tpu.memref_squeeze %dma_wait3A_395 : memref<1x128x8xf32, #tpu.memory_space<vmem>> -> memref<128x8xf32, #tpu.memory_space<vmem>>
        %dma_wait3A_397 = arith.constant 0 : i32
        %dma_wait3A_398 = tpu.memref_slice %arg7[%add3A_290, %dma_wait3A_397] : memref<28x128xi32, #tpu.memory_space<vmem>> -> memref<1x128xi32, #tpu.memory_space<vmem>>
        %dma_wait3A_399 = tpu.memref_squeeze %dma_wait3A_398 : memref<1x128xi32, #tpu.memory_space<vmem>> -> memref<128xi32, #tpu.memory_space<vmem>>
        %dma_wait3A_400 = arith.constant 0 : i32
        %dma_wait3A_401 = arith.constant 0 : i32
        %dma_wait3A_402 = tpu.memref_slice %arg10[%dma_wait3A_400, %dma_wait3A_401] : memref<100096x8xf32, #tpu.memory_space<vmem_shared>> -> memref<100096x8xf32, #tpu.memory_space<vmem_shared>>
        tpu.wait_indirect_dma semaphore(%arg12 : memref<!tpu.dma_semaphore, #tpu.memory_space<semaphore_mem>>) src(%dma_wait3A_396 : memref<128x8xf32, #tpu.memory_space<vmem>>) dst(%dma_wait3A_402 : memref<100096x8xf32, #tpu.memory_space<vmem_shared>>)
        %dma_wait3A_403 = arith.constant 7 : i32
        %dma_wait3A_404 = arith.constant 0 : i32
        %dma_wait3A_405 = arith.constant 0 : i32
        %dma_wait3A_406 = tpu.memref_slice %arg8[%dma_wait3A_403, %dma_wait3A_404, %dma_wait3A_405] : memref<8x128x8xf32, #tpu.memory_space<vmem>> -> memref<1x128x8xf32, #tpu.memory_space<vmem>>
        %dma_wait3A_407 = tpu.memref_squeeze %dma_wait3A_406 : memref<1x128x8xf32, #tpu.memory_space<vmem>> -> memref<128x8xf32, #tpu.memory_space<vmem>>
        %dma_wait3A_408 = arith.constant 0 : i32
        %dma_wait3A_409 = tpu.memref_slice %arg6[%add3A_314, %dma_wait3A_408] : memref<28x128xi32, #tpu.memory_space<vmem>> -> memref<1x128xi32, #tpu.memory_space<vmem>>
        %dma_wait3A_410 = tpu.memref_squeeze %dma_wait3A_409 : memref<1x128xi32, #tpu.memory_space<vmem>> -> memref<128xi32, #tpu.memory_space<vmem>>
        %dma_wait3A_411 = arith.constant 0 : i32
        %dma_wait3A_412 = arith.constant 0 : i32
        %dma_wait3A_413 = tpu.memref_slice %arg10[%dma_wait3A_411, %dma_wait3A_412] : memref<100096x8xf32, #tpu.memory_space<vmem_shared>> -> memref<100096x8xf32, #tpu.memory_space<vmem_shared>>
        tpu.wait_indirect_dma semaphore(%arg12 : memref<!tpu.dma_semaphore, #tpu.memory_space<semaphore_mem>>) src(%dma_wait3A_407 : memref<128x8xf32, #tpu.memory_space<vmem>>) dst(%dma_wait3A_413 : memref<100096x8xf32, #tpu.memory_space<vmem_shared>>)
        %scan3A_414 = arith.constant 0 : i32
        scf.yield %scan3A_414 : i32
      }
      %scan3A_26 = arith.constant 7 : i32
      %scan3A_27 = arith.constant 0 : i32
      scf.yield %scan3A_27 : i32
    }
    %scan3A_8 = arith.constant 7 : i32
    %barrier3A_9 = arith.constant 0 : index
    tpu.barrier barrier_id(%barrier3A_9)
    %mul3A_10 = arith.constant 6256 : i32
    %mul3A_11 = arith.muli %arg1, %mul3A_10 : i32
    "tpu.region"() ({
      %run_scoped3A = tpu.sem_alloc : memref<!tpu.dma_semaphore, #tpu.memory_space<semaphore_mem>>
      %dma_start3A = arith.constant 0 : i32
      %dma_start3A_12 = tpu.memref_slice %arg10[%mul3A_11, %dma_start3A] : memref<100096x8xf32, #tpu.memory_space<vmem_shared>> -> memref<6256x8xf32, #tpu.memory_space<vmem_shared>>
      %dma_start3A_13 = arith.constant 0 : i32
      %dma_start3A_14 = tpu.memref_slice %arg10[%mul3A_11, %dma_start3A_13] : memref<100096x8xf32, #tpu.memory_space<vmem_shared>> -> memref<6256x8xf32, #tpu.memory_space<vmem_shared>>
      tpu.enqueue_dma source(%dma_start3A_14 : memref<6256x8xf32, #tpu.memory_space<vmem_shared>>) target(%arg9 : memref<6256x8xf32, #tpu.memory_space<vmem>>) target_semaphore(%run_scoped3A : memref<!tpu.dma_semaphore, #tpu.memory_space<semaphore_mem>>)
      %dma_wait3A = arith.constant 0 : i32
      %dma_wait3A_15 = tpu.memref_slice %arg10[%mul3A_11, %dma_wait3A] : memref<100096x8xf32, #tpu.memory_space<vmem_shared>> -> memref<6256x8xf32, #tpu.memory_space<vmem_shared>>
      %dma_wait3A_16 = arith.constant 0 : i32
      %dma_wait3A_17 = tpu.memref_slice %arg10[%mul3A_11, %dma_wait3A_16] : memref<100096x8xf32, #tpu.memory_space<vmem_shared>> -> memref<6256x8xf32, #tpu.memory_space<vmem_shared>>
      tpu.wait_dma2 semaphore(%run_scoped3A : memref<!tpu.dma_semaphore, #tpu.memory_space<semaphore_mem>>) src(%dma_wait3A_17 : memref<6256x8xf32, #tpu.memory_space<vmem_shared>>) dst(%arg9 : memref<6256x8xf32, #tpu.memory_space<vmem>>)
      tpu.yield
    }) : () -> ()
    "tpu.region"() ({
      %run_scoped3A = tpu.sem_alloc : memref<!tpu.dma_semaphore, #tpu.memory_space<semaphore_mem>>
      %dma_start3A = arith.constant 0 : i32
      %dma_start3A_12 = arith.constant 0 : i32
      %dma_start3A_13 = tpu.memref_slice %arg5[%arg0, %arg1, %dma_start3A, %dma_start3A_12] : memref<2x16x6256x8xf32, #tpu.memory_space<hbm>> -> memref<1x1x6256x8xf32, #tpu.memory_space<hbm>>
      %dma_start3A_14 = tpu.memref_squeeze %dma_start3A_13 : memref<1x1x6256x8xf32, #tpu.memory_space<hbm>> -> memref<6256x8xf32, #tpu.memory_space<hbm>>
      %dma_start3A_15 = arith.constant 0 : i32
      %dma_start3A_16 = arith.constant 0 : i32
      %dma_start3A_17 = tpu.memref_slice %arg5[%arg0, %arg1, %dma_start3A_15, %dma_start3A_16] : memref<2x16x6256x8xf32, #tpu.memory_space<hbm>> -> memref<1x1x6256x8xf32, #tpu.memory_space<hbm>>
      %dma_start3A_18 = tpu.memref_squeeze %dma_start3A_17 : memref<1x1x6256x8xf32, #tpu.memory_space<hbm>> -> memref<6256x8xf32, #tpu.memory_space<hbm>>
      tpu.enqueue_dma source(%arg9 : memref<6256x8xf32, #tpu.memory_space<vmem>>) target(%dma_start3A_18 : memref<6256x8xf32, #tpu.memory_space<hbm>>) target_semaphore(%run_scoped3A : memref<!tpu.dma_semaphore, #tpu.memory_space<semaphore_mem>>)
      %dma_wait3A = arith.constant 0 : i32
      %dma_wait3A_19 = arith.constant 0 : i32
      %dma_wait3A_20 = tpu.memref_slice %arg5[%arg0, %arg1, %dma_wait3A, %dma_wait3A_19] : memref<2x16x6256x8xf32, #tpu.memory_space<hbm>> -> memref<1x1x6256x8xf32, #tpu.memory_space<hbm>>
      %dma_wait3A_21 = tpu.memref_squeeze %dma_wait3A_20 : memref<1x1x6256x8xf32, #tpu.memory_space<hbm>> -> memref<6256x8xf32, #tpu.memory_space<hbm>>
      %dma_wait3A_22 = arith.constant 0 : i32
      %dma_wait3A_23 = arith.constant 0 : i32
      %dma_wait3A_24 = tpu.memref_slice %arg5[%arg0, %arg1, %dma_wait3A_22, %dma_wait3A_23] : memref<2x16x6256x8xf32, #tpu.memory_space<hbm>> -> memref<1x1x6256x8xf32, #tpu.memory_space<hbm>>
      %dma_wait3A_25 = tpu.memref_squeeze %dma_wait3A_24 : memref<1x1x6256x8xf32, #tpu.memory_space<hbm>> -> memref<6256x8xf32, #tpu.memory_space<hbm>>
      tpu.wait_dma2 semaphore(%run_scoped3A : memref<!tpu.dma_semaphore, #tpu.memory_space<semaphore_mem>>) src(%arg9 : memref<6256x8xf32, #tpu.memory_space<vmem>>) dst(%dma_wait3A_25 : memref<6256x8xf32, #tpu.memory_space<hbm>>)
      tpu.yield
    }) : () -> ()
    return
  }
}

#map = affine_map<(d0, d1) -> (0, 0)>
#map1 = affine_map<(d0, d1) -> (0, 0, 0)>
#map2 = affine_map<(d0, d1) -> (0, 0, 0, 0)>
module attributes {stable_mosaic.version = 14 : i64} {
  func.func @body(%arg0: i32, %arg1: i32, %arg2: memref<100096x8xf32, #tpu.memory_space<hbm>>, %arg3: memref<2x6272x128xi32, #tpu.memory_space<hbm>>, %arg4: memref<6256x8xf32, #tpu.memory_space<hbm>>, %arg5: memref<2x16x6256x8xf32, #tpu.memory_space<hbm>>, %arg6: memref<28x128xi32, #tpu.memory_space<vmem>>, %arg7: memref<28x128xi32, #tpu.memory_space<vmem>>, %arg8: memref<8x128x8xf32, #tpu.memory_space<vmem>>, %arg9: memref<6256x8xf32, #tpu.memory_space<vmem>>, %arg10: memref<100096x8xf32, #tpu.memory_space<vmem_shared>>, %arg11: memref<!tpu.dma_semaphore, #tpu.memory_space<semaphore_mem>>, %arg12: memref<!tpu.dma_semaphore, #tpu.memory_space<semaphore_mem>>) attributes {dimension_semantics = [#tpu.dimension_semantics<core_parallel>, #tpu.dimension_semantics<subcore_parallel>], iteration_bounds = array<i64: 2, 16>, scalar_prefetch = 0 : i64, scratch_operands = 7 : i64, tpu.core_type = #tpu.core_type<sc_vector_subcore>, window_params = [{transform_indices = #map}, {transform_indices = #map1}, {transform_indices = #map}, {transform_indices = #map2}]} {
    %mul3A = arith.constant 2 : i32
    %mul3A_0 = arith.muli %arg1, %mul3A : i32
    %add3A = arith.addi %mul3A_0, %arg0 : i32
    "tpu.region"() ({
      %run_scoped3A = tpu.sem_alloc : memref<!tpu.dma_semaphore, #tpu.memory_space<semaphore_mem>>
      tpu.enqueue_dma source(%arg4 : memref<6256x8xf32, #tpu.memory_space<hbm>>) target(%arg9 : memref<6256x8xf32, #tpu.memory_space<vmem>>) target_semaphore(%run_scoped3A : memref<!tpu.dma_semaphore, #tpu.memory_space<semaphore_mem>>)
      tpu.wait_dma2 semaphore(%run_scoped3A : memref<!tpu.dma_semaphore, #tpu.memory_space<semaphore_mem>>) src(%arg4 : memref<6256x8xf32, #tpu.memory_space<hbm>>) dst(%arg9 : memref<6256x8xf32, #tpu.memory_space<vmem>>)
      tpu.yield
    }) : () -> ()
    %mul3A_1 = arith.constant 6256 : i32
    %mul3A_2 = arith.muli %arg1, %mul3A_1 : i32
    "tpu.region"() ({
      %run_scoped3A = tpu.sem_alloc : memref<!tpu.dma_semaphore, #tpu.memory_space<semaphore_mem>>
      %dma_start3A = arith.constant 0 : i32
      %dma_start3A_12 = tpu.memref_slice %arg10[%mul3A_2, %dma_start3A] : memref<100096x8xf32, #tpu.memory_space<vmem_shared>> -> memref<6256x8xf32, #tpu.memory_space<vmem_shared>>
      %dma_start3A_13 = arith.constant 0 : i32
      %dma_start3A_14 = tpu.memref_slice %arg10[%mul3A_2, %dma_start3A_13] : memref<100096x8xf32, #tpu.memory_space<vmem_shared>> -> memref<6256x8xf32, #tpu.memory_space<vmem_shared>>
      tpu.enqueue_dma source(%arg9 : memref<6256x8xf32, #tpu.memory_space<vmem>>) target(%dma_start3A_14 : memref<6256x8xf32, #tpu.memory_space<vmem_shared>>) target_semaphore(%run_scoped3A : memref<!tpu.dma_semaphore, #tpu.memory_space<semaphore_mem>>)
      %dma_wait3A = arith.constant 0 : i32
      %dma_wait3A_15 = tpu.memref_slice %arg10[%mul3A_2, %dma_wait3A] : memref<100096x8xf32, #tpu.memory_space<vmem_shared>> -> memref<6256x8xf32, #tpu.memory_space<vmem_shared>>
      %dma_wait3A_16 = arith.constant 0 : i32
      %dma_wait3A_17 = tpu.memref_slice %arg10[%mul3A_2, %dma_wait3A_16] : memref<100096x8xf32, #tpu.memory_space<vmem_shared>> -> memref<6256x8xf32, #tpu.memory_space<vmem_shared>>
      tpu.wait_dma2 semaphore(%run_scoped3A : memref<!tpu.dma_semaphore, #tpu.memory_space<semaphore_mem>>) src(%arg9 : memref<6256x8xf32, #tpu.memory_space<vmem>>) dst(%dma_wait3A_17 : memref<6256x8xf32, #tpu.memory_space<vmem_shared>>)
      tpu.yield
    }) : () -> ()
    %barrier3A = arith.constant 0 : index
    tpu.barrier barrier_id(%barrier3A)
    %scan3A = arith.constant 0 : i32
    %scan3A_3 = arith.constant 0 : i32
    %scan3A_4 = arith.constant 7 : i32
    %scan3A_5 = arith.addi %scan3A_3, %scan3A_4 : i32
    %scan3A_6 = arith.constant 1 : i32
    %scan3A_7 = scf.for %scan3A_12 = %scan3A_3 to %scan3A_5 step %scan3A_6 iter_args(%scan3A_13 = %scan3A) -> (i32)  : i32 {
      %mul3A_14 = arith.constant 196 : i32
      %mul3A_15 = arith.muli %add3A, %mul3A_14 : i32
      %mul3A_16 = arith.constant 28 : i32
      %mul3A_17 = arith.muli %scan3A_12, %mul3A_16 : i32
      %add3A_18 = arith.addi %mul3A_15, %mul3A_17 : i32
      %run_scoped3A = arith.constant 0 : i32
      "tpu.region"() ({
        %run_scoped3A_28 = tpu.sem_alloc : memref<!tpu.dma_semaphore, #tpu.memory_space<semaphore_mem>>
        %dma_start3A = arith.constant 0 : i32
        %dma_start3A_29 = tpu.memref_slice %arg3[%run_scoped3A, %add3A_18, %dma_start3A] : memref<2x6272x128xi32, #tpu.memory_space<hbm>> -> memref<1x28x128xi32, #tpu.memory_space<hbm>>
        %dma_start3A_30 = tpu.memref_squeeze %dma_start3A_29 : memref<1x28x128xi32, #tpu.memory_space<hbm>> -> memref<28x128xi32, #tpu.memory_space<hbm>>
        %dma_start3A_31 = arith.constant 0 : i32
        %dma_start3A_32 = tpu.memref_slice %arg3[%run_scoped3A, %add3A_18, %dma_start3A_31] : memref<2x6272x128xi32, #tpu.memory_space<hbm>> -> memref<1x28x128xi32, #tpu.memory_space<hbm>>
        %dma_start3A_33 = tpu.memref_squeeze %dma_start3A_32 : memref<1x28x128xi32, #tpu.memory_space<hbm>> -> memref<28x128xi32, #tpu.memory_space<hbm>>
        tpu.enqueue_dma source(%dma_start3A_33 : memref<28x128xi32, #tpu.memory_space<hbm>>) target(%arg6 : memref<28x128xi32, #tpu.memory_space<vmem>>) target_semaphore(%run_scoped3A_28 : memref<!tpu.dma_semaphore, #tpu.memory_space<semaphore_mem>>)
        %dma_wait3A = arith.constant 0 : i32
        %dma_wait3A_34 = tpu.memref_slice %arg3[%run_scoped3A, %add3A_18, %dma_wait3A] : memref<2x6272x128xi32, #tpu.memory_space<hbm>> -> memref<1x28x128xi32, #tpu.memory_space<hbm>>
        %dma_wait3A_35 = tpu.memref_squeeze %dma_wait3A_34 : memref<1x28x128xi32, #tpu.memory_space<hbm>> -> memref<28x128xi32, #tpu.memory_space<hbm>>
        %dma_wait3A_36 = arith.constant 0 : i32
        %dma_wait3A_37 = tpu.memref_slice %arg3[%run_scoped3A, %add3A_18, %dma_wait3A_36] : memref<2x6272x128xi32, #tpu.memory_space<hbm>> -> memref<1x28x128xi32, #tpu.memory_space<hbm>>
        %dma_wait3A_38 = tpu.memref_squeeze %dma_wait3A_37 : memref<1x28x128xi32, #tpu.memory_space<hbm>> -> memref<28x128xi32, #tpu.memory_space<hbm>>
        tpu.wait_dma2 semaphore(%run_scoped3A_28 : memref<!tpu.dma_semaphore, #tpu.memory_space<semaphore_mem>>) src(%dma_wait3A_38 : memref<28x128xi32, #tpu.memory_space<hbm>>) dst(%arg6 : memref<28x128xi32, #tpu.memory_space<vmem>>)
        tpu.yield
      }) : () -> ()
      %run_scoped3A_19 = arith.constant 1 : i32
      "tpu.region"() ({
        %run_scoped3A_28 = tpu.sem_alloc : memref<!tpu.dma_semaphore, #tpu.memory_space<semaphore_mem>>
        %dma_start3A = arith.constant 0 : i32
        %dma_start3A_29 = tpu.memref_slice %arg3[%run_scoped3A_19, %add3A_18, %dma_start3A] : memref<2x6272x128xi32, #tpu.memory_space<hbm>> -> memref<1x28x128xi32, #tpu.memory_space<hbm>>
        %dma_start3A_30 = tpu.memref_squeeze %dma_start3A_29 : memref<1x28x128xi32, #tpu.memory_space<hbm>> -> memref<28x128xi32, #tpu.memory_space<hbm>>
        %dma_start3A_31 = arith.constant 0 : i32
        %dma_start3A_32 = tpu.memref_slice %arg3[%run_scoped3A_19, %add3A_18, %dma_start3A_31] : memref<2x6272x128xi32, #tpu.memory_space<hbm>> -> memref<1x28x128xi32, #tpu.memory_space<hbm>>
        %dma_start3A_33 = tpu.memref_squeeze %dma_start3A_32 : memref<1x28x128xi32, #tpu.memory_space<hbm>> -> memref<28x128xi32, #tpu.memory_space<hbm>>
        tpu.enqueue_dma source(%dma_start3A_33 : memref<28x128xi32, #tpu.memory_space<hbm>>) target(%arg7 : memref<28x128xi32, #tpu.memory_space<vmem>>) target_semaphore(%run_scoped3A_28 : memref<!tpu.dma_semaphore, #tpu.memory_space<semaphore_mem>>)
        %dma_wait3A = arith.constant 0 : i32
        %dma_wait3A_34 = tpu.memref_slice %arg3[%run_scoped3A_19, %add3A_18, %dma_wait3A] : memref<2x6272x128xi32, #tpu.memory_space<hbm>> -> memref<1x28x128xi32, #tpu.memory_space<hbm>>
        %dma_wait3A_35 = tpu.memref_squeeze %dma_wait3A_34 : memref<1x28x128xi32, #tpu.memory_space<hbm>> -> memref<28x128xi32, #tpu.memory_space<hbm>>
        %dma_wait3A_36 = arith.constant 0 : i32
        %dma_wait3A_37 = tpu.memref_slice %arg3[%run_scoped3A_19, %add3A_18, %dma_wait3A_36] : memref<2x6272x128xi32, #tpu.memory_space<hbm>> -> memref<1x28x128xi32, #tpu.memory_space<hbm>>
        %dma_wait3A_38 = tpu.memref_squeeze %dma_wait3A_37 : memref<1x28x128xi32, #tpu.memory_space<hbm>> -> memref<28x128xi32, #tpu.memory_space<hbm>>
        tpu.wait_dma2 semaphore(%run_scoped3A_28 : memref<!tpu.dma_semaphore, #tpu.memory_space<semaphore_mem>>) src(%dma_wait3A_38 : memref<28x128xi32, #tpu.memory_space<hbm>>) dst(%arg7 : memref<28x128xi32, #tpu.memory_space<vmem>>)
        tpu.yield
      }) : () -> ()
      %scan3A_20 = arith.constant 0 : i32
      %scan3A_21 = arith.constant 0 : i32
      %scan3A_22 = arith.constant 7 : i32
      %scan3A_23 = arith.addi %scan3A_21, %scan3A_22 : i32
      %scan3A_24 = arith.constant 1 : i32
      %scan3A_25 = scf.for %scan3A_28 = %scan3A_21 to %scan3A_23 step %scan3A_24 iter_args(%scan3A_29 = %scan3A_20) -> (i32)  : i32 {
        %mul3A_30 = arith.constant 4 : i32
        %mul3A_31 = arith.muli %scan3A_28, %mul3A_30 : i32
        %add3A_32 = arith.constant 0 : i32
        %add3A_33 = arith.addi %mul3A_31, %add3A_32 : i32
        %dma_start3A = arith.constant 0 : i32
        %dma_start3A_34 = arith.constant 0 : i32
        %dma_start3A_35 = arith.constant 0 : i32
        %dma_start3A_36 = tpu.memref_slice %arg8[%dma_start3A, %dma_start3A_34, %dma_start3A_35] : memref<8x128x8xf32, #tpu.memory_space<vmem>> -> memref<1x128x8xf32, #tpu.memory_space<vmem>>
        %dma_start3A_37 = tpu.memref_squeeze %dma_start3A_36 : memref<1x128x8xf32, #tpu.memory_space<vmem>> -> memref<128x8xf32, #tpu.memory_space<vmem>>
        %dma_start3A_38 = arith.constant 0 : i32
        %dma_start3A_39 = tpu.memref_slice %arg6[%add3A_33, %dma_start3A_38] : memref<28x128xi32, #tpu.memory_space<vmem>> -> memref<1x128xi32, #tpu.memory_space<vmem>>
        %dma_start3A_40 = tpu.memref_squeeze %dma_start3A_39 : memref<1x128xi32, #tpu.memory_space<vmem>> -> memref<128xi32, #tpu.memory_space<vmem>>
        %dma_start3A_41 = arith.constant 0 : i32
        %dma_start3A_42 = arith.constant 0 : i32
        %dma_start3A_43 = tpu.memref_slice %arg2[%dma_start3A_41, %dma_start3A_42] : memref<100096x8xf32, #tpu.memory_space<hbm>> -> memref<100096x8xf32, #tpu.memory_space<hbm>>
        tpu.enqueue_indirect_dma source(%dma_start3A_43 : memref<100096x8xf32, #tpu.memory_space<hbm>>) target(%dma_start3A_37 : memref<128x8xf32, #tpu.memory_space<vmem>>) offsets(%dma_start3A_40 : memref<128xi32, #tpu.memory_space<vmem>>) semaphore(%arg11 : memref<!tpu.dma_semaphore, #tpu.memory_space<semaphore_mem>>)
        %add3A_44 = arith.constant 0 : i32
        %add3A_45 = arith.addi %mul3A_31, %add3A_44 : i32
        %dma_start3A_46 = arith.constant 4 : i32
        %dma_start3A_47 = arith.constant 0 : i32
        %dma_start3A_48 = arith.constant 0 : i32
        %dma_start3A_49 = tpu.memref_slice %arg8[%dma_start3A_46, %dma_start3A_47, %dma_start3A_48] : memref<8x128x8xf32, #tpu.memory_space<vmem>> -> memref<1x128x8xf32, #tpu.memory_space<vmem>>
        %dma_start3A_50 = tpu.memref_squeeze %dma_start3A_49 : memref<1x128x8xf32, #tpu.memory_space<vmem>> -> memref<128x8xf32, #tpu.memory_space<vmem>>
        %dma_start3A_51 = arith.constant 0 : i32
        %dma_start3A_52 = tpu.memref_slice %arg7[%add3A_45, %dma_start3A_51] : memref<28x128xi32, #tpu.memory_space<vmem>> -> memref<1x128xi32, #tpu.memory_space<vmem>>
        %dma_start3A_53 = tpu.memref_squeeze %dma_start3A_52 : memref<1x128xi32, #tpu.memory_space<vmem>> -> memref<128xi32, #tpu.memory_space<vmem>>
        %dma_start3A_54 = arith.constant 0 : i32
        %dma_start3A_55 = arith.constant 0 : i32
        %dma_start3A_56 = tpu.memref_slice %arg2[%dma_start3A_54, %dma_start3A_55] : memref<100096x8xf32, #tpu.memory_space<hbm>> -> memref<100096x8xf32, #tpu.memory_space<hbm>>
        tpu.enqueue_indirect_dma source(%dma_start3A_56 : memref<100096x8xf32, #tpu.memory_space<hbm>>) target(%dma_start3A_50 : memref<128x8xf32, #tpu.memory_space<vmem>>) offsets(%dma_start3A_53 : memref<128xi32, #tpu.memory_space<vmem>>) semaphore(%arg11 : memref<!tpu.dma_semaphore, #tpu.memory_space<semaphore_mem>>)
        %add3A_57 = arith.constant 1 : i32
        %add3A_58 = arith.addi %mul3A_31, %add3A_57 : i32
        %dma_start3A_59 = arith.constant 1 : i32
        %dma_start3A_60 = arith.constant 0 : i32
        %dma_start3A_61 = arith.constant 0 : i32
        %dma_start3A_62 = tpu.memref_slice %arg8[%dma_start3A_59, %dma_start3A_60, %dma_start3A_61] : memref<8x128x8xf32, #tpu.memory_space<vmem>> -> memref<1x128x8xf32, #tpu.memory_space<vmem>>
        %dma_start3A_63 = tpu.memref_squeeze %dma_start3A_62 : memref<1x128x8xf32, #tpu.memory_space<vmem>> -> memref<128x8xf32, #tpu.memory_space<vmem>>
        %dma_start3A_64 = arith.constant 0 : i32
        %dma_start3A_65 = tpu.memref_slice %arg6[%add3A_58, %dma_start3A_64] : memref<28x128xi32, #tpu.memory_space<vmem>> -> memref<1x128xi32, #tpu.memory_space<vmem>>
        %dma_start3A_66 = tpu.memref_squeeze %dma_start3A_65 : memref<1x128xi32, #tpu.memory_space<vmem>> -> memref<128xi32, #tpu.memory_space<vmem>>
        %dma_start3A_67 = arith.constant 0 : i32
        %dma_start3A_68 = arith.constant 0 : i32
        %dma_start3A_69 = tpu.memref_slice %arg2[%dma_start3A_67, %dma_start3A_68] : memref<100096x8xf32, #tpu.memory_space<hbm>> -> memref<100096x8xf32, #tpu.memory_space<hbm>>
        tpu.enqueue_indirect_dma source(%dma_start3A_69 : memref<100096x8xf32, #tpu.memory_space<hbm>>) target(%dma_start3A_63 : memref<128x8xf32, #tpu.memory_space<vmem>>) offsets(%dma_start3A_66 : memref<128xi32, #tpu.memory_space<vmem>>) semaphore(%arg11 : memref<!tpu.dma_semaphore, #tpu.memory_space<semaphore_mem>>)
        %add3A_70 = arith.constant 1 : i32
        %add3A_71 = arith.addi %mul3A_31, %add3A_70 : i32
        %dma_start3A_72 = arith.constant 5 : i32
        %dma_start3A_73 = arith.constant 0 : i32
        %dma_start3A_74 = arith.constant 0 : i32
        %dma_start3A_75 = tpu.memref_slice %arg8[%dma_start3A_72, %dma_start3A_73, %dma_start3A_74] : memref<8x128x8xf32, #tpu.memory_space<vmem>> -> memref<1x128x8xf32, #tpu.memory_space<vmem>>
        %dma_start3A_76 = tpu.memref_squeeze %dma_start3A_75 : memref<1x128x8xf32, #tpu.memory_space<vmem>> -> memref<128x8xf32, #tpu.memory_space<vmem>>
        %dma_start3A_77 = arith.constant 0 : i32
        %dma_start3A_78 = tpu.memref_slice %arg7[%add3A_71, %dma_start3A_77] : memref<28x128xi32, #tpu.memory_space<vmem>> -> memref<1x128xi32, #tpu.memory_space<vmem>>
        %dma_start3A_79 = tpu.memref_squeeze %dma_start3A_78 : memref<1x128xi32, #tpu.memory_space<vmem>> -> memref<128xi32, #tpu.memory_space<vmem>>
        %dma_start3A_80 = arith.constant 0 : i32
        %dma_start3A_81 = arith.constant 0 : i32
        %dma_start3A_82 = tpu.memref_slice %arg2[%dma_start3A_80, %dma_start3A_81] : memref<100096x8xf32, #tpu.memory_space<hbm>> -> memref<100096x8xf32, #tpu.memory_space<hbm>>
        tpu.enqueue_indirect_dma source(%dma_start3A_82 : memref<100096x8xf32, #tpu.memory_space<hbm>>) target(%dma_start3A_76 : memref<128x8xf32, #tpu.memory_space<vmem>>) offsets(%dma_start3A_79 : memref<128xi32, #tpu.memory_space<vmem>>) semaphore(%arg11 : memref<!tpu.dma_semaphore, #tpu.memory_space<semaphore_mem>>)
        %add3A_83 = arith.constant 2 : i32
        %add3A_84 = arith.addi %mul3A_31, %add3A_83 : i32
        %dma_start3A_85 = arith.constant 2 : i32
        %dma_start3A_86 = arith.constant 0 : i32
        %dma_start3A_87 = arith.constant 0 : i32
        %dma_start3A_88 = tpu.memref_slice %arg8[%dma_start3A_85, %dma_start3A_86, %dma_start3A_87] : memref<8x128x8xf32, #tpu.memory_space<vmem>> -> memref<1x128x8xf32, #tpu.memory_space<vmem>>
        %dma_start3A_89 = tpu.memref_squeeze %dma_start3A_88 : memref<1x128x8xf32, #tpu.memory_space<vmem>> -> memref<128x8xf32, #tpu.memory_space<vmem>>
        %dma_start3A_90 = arith.constant 0 : i32
        %dma_start3A_91 = tpu.memref_slice %arg6[%add3A_84, %dma_start3A_90] : memref<28x128xi32, #tpu.memory_space<vmem>> -> memref<1x128xi32, #tpu.memory_space<vmem>>
        %dma_start3A_92 = tpu.memref_squeeze %dma_start3A_91 : memref<1x128xi32, #tpu.memory_space<vmem>> -> memref<128xi32, #tpu.memory_space<vmem>>
        %dma_start3A_93 = arith.constant 0 : i32
        %dma_start3A_94 = arith.constant 0 : i32
        %dma_start3A_95 = tpu.memref_slice %arg2[%dma_start3A_93, %dma_start3A_94] : memref<100096x8xf32, #tpu.memory_space<hbm>> -> memref<100096x8xf32, #tpu.memory_space<hbm>>
        tpu.enqueue_indirect_dma source(%dma_start3A_95 : memref<100096x8xf32, #tpu.memory_space<hbm>>) target(%dma_start3A_89 : memref<128x8xf32, #tpu.memory_space<vmem>>) offsets(%dma_start3A_92 : memref<128xi32, #tpu.memory_space<vmem>>) semaphore(%arg11 : memref<!tpu.dma_semaphore, #tpu.memory_space<semaphore_mem>>)
        %add3A_96 = arith.constant 2 : i32
        %add3A_97 = arith.addi %mul3A_31, %add3A_96 : i32
        %dma_start3A_98 = arith.constant 6 : i32
        %dma_start3A_99 = arith.constant 0 : i32
        %dma_start3A_100 = arith.constant 0 : i32
        %dma_start3A_101 = tpu.memref_slice %arg8[%dma_start3A_98, %dma_start3A_99, %dma_start3A_100] : memref<8x128x8xf32, #tpu.memory_space<vmem>> -> memref<1x128x8xf32, #tpu.memory_space<vmem>>
        %dma_start3A_102 = tpu.memref_squeeze %dma_start3A_101 : memref<1x128x8xf32, #tpu.memory_space<vmem>> -> memref<128x8xf32, #tpu.memory_space<vmem>>
        %dma_start3A_103 = arith.constant 0 : i32
        %dma_start3A_104 = tpu.memref_slice %arg7[%add3A_97, %dma_start3A_103] : memref<28x128xi32, #tpu.memory_space<vmem>> -> memref<1x128xi32, #tpu.memory_space<vmem>>
        %dma_start3A_105 = tpu.memref_squeeze %dma_start3A_104 : memref<1x128xi32, #tpu.memory_space<vmem>> -> memref<128xi32, #tpu.memory_space<vmem>>
        %dma_start3A_106 = arith.constant 0 : i32
        %dma_start3A_107 = arith.constant 0 : i32
        %dma_start3A_108 = tpu.memref_slice %arg2[%dma_start3A_106, %dma_start3A_107] : memref<100096x8xf32, #tpu.memory_space<hbm>> -> memref<100096x8xf32, #tpu.memory_space<hbm>>
        tpu.enqueue_indirect_dma source(%dma_start3A_108 : memref<100096x8xf32, #tpu.memory_space<hbm>>) target(%dma_start3A_102 : memref<128x8xf32, #tpu.memory_space<vmem>>) offsets(%dma_start3A_105 : memref<128xi32, #tpu.memory_space<vmem>>) semaphore(%arg11 : memref<!tpu.dma_semaphore, #tpu.memory_space<semaphore_mem>>)
        %add3A_109 = arith.constant 3 : i32
        %add3A_110 = arith.addi %mul3A_31, %add3A_109 : i32
        %dma_start3A_111 = arith.constant 3 : i32
        %dma_start3A_112 = arith.constant 0 : i32
        %dma_start3A_113 = arith.constant 0 : i32
        %dma_start3A_114 = tpu.memref_slice %arg8[%dma_start3A_111, %dma_start3A_112, %dma_start3A_113] : memref<8x128x8xf32, #tpu.memory_space<vmem>> -> memref<1x128x8xf32, #tpu.memory_space<vmem>>
        %dma_start3A_115 = tpu.memref_squeeze %dma_start3A_114 : memref<1x128x8xf32, #tpu.memory_space<vmem>> -> memref<128x8xf32, #tpu.memory_space<vmem>>
        %dma_start3A_116 = arith.constant 0 : i32
        %dma_start3A_117 = tpu.memref_slice %arg6[%add3A_110, %dma_start3A_116] : memref<28x128xi32, #tpu.memory_space<vmem>> -> memref<1x128xi32, #tpu.memory_space<vmem>>
        %dma_start3A_118 = tpu.memref_squeeze %dma_start3A_117 : memref<1x128xi32, #tpu.memory_space<vmem>> -> memref<128xi32, #tpu.memory_space<vmem>>
        %dma_start3A_119 = arith.constant 0 : i32
        %dma_start3A_120 = arith.constant 0 : i32
        %dma_start3A_121 = tpu.memref_slice %arg2[%dma_start3A_119, %dma_start3A_120] : memref<100096x8xf32, #tpu.memory_space<hbm>> -> memref<100096x8xf32, #tpu.memory_space<hbm>>
        tpu.enqueue_indirect_dma source(%dma_start3A_121 : memref<100096x8xf32, #tpu.memory_space<hbm>>) target(%dma_start3A_115 : memref<128x8xf32, #tpu.memory_space<vmem>>) offsets(%dma_start3A_118 : memref<128xi32, #tpu.memory_space<vmem>>) semaphore(%arg11 : memref<!tpu.dma_semaphore, #tpu.memory_space<semaphore_mem>>)
        %add3A_122 = arith.constant 3 : i32
        %add3A_123 = arith.addi %mul3A_31, %add3A_122 : i32
        %dma_start3A_124 = arith.constant 7 : i32
        %dma_start3A_125 = arith.constant 0 : i32
        %dma_start3A_126 = arith.constant 0 : i32
        %dma_start3A_127 = tpu.memref_slice %arg8[%dma_start3A_124, %dma_start3A_125, %dma_start3A_126] : memref<8x128x8xf32, #tpu.memory_space<vmem>> -> memref<1x128x8xf32, #tpu.memory_space<vmem>>
        %dma_start3A_128 = tpu.memref_squeeze %dma_start3A_127 : memref<1x128x8xf32, #tpu.memory_space<vmem>> -> memref<128x8xf32, #tpu.memory_space<vmem>>
        %dma_start3A_129 = arith.constant 0 : i32
        %dma_start3A_130 = tpu.memref_slice %arg7[%add3A_123, %dma_start3A_129] : memref<28x128xi32, #tpu.memory_space<vmem>> -> memref<1x128xi32, #tpu.memory_space<vmem>>
        %dma_start3A_131 = tpu.memref_squeeze %dma_start3A_130 : memref<1x128xi32, #tpu.memory_space<vmem>> -> memref<128xi32, #tpu.memory_space<vmem>>
        %dma_start3A_132 = arith.constant 0 : i32
        %dma_start3A_133 = arith.constant 0 : i32
        %dma_start3A_134 = tpu.memref_slice %arg2[%dma_start3A_132, %dma_start3A_133] : memref<100096x8xf32, #tpu.memory_space<hbm>> -> memref<100096x8xf32, #tpu.memory_space<hbm>>
        tpu.enqueue_indirect_dma source(%dma_start3A_134 : memref<100096x8xf32, #tpu.memory_space<hbm>>) target(%dma_start3A_128 : memref<128x8xf32, #tpu.memory_space<vmem>>) offsets(%dma_start3A_131 : memref<128xi32, #tpu.memory_space<vmem>>) semaphore(%arg11 : memref<!tpu.dma_semaphore, #tpu.memory_space<semaphore_mem>>)
        %dma_wait3A = arith.constant 0 : i32
        %dma_wait3A_135 = arith.constant 0 : i32
        %dma_wait3A_136 = arith.constant 0 : i32
        %dma_wait3A_137 = tpu.memref_slice %arg8[%dma_wait3A, %dma_wait3A_135, %dma_wait3A_136] : memref<8x128x8xf32, #tpu.memory_space<vmem>> -> memref<1x128x8xf32, #tpu.memory_space<vmem>>
        %dma_wait3A_138 = tpu.memref_squeeze %dma_wait3A_137 : memref<1x128x8xf32, #tpu.memory_space<vmem>> -> memref<128x8xf32, #tpu.memory_space<vmem>>
        %dma_wait3A_139 = arith.constant 0 : i32
        %dma_wait3A_140 = tpu.memref_slice %arg6[%add3A_33, %dma_wait3A_139] : memref<28x128xi32, #tpu.memory_space<vmem>> -> memref<1x128xi32, #tpu.memory_space<vmem>>
        %dma_wait3A_141 = tpu.memref_squeeze %dma_wait3A_140 : memref<1x128xi32, #tpu.memory_space<vmem>> -> memref<128xi32, #tpu.memory_space<vmem>>
        %dma_wait3A_142 = arith.constant 0 : i32
        %dma_wait3A_143 = arith.constant 0 : i32
        %dma_wait3A_144 = tpu.memref_slice %arg2[%dma_wait3A_142, %dma_wait3A_143] : memref<100096x8xf32, #tpu.memory_space<hbm>> -> memref<100096x8xf32, #tpu.memory_space<hbm>>
        tpu.wait_indirect_dma semaphore(%arg11 : memref<!tpu.dma_semaphore, #tpu.memory_space<semaphore_mem>>) src(%dma_wait3A_144 : memref<100096x8xf32, #tpu.memory_space<hbm>>) dst(%dma_wait3A_138 : memref<128x8xf32, #tpu.memory_space<vmem>>)
        %add3A_145 = arith.constant 0 : i32
        %add3A_146 = arith.addi %mul3A_31, %add3A_145 : i32
        %dma_start3A_147 = arith.constant 0 : i32
        %dma_start3A_148 = arith.constant 0 : i32
        %dma_start3A_149 = arith.constant 0 : i32
        %dma_start3A_150 = tpu.memref_slice %arg8[%dma_start3A_147, %dma_start3A_148, %dma_start3A_149] : memref<8x128x8xf32, #tpu.memory_space<vmem>> -> memref<1x128x8xf32, #tpu.memory_space<vmem>>
        %dma_start3A_151 = tpu.memref_squeeze %dma_start3A_150 : memref<1x128x8xf32, #tpu.memory_space<vmem>> -> memref<128x8xf32, #tpu.memory_space<vmem>>
        %dma_start3A_152 = arith.constant 0 : i32
        %dma_start3A_153 = tpu.memref_slice %arg7[%add3A_146, %dma_start3A_152] : memref<28x128xi32, #tpu.memory_space<vmem>> -> memref<1x128xi32, #tpu.memory_space<vmem>>
        %dma_start3A_154 = tpu.memref_squeeze %dma_start3A_153 : memref<1x128xi32, #tpu.memory_space<vmem>> -> memref<128xi32, #tpu.memory_space<vmem>>
        %dma_start3A_155 = arith.constant 0 : i32
        %dma_start3A_156 = arith.constant 0 : i32
        %dma_start3A_157 = tpu.memref_slice %arg10[%dma_start3A_155, %dma_start3A_156] : memref<100096x8xf32, #tpu.memory_space<vmem_shared>> -> memref<100096x8xf32, #tpu.memory_space<vmem_shared>>
        tpu.enqueue_indirect_dma source(%dma_start3A_151 : memref<128x8xf32, #tpu.memory_space<vmem>>) target(%dma_start3A_157 : memref<100096x8xf32, #tpu.memory_space<vmem_shared>>) offsets(%dma_start3A_154 : memref<128xi32, #tpu.memory_space<vmem>>) semaphore(%arg12 : memref<!tpu.dma_semaphore, #tpu.memory_space<semaphore_mem>>) {add = true}
        %dma_wait3A_158 = arith.constant 4 : i32
        %dma_wait3A_159 = arith.constant 0 : i32
        %dma_wait3A_160 = arith.constant 0 : i32
        %dma_wait3A_161 = tpu.memref_slice %arg8[%dma_wait3A_158, %dma_wait3A_159, %dma_wait3A_160] : memref<8x128x8xf32, #tpu.memory_space<vmem>> -> memref<1x128x8xf32, #tpu.memory_space<vmem>>
        %dma_wait3A_162 = tpu.memref_squeeze %dma_wait3A_161 : memref<1x128x8xf32, #tpu.memory_space<vmem>> -> memref<128x8xf32, #tpu.memory_space<vmem>>
        %dma_wait3A_163 = arith.constant 0 : i32
        %dma_wait3A_164 = tpu.memref_slice %arg7[%add3A_45, %dma_wait3A_163] : memref<28x128xi32, #tpu.memory_space<vmem>> -> memref<1x128xi32, #tpu.memory_space<vmem>>
        %dma_wait3A_165 = tpu.memref_squeeze %dma_wait3A_164 : memref<1x128xi32, #tpu.memory_space<vmem>> -> memref<128xi32, #tpu.memory_space<vmem>>
        %dma_wait3A_166 = arith.constant 0 : i32
        %dma_wait3A_167 = arith.constant 0 : i32
        %dma_wait3A_168 = tpu.memref_slice %arg2[%dma_wait3A_166, %dma_wait3A_167] : memref<100096x8xf32, #tpu.memory_space<hbm>> -> memref<100096x8xf32, #tpu.memory_space<hbm>>
        tpu.wait_indirect_dma semaphore(%arg11 : memref<!tpu.dma_semaphore, #tpu.memory_space<semaphore_mem>>) src(%dma_wait3A_168 : memref<100096x8xf32, #tpu.memory_space<hbm>>) dst(%dma_wait3A_162 : memref<128x8xf32, #tpu.memory_space<vmem>>)
        %add3A_169 = arith.constant 0 : i32
        %add3A_170 = arith.addi %mul3A_31, %add3A_169 : i32
        %dma_start3A_171 = arith.constant 4 : i32
        %dma_start3A_172 = arith.constant 0 : i32
        %dma_start3A_173 = arith.constant 0 : i32
        %dma_start3A_174 = tpu.memref_slice %arg8[%dma_start3A_171, %dma_start3A_172, %dma_start3A_173] : memref<8x128x8xf32, #tpu.memory_space<vmem>> -> memref<1x128x8xf32, #tpu.memory_space<vmem>>
        %dma_start3A_175 = tpu.memref_squeeze %dma_start3A_174 : memref<1x128x8xf32, #tpu.memory_space<vmem>> -> memref<128x8xf32, #tpu.memory_space<vmem>>
        %dma_start3A_176 = arith.constant 0 : i32
        %dma_start3A_177 = tpu.memref_slice %arg6[%add3A_170, %dma_start3A_176] : memref<28x128xi32, #tpu.memory_space<vmem>> -> memref<1x128xi32, #tpu.memory_space<vmem>>
        %dma_start3A_178 = tpu.memref_squeeze %dma_start3A_177 : memref<1x128xi32, #tpu.memory_space<vmem>> -> memref<128xi32, #tpu.memory_space<vmem>>
        %dma_start3A_179 = arith.constant 0 : i32
        %dma_start3A_180 = arith.constant 0 : i32
        %dma_start3A_181 = tpu.memref_slice %arg10[%dma_start3A_179, %dma_start3A_180] : memref<100096x8xf32, #tpu.memory_space<vmem_shared>> -> memref<100096x8xf32, #tpu.memory_space<vmem_shared>>
        tpu.enqueue_indirect_dma source(%dma_start3A_175 : memref<128x8xf32, #tpu.memory_space<vmem>>) target(%dma_start3A_181 : memref<100096x8xf32, #tpu.memory_space<vmem_shared>>) offsets(%dma_start3A_178 : memref<128xi32, #tpu.memory_space<vmem>>) semaphore(%arg12 : memref<!tpu.dma_semaphore, #tpu.memory_space<semaphore_mem>>) {add = true}
        %dma_wait3A_182 = arith.constant 1 : i32
        %dma_wait3A_183 = arith.constant 0 : i32
        %dma_wait3A_184 = arith.constant 0 : i32
        %dma_wait3A_185 = tpu.memref_slice %arg8[%dma_wait3A_182, %dma_wait3A_183, %dma_wait3A_184] : memref<8x128x8xf32, #tpu.memory_space<vmem>> -> memref<1x128x8xf32, #tpu.memory_space<vmem>>
        %dma_wait3A_186 = tpu.memref_squeeze %dma_wait3A_185 : memref<1x128x8xf32, #tpu.memory_space<vmem>> -> memref<128x8xf32, #tpu.memory_space<vmem>>
        %dma_wait3A_187 = arith.constant 0 : i32
        %dma_wait3A_188 = tpu.memref_slice %arg6[%add3A_58, %dma_wait3A_187] : memref<28x128xi32, #tpu.memory_space<vmem>> -> memref<1x128xi32, #tpu.memory_space<vmem>>
        %dma_wait3A_189 = tpu.memref_squeeze %dma_wait3A_188 : memref<1x128xi32, #tpu.memory_space<vmem>> -> memref<128xi32, #tpu.memory_space<vmem>>
        %dma_wait3A_190 = arith.constant 0 : i32
        %dma_wait3A_191 = arith.constant 0 : i32
        %dma_wait3A_192 = tpu.memref_slice %arg2[%dma_wait3A_190, %dma_wait3A_191] : memref<100096x8xf32, #tpu.memory_space<hbm>> -> memref<100096x8xf32, #tpu.memory_space<hbm>>
        tpu.wait_indirect_dma semaphore(%arg11 : memref<!tpu.dma_semaphore, #tpu.memory_space<semaphore_mem>>) src(%dma_wait3A_192 : memref<100096x8xf32, #tpu.memory_space<hbm>>) dst(%dma_wait3A_186 : memref<128x8xf32, #tpu.memory_space<vmem>>)
        %add3A_193 = arith.constant 1 : i32
        %add3A_194 = arith.addi %mul3A_31, %add3A_193 : i32
        %dma_start3A_195 = arith.constant 1 : i32
        %dma_start3A_196 = arith.constant 0 : i32
        %dma_start3A_197 = arith.constant 0 : i32
        %dma_start3A_198 = tpu.memref_slice %arg8[%dma_start3A_195, %dma_start3A_196, %dma_start3A_197] : memref<8x128x8xf32, #tpu.memory_space<vmem>> -> memref<1x128x8xf32, #tpu.memory_space<vmem>>
        %dma_start3A_199 = tpu.memref_squeeze %dma_start3A_198 : memref<1x128x8xf32, #tpu.memory_space<vmem>> -> memref<128x8xf32, #tpu.memory_space<vmem>>
        %dma_start3A_200 = arith.constant 0 : i32
        %dma_start3A_201 = tpu.memref_slice %arg7[%add3A_194, %dma_start3A_200] : memref<28x128xi32, #tpu.memory_space<vmem>> -> memref<1x128xi32, #tpu.memory_space<vmem>>
        %dma_start3A_202 = tpu.memref_squeeze %dma_start3A_201 : memref<1x128xi32, #tpu.memory_space<vmem>> -> memref<128xi32, #tpu.memory_space<vmem>>
        %dma_start3A_203 = arith.constant 0 : i32
        %dma_start3A_204 = arith.constant 0 : i32
        %dma_start3A_205 = tpu.memref_slice %arg10[%dma_start3A_203, %dma_start3A_204] : memref<100096x8xf32, #tpu.memory_space<vmem_shared>> -> memref<100096x8xf32, #tpu.memory_space<vmem_shared>>
        tpu.enqueue_indirect_dma source(%dma_start3A_199 : memref<128x8xf32, #tpu.memory_space<vmem>>) target(%dma_start3A_205 : memref<100096x8xf32, #tpu.memory_space<vmem_shared>>) offsets(%dma_start3A_202 : memref<128xi32, #tpu.memory_space<vmem>>) semaphore(%arg12 : memref<!tpu.dma_semaphore, #tpu.memory_space<semaphore_mem>>) {add = true}
        %dma_wait3A_206 = arith.constant 5 : i32
        %dma_wait3A_207 = arith.constant 0 : i32
        %dma_wait3A_208 = arith.constant 0 : i32
        %dma_wait3A_209 = tpu.memref_slice %arg8[%dma_wait3A_206, %dma_wait3A_207, %dma_wait3A_208] : memref<8x128x8xf32, #tpu.memory_space<vmem>> -> memref<1x128x8xf32, #tpu.memory_space<vmem>>
        %dma_wait3A_210 = tpu.memref_squeeze %dma_wait3A_209 : memref<1x128x8xf32, #tpu.memory_space<vmem>> -> memref<128x8xf32, #tpu.memory_space<vmem>>
        %dma_wait3A_211 = arith.constant 0 : i32
        %dma_wait3A_212 = tpu.memref_slice %arg7[%add3A_71, %dma_wait3A_211] : memref<28x128xi32, #tpu.memory_space<vmem>> -> memref<1x128xi32, #tpu.memory_space<vmem>>
        %dma_wait3A_213 = tpu.memref_squeeze %dma_wait3A_212 : memref<1x128xi32, #tpu.memory_space<vmem>> -> memref<128xi32, #tpu.memory_space<vmem>>
        %dma_wait3A_214 = arith.constant 0 : i32
        %dma_wait3A_215 = arith.constant 0 : i32
        %dma_wait3A_216 = tpu.memref_slice %arg2[%dma_wait3A_214, %dma_wait3A_215] : memref<100096x8xf32, #tpu.memory_space<hbm>> -> memref<100096x8xf32, #tpu.memory_space<hbm>>
        tpu.wait_indirect_dma semaphore(%arg11 : memref<!tpu.dma_semaphore, #tpu.memory_space<semaphore_mem>>) src(%dma_wait3A_216 : memref<100096x8xf32, #tpu.memory_space<hbm>>) dst(%dma_wait3A_210 : memref<128x8xf32, #tpu.memory_space<vmem>>)
        %add3A_217 = arith.constant 1 : i32
        %add3A_218 = arith.addi %mul3A_31, %add3A_217 : i32
        %dma_start3A_219 = arith.constant 5 : i32
        %dma_start3A_220 = arith.constant 0 : i32
        %dma_start3A_221 = arith.constant 0 : i32
        %dma_start3A_222 = tpu.memref_slice %arg8[%dma_start3A_219, %dma_start3A_220, %dma_start3A_221] : memref<8x128x8xf32, #tpu.memory_space<vmem>> -> memref<1x128x8xf32, #tpu.memory_space<vmem>>
        %dma_start3A_223 = tpu.memref_squeeze %dma_start3A_222 : memref<1x128x8xf32, #tpu.memory_space<vmem>> -> memref<128x8xf32, #tpu.memory_space<vmem>>
        %dma_start3A_224 = arith.constant 0 : i32
        %dma_start3A_225 = tpu.memref_slice %arg6[%add3A_218, %dma_start3A_224] : memref<28x128xi32, #tpu.memory_space<vmem>> -> memref<1x128xi32, #tpu.memory_space<vmem>>
        %dma_start3A_226 = tpu.memref_squeeze %dma_start3A_225 : memref<1x128xi32, #tpu.memory_space<vmem>> -> memref<128xi32, #tpu.memory_space<vmem>>
        %dma_start3A_227 = arith.constant 0 : i32
        %dma_start3A_228 = arith.constant 0 : i32
        %dma_start3A_229 = tpu.memref_slice %arg10[%dma_start3A_227, %dma_start3A_228] : memref<100096x8xf32, #tpu.memory_space<vmem_shared>> -> memref<100096x8xf32, #tpu.memory_space<vmem_shared>>
        tpu.enqueue_indirect_dma source(%dma_start3A_223 : memref<128x8xf32, #tpu.memory_space<vmem>>) target(%dma_start3A_229 : memref<100096x8xf32, #tpu.memory_space<vmem_shared>>) offsets(%dma_start3A_226 : memref<128xi32, #tpu.memory_space<vmem>>) semaphore(%arg12 : memref<!tpu.dma_semaphore, #tpu.memory_space<semaphore_mem>>) {add = true}
        %dma_wait3A_230 = arith.constant 2 : i32
        %dma_wait3A_231 = arith.constant 0 : i32
        %dma_wait3A_232 = arith.constant 0 : i32
        %dma_wait3A_233 = tpu.memref_slice %arg8[%dma_wait3A_230, %dma_wait3A_231, %dma_wait3A_232] : memref<8x128x8xf32, #tpu.memory_space<vmem>> -> memref<1x128x8xf32, #tpu.memory_space<vmem>>
        %dma_wait3A_234 = tpu.memref_squeeze %dma_wait3A_233 : memref<1x128x8xf32, #tpu.memory_space<vmem>> -> memref<128x8xf32, #tpu.memory_space<vmem>>
        %dma_wait3A_235 = arith.constant 0 : i32
        %dma_wait3A_236 = tpu.memref_slice %arg6[%add3A_84, %dma_wait3A_235] : memref<28x128xi32, #tpu.memory_space<vmem>> -> memref<1x128xi32, #tpu.memory_space<vmem>>
        %dma_wait3A_237 = tpu.memref_squeeze %dma_wait3A_236 : memref<1x128xi32, #tpu.memory_space<vmem>> -> memref<128xi32, #tpu.memory_space<vmem>>
        %dma_wait3A_238 = arith.constant 0 : i32
        %dma_wait3A_239 = arith.constant 0 : i32
        %dma_wait3A_240 = tpu.memref_slice %arg2[%dma_wait3A_238, %dma_wait3A_239] : memref<100096x8xf32, #tpu.memory_space<hbm>> -> memref<100096x8xf32, #tpu.memory_space<hbm>>
        tpu.wait_indirect_dma semaphore(%arg11 : memref<!tpu.dma_semaphore, #tpu.memory_space<semaphore_mem>>) src(%dma_wait3A_240 : memref<100096x8xf32, #tpu.memory_space<hbm>>) dst(%dma_wait3A_234 : memref<128x8xf32, #tpu.memory_space<vmem>>)
        %add3A_241 = arith.constant 2 : i32
        %add3A_242 = arith.addi %mul3A_31, %add3A_241 : i32
        %dma_start3A_243 = arith.constant 2 : i32
        %dma_start3A_244 = arith.constant 0 : i32
        %dma_start3A_245 = arith.constant 0 : i32
        %dma_start3A_246 = tpu.memref_slice %arg8[%dma_start3A_243, %dma_start3A_244, %dma_start3A_245] : memref<8x128x8xf32, #tpu.memory_space<vmem>> -> memref<1x128x8xf32, #tpu.memory_space<vmem>>
        %dma_start3A_247 = tpu.memref_squeeze %dma_start3A_246 : memref<1x128x8xf32, #tpu.memory_space<vmem>> -> memref<128x8xf32, #tpu.memory_space<vmem>>
        %dma_start3A_248 = arith.constant 0 : i32
        %dma_start3A_249 = tpu.memref_slice %arg7[%add3A_242, %dma_start3A_248] : memref<28x128xi32, #tpu.memory_space<vmem>> -> memref<1x128xi32, #tpu.memory_space<vmem>>
        %dma_start3A_250 = tpu.memref_squeeze %dma_start3A_249 : memref<1x128xi32, #tpu.memory_space<vmem>> -> memref<128xi32, #tpu.memory_space<vmem>>
        %dma_start3A_251 = arith.constant 0 : i32
        %dma_start3A_252 = arith.constant 0 : i32
        %dma_start3A_253 = tpu.memref_slice %arg10[%dma_start3A_251, %dma_start3A_252] : memref<100096x8xf32, #tpu.memory_space<vmem_shared>> -> memref<100096x8xf32, #tpu.memory_space<vmem_shared>>
        tpu.enqueue_indirect_dma source(%dma_start3A_247 : memref<128x8xf32, #tpu.memory_space<vmem>>) target(%dma_start3A_253 : memref<100096x8xf32, #tpu.memory_space<vmem_shared>>) offsets(%dma_start3A_250 : memref<128xi32, #tpu.memory_space<vmem>>) semaphore(%arg12 : memref<!tpu.dma_semaphore, #tpu.memory_space<semaphore_mem>>) {add = true}
        %dma_wait3A_254 = arith.constant 6 : i32
        %dma_wait3A_255 = arith.constant 0 : i32
        %dma_wait3A_256 = arith.constant 0 : i32
        %dma_wait3A_257 = tpu.memref_slice %arg8[%dma_wait3A_254, %dma_wait3A_255, %dma_wait3A_256] : memref<8x128x8xf32, #tpu.memory_space<vmem>> -> memref<1x128x8xf32, #tpu.memory_space<vmem>>
        %dma_wait3A_258 = tpu.memref_squeeze %dma_wait3A_257 : memref<1x128x8xf32, #tpu.memory_space<vmem>> -> memref<128x8xf32, #tpu.memory_space<vmem>>
        %dma_wait3A_259 = arith.constant 0 : i32
        %dma_wait3A_260 = tpu.memref_slice %arg7[%add3A_97, %dma_wait3A_259] : memref<28x128xi32, #tpu.memory_space<vmem>> -> memref<1x128xi32, #tpu.memory_space<vmem>>
        %dma_wait3A_261 = tpu.memref_squeeze %dma_wait3A_260 : memref<1x128xi32, #tpu.memory_space<vmem>> -> memref<128xi32, #tpu.memory_space<vmem>>
        %dma_wait3A_262 = arith.constant 0 : i32
        %dma_wait3A_263 = arith.constant 0 : i32
        %dma_wait3A_264 = tpu.memref_slice %arg2[%dma_wait3A_262, %dma_wait3A_263] : memref<100096x8xf32, #tpu.memory_space<hbm>> -> memref<100096x8xf32, #tpu.memory_space<hbm>>
        tpu.wait_indirect_dma semaphore(%arg11 : memref<!tpu.dma_semaphore, #tpu.memory_space<semaphore_mem>>) src(%dma_wait3A_264 : memref<100096x8xf32, #tpu.memory_space<hbm>>) dst(%dma_wait3A_258 : memref<128x8xf32, #tpu.memory_space<vmem>>)
        %add3A_265 = arith.constant 2 : i32
        %add3A_266 = arith.addi %mul3A_31, %add3A_265 : i32
        %dma_start3A_267 = arith.constant 6 : i32
        %dma_start3A_268 = arith.constant 0 : i32
        %dma_start3A_269 = arith.constant 0 : i32
        %dma_start3A_270 = tpu.memref_slice %arg8[%dma_start3A_267, %dma_start3A_268, %dma_start3A_269] : memref<8x128x8xf32, #tpu.memory_space<vmem>> -> memref<1x128x8xf32, #tpu.memory_space<vmem>>
        %dma_start3A_271 = tpu.memref_squeeze %dma_start3A_270 : memref<1x128x8xf32, #tpu.memory_space<vmem>> -> memref<128x8xf32, #tpu.memory_space<vmem>>
        %dma_start3A_272 = arith.constant 0 : i32
        %dma_start3A_273 = tpu.memref_slice %arg6[%add3A_266, %dma_start3A_272] : memref<28x128xi32, #tpu.memory_space<vmem>> -> memref<1x128xi32, #tpu.memory_space<vmem>>
        %dma_start3A_274 = tpu.memref_squeeze %dma_start3A_273 : memref<1x128xi32, #tpu.memory_space<vmem>> -> memref<128xi32, #tpu.memory_space<vmem>>
        %dma_start3A_275 = arith.constant 0 : i32
        %dma_start3A_276 = arith.constant 0 : i32
        %dma_start3A_277 = tpu.memref_slice %arg10[%dma_start3A_275, %dma_start3A_276] : memref<100096x8xf32, #tpu.memory_space<vmem_shared>> -> memref<100096x8xf32, #tpu.memory_space<vmem_shared>>
        tpu.enqueue_indirect_dma source(%dma_start3A_271 : memref<128x8xf32, #tpu.memory_space<vmem>>) target(%dma_start3A_277 : memref<100096x8xf32, #tpu.memory_space<vmem_shared>>) offsets(%dma_start3A_274 : memref<128xi32, #tpu.memory_space<vmem>>) semaphore(%arg12 : memref<!tpu.dma_semaphore, #tpu.memory_space<semaphore_mem>>) {add = true}
        %dma_wait3A_278 = arith.constant 3 : i32
        %dma_wait3A_279 = arith.constant 0 : i32
        %dma_wait3A_280 = arith.constant 0 : i32
        %dma_wait3A_281 = tpu.memref_slice %arg8[%dma_wait3A_278, %dma_wait3A_279, %dma_wait3A_280] : memref<8x128x8xf32, #tpu.memory_space<vmem>> -> memref<1x128x8xf32, #tpu.memory_space<vmem>>
        %dma_wait3A_282 = tpu.memref_squeeze %dma_wait3A_281 : memref<1x128x8xf32, #tpu.memory_space<vmem>> -> memref<128x8xf32, #tpu.memory_space<vmem>>
        %dma_wait3A_283 = arith.constant 0 : i32
        %dma_wait3A_284 = tpu.memref_slice %arg6[%add3A_110, %dma_wait3A_283] : memref<28x128xi32, #tpu.memory_space<vmem>> -> memref<1x128xi32, #tpu.memory_space<vmem>>
        %dma_wait3A_285 = tpu.memref_squeeze %dma_wait3A_284 : memref<1x128xi32, #tpu.memory_space<vmem>> -> memref<128xi32, #tpu.memory_space<vmem>>
        %dma_wait3A_286 = arith.constant 0 : i32
        %dma_wait3A_287 = arith.constant 0 : i32
        %dma_wait3A_288 = tpu.memref_slice %arg2[%dma_wait3A_286, %dma_wait3A_287] : memref<100096x8xf32, #tpu.memory_space<hbm>> -> memref<100096x8xf32, #tpu.memory_space<hbm>>
        tpu.wait_indirect_dma semaphore(%arg11 : memref<!tpu.dma_semaphore, #tpu.memory_space<semaphore_mem>>) src(%dma_wait3A_288 : memref<100096x8xf32, #tpu.memory_space<hbm>>) dst(%dma_wait3A_282 : memref<128x8xf32, #tpu.memory_space<vmem>>)
        %add3A_289 = arith.constant 3 : i32
        %add3A_290 = arith.addi %mul3A_31, %add3A_289 : i32
        %dma_start3A_291 = arith.constant 3 : i32
        %dma_start3A_292 = arith.constant 0 : i32
        %dma_start3A_293 = arith.constant 0 : i32
        %dma_start3A_294 = tpu.memref_slice %arg8[%dma_start3A_291, %dma_start3A_292, %dma_start3A_293] : memref<8x128x8xf32, #tpu.memory_space<vmem>> -> memref<1x128x8xf32, #tpu.memory_space<vmem>>
        %dma_start3A_295 = tpu.memref_squeeze %dma_start3A_294 : memref<1x128x8xf32, #tpu.memory_space<vmem>> -> memref<128x8xf32, #tpu.memory_space<vmem>>
        %dma_start3A_296 = arith.constant 0 : i32
        %dma_start3A_297 = tpu.memref_slice %arg7[%add3A_290, %dma_start3A_296] : memref<28x128xi32, #tpu.memory_space<vmem>> -> memref<1x128xi32, #tpu.memory_space<vmem>>
        %dma_start3A_298 = tpu.memref_squeeze %dma_start3A_297 : memref<1x128xi32, #tpu.memory_space<vmem>> -> memref<128xi32, #tpu.memory_space<vmem>>
        %dma_start3A_299 = arith.constant 0 : i32
        %dma_start3A_300 = arith.constant 0 : i32
        %dma_start3A_301 = tpu.memref_slice %arg10[%dma_start3A_299, %dma_start3A_300] : memref<100096x8xf32, #tpu.memory_space<vmem_shared>> -> memref<100096x8xf32, #tpu.memory_space<vmem_shared>>
        tpu.enqueue_indirect_dma source(%dma_start3A_295 : memref<128x8xf32, #tpu.memory_space<vmem>>) target(%dma_start3A_301 : memref<100096x8xf32, #tpu.memory_space<vmem_shared>>) offsets(%dma_start3A_298 : memref<128xi32, #tpu.memory_space<vmem>>) semaphore(%arg12 : memref<!tpu.dma_semaphore, #tpu.memory_space<semaphore_mem>>) {add = true}
        %dma_wait3A_302 = arith.constant 7 : i32
        %dma_wait3A_303 = arith.constant 0 : i32
        %dma_wait3A_304 = arith.constant 0 : i32
        %dma_wait3A_305 = tpu.memref_slice %arg8[%dma_wait3A_302, %dma_wait3A_303, %dma_wait3A_304] : memref<8x128x8xf32, #tpu.memory_space<vmem>> -> memref<1x128x8xf32, #tpu.memory_space<vmem>>
        %dma_wait3A_306 = tpu.memref_squeeze %dma_wait3A_305 : memref<1x128x8xf32, #tpu.memory_space<vmem>> -> memref<128x8xf32, #tpu.memory_space<vmem>>
        %dma_wait3A_307 = arith.constant 0 : i32
        %dma_wait3A_308 = tpu.memref_slice %arg7[%add3A_123, %dma_wait3A_307] : memref<28x128xi32, #tpu.memory_space<vmem>> -> memref<1x128xi32, #tpu.memory_space<vmem>>
        %dma_wait3A_309 = tpu.memref_squeeze %dma_wait3A_308 : memref<1x128xi32, #tpu.memory_space<vmem>> -> memref<128xi32, #tpu.memory_space<vmem>>
        %dma_wait3A_310 = arith.constant 0 : i32
        %dma_wait3A_311 = arith.constant 0 : i32
        %dma_wait3A_312 = tpu.memref_slice %arg2[%dma_wait3A_310, %dma_wait3A_311] : memref<100096x8xf32, #tpu.memory_space<hbm>> -> memref<100096x8xf32, #tpu.memory_space<hbm>>
        tpu.wait_indirect_dma semaphore(%arg11 : memref<!tpu.dma_semaphore, #tpu.memory_space<semaphore_mem>>) src(%dma_wait3A_312 : memref<100096x8xf32, #tpu.memory_space<hbm>>) dst(%dma_wait3A_306 : memref<128x8xf32, #tpu.memory_space<vmem>>)
        %add3A_313 = arith.constant 3 : i32
        %add3A_314 = arith.addi %mul3A_31, %add3A_313 : i32
        %dma_start3A_315 = arith.constant 7 : i32
        %dma_start3A_316 = arith.constant 0 : i32
        %dma_start3A_317 = arith.constant 0 : i32
        %dma_start3A_318 = tpu.memref_slice %arg8[%dma_start3A_315, %dma_start3A_316, %dma_start3A_317] : memref<8x128x8xf32, #tpu.memory_space<vmem>> -> memref<1x128x8xf32, #tpu.memory_space<vmem>>
        %dma_start3A_319 = tpu.memref_squeeze %dma_start3A_318 : memref<1x128x8xf32, #tpu.memory_space<vmem>> -> memref<128x8xf32, #tpu.memory_space<vmem>>
        %dma_start3A_320 = arith.constant 0 : i32
        %dma_start3A_321 = tpu.memref_slice %arg6[%add3A_314, %dma_start3A_320] : memref<28x128xi32, #tpu.memory_space<vmem>> -> memref<1x128xi32, #tpu.memory_space<vmem>>
        %dma_start3A_322 = tpu.memref_squeeze %dma_start3A_321 : memref<1x128xi32, #tpu.memory_space<vmem>> -> memref<128xi32, #tpu.memory_space<vmem>>
        %dma_start3A_323 = arith.constant 0 : i32
        %dma_start3A_324 = arith.constant 0 : i32
        %dma_start3A_325 = tpu.memref_slice %arg10[%dma_start3A_323, %dma_start3A_324] : memref<100096x8xf32, #tpu.memory_space<vmem_shared>> -> memref<100096x8xf32, #tpu.memory_space<vmem_shared>>
        tpu.enqueue_indirect_dma source(%dma_start3A_319 : memref<128x8xf32, #tpu.memory_space<vmem>>) target(%dma_start3A_325 : memref<100096x8xf32, #tpu.memory_space<vmem_shared>>) offsets(%dma_start3A_322 : memref<128xi32, #tpu.memory_space<vmem>>) semaphore(%arg12 : memref<!tpu.dma_semaphore, #tpu.memory_space<semaphore_mem>>) {add = true}
        %dma_wait3A_326 = arith.constant 0 : i32
        %dma_wait3A_327 = arith.constant 0 : i32
        %dma_wait3A_328 = arith.constant 0 : i32
        %dma_wait3A_329 = tpu.memref_slice %arg8[%dma_wait3A_326, %dma_wait3A_327, %dma_wait3A_328] : memref<8x128x8xf32, #tpu.memory_space<vmem>> -> memref<1x128x8xf32, #tpu.memory_space<vmem>>
        %dma_wait3A_330 = tpu.memref_squeeze %dma_wait3A_329 : memref<1x128x8xf32, #tpu.memory_space<vmem>> -> memref<128x8xf32, #tpu.memory_space<vmem>>
        %dma_wait3A_331 = arith.constant 0 : i32
        %dma_wait3A_332 = tpu.memref_slice %arg7[%add3A_146, %dma_wait3A_331] : memref<28x128xi32, #tpu.memory_space<vmem>> -> memref<1x128xi32, #tpu.memory_space<vmem>>
        %dma_wait3A_333 = tpu.memref_squeeze %dma_wait3A_332 : memref<1x128xi32, #tpu.memory_space<vmem>> -> memref<128xi32, #tpu.memory_space<vmem>>
        %dma_wait3A_334 = arith.constant 0 : i32
        %dma_wait3A_335 = arith.constant 0 : i32
        %dma_wait3A_336 = tpu.memref_slice %arg10[%dma_wait3A_334, %dma_wait3A_335] : memref<100096x8xf32, #tpu.memory_space<vmem_shared>> -> memref<100096x8xf32, #tpu.memory_space<vmem_shared>>
        tpu.wait_indirect_dma semaphore(%arg12 : memref<!tpu.dma_semaphore, #tpu.memory_space<semaphore_mem>>) src(%dma_wait3A_330 : memref<128x8xf32, #tpu.memory_space<vmem>>) dst(%dma_wait3A_336 : memref<100096x8xf32, #tpu.memory_space<vmem_shared>>)
        %dma_wait3A_337 = arith.constant 4 : i32
        %dma_wait3A_338 = arith.constant 0 : i32
        %dma_wait3A_339 = arith.constant 0 : i32
        %dma_wait3A_340 = tpu.memref_slice %arg8[%dma_wait3A_337, %dma_wait3A_338, %dma_wait3A_339] : memref<8x128x8xf32, #tpu.memory_space<vmem>> -> memref<1x128x8xf32, #tpu.memory_space<vmem>>
        %dma_wait3A_341 = tpu.memref_squeeze %dma_wait3A_340 : memref<1x128x8xf32, #tpu.memory_space<vmem>> -> memref<128x8xf32, #tpu.memory_space<vmem>>
        %dma_wait3A_342 = arith.constant 0 : i32
        %dma_wait3A_343 = tpu.memref_slice %arg6[%add3A_170, %dma_wait3A_342] : memref<28x128xi32, #tpu.memory_space<vmem>> -> memref<1x128xi32, #tpu.memory_space<vmem>>
        %dma_wait3A_344 = tpu.memref_squeeze %dma_wait3A_343 : memref<1x128xi32, #tpu.memory_space<vmem>> -> memref<128xi32, #tpu.memory_space<vmem>>
        %dma_wait3A_345 = arith.constant 0 : i32
        %dma_wait3A_346 = arith.constant 0 : i32
        %dma_wait3A_347 = tpu.memref_slice %arg10[%dma_wait3A_345, %dma_wait3A_346] : memref<100096x8xf32, #tpu.memory_space<vmem_shared>> -> memref<100096x8xf32, #tpu.memory_space<vmem_shared>>
        tpu.wait_indirect_dma semaphore(%arg12 : memref<!tpu.dma_semaphore, #tpu.memory_space<semaphore_mem>>) src(%dma_wait3A_341 : memref<128x8xf32, #tpu.memory_space<vmem>>) dst(%dma_wait3A_347 : memref<100096x8xf32, #tpu.memory_space<vmem_shared>>)
        %dma_wait3A_348 = arith.constant 1 : i32
        %dma_wait3A_349 = arith.constant 0 : i32
        %dma_wait3A_350 = arith.constant 0 : i32
        %dma_wait3A_351 = tpu.memref_slice %arg8[%dma_wait3A_348, %dma_wait3A_349, %dma_wait3A_350] : memref<8x128x8xf32, #tpu.memory_space<vmem>> -> memref<1x128x8xf32, #tpu.memory_space<vmem>>
        %dma_wait3A_352 = tpu.memref_squeeze %dma_wait3A_351 : memref<1x128x8xf32, #tpu.memory_space<vmem>> -> memref<128x8xf32, #tpu.memory_space<vmem>>
        %dma_wait3A_353 = arith.constant 0 : i32
        %dma_wait3A_354 = tpu.memref_slice %arg7[%add3A_194, %dma_wait3A_353] : memref<28x128xi32, #tpu.memory_space<vmem>> -> memref<1x128xi32, #tpu.memory_space<vmem>>
        %dma_wait3A_355 = tpu.memref_squeeze %dma_wait3A_354 : memref<1x128xi32, #tpu.memory_space<vmem>> -> memref<128xi32, #tpu.memory_space<vmem>>
        %dma_wait3A_356 = arith.constant 0 : i32
        %dma_wait3A_357 = arith.constant 0 : i32
        %dma_wait3A_358 = tpu.memref_slice %arg10[%dma_wait3A_356, %dma_wait3A_357] : memref<100096x8xf32, #tpu.memory_space<vmem_shared>> -> memref<100096x8xf32, #tpu.memory_space<vmem_shared>>
        tpu.wait_indirect_dma semaphore(%arg12 : memref<!tpu.dma_semaphore, #tpu.memory_space<semaphore_mem>>) src(%dma_wait3A_352 : memref<128x8xf32, #tpu.memory_space<vmem>>) dst(%dma_wait3A_358 : memref<100096x8xf32, #tpu.memory_space<vmem_shared>>)
        %dma_wait3A_359 = arith.constant 5 : i32
        %dma_wait3A_360 = arith.constant 0 : i32
        %dma_wait3A_361 = arith.constant 0 : i32
        %dma_wait3A_362 = tpu.memref_slice %arg8[%dma_wait3A_359, %dma_wait3A_360, %dma_wait3A_361] : memref<8x128x8xf32, #tpu.memory_space<vmem>> -> memref<1x128x8xf32, #tpu.memory_space<vmem>>
        %dma_wait3A_363 = tpu.memref_squeeze %dma_wait3A_362 : memref<1x128x8xf32, #tpu.memory_space<vmem>> -> memref<128x8xf32, #tpu.memory_space<vmem>>
        %dma_wait3A_364 = arith.constant 0 : i32
        %dma_wait3A_365 = tpu.memref_slice %arg6[%add3A_218, %dma_wait3A_364] : memref<28x128xi32, #tpu.memory_space<vmem>> -> memref<1x128xi32, #tpu.memory_space<vmem>>
        %dma_wait3A_366 = tpu.memref_squeeze %dma_wait3A_365 : memref<1x128xi32, #tpu.memory_space<vmem>> -> memref<128xi32, #tpu.memory_space<vmem>>
        %dma_wait3A_367 = arith.constant 0 : i32
        %dma_wait3A_368 = arith.constant 0 : i32
        %dma_wait3A_369 = tpu.memref_slice %arg10[%dma_wait3A_367, %dma_wait3A_368] : memref<100096x8xf32, #tpu.memory_space<vmem_shared>> -> memref<100096x8xf32, #tpu.memory_space<vmem_shared>>
        tpu.wait_indirect_dma semaphore(%arg12 : memref<!tpu.dma_semaphore, #tpu.memory_space<semaphore_mem>>) src(%dma_wait3A_363 : memref<128x8xf32, #tpu.memory_space<vmem>>) dst(%dma_wait3A_369 : memref<100096x8xf32, #tpu.memory_space<vmem_shared>>)
        %dma_wait3A_370 = arith.constant 2 : i32
        %dma_wait3A_371 = arith.constant 0 : i32
        %dma_wait3A_372 = arith.constant 0 : i32
        %dma_wait3A_373 = tpu.memref_slice %arg8[%dma_wait3A_370, %dma_wait3A_371, %dma_wait3A_372] : memref<8x128x8xf32, #tpu.memory_space<vmem>> -> memref<1x128x8xf32, #tpu.memory_space<vmem>>
        %dma_wait3A_374 = tpu.memref_squeeze %dma_wait3A_373 : memref<1x128x8xf32, #tpu.memory_space<vmem>> -> memref<128x8xf32, #tpu.memory_space<vmem>>
        %dma_wait3A_375 = arith.constant 0 : i32
        %dma_wait3A_376 = tpu.memref_slice %arg7[%add3A_242, %dma_wait3A_375] : memref<28x128xi32, #tpu.memory_space<vmem>> -> memref<1x128xi32, #tpu.memory_space<vmem>>
        %dma_wait3A_377 = tpu.memref_squeeze %dma_wait3A_376 : memref<1x128xi32, #tpu.memory_space<vmem>> -> memref<128xi32, #tpu.memory_space<vmem>>
        %dma_wait3A_378 = arith.constant 0 : i32
        %dma_wait3A_379 = arith.constant 0 : i32
        %dma_wait3A_380 = tpu.memref_slice %arg10[%dma_wait3A_378, %dma_wait3A_379] : memref<100096x8xf32, #tpu.memory_space<vmem_shared>> -> memref<100096x8xf32, #tpu.memory_space<vmem_shared>>
        tpu.wait_indirect_dma semaphore(%arg12 : memref<!tpu.dma_semaphore, #tpu.memory_space<semaphore_mem>>) src(%dma_wait3A_374 : memref<128x8xf32, #tpu.memory_space<vmem>>) dst(%dma_wait3A_380 : memref<100096x8xf32, #tpu.memory_space<vmem_shared>>)
        %dma_wait3A_381 = arith.constant 6 : i32
        %dma_wait3A_382 = arith.constant 0 : i32
        %dma_wait3A_383 = arith.constant 0 : i32
        %dma_wait3A_384 = tpu.memref_slice %arg8[%dma_wait3A_381, %dma_wait3A_382, %dma_wait3A_383] : memref<8x128x8xf32, #tpu.memory_space<vmem>> -> memref<1x128x8xf32, #tpu.memory_space<vmem>>
        %dma_wait3A_385 = tpu.memref_squeeze %dma_wait3A_384 : memref<1x128x8xf32, #tpu.memory_space<vmem>> -> memref<128x8xf32, #tpu.memory_space<vmem>>
        %dma_wait3A_386 = arith.constant 0 : i32
        %dma_wait3A_387 = tpu.memref_slice %arg6[%add3A_266, %dma_wait3A_386] : memref<28x128xi32, #tpu.memory_space<vmem>> -> memref<1x128xi32, #tpu.memory_space<vmem>>
        %dma_wait3A_388 = tpu.memref_squeeze %dma_wait3A_387 : memref<1x128xi32, #tpu.memory_space<vmem>> -> memref<128xi32, #tpu.memory_space<vmem>>
        %dma_wait3A_389 = arith.constant 0 : i32
        %dma_wait3A_390 = arith.constant 0 : i32
        %dma_wait3A_391 = tpu.memref_slice %arg10[%dma_wait3A_389, %dma_wait3A_390] : memref<100096x8xf32, #tpu.memory_space<vmem_shared>> -> memref<100096x8xf32, #tpu.memory_space<vmem_shared>>
        tpu.wait_indirect_dma semaphore(%arg12 : memref<!tpu.dma_semaphore, #tpu.memory_space<semaphore_mem>>) src(%dma_wait3A_385 : memref<128x8xf32, #tpu.memory_space<vmem>>) dst(%dma_wait3A_391 : memref<100096x8xf32, #tpu.memory_space<vmem_shared>>)
        %dma_wait3A_392 = arith.constant 3 : i32
        %dma_wait3A_393 = arith.constant 0 : i32
        %dma_wait3A_394 = arith.constant 0 : i32
        %dma_wait3A_395 = tpu.memref_slice %arg8[%dma_wait3A_392, %dma_wait3A_393, %dma_wait3A_394] : memref<8x128x8xf32, #tpu.memory_space<vmem>> -> memref<1x128x8xf32, #tpu.memory_space<vmem>>
        %dma_wait3A_396 = tpu.memref_squeeze %dma_wait3A_395 : memref<1x128x8xf32, #tpu.memory_space<vmem>> -> memref<128x8xf32, #tpu.memory_space<vmem>>
        %dma_wait3A_397 = arith.constant 0 : i32
        %dma_wait3A_398 = tpu.memref_slice %arg7[%add3A_290, %dma_wait3A_397] : memref<28x128xi32, #tpu.memory_space<vmem>> -> memref<1x128xi32, #tpu.memory_space<vmem>>
        %dma_wait3A_399 = tpu.memref_squeeze %dma_wait3A_398 : memref<1x128xi32, #tpu.memory_space<vmem>> -> memref<128xi32, #tpu.memory_space<vmem>>
        %dma_wait3A_400 = arith.constant 0 : i32
        %dma_wait3A_401 = arith.constant 0 : i32
        %dma_wait3A_402 = tpu.memref_slice %arg10[%dma_wait3A_400, %dma_wait3A_401] : memref<100096x8xf32, #tpu.memory_space<vmem_shared>> -> memref<100096x8xf32, #tpu.memory_space<vmem_shared>>
        tpu.wait_indirect_dma semaphore(%arg12 : memref<!tpu.dma_semaphore, #tpu.memory_space<semaphore_mem>>) src(%dma_wait3A_396 : memref<128x8xf32, #tpu.memory_space<vmem>>) dst(%dma_wait3A_402 : memref<100096x8xf32, #tpu.memory_space<vmem_shared>>)
        %dma_wait3A_403 = arith.constant 7 : i32
        %dma_wait3A_404 = arith.constant 0 : i32
        %dma_wait3A_405 = arith.constant 0 : i32
        %dma_wait3A_406 = tpu.memref_slice %arg8[%dma_wait3A_403, %dma_wait3A_404, %dma_wait3A_405] : memref<8x128x8xf32, #tpu.memory_space<vmem>> -> memref<1x128x8xf32, #tpu.memory_space<vmem>>
        %dma_wait3A_407 = tpu.memref_squeeze %dma_wait3A_406 : memref<1x128x8xf32, #tpu.memory_space<vmem>> -> memref<128x8xf32, #tpu.memory_space<vmem>>
        %dma_wait3A_408 = arith.constant 0 : i32
        %dma_wait3A_409 = tpu.memref_slice %arg6[%add3A_314, %dma_wait3A_408] : memref<28x128xi32, #tpu.memory_space<vmem>> -> memref<1x128xi32, #tpu.memory_space<vmem>>
        %dma_wait3A_410 = tpu.memref_squeeze %dma_wait3A_409 : memref<1x128xi32, #tpu.memory_space<vmem>> -> memref<128xi32, #tpu.memory_space<vmem>>
        %dma_wait3A_411 = arith.constant 0 : i32
        %dma_wait3A_412 = arith.constant 0 : i32
        %dma_wait3A_413 = tpu.memref_slice %arg10[%dma_wait3A_411, %dma_wait3A_412] : memref<100096x8xf32, #tpu.memory_space<vmem_shared>> -> memref<100096x8xf32, #tpu.memory_space<vmem_shared>>
        tpu.wait_indirect_dma semaphore(%arg12 : memref<!tpu.dma_semaphore, #tpu.memory_space<semaphore_mem>>) src(%dma_wait3A_407 : memref<128x8xf32, #tpu.memory_space<vmem>>) dst(%dma_wait3A_413 : memref<100096x8xf32, #tpu.memory_space<vmem_shared>>)
        %scan3A_414 = arith.constant 0 : i32
        scf.yield %scan3A_414 : i32
      }
      %scan3A_26 = arith.constant 7 : i32
      %scan3A_27 = arith.constant 0 : i32
      scf.yield %scan3A_27 : i32
    }
    %scan3A_8 = arith.constant 7 : i32
    %barrier3A_9 = arith.constant 0 : index
    tpu.barrier barrier_id(%barrier3A_9)
    %mul3A_10 = arith.constant 6256 : i32
    %mul3A_11 = arith.muli %arg1, %mul3A_10 : i32
    "tpu.region"() ({
      %run_scoped3A = tpu.sem_alloc : memref<!tpu.dma_semaphore, #tpu.memory_space<semaphore_mem>>
      %dma_start3A = arith.constant 0 : i32
      %dma_start3A_12 = tpu.memref_slice %arg10[%mul3A_11, %dma_start3A] : memref<100096x8xf32, #tpu.memory_space<vmem_shared>> -> memref<6256x8xf32, #tpu.memory_space<vmem_shared>>
      %dma_start3A_13 = arith.constant 0 : i32
      %dma_start3A_14 = tpu.memref_slice %arg10[%mul3A_11, %dma_start3A_13] : memref<100096x8xf32, #tpu.memory_space<vmem_shared>> -> memref<6256x8xf32, #tpu.memory_space<vmem_shared>>
      tpu.enqueue_dma source(%dma_start3A_14 : memref<6256x8xf32, #tpu.memory_space<vmem_shared>>) target(%arg9 : memref<6256x8xf32, #tpu.memory_space<vmem>>) target_semaphore(%run_scoped3A : memref<!tpu.dma_semaphore, #tpu.memory_space<semaphore_mem>>)
      %dma_wait3A = arith.constant 0 : i32
      %dma_wait3A_15 = tpu.memref_slice %arg10[%mul3A_11, %dma_wait3A] : memref<100096x8xf32, #tpu.memory_space<vmem_shared>> -> memref<6256x8xf32, #tpu.memory_space<vmem_shared>>
      %dma_wait3A_16 = arith.constant 0 : i32
      %dma_wait3A_17 = tpu.memref_slice %arg10[%mul3A_11, %dma_wait3A_16] : memref<100096x8xf32, #tpu.memory_space<vmem_shared>> -> memref<6256x8xf32, #tpu.memory_space<vmem_shared>>
      tpu.wait_dma2 semaphore(%run_scoped3A : memref<!tpu.dma_semaphore, #tpu.memory_space<semaphore_mem>>) src(%dma_wait3A_17 : memref<6256x8xf32, #tpu.memory_space<vmem_shared>>) dst(%arg9 : memref<6256x8xf32, #tpu.memory_space<vmem>>)
      tpu.yield
    }) : () -> ()
    "tpu.region"() ({
      %run_scoped3A = tpu.sem_alloc : memref<!tpu.dma_semaphore, #tpu.memory_space<semaphore_mem>>
      %dma_start3A = arith.constant 0 : i32
      %dma_start3A_12 = arith.constant 0 : i32
      %dma_start3A_13 = tpu.memref_slice %arg5[%arg0, %arg1, %dma_start3A, %dma_start3A_12] : memref<2x16x6256x8xf32, #tpu.memory_space<hbm>> -> memref<1x1x6256x8xf32, #tpu.memory_space<hbm>>
      %dma_start3A_14 = tpu.memref_squeeze %dma_start3A_13 : memref<1x1x6256x8xf32, #tpu.memory_space<hbm>> -> memref<6256x8xf32, #tpu.memory_space<hbm>>
      %dma_start3A_15 = arith.constant 0 : i32
      %dma_start3A_16 = arith.constant 0 : i32
      %dma_start3A_17 = tpu.memref_slice %arg5[%arg0, %arg1, %dma_start3A_15, %dma_start3A_16] : memref<2x16x6256x8xf32, #tpu.memory_space<hbm>> -> memref<1x1x6256x8xf32, #tpu.memory_space<hbm>>
      %dma_start3A_18 = tpu.memref_squeeze %dma_start3A_17 : memref<1x1x6256x8xf32, #tpu.memory_space<hbm>> -> memref<6256x8xf32, #tpu.memory_space<hbm>>
      tpu.enqueue_dma source(%arg9 : memref<6256x8xf32, #tpu.memory_space<vmem>>) target(%dma_start3A_18 : memref<6256x8xf32, #tpu.memory_space<hbm>>) target_semaphore(%run_scoped3A : memref<!tpu.dma_semaphore, #tpu.memory_space<semaphore_mem>>)
      %dma_wait3A = arith.constant 0 : i32
      %dma_wait3A_19 = arith.constant 0 : i32
      %dma_wait3A_20 = tpu.memref_slice %arg5[%arg0, %arg1, %dma_wait3A, %dma_wait3A_19] : memref<2x16x6256x8xf32, #tpu.memory_space<hbm>> -> memref<1x1x6256x8xf32, #tpu.memory_space<hbm>>
      %dma_wait3A_21 = tpu.memref_squeeze %dma_wait3A_20 : memref<1x1x6256x8xf32, #tpu.memory_space<hbm>> -> memref<6256x8xf32, #tpu.memory_space<hbm>>
      %dma_wait3A_22 = arith.constant 0 : i32
      %dma_wait3A_23 = arith.constant 0 : i32
      %dma_wait3A_24 = tpu.memref_slice %arg5[%arg0, %arg1, %dma_wait3A_22, %dma_wait3A_23] : memref<2x16x6256x8xf32, #tpu.memory_space<hbm>> -> memref<1x1x6256x8xf32, #tpu.memory_space<hbm>>
      %dma_wait3A_25 = tpu.memref_squeeze %dma_wait3A_24 : memref<1x1x6256x8xf32, #tpu.memory_space<hbm>> -> memref<6256x8xf32, #tpu.memory_space<hbm>>
      tpu.wait_dma2 semaphore(%run_scoped3A : memref<!tpu.dma_semaphore, #tpu.memory_space<semaphore_mem>>) src(%arg9 : memref<6256x8xf32, #tpu.memory_space<vmem>>) dst(%dma_wait3A_25 : memref<6256x8xf32, #tpu.memory_space<hbm>>)
      tpu.yield
    }) : () -> ()
    return
  }
}

module attributes {stable_mosaic.version = 14 : i64} {
  func.func @body(%arg0: i32, %arg1: memref<2000x64xf32, #tpu.memory_space<vmem>>, %arg2: memref<2000x1xf32, #tpu.memory_space<vmem>>, %arg3: memref<2000x1xf32, #tpu.memory_space<vmem>>, %arg4: memref<32x64xf32, #tpu.memory_space<vmem>>, %arg5: memref<1x32xf32, #tpu.memory_space<vmem>>, %arg6: memref<1x32xf32, #tpu.memory_space<vmem>>, %arg7: memref<1x32xf32, #tpu.memory_space<vmem>>, %arg8: memref<2000x32xf32, #tpu.memory_space<vmem>>, %arg9: memref<2x32xf32, #tpu.memory_space<vmem>>) attributes {dimension_semantics = [#tpu.dimension_semantics<arbitrary>], iteration_bounds = array<i64: 50>, scalar_prefetch = 0 : i64, scratch_operands = 0 : i64, tpu.core_type = #tpu.core_type<tc>, window_params = [{transform_indices = @transform_0, window_bounds = array<i64: 2000, 64>}, {transform_indices = @transform_1, window_bounds = array<i64: 2000, 1>}, {transform_indices = @transform_2, window_bounds = array<i64: 2000, 1>}, {pipeline_mode = #tpu.pipeline_mode<synchronous>, transform_indices = @transform_3, window_bounds = array<i64: 32, 64>}, {pipeline_mode = #tpu.pipeline_mode<synchronous>, transform_indices = @transform_4, window_bounds = array<i64: 1, 32>}, {pipeline_mode = #tpu.pipeline_mode<synchronous>, transform_indices = @transform_5, window_bounds = array<i64: 1, 32>}, {pipeline_mode = #tpu.pipeline_mode<synchronous>, transform_indices = @transform_6, window_bounds = array<i64: 1, 32>}, {transform_indices = @transform_7, window_bounds = array<i64: 2000, 32>}, {pipeline_mode = #tpu.pipeline_mode<synchronous>, transform_indices = @transform_8, window_bounds = array<i64: 2, 32>}]} {
    %get3A = arith.constant 0 : index
    %get3A_0 = arith.constant 0 : index
    %get3A_1 = vector.load %arg1[%get3A, %get3A_0] : memref<2000x64xf32, #tpu.memory_space<vmem>>, vector<2000x64xf32>
    %convert_element_type3A = arith.truncf %get3A_1 : vector<2000x64xf32> to vector<2000x64xbf16>
    %get3A_2 = arith.constant 0 : index
    %get3A_3 = arith.constant 0 : index
    %get3A_4 = vector.load %arg4[%get3A_2, %get3A_3] : memref<32x64xf32, #tpu.memory_space<vmem>>, vector<32x64xf32>
    %transpose3A = tpu.transpose %get3A_4, [1, 0] : vector<32x64xf32> -> vector<64x32xf32>
    %convert_element_type3A_5 = arith.truncf %transpose3A : vector<64x32xf32> to vector<64x32xbf16>
    %dot_general3A = arith.constant dense<0.000000e+00> : vector<2000x32xf32>
    %dot_general3A_6 = tpu.matmul %convert_element_type3A, %convert_element_type3A_5, %dot_general3A {dimension_numbers = #tpu.dot_dimension_numbers<[1], [0], [0], [1], [0, 0, 1, 1], [], []>, transpose_lhs_hint = false} : vector<2000x64xbf16>, vector<64x32xbf16>, vector<2000x32xf32> -> vector<2000x32xf32>
    %get3A_7 = arith.constant 0 : index
    %get3A_8 = arith.constant 0 : index
    %get3A_9 = vector.load %arg2[%get3A_7, %get3A_8] : memref<2000x1xf32, #tpu.memory_space<vmem>>, vector<2000x1xf32>
    %convert_element_type3A_10 = arith.truncf %get3A_9 : vector<2000x1xf32> to vector<2000x1xbf16>
    %convert_element_type3A_11 = arith.extf %convert_element_type3A_10 : vector<2000x1xbf16> to vector<2000x1xf32>
    %get3A_12 = arith.constant 0 : index
    %get3A_13 = arith.constant 0 : index
    %get3A_14 = vector.load %arg5[%get3A_12, %get3A_13] : memref<1x32xf32, #tpu.memory_space<vmem>>, vector<1x32xf32>
    %convert_element_type3A_15 = arith.truncf %get3A_14 : vector<1x32xf32> to vector<1x32xbf16>
    %convert_element_type3A_16 = arith.extf %convert_element_type3A_15 : vector<1x32xbf16> to vector<1x32xf32>
    %mul3A = vector.broadcast %convert_element_type3A_11 : vector<2000x1xf32> to vector<2000x32xf32>
    %mul3A_17 = vector.broadcast %convert_element_type3A_16 : vector<1x32xf32> to vector<2000x32xf32>
    %mul3A_18 = arith.mulf %mul3A, %mul3A_17 : vector<2000x32xf32>
    %get3A_19 = arith.constant 0 : index
    %get3A_20 = arith.constant 0 : index
    %get3A_21 = vector.load %arg3[%get3A_19, %get3A_20] : memref<2000x1xf32, #tpu.memory_space<vmem>>, vector<2000x1xf32>
    %convert_element_type3A_22 = arith.truncf %get3A_21 : vector<2000x1xf32> to vector<2000x1xbf16>
    %convert_element_type3A_23 = arith.extf %convert_element_type3A_22 : vector<2000x1xbf16> to vector<2000x1xf32>
    %get3A_24 = arith.constant 0 : index
    %get3A_25 = arith.constant 0 : index
    %get3A_26 = vector.load %arg6[%get3A_24, %get3A_25] : memref<1x32xf32, #tpu.memory_space<vmem>>, vector<1x32xf32>
    %convert_element_type3A_27 = arith.truncf %get3A_26 : vector<1x32xf32> to vector<1x32xbf16>
    %convert_element_type3A_28 = arith.extf %convert_element_type3A_27 : vector<1x32xbf16> to vector<1x32xf32>
    %mul3A_29 = vector.broadcast %convert_element_type3A_23 : vector<2000x1xf32> to vector<2000x32xf32>
    %mul3A_30 = vector.broadcast %convert_element_type3A_28 : vector<1x32xf32> to vector<2000x32xf32>
    %mul3A_31 = arith.mulf %mul3A_29, %mul3A_30 : vector<2000x32xf32>
    %add3A = arith.addf %dot_general3A_6, %mul3A_18 : vector<2000x32xf32>
    %add3A_32 = arith.addf %add3A, %mul3A_31 : vector<2000x32xf32>
    %get3A_33 = arith.constant 0 : index
    %get3A_34 = arith.constant 0 : index
    %get3A_35 = vector.load %arg7[%get3A_33, %get3A_34] : memref<1x32xf32, #tpu.memory_space<vmem>>, vector<1x32xf32>
    %add3A_36 = vector.broadcast %get3A_35 : vector<1x32xf32> to vector<2000x32xf32>
    %add3A_37 = arith.addf %add3A_32, %add3A_36 : vector<2000x32xf32>
    %swap3A = arith.constant 0 : index
    %swap3A_38 = arith.constant 0 : index
    %swap3A_39 = vector.load %arg8[%swap3A, %swap3A_38] : memref<2000x32xf32, #tpu.memory_space<vmem>>, vector<2000x32xf32>
    tpu.vector_store %arg8[%swap3A, %swap3A_38], %add3A_37 {strides = array<i32>} : memref<2000x32xf32, #tpu.memory_space<vmem>>, vector<2000x32xf32>,
    %reduce_sum3A = arith.constant dense<0.000000e+00> : vector<32xf32>
    %reduce_sum3A_40 = vector.multi_reduction <add>, %add3A_37, %reduce_sum3A [0] : vector<2000x32xf32> to vector<32xf32>
    %mul3A_41 = arith.mulf %add3A_37, %add3A_37 : vector<2000x32xf32>
    %reduce_sum3A_42 = arith.constant dense<0.000000e+00> : vector<32xf32>
    %reduce_sum3A_43 = vector.multi_reduction <add>, %mul3A_41, %reduce_sum3A_42 [0] : vector<2000x32xf32> to vector<32xf32>
    %stack3A = vector.shape_cast %reduce_sum3A_40 : vector<32xf32> to vector<1x32xf32>
    %stack3A_44 = vector.shape_cast %reduce_sum3A_43 : vector<32xf32> to vector<1x32xf32>
    %stack3A_45 = tpu.concatenate %stack3A, %stack3A_44 in 0 : vector<1x32xf32>, vector<1x32xf32> -> vector<2x32xf32>
    %eq3A = arith.constant 0 : i32
    %eq3A_46 = arith.cmpi eq, %arg0, %eq3A : i32
    %convert_element_type3A_47 = arith.extui %eq3A_46 : i1 to i32
    %cond3A = arith.constant 0 : i32
    %cond3A_48 = arith.cmpi ne, %convert_element_type3A_47, %cond3A : i32
    scf.if %cond3A_48 {
      %swap3A_53 = arith.constant 0 : index
      %swap3A_54 = arith.constant 0 : index
      %swap3A_55 = vector.load %arg9[%swap3A_53, %swap3A_54] : memref<2x32xf32, #tpu.memory_space<vmem>>, vector<2x32xf32>
      tpu.vector_store %arg9[%swap3A_53, %swap3A_54], %stack3A_45 {strides = array<i32>} : memref<2x32xf32, #tpu.memory_space<vmem>>, vector<2x32xf32>,
    } else {
    }
    %gt3A = arith.constant 0 : i32
    %gt3A_49 = arith.cmpi sgt, %arg0, %gt3A : i32
    %convert_element_type3A_50 = arith.extui %gt3A_49 : i1 to i32
    %cond3A_51 = arith.constant 0 : i32
    %cond3A_52 = arith.cmpi ne, %convert_element_type3A_50, %cond3A_51 : i32
    scf.if %cond3A_52 {
      %get3A_53 = arith.constant 0 : index
      %get3A_54 = arith.constant 0 : index
      %get3A_55 = vector.load %arg9[%get3A_53, %get3A_54] : memref<2x32xf32, #tpu.memory_space<vmem>>, vector<2x32xf32>
      %add3A_56 = arith.addf %get3A_55, %stack3A_45 : vector<2x32xf32>
      %swap3A_57 = arith.constant 0 : index
      %swap3A_58 = arith.constant 0 : index
      %swap3A_59 = vector.load %arg9[%swap3A_57, %swap3A_58] : memref<2x32xf32, #tpu.memory_space<vmem>>, vector<2x32xf32>
      tpu.vector_store %arg9[%swap3A_57, %swap3A_58], %add3A_56 {strides = array<i32>} : memref<2x32xf32, #tpu.memory_space<vmem>>, vector<2x32xf32>,
    } else {
    }
    return
  }
  func.func @transform_0(%arg0: i32) -> (i32, i32) {
    %c0_i32 = arith.constant 0 : i32
    %c0_i32_0 = arith.constant 0 : i32
    return %arg0, %c0_i32 : i32, i32
  }
  func.func @transform_1(%arg0: i32) -> (i32, i32) {
    %c0_i32 = arith.constant 0 : i32
    %c0_i32_0 = arith.constant 0 : i32
    return %arg0, %c0_i32 : i32, i32
  }
  func.func @transform_2(%arg0: i32) -> (i32, i32) {
    %c0_i32 = arith.constant 0 : i32
    %c0_i32_0 = arith.constant 0 : i32
    return %arg0, %c0_i32 : i32, i32
  }
  func.func @transform_3(%arg0: i32) -> (i32, i32) {
    %c0_i32 = arith.constant 0 : i32
    %c0_i32_0 = arith.constant 0 : i32
    %c0_i32_1 = arith.constant 0 : i32
    return %c0_i32, %c0_i32_0 : i32, i32
  }
  func.func @transform_4(%arg0: i32) -> (i32, i32) {
    %c0_i32 = arith.constant 0 : i32
    %c0_i32_0 = arith.constant 0 : i32
    %c0_i32_1 = arith.constant 0 : i32
    return %c0_i32, %c0_i32_0 : i32, i32
  }
  func.func @transform_5(%arg0: i32) -> (i32, i32) {
    %c0_i32 = arith.constant 0 : i32
    %c0_i32_0 = arith.constant 0 : i32
    %c0_i32_1 = arith.constant 0 : i32
    return %c0_i32, %c0_i32_0 : i32, i32
  }
  func.func @transform_6(%arg0: i32) -> (i32, i32) {
    %c0_i32 = arith.constant 0 : i32
    %c0_i32_0 = arith.constant 0 : i32
    %c0_i32_1 = arith.constant 0 : i32
    return %c0_i32, %c0_i32_0 : i32, i32
  }
  func.func @transform_7(%arg0: i32) -> (i32, i32) {
    %c0_i32 = arith.constant 0 : i32
    %c0_i32_0 = arith.constant 0 : i32
    return %arg0, %c0_i32 : i32, i32
  }
  func.func @transform_8(%arg0: i32) -> (i32, i32) {
    %c0_i32 = arith.constant 0 : i32
    %c0_i32_0 = arith.constant 0 : i32
    %c0_i32_1 = arith.constant 0 : i32
    return %c0_i32, %c0_i32_0 : i32, i32
  }
}

module attributes {stable_mosaic.version = 14 : i64} {
  func.func @body(%arg0: i32, %arg1: memref<2000x32xf32, #tpu.memory_space<vmem>>, %arg2: memref<2x32xf32, #tpu.memory_space<vmem>>, %arg3: memref<1x32xf32, #tpu.memory_space<vmem>>, %arg4: memref<1x32xf32, #tpu.memory_space<vmem>>, %arg5: memref<16x32xf32, #tpu.memory_space<vmem>>, %arg6: memref<1x16xf32, #tpu.memory_space<vmem>>, %arg7: memref<2000x16xf32, #tpu.memory_space<vmem>>, %arg8: memref<2x16xf32, #tpu.memory_space<vmem>>) attributes {dimension_semantics = [#tpu.dimension_semantics<arbitrary>], iteration_bounds = array<i64: 50>, scalar_prefetch = 0 : i64, scratch_operands = 0 : i64, tpu.core_type = #tpu.core_type<tc>, window_params = [{transform_indices = @transform_0, window_bounds = array<i64: 2000, 32>}, {pipeline_mode = #tpu.pipeline_mode<synchronous>, transform_indices = @transform_1, window_bounds = array<i64: 2, 32>}, {pipeline_mode = #tpu.pipeline_mode<synchronous>, transform_indices = @transform_2, window_bounds = array<i64: 1, 32>}, {pipeline_mode = #tpu.pipeline_mode<synchronous>, transform_indices = @transform_3, window_bounds = array<i64: 1, 32>}, {pipeline_mode = #tpu.pipeline_mode<synchronous>, transform_indices = @transform_4, window_bounds = array<i64: 16, 32>}, {pipeline_mode = #tpu.pipeline_mode<synchronous>, transform_indices = @transform_5, window_bounds = array<i64: 1, 16>}, {transform_indices = @transform_6, window_bounds = array<i64: 2000, 16>}, {pipeline_mode = #tpu.pipeline_mode<synchronous>, transform_indices = @transform_7, window_bounds = array<i64: 2, 16>}]} {
    %get3A = arith.constant 0 : index
    %get3A_0 = arith.constant 0 : index
    %get3A_1 = vector.load %arg2[%get3A, %get3A_0] : memref<2x32xf32, #tpu.memory_space<vmem>>, vector<2x32xf32>
    %slice3A = vector.extract_strided_slice %get3A_1 {offsets = [0, 0], sizes = [1, 32], strides = [1, 1]} : vector<2x32xf32> to vector<1x32xf32>
    %squeeze3A = vector.shape_cast %slice3A : vector<1x32xf32> to vector<32xf32>
    %mul3A = arith.constant 9.99999974E-6 : f32
    %mul3A_2 = vector.broadcast %mul3A : f32 to vector<32xf32>
    %mul3A_3 = arith.mulf %squeeze3A, %mul3A_2 : vector<32xf32>
    %slice3A_4 = vector.extract_strided_slice %get3A_1 {offsets = [1, 0], sizes = [1, 32], strides = [1, 1]} : vector<2x32xf32> to vector<1x32xf32>
    %squeeze3A_5 = vector.shape_cast %slice3A_4 : vector<1x32xf32> to vector<32xf32>
    %mul3A_6 = arith.constant 9.99999974E-6 : f32
    %mul3A_7 = vector.broadcast %mul3A_6 : f32 to vector<32xf32>
    %mul3A_8 = arith.mulf %squeeze3A_5, %mul3A_7 : vector<32xf32>
    %mul3A_9 = arith.mulf %mul3A_3, %mul3A_3 : vector<32xf32>
    %sub3A = arith.subf %mul3A_8, %mul3A_9 : vector<32xf32>
    %broadcast_in_dim3A = vector.shape_cast %mul3A_3 : vector<32xf32> to vector<1x32xf32>
    %broadcast_in_dim3A_10 = vector.shape_cast %sub3A : vector<32xf32> to vector<1x32xf32>
    %get3A_11 = arith.constant 0 : index
    %get3A_12 = arith.constant 0 : index
    %get3A_13 = vector.load %arg1[%get3A_11, %get3A_12] : memref<2000x32xf32, #tpu.memory_space<vmem>>, vector<2000x32xf32>
    %get3A_14 = arith.constant 0 : index
    %get3A_15 = arith.constant 0 : index
    %get3A_16 = vector.load %arg3[%get3A_14, %get3A_15] : memref<1x32xf32, #tpu.memory_space<vmem>>, vector<1x32xf32>
    %get3A_17 = arith.constant 0 : index
    %get3A_18 = arith.constant 0 : index
    %get3A_19 = vector.load %arg4[%get3A_17, %get3A_18] : memref<1x32xf32, #tpu.memory_space<vmem>>, vector<1x32xf32>
    %sub3A_20 = vector.broadcast %broadcast_in_dim3A : vector<1x32xf32> to vector<2000x32xf32>
    %sub3A_21 = arith.subf %get3A_13, %sub3A_20 : vector<2000x32xf32>
    %add3A = arith.constant 9.99999974E-6 : f32
    %add3A_22 = vector.broadcast %add3A : f32 to vector<1x32xf32>
    %add3A_23 = arith.addf %broadcast_in_dim3A_10, %add3A_22 : vector<1x32xf32>
    %rsqrt3A = math.rsqrt %add3A_23 : vector<1x32xf32>
    %mul3A_24 = vector.broadcast %rsqrt3A : vector<1x32xf32> to vector<2000x32xf32>
    %mul3A_25 = arith.mulf %sub3A_21, %mul3A_24 : vector<2000x32xf32>
    %mul3A_26 = vector.broadcast %get3A_16 : vector<1x32xf32> to vector<2000x32xf32>
    %mul3A_27 = arith.mulf %mul3A_25, %mul3A_26 : vector<2000x32xf32>
    %add3A_28 = vector.broadcast %get3A_19 : vector<1x32xf32> to vector<2000x32xf32>
    %add3A_29 = arith.addf %mul3A_27, %add3A_28 : vector<2000x32xf32>
    %ge3A = arith.constant 0.000000e+00 : f32
    %ge3A_30 = vector.broadcast %ge3A : f32 to vector<2000x32xf32>
    %ge3A_31 = arith.cmpf oge, %add3A_29, %ge3A_30 : vector<2000x32xf32>
    %mul3A_32 = arith.constant 1.000000e-01 : f32
    %mul3A_33 = vector.broadcast %mul3A_32 : f32 to vector<2000x32xf32>
    %mul3A_34 = arith.mulf %mul3A_33, %add3A_29 : vector<2000x32xf32>
    %select_n3A = arith.select %ge3A_31, %add3A_29, %mul3A_34 : vector<2000x32xi1>, vector<2000x32xf32>
    %convert_element_type3A = arith.truncf %select_n3A : vector<2000x32xf32> to vector<2000x32xbf16>
    %get3A_35 = arith.constant 0 : index
    %get3A_36 = arith.constant 0 : index
    %get3A_37 = vector.load %arg5[%get3A_35, %get3A_36] : memref<16x32xf32, #tpu.memory_space<vmem>>, vector<16x32xf32>
    %transpose3A = tpu.transpose %get3A_37, [1, 0] : vector<16x32xf32> -> vector<32x16xf32>
    %convert_element_type3A_38 = arith.truncf %transpose3A : vector<32x16xf32> to vector<32x16xbf16>
    %dot_general3A = arith.constant dense<0.000000e+00> : vector<2000x16xf32>
    %dot_general3A_39 = tpu.matmul %convert_element_type3A, %convert_element_type3A_38, %dot_general3A {dimension_numbers = #tpu.dot_dimension_numbers<[1], [0], [0], [1], [0, 0, 1, 1], [], []>, transpose_lhs_hint = false} : vector<2000x32xbf16>, vector<32x16xbf16>, vector<2000x16xf32> -> vector<2000x16xf32>
    %get3A_40 = arith.constant 0 : index
    %get3A_41 = arith.constant 0 : index
    %get3A_42 = vector.load %arg6[%get3A_40, %get3A_41] : memref<1x16xf32, #tpu.memory_space<vmem>>, vector<1x16xf32>
    %add3A_43 = vector.broadcast %get3A_42 : vector<1x16xf32> to vector<2000x16xf32>
    %add3A_44 = arith.addf %dot_general3A_39, %add3A_43 : vector<2000x16xf32>
    %swap3A = arith.constant 0 : index
    %swap3A_45 = arith.constant 0 : index
    %swap3A_46 = vector.load %arg7[%swap3A, %swap3A_45] : memref<2000x16xf32, #tpu.memory_space<vmem>>, vector<2000x16xf32>
    tpu.vector_store %arg7[%swap3A, %swap3A_45], %add3A_44 {strides = array<i32>} : memref<2000x16xf32, #tpu.memory_space<vmem>>, vector<2000x16xf32>,
    %reduce_sum3A = arith.constant dense<0.000000e+00> : vector<16xf32>
    %reduce_sum3A_47 = vector.multi_reduction <add>, %add3A_44, %reduce_sum3A [0] : vector<2000x16xf32> to vector<16xf32>
    %mul3A_48 = arith.mulf %add3A_44, %add3A_44 : vector<2000x16xf32>
    %reduce_sum3A_49 = arith.constant dense<0.000000e+00> : vector<16xf32>
    %reduce_sum3A_50 = vector.multi_reduction <add>, %mul3A_48, %reduce_sum3A_49 [0] : vector<2000x16xf32> to vector<16xf32>
    %stack3A = vector.shape_cast %reduce_sum3A_47 : vector<16xf32> to vector<1x16xf32>
    %stack3A_51 = vector.shape_cast %reduce_sum3A_50 : vector<16xf32> to vector<1x16xf32>
    %stack3A_52 = tpu.concatenate %stack3A, %stack3A_51 in 0 : vector<1x16xf32>, vector<1x16xf32> -> vector<2x16xf32>
    %eq3A = arith.constant 0 : i32
    %eq3A_53 = arith.cmpi eq, %arg0, %eq3A : i32
    %convert_element_type3A_54 = arith.extui %eq3A_53 : i1 to i32
    %cond3A = arith.constant 0 : i32
    %cond3A_55 = arith.cmpi ne, %convert_element_type3A_54, %cond3A : i32
    scf.if %cond3A_55 {
      %swap3A_60 = arith.constant 0 : index
      %swap3A_61 = arith.constant 0 : index
      %swap3A_62 = vector.load %arg8[%swap3A_60, %swap3A_61] : memref<2x16xf32, #tpu.memory_space<vmem>>, vector<2x16xf32>
      tpu.vector_store %arg8[%swap3A_60, %swap3A_61], %stack3A_52 {strides = array<i32>} : memref<2x16xf32, #tpu.memory_space<vmem>>, vector<2x16xf32>,
    } else {
    }
    %gt3A = arith.constant 0 : i32
    %gt3A_56 = arith.cmpi sgt, %arg0, %gt3A : i32
    %convert_element_type3A_57 = arith.extui %gt3A_56 : i1 to i32
    %cond3A_58 = arith.constant 0 : i32
    %cond3A_59 = arith.cmpi ne, %convert_element_type3A_57, %cond3A_58 : i32
    scf.if %cond3A_59 {
      %get3A_60 = arith.constant 0 : index
      %get3A_61 = arith.constant 0 : index
      %get3A_62 = vector.load %arg8[%get3A_60, %get3A_61] : memref<2x16xf32, #tpu.memory_space<vmem>>, vector<2x16xf32>
      %add3A_63 = arith.addf %get3A_62, %stack3A_52 : vector<2x16xf32>
      %swap3A_64 = arith.constant 0 : index
      %swap3A_65 = arith.constant 0 : index
      %swap3A_66 = vector.load %arg8[%swap3A_64, %swap3A_65] : memref<2x16xf32, #tpu.memory_space<vmem>>, vector<2x16xf32>
      tpu.vector_store %arg8[%swap3A_64, %swap3A_65], %add3A_63 {strides = array<i32>} : memref<2x16xf32, #tpu.memory_space<vmem>>, vector<2x16xf32>,
    } else {
    }
    return
  }
  func.func @transform_0(%arg0: i32) -> (i32, i32) {
    %c0_i32 = arith.constant 0 : i32
    %c0_i32_0 = arith.constant 0 : i32
    return %arg0, %c0_i32 : i32, i32
  }
  func.func @transform_1(%arg0: i32) -> (i32, i32) {
    %c0_i32 = arith.constant 0 : i32
    %c0_i32_0 = arith.constant 0 : i32
    %c0_i32_1 = arith.constant 0 : i32
    return %c0_i32, %c0_i32_0 : i32, i32
  }
  func.func @transform_2(%arg0: i32) -> (i32, i32) {
    %c0_i32 = arith.constant 0 : i32
    %c0_i32_0 = arith.constant 0 : i32
    %c0_i32_1 = arith.constant 0 : i32
    return %c0_i32, %c0_i32_0 : i32, i32
  }
  func.func @transform_3(%arg0: i32) -> (i32, i32) {
    %c0_i32 = arith.constant 0 : i32
    %c0_i32_0 = arith.constant 0 : i32
    %c0_i32_1 = arith.constant 0 : i32
    return %c0_i32, %c0_i32_0 : i32, i32
  }
  func.func @transform_4(%arg0: i32) -> (i32, i32) {
    %c0_i32 = arith.constant 0 : i32
    %c0_i32_0 = arith.constant 0 : i32
    %c0_i32_1 = arith.constant 0 : i32
    return %c0_i32, %c0_i32_0 : i32, i32
  }
  func.func @transform_5(%arg0: i32) -> (i32, i32) {
    %c0_i32 = arith.constant 0 : i32
    %c0_i32_0 = arith.constant 0 : i32
    %c0_i32_1 = arith.constant 0 : i32
    return %c0_i32, %c0_i32_0 : i32, i32
  }
  func.func @transform_6(%arg0: i32) -> (i32, i32) {
    %c0_i32 = arith.constant 0 : i32
    %c0_i32_0 = arith.constant 0 : i32
    return %arg0, %c0_i32 : i32, i32
  }
  func.func @transform_7(%arg0: i32) -> (i32, i32) {
    %c0_i32 = arith.constant 0 : i32
    %c0_i32_0 = arith.constant 0 : i32
    %c0_i32_1 = arith.constant 0 : i32
    return %c0_i32, %c0_i32_0 : i32, i32
  }
}

module attributes {stable_mosaic.version = 14 : i64} {
  func.func @body(%arg0: i32, %arg1: memref<2000x16xf32, #tpu.memory_space<vmem>>, %arg2: memref<2x16xf32, #tpu.memory_space<vmem>>, %arg3: memref<1x16xf32, #tpu.memory_space<vmem>>, %arg4: memref<1x16xf32, #tpu.memory_space<vmem>>, %arg5: memref<8x16xf32, #tpu.memory_space<vmem>>, %arg6: memref<1x8xf32, #tpu.memory_space<vmem>>, %arg7: memref<2000x8xf32, #tpu.memory_space<vmem>>, %arg8: memref<2x8xf32, #tpu.memory_space<vmem>>) attributes {dimension_semantics = [#tpu.dimension_semantics<arbitrary>], iteration_bounds = array<i64: 50>, scalar_prefetch = 0 : i64, scratch_operands = 0 : i64, tpu.core_type = #tpu.core_type<tc>, window_params = [{transform_indices = @transform_0, window_bounds = array<i64: 2000, 16>}, {pipeline_mode = #tpu.pipeline_mode<synchronous>, transform_indices = @transform_1, window_bounds = array<i64: 2, 16>}, {pipeline_mode = #tpu.pipeline_mode<synchronous>, transform_indices = @transform_2, window_bounds = array<i64: 1, 16>}, {pipeline_mode = #tpu.pipeline_mode<synchronous>, transform_indices = @transform_3, window_bounds = array<i64: 1, 16>}, {pipeline_mode = #tpu.pipeline_mode<synchronous>, transform_indices = @transform_4, window_bounds = array<i64: 8, 16>}, {pipeline_mode = #tpu.pipeline_mode<synchronous>, transform_indices = @transform_5, window_bounds = array<i64: 1, 8>}, {transform_indices = @transform_6, window_bounds = array<i64: 2000, 8>}, {pipeline_mode = #tpu.pipeline_mode<synchronous>, transform_indices = @transform_7, window_bounds = array<i64: 2, 8>}]} {
    %get3A = arith.constant 0 : index
    %get3A_0 = arith.constant 0 : index
    %get3A_1 = vector.load %arg2[%get3A, %get3A_0] : memref<2x16xf32, #tpu.memory_space<vmem>>, vector<2x16xf32>
    %slice3A = vector.extract_strided_slice %get3A_1 {offsets = [0, 0], sizes = [1, 16], strides = [1, 1]} : vector<2x16xf32> to vector<1x16xf32>
    %squeeze3A = vector.shape_cast %slice3A : vector<1x16xf32> to vector<16xf32>
    %mul3A = arith.constant 9.99999974E-6 : f32
    %mul3A_2 = vector.broadcast %mul3A : f32 to vector<16xf32>
    %mul3A_3 = arith.mulf %squeeze3A, %mul3A_2 : vector<16xf32>
    %slice3A_4 = vector.extract_strided_slice %get3A_1 {offsets = [1, 0], sizes = [1, 16], strides = [1, 1]} : vector<2x16xf32> to vector<1x16xf32>
    %squeeze3A_5 = vector.shape_cast %slice3A_4 : vector<1x16xf32> to vector<16xf32>
    %mul3A_6 = arith.constant 9.99999974E-6 : f32
    %mul3A_7 = vector.broadcast %mul3A_6 : f32 to vector<16xf32>
    %mul3A_8 = arith.mulf %squeeze3A_5, %mul3A_7 : vector<16xf32>
    %mul3A_9 = arith.mulf %mul3A_3, %mul3A_3 : vector<16xf32>
    %sub3A = arith.subf %mul3A_8, %mul3A_9 : vector<16xf32>
    %broadcast_in_dim3A = vector.shape_cast %mul3A_3 : vector<16xf32> to vector<1x16xf32>
    %broadcast_in_dim3A_10 = vector.shape_cast %sub3A : vector<16xf32> to vector<1x16xf32>
    %get3A_11 = arith.constant 0 : index
    %get3A_12 = arith.constant 0 : index
    %get3A_13 = vector.load %arg1[%get3A_11, %get3A_12] : memref<2000x16xf32, #tpu.memory_space<vmem>>, vector<2000x16xf32>
    %get3A_14 = arith.constant 0 : index
    %get3A_15 = arith.constant 0 : index
    %get3A_16 = vector.load %arg3[%get3A_14, %get3A_15] : memref<1x16xf32, #tpu.memory_space<vmem>>, vector<1x16xf32>
    %get3A_17 = arith.constant 0 : index
    %get3A_18 = arith.constant 0 : index
    %get3A_19 = vector.load %arg4[%get3A_17, %get3A_18] : memref<1x16xf32, #tpu.memory_space<vmem>>, vector<1x16xf32>
    %sub3A_20 = vector.broadcast %broadcast_in_dim3A : vector<1x16xf32> to vector<2000x16xf32>
    %sub3A_21 = arith.subf %get3A_13, %sub3A_20 : vector<2000x16xf32>
    %add3A = arith.constant 9.99999974E-6 : f32
    %add3A_22 = vector.broadcast %add3A : f32 to vector<1x16xf32>
    %add3A_23 = arith.addf %broadcast_in_dim3A_10, %add3A_22 : vector<1x16xf32>
    %rsqrt3A = math.rsqrt %add3A_23 : vector<1x16xf32>
    %mul3A_24 = vector.broadcast %rsqrt3A : vector<1x16xf32> to vector<2000x16xf32>
    %mul3A_25 = arith.mulf %sub3A_21, %mul3A_24 : vector<2000x16xf32>
    %mul3A_26 = vector.broadcast %get3A_16 : vector<1x16xf32> to vector<2000x16xf32>
    %mul3A_27 = arith.mulf %mul3A_25, %mul3A_26 : vector<2000x16xf32>
    %add3A_28 = vector.broadcast %get3A_19 : vector<1x16xf32> to vector<2000x16xf32>
    %add3A_29 = arith.addf %mul3A_27, %add3A_28 : vector<2000x16xf32>
    %ge3A = arith.constant 0.000000e+00 : f32
    %ge3A_30 = vector.broadcast %ge3A : f32 to vector<2000x16xf32>
    %ge3A_31 = arith.cmpf oge, %add3A_29, %ge3A_30 : vector<2000x16xf32>
    %mul3A_32 = arith.constant 1.000000e-01 : f32
    %mul3A_33 = vector.broadcast %mul3A_32 : f32 to vector<2000x16xf32>
    %mul3A_34 = arith.mulf %mul3A_33, %add3A_29 : vector<2000x16xf32>
    %select_n3A = arith.select %ge3A_31, %add3A_29, %mul3A_34 : vector<2000x16xi1>, vector<2000x16xf32>
    %convert_element_type3A = arith.truncf %select_n3A : vector<2000x16xf32> to vector<2000x16xbf16>
    %get3A_35 = arith.constant 0 : index
    %get3A_36 = arith.constant 0 : index
    %get3A_37 = vector.load %arg5[%get3A_35, %get3A_36] : memref<8x16xf32, #tpu.memory_space<vmem>>, vector<8x16xf32>
    %transpose3A = tpu.transpose %get3A_37, [1, 0] : vector<8x16xf32> -> vector<16x8xf32>
    %convert_element_type3A_38 = arith.truncf %transpose3A : vector<16x8xf32> to vector<16x8xbf16>
    %dot_general3A = arith.constant dense<0.000000e+00> : vector<2000x8xf32>
    %dot_general3A_39 = tpu.matmul %convert_element_type3A, %convert_element_type3A_38, %dot_general3A {dimension_numbers = #tpu.dot_dimension_numbers<[1], [0], [0], [1], [0, 0, 1, 1], [], []>, transpose_lhs_hint = false} : vector<2000x16xbf16>, vector<16x8xbf16>, vector<2000x8xf32> -> vector<2000x8xf32>
    %get3A_40 = arith.constant 0 : index
    %get3A_41 = arith.constant 0 : index
    %get3A_42 = vector.load %arg6[%get3A_40, %get3A_41] : memref<1x8xf32, #tpu.memory_space<vmem>>, vector<1x8xf32>
    %add3A_43 = vector.broadcast %get3A_42 : vector<1x8xf32> to vector<2000x8xf32>
    %add3A_44 = arith.addf %dot_general3A_39, %add3A_43 : vector<2000x8xf32>
    %swap3A = arith.constant 0 : index
    %swap3A_45 = arith.constant 0 : index
    %swap3A_46 = vector.load %arg7[%swap3A, %swap3A_45] : memref<2000x8xf32, #tpu.memory_space<vmem>>, vector<2000x8xf32>
    tpu.vector_store %arg7[%swap3A, %swap3A_45], %add3A_44 {strides = array<i32>} : memref<2000x8xf32, #tpu.memory_space<vmem>>, vector<2000x8xf32>,
    %reduce_sum3A = arith.constant dense<0.000000e+00> : vector<8xf32>
    %reduce_sum3A_47 = vector.multi_reduction <add>, %add3A_44, %reduce_sum3A [0] : vector<2000x8xf32> to vector<8xf32>
    %mul3A_48 = arith.mulf %add3A_44, %add3A_44 : vector<2000x8xf32>
    %reduce_sum3A_49 = arith.constant dense<0.000000e+00> : vector<8xf32>
    %reduce_sum3A_50 = vector.multi_reduction <add>, %mul3A_48, %reduce_sum3A_49 [0] : vector<2000x8xf32> to vector<8xf32>
    %stack3A = vector.shape_cast %reduce_sum3A_47 : vector<8xf32> to vector<1x8xf32>
    %stack3A_51 = vector.shape_cast %reduce_sum3A_50 : vector<8xf32> to vector<1x8xf32>
    %stack3A_52 = tpu.concatenate %stack3A, %stack3A_51 in 0 : vector<1x8xf32>, vector<1x8xf32> -> vector<2x8xf32>
    %eq3A = arith.constant 0 : i32
    %eq3A_53 = arith.cmpi eq, %arg0, %eq3A : i32
    %convert_element_type3A_54 = arith.extui %eq3A_53 : i1 to i32
    %cond3A = arith.constant 0 : i32
    %cond3A_55 = arith.cmpi ne, %convert_element_type3A_54, %cond3A : i32
    scf.if %cond3A_55 {
      %swap3A_60 = arith.constant 0 : index
      %swap3A_61 = arith.constant 0 : index
      %swap3A_62 = vector.load %arg8[%swap3A_60, %swap3A_61] : memref<2x8xf32, #tpu.memory_space<vmem>>, vector<2x8xf32>
      tpu.vector_store %arg8[%swap3A_60, %swap3A_61], %stack3A_52 {strides = array<i32>} : memref<2x8xf32, #tpu.memory_space<vmem>>, vector<2x8xf32>,
    } else {
    }
    %gt3A = arith.constant 0 : i32
    %gt3A_56 = arith.cmpi sgt, %arg0, %gt3A : i32
    %convert_element_type3A_57 = arith.extui %gt3A_56 : i1 to i32
    %cond3A_58 = arith.constant 0 : i32
    %cond3A_59 = arith.cmpi ne, %convert_element_type3A_57, %cond3A_58 : i32
    scf.if %cond3A_59 {
      %get3A_60 = arith.constant 0 : index
      %get3A_61 = arith.constant 0 : index
      %get3A_62 = vector.load %arg8[%get3A_60, %get3A_61] : memref<2x8xf32, #tpu.memory_space<vmem>>, vector<2x8xf32>
      %add3A_63 = arith.addf %get3A_62, %stack3A_52 : vector<2x8xf32>
      %swap3A_64 = arith.constant 0 : index
      %swap3A_65 = arith.constant 0 : index
      %swap3A_66 = vector.load %arg8[%swap3A_64, %swap3A_65] : memref<2x8xf32, #tpu.memory_space<vmem>>, vector<2x8xf32>
      tpu.vector_store %arg8[%swap3A_64, %swap3A_65], %add3A_63 {strides = array<i32>} : memref<2x8xf32, #tpu.memory_space<vmem>>, vector<2x8xf32>,
    } else {
    }
    return
  }
  func.func @transform_0(%arg0: i32) -> (i32, i32) {
    %c0_i32 = arith.constant 0 : i32
    %c0_i32_0 = arith.constant 0 : i32
    return %arg0, %c0_i32 : i32, i32
  }
  func.func @transform_1(%arg0: i32) -> (i32, i32) {
    %c0_i32 = arith.constant 0 : i32
    %c0_i32_0 = arith.constant 0 : i32
    %c0_i32_1 = arith.constant 0 : i32
    return %c0_i32, %c0_i32_0 : i32, i32
  }
  func.func @transform_2(%arg0: i32) -> (i32, i32) {
    %c0_i32 = arith.constant 0 : i32
    %c0_i32_0 = arith.constant 0 : i32
    %c0_i32_1 = arith.constant 0 : i32
    return %c0_i32, %c0_i32_0 : i32, i32
  }
  func.func @transform_3(%arg0: i32) -> (i32, i32) {
    %c0_i32 = arith.constant 0 : i32
    %c0_i32_0 = arith.constant 0 : i32
    %c0_i32_1 = arith.constant 0 : i32
    return %c0_i32, %c0_i32_0 : i32, i32
  }
  func.func @transform_4(%arg0: i32) -> (i32, i32) {
    %c0_i32 = arith.constant 0 : i32
    %c0_i32_0 = arith.constant 0 : i32
    %c0_i32_1 = arith.constant 0 : i32
    return %c0_i32, %c0_i32_0 : i32, i32
  }
  func.func @transform_5(%arg0: i32) -> (i32, i32) {
    %c0_i32 = arith.constant 0 : i32
    %c0_i32_0 = arith.constant 0 : i32
    %c0_i32_1 = arith.constant 0 : i32
    return %c0_i32, %c0_i32_0 : i32, i32
  }
  func.func @transform_6(%arg0: i32) -> (i32, i32) {
    %c0_i32 = arith.constant 0 : i32
    %c0_i32_0 = arith.constant 0 : i32
    return %arg0, %c0_i32 : i32, i32
  }
  func.func @transform_7(%arg0: i32) -> (i32, i32) {
    %c0_i32 = arith.constant 0 : i32
    %c0_i32_0 = arith.constant 0 : i32
    %c0_i32_1 = arith.constant 0 : i32
    return %c0_i32, %c0_i32_0 : i32, i32
  }
}

module attributes {stable_mosaic.version = 14 : i64} {
  func.func @body(%arg0: memref<6250x128xf32, #tpu.memory_space<vmem>>, %arg1: memref<2x8xf32, #tpu.memory_space<vmem>>, %arg2: memref<8x128xf32, #tpu.memory_space<vmem>>, %arg3: memref<1x128xf32, #tpu.memory_space<vmem>>, %arg4: memref<1x128xf32, #tpu.memory_space<vmem>>, %arg5: memref<6256x128xf32, #tpu.memory_space<vmem>>) attributes {dimension_semantics = [], scalar_prefetch = 0 : i64, scratch_operands = 0 : i64, tpu.core_type = #tpu.core_type<tc>} {
    %get3A = arith.constant 0 : index
    %get3A_0 = arith.constant 0 : index
    %get3A_1 = vector.load %arg1[%get3A, %get3A_0] : memref<2x8xf32, #tpu.memory_space<vmem>>, vector<2x8xf32>
    %get3A_2 = arith.constant 0 : index
    %get3A_3 = arith.constant 0 : index
    %get3A_4 = vector.load %arg2[%get3A_2, %get3A_3] : memref<8x128xf32, #tpu.memory_space<vmem>>, vector<8x128xf32>
    %dot_general3A = arith.constant dense<0.000000e+00> : vector<2x128xf32>
    %dot_general3A_5 = tpu.matmul %get3A_1, %get3A_4, %dot_general3A {dimension_numbers = #tpu.dot_dimension_numbers<[1], [0], [0], [1], [0, 0, 1, 1], [], []>, transpose_lhs_hint = false} : vector<2x8xf32>, vector<8x128xf32>, vector<2x128xf32> -> vector<2x128xf32>
    %slice3A = vector.extract_strided_slice %dot_general3A_5 {offsets = [0, 0], sizes = [1, 128], strides = [1, 1]} : vector<2x128xf32> to vector<1x128xf32>
    %squeeze3A = vector.shape_cast %slice3A : vector<1x128xf32> to vector<128xf32>
    %mul3A = arith.constant 9.99999974E-6 : f32
    %mul3A_6 = vector.broadcast %mul3A : f32 to vector<128xf32>
    %mul3A_7 = arith.mulf %squeeze3A, %mul3A_6 : vector<128xf32>
    %slice3A_8 = vector.extract_strided_slice %dot_general3A_5 {offsets = [1, 0], sizes = [1, 128], strides = [1, 1]} : vector<2x128xf32> to vector<1x128xf32>
    %squeeze3A_9 = vector.shape_cast %slice3A_8 : vector<1x128xf32> to vector<128xf32>
    %mul3A_10 = arith.constant 9.99999974E-6 : f32
    %mul3A_11 = vector.broadcast %mul3A_10 : f32 to vector<128xf32>
    %mul3A_12 = arith.mulf %squeeze3A_9, %mul3A_11 : vector<128xf32>
    %mul3A_13 = arith.mulf %mul3A_7, %mul3A_7 : vector<128xf32>
    %sub3A = arith.subf %mul3A_12, %mul3A_13 : vector<128xf32>
    %get3A_14 = arith.constant 0 : index
    %get3A_15 = arith.constant 0 : index
    %get3A_16 = vector.load %arg0[%get3A_14, %get3A_15] : memref<6250x128xf32, #tpu.memory_space<vmem>>, vector<6250x128xf32>
    %broadcast_in_dim3A = vector.shape_cast %mul3A_7 : vector<128xf32> to vector<1x128xf32>
    %broadcast_in_dim3A_17 = vector.shape_cast %sub3A : vector<128xf32> to vector<1x128xf32>
    %get3A_18 = arith.constant 0 : index
    %get3A_19 = arith.constant 0 : index
    %get3A_20 = vector.load %arg3[%get3A_18, %get3A_19] : memref<1x128xf32, #tpu.memory_space<vmem>>, vector<1x128xf32>
    %get3A_21 = arith.constant 0 : index
    %get3A_22 = arith.constant 0 : index
    %get3A_23 = vector.load %arg4[%get3A_21, %get3A_22] : memref<1x128xf32, #tpu.memory_space<vmem>>, vector<1x128xf32>
    %sub3A_24 = vector.broadcast %broadcast_in_dim3A : vector<1x128xf32> to vector<6250x128xf32>
    %sub3A_25 = arith.subf %get3A_16, %sub3A_24 : vector<6250x128xf32>
    %add3A = arith.constant 9.99999974E-6 : f32
    %add3A_26 = vector.broadcast %add3A : f32 to vector<1x128xf32>
    %add3A_27 = arith.addf %broadcast_in_dim3A_17, %add3A_26 : vector<1x128xf32>
    %rsqrt3A = math.rsqrt %add3A_27 : vector<1x128xf32>
    %mul3A_28 = vector.broadcast %rsqrt3A : vector<1x128xf32> to vector<6250x128xf32>
    %mul3A_29 = arith.mulf %sub3A_25, %mul3A_28 : vector<6250x128xf32>
    %mul3A_30 = vector.broadcast %get3A_20 : vector<1x128xf32> to vector<6250x128xf32>
    %mul3A_31 = arith.mulf %mul3A_29, %mul3A_30 : vector<6250x128xf32>
    %add3A_32 = vector.broadcast %get3A_23 : vector<1x128xf32> to vector<6250x128xf32>
    %add3A_33 = arith.addf %mul3A_31, %add3A_32 : vector<6250x128xf32>
    %ge3A = arith.constant 0.000000e+00 : f32
    %ge3A_34 = vector.broadcast %ge3A : f32 to vector<6250x128xf32>
    %ge3A_35 = arith.cmpf oge, %add3A_33, %ge3A_34 : vector<6250x128xf32>
    %mul3A_36 = arith.constant 1.000000e-01 : f32
    %mul3A_37 = vector.broadcast %mul3A_36 : f32 to vector<6250x128xf32>
    %mul3A_38 = arith.mulf %mul3A_37, %add3A_33 : vector<6250x128xf32>
    %select_n3A = arith.select %ge3A_35, %add3A_33, %mul3A_38 : vector<6250x128xi1>, vector<6250x128xf32>
    %broadcast_in_dim3A_39 = arith.constant 0.000000e+00 : f32
    %broadcast_in_dim3A_40 = vector.broadcast %broadcast_in_dim3A_39 : f32 to vector<6x128xf32>
    %concatenate3A = tpu.concatenate %select_n3A, %broadcast_in_dim3A_40 in 0 : vector<6250x128xf32>, vector<6x128xf32> -> vector<6256x128xf32>
    %swap3A = arith.constant 0 : index
    %swap3A_41 = arith.constant 0 : index
    %swap3A_42 = vector.load %arg5[%swap3A, %swap3A_41] : memref<6256x128xf32, #tpu.memory_space<vmem>>, vector<6256x128xf32>
    tpu.vector_store %arg5[%swap3A, %swap3A_41], %concatenate3A {strides = array<i32>} : memref<6256x128xf32, #tpu.memory_space<vmem>>, vector<6256x128xf32>,
    return
  }
}

module attributes {stable_mosaic.version = 14 : i64} {
  func.func @body(%arg0: memref<6256x128xf32, #tpu.memory_space<vmem>>, %arg1: memref<2x128xf32, #tpu.memory_space<vmem>>, %arg2: memref<128x128xf32, #tpu.memory_space<vmem>>, %arg3: memref<1x128xf32, #tpu.memory_space<vmem>>, %arg4: memref<1x128xf32, #tpu.memory_space<vmem>>, %arg5: memref<6256x128xf32, #tpu.memory_space<vmem>>) attributes {dimension_semantics = [], scalar_prefetch = 0 : i64, scratch_operands = 0 : i64, tpu.core_type = #tpu.core_type<tc>} {
    %get3A = arith.constant 0 : index
    %get3A_0 = arith.constant 0 : index
    %get3A_1 = vector.load %arg1[%get3A, %get3A_0] : memref<2x128xf32, #tpu.memory_space<vmem>>, vector<2x128xf32>
    %get3A_2 = arith.constant 0 : index
    %get3A_3 = arith.constant 0 : index
    %get3A_4 = vector.load %arg2[%get3A_2, %get3A_3] : memref<128x128xf32, #tpu.memory_space<vmem>>, vector<128x128xf32>
    %dot_general3A = arith.constant dense<0.000000e+00> : vector<2x128xf32>
    %dot_general3A_5 = tpu.matmul %get3A_1, %get3A_4, %dot_general3A {dimension_numbers = #tpu.dot_dimension_numbers<[1], [0], [0], [1], [0, 0, 1, 1], [], []>, transpose_lhs_hint = false} : vector<2x128xf32>, vector<128x128xf32>, vector<2x128xf32> -> vector<2x128xf32>
    %slice3A = vector.extract_strided_slice %dot_general3A_5 {offsets = [0, 0], sizes = [1, 128], strides = [1, 1]} : vector<2x128xf32> to vector<1x128xf32>
    %squeeze3A = vector.shape_cast %slice3A : vector<1x128xf32> to vector<128xf32>
    %mul3A = arith.constant 9.99999974E-6 : f32
    %mul3A_6 = vector.broadcast %mul3A : f32 to vector<128xf32>
    %mul3A_7 = arith.mulf %squeeze3A, %mul3A_6 : vector<128xf32>
    %slice3A_8 = vector.extract_strided_slice %dot_general3A_5 {offsets = [1, 0], sizes = [1, 128], strides = [1, 1]} : vector<2x128xf32> to vector<1x128xf32>
    %squeeze3A_9 = vector.shape_cast %slice3A_8 : vector<1x128xf32> to vector<128xf32>
    %mul3A_10 = arith.constant 9.99999974E-6 : f32
    %mul3A_11 = vector.broadcast %mul3A_10 : f32 to vector<128xf32>
    %mul3A_12 = arith.mulf %squeeze3A_9, %mul3A_11 : vector<128xf32>
    %mul3A_13 = arith.mulf %mul3A_7, %mul3A_7 : vector<128xf32>
    %sub3A = arith.subf %mul3A_12, %mul3A_13 : vector<128xf32>
    %get3A_14 = arith.constant 0 : index
    %get3A_15 = arith.constant 0 : index
    %get3A_16 = vector.load %arg0[%get3A_14, %get3A_15] : memref<6256x128xf32, #tpu.memory_space<vmem>>, vector<6256x128xf32>
    %broadcast_in_dim3A = vector.shape_cast %mul3A_7 : vector<128xf32> to vector<1x128xf32>
    %broadcast_in_dim3A_17 = vector.shape_cast %sub3A : vector<128xf32> to vector<1x128xf32>
    %get3A_18 = arith.constant 0 : index
    %get3A_19 = arith.constant 0 : index
    %get3A_20 = vector.load %arg3[%get3A_18, %get3A_19] : memref<1x128xf32, #tpu.memory_space<vmem>>, vector<1x128xf32>
    %get3A_21 = arith.constant 0 : index
    %get3A_22 = arith.constant 0 : index
    %get3A_23 = vector.load %arg4[%get3A_21, %get3A_22] : memref<1x128xf32, #tpu.memory_space<vmem>>, vector<1x128xf32>
    %sub3A_24 = vector.broadcast %broadcast_in_dim3A : vector<1x128xf32> to vector<6256x128xf32>
    %sub3A_25 = arith.subf %get3A_16, %sub3A_24 : vector<6256x128xf32>
    %add3A = arith.constant 9.99999974E-6 : f32
    %add3A_26 = vector.broadcast %add3A : f32 to vector<1x128xf32>
    %add3A_27 = arith.addf %broadcast_in_dim3A_17, %add3A_26 : vector<1x128xf32>
    %rsqrt3A = math.rsqrt %add3A_27 : vector<1x128xf32>
    %mul3A_28 = vector.broadcast %rsqrt3A : vector<1x128xf32> to vector<6256x128xf32>
    %mul3A_29 = arith.mulf %sub3A_25, %mul3A_28 : vector<6256x128xf32>
    %mul3A_30 = vector.broadcast %get3A_20 : vector<1x128xf32> to vector<6256x128xf32>
    %mul3A_31 = arith.mulf %mul3A_29, %mul3A_30 : vector<6256x128xf32>
    %add3A_32 = vector.broadcast %get3A_23 : vector<1x128xf32> to vector<6256x128xf32>
    %add3A_33 = arith.addf %mul3A_31, %add3A_32 : vector<6256x128xf32>
    %ge3A = arith.constant 0.000000e+00 : f32
    %ge3A_34 = vector.broadcast %ge3A : f32 to vector<6256x128xf32>
    %ge3A_35 = arith.cmpf oge, %add3A_33, %ge3A_34 : vector<6256x128xf32>
    %mul3A_36 = arith.constant 1.000000e-01 : f32
    %mul3A_37 = vector.broadcast %mul3A_36 : f32 to vector<6256x128xf32>
    %mul3A_38 = arith.mulf %mul3A_37, %add3A_33 : vector<6256x128xf32>
    %select_n3A = arith.select %ge3A_35, %add3A_33, %mul3A_38 : vector<6256x128xi1>, vector<6256x128xf32>
    %swap3A = arith.constant 0 : index
    %swap3A_39 = arith.constant 0 : index
    %swap3A_40 = vector.load %arg5[%swap3A, %swap3A_39] : memref<6256x128xf32, #tpu.memory_space<vmem>>, vector<6256x128xf32>
    tpu.vector_store %arg5[%swap3A, %swap3A_39], %select_n3A {strides = array<i32>} : memref<6256x128xf32, #tpu.memory_space<vmem>>, vector<6256x128xf32>,
    return
  }
}

module attributes {stable_mosaic.version = 14 : i64} {
  func.func @body(%arg0: memref<2x6256x128xf32, #tpu.memory_space<vmem>>, %arg1: memref<6256x128xf32, #tpu.memory_space<vmem>>, %arg2: memref<6256x128xf32, #tpu.memory_space<vmem>>, %arg3: memref<128x128xf32, #tpu.memory_space<vmem>>, %arg4: memref<1x128xf32, #tpu.memory_space<vmem>>, %arg5: memref<128x128xf32, #tpu.memory_space<vmem>>, %arg6: memref<6256x128xf32, #tpu.memory_space<vmem>>, %arg7: memref<2x128xf32, #tpu.memory_space<vmem>>) attributes {dimension_semantics = [], scalar_prefetch = 0 : i64, scratch_operands = 0 : i64, tpu.core_type = #tpu.core_type<tc>} {
    %get3A = arith.constant 0 : index
    %get3A_0 = arith.constant 0 : index
    %get3A_1 = arith.constant 0 : index
    %get3A_2 = vector.load %arg0[%get3A, %get3A_0, %get3A_1] : memref<2x6256x128xf32, #tpu.memory_space<vmem>>, vector<1x6256x128xf32>
    %get3A_3 = vector.shape_cast %get3A_2 : vector<1x6256x128xf32> to vector<6256x128xf32>
    %get3A_4 = arith.constant 1 : index
    %get3A_5 = arith.constant 0 : index
    %get3A_6 = arith.constant 0 : index
    %get3A_7 = vector.load %arg0[%get3A_4, %get3A_5, %get3A_6] : memref<2x6256x128xf32, #tpu.memory_space<vmem>>, vector<1x6256x128xf32>
    %get3A_8 = vector.shape_cast %get3A_7 : vector<1x6256x128xf32> to vector<6256x128xf32>
    %add3A = arith.addf %get3A_3, %get3A_8 : vector<6256x128xf32>
    %get3A_9 = arith.constant 0 : index
    %get3A_10 = arith.constant 0 : index
    %get3A_11 = vector.load %arg1[%get3A_9, %get3A_10] : memref<6256x128xf32, #tpu.memory_space<vmem>>, vector<6256x128xf32>
    %mul3A = arith.mulf %add3A, %get3A_11 : vector<6256x128xf32>
    %convert_element_type3A = arith.truncf %mul3A : vector<6256x128xf32> to vector<6256x128xbf16>
    %get3A_12 = arith.constant 0 : index
    %get3A_13 = arith.constant 0 : index
    %get3A_14 = vector.load %arg3[%get3A_12, %get3A_13] : memref<128x128xf32, #tpu.memory_space<vmem>>, vector<128x128xf32>
    %convert_element_type3A_15 = arith.truncf %get3A_14 : vector<128x128xf32> to vector<128x128xbf16>
    %dot_general3A = arith.constant dense<0.000000e+00> : vector<6256x128xf32>
    %dot_general3A_16 = tpu.matmul %convert_element_type3A, %convert_element_type3A_15, %dot_general3A {dimension_numbers = #tpu.dot_dimension_numbers<[1], [0], [0], [1], [0, 0, 1, 1], [], []>, transpose_lhs_hint = false} : vector<6256x128xbf16>, vector<128x128xbf16>, vector<6256x128xf32> -> vector<6256x128xf32>
    %get3A_17 = arith.constant 0 : index
    %get3A_18 = arith.constant 0 : index
    %get3A_19 = vector.load %arg2[%get3A_17, %get3A_18] : memref<6256x128xf32, #tpu.memory_space<vmem>>, vector<6256x128xf32>
    %convert_element_type3A_20 = arith.truncf %get3A_19 : vector<6256x128xf32> to vector<6256x128xbf16>
    %get3A_21 = arith.constant 0 : index
    %get3A_22 = arith.constant 0 : index
    %get3A_23 = vector.load %arg5[%get3A_21, %get3A_22] : memref<128x128xf32, #tpu.memory_space<vmem>>, vector<128x128xf32>
    %convert_element_type3A_24 = arith.truncf %get3A_23 : vector<128x128xf32> to vector<128x128xbf16>
    %dot_general3A_25 = arith.constant dense<0.000000e+00> : vector<6256x128xf32>
    %dot_general3A_26 = tpu.matmul %convert_element_type3A_20, %convert_element_type3A_24, %dot_general3A_25 {dimension_numbers = #tpu.dot_dimension_numbers<[1], [0], [0], [1], [0, 0, 1, 1], [], []>, transpose_lhs_hint = false} : vector<6256x128xbf16>, vector<128x128xbf16>, vector<6256x128xf32> -> vector<6256x128xf32>
    %add3A_27 = arith.addf %dot_general3A_16, %dot_general3A_26 : vector<6256x128xf32>
    %get3A_28 = arith.constant 0 : index
    %get3A_29 = arith.constant 0 : index
    %get3A_30 = vector.load %arg4[%get3A_28, %get3A_29] : memref<1x128xf32, #tpu.memory_space<vmem>>, vector<1x128xf32>
    %add3A_31 = vector.broadcast %get3A_30 : vector<1x128xf32> to vector<6256x128xf32>
    %add3A_32 = arith.addf %add3A_27, %add3A_31 : vector<6256x128xf32>
    %swap3A = arith.constant 0 : index
    %swap3A_33 = arith.constant 0 : index
    %swap3A_34 = vector.load %arg6[%swap3A, %swap3A_33] : memref<6256x128xf32, #tpu.memory_space<vmem>>, vector<6256x128xf32>
    tpu.vector_store %arg6[%swap3A, %swap3A_33], %add3A_32 {strides = array<i32>} : memref<6256x128xf32, #tpu.memory_space<vmem>>, vector<6256x128xf32>,
    %iota3A = tpu.iota {dimensions = array<i32: 0>} : vector<6256x128xi32>
    %lt3A = arith.constant 6250 : i32
    %lt3A_35 = vector.broadcast %lt3A : i32 to vector<6256x128xi32>
    %lt3A_36 = arith.cmpi slt, %iota3A, %lt3A_35 : vector<6256x128xi32>
    %jit3A = arith.constant 0.000000e+00 : f32
    %broadcast_in_dim3A = vector.broadcast %jit3A : f32 to vector<6256x128xf32>
    %select_n3A = arith.select %lt3A_36, %add3A_32, %broadcast_in_dim3A : vector<6256x128xi1>, vector<6256x128xf32>
    %reduce_sum3A = arith.constant dense<0.000000e+00> : vector<128xf32>
    %reduce_sum3A_37 = vector.multi_reduction <add>, %select_n3A, %reduce_sum3A [0] : vector<6256x128xf32> to vector<128xf32>
    %mul3A_38 = arith.mulf %select_n3A, %select_n3A : vector<6256x128xf32>
    %reduce_sum3A_39 = arith.constant dense<0.000000e+00> : vector<128xf32>
    %reduce_sum3A_40 = vector.multi_reduction <add>, %mul3A_38, %reduce_sum3A_39 [0] : vector<6256x128xf32> to vector<128xf32>
    %stack3A = vector.shape_cast %reduce_sum3A_37 : vector<128xf32> to vector<1x128xf32>
    %stack3A_41 = vector.shape_cast %reduce_sum3A_40 : vector<128xf32> to vector<1x128xf32>
    %stack3A_42 = tpu.concatenate %stack3A, %stack3A_41 in 0 : vector<1x128xf32>, vector<1x128xf32> -> vector<2x128xf32>
    %swap3A_43 = arith.constant 0 : index
    %swap3A_44 = arith.constant 0 : index
    %swap3A_45 = vector.load %arg7[%swap3A_43, %swap3A_44] : memref<2x128xf32, #tpu.memory_space<vmem>>, vector<2x128xf32>
    tpu.vector_store %arg7[%swap3A_43, %swap3A_44], %stack3A_42 {strides = array<i32>} : memref<2x128xf32, #tpu.memory_space<vmem>>, vector<2x128xf32>,
    return
  }
}

module attributes {stable_mosaic.version = 14 : i64} {
  func.func @body(%arg0: memref<6256x128xf32, #tpu.memory_space<vmem>>, %arg1: memref<2x128xf32, #tpu.memory_space<vmem>>, %arg2: memref<128x128xf32, #tpu.memory_space<vmem>>, %arg3: memref<1x128xf32, #tpu.memory_space<vmem>>, %arg4: memref<1x128xf32, #tpu.memory_space<vmem>>, %arg5: memref<128x48xf32, #tpu.memory_space<vmem>>, %arg6: memref<1x48xf32, #tpu.memory_space<vmem>>, %arg7: memref<6250x48xf32, #tpu.memory_space<vmem>>) attributes {dimension_semantics = [], scalar_prefetch = 0 : i64, scratch_operands = 0 : i64, tpu.core_type = #tpu.core_type<tc>} {
    %get3A = arith.constant 0 : index
    %get3A_0 = arith.constant 0 : index
    %get3A_1 = vector.load %arg1[%get3A, %get3A_0] : memref<2x128xf32, #tpu.memory_space<vmem>>, vector<2x128xf32>
    %get3A_2 = arith.constant 0 : index
    %get3A_3 = arith.constant 0 : index
    %get3A_4 = vector.load %arg2[%get3A_2, %get3A_3] : memref<128x128xf32, #tpu.memory_space<vmem>>, vector<128x128xf32>
    %dot_general3A = arith.constant dense<0.000000e+00> : vector<2x128xf32>
    %dot_general3A_5 = tpu.matmul %get3A_1, %get3A_4, %dot_general3A {dimension_numbers = #tpu.dot_dimension_numbers<[1], [0], [0], [1], [0, 0, 1, 1], [], []>, transpose_lhs_hint = false} : vector<2x128xf32>, vector<128x128xf32>, vector<2x128xf32> -> vector<2x128xf32>
    %slice3A = vector.extract_strided_slice %dot_general3A_5 {offsets = [0, 0], sizes = [1, 128], strides = [1, 1]} : vector<2x128xf32> to vector<1x128xf32>
    %squeeze3A = vector.shape_cast %slice3A : vector<1x128xf32> to vector<128xf32>
    %mul3A = arith.constant 9.99999974E-6 : f32
    %mul3A_6 = vector.broadcast %mul3A : f32 to vector<128xf32>
    %mul3A_7 = arith.mulf %squeeze3A, %mul3A_6 : vector<128xf32>
    %slice3A_8 = vector.extract_strided_slice %dot_general3A_5 {offsets = [1, 0], sizes = [1, 128], strides = [1, 1]} : vector<2x128xf32> to vector<1x128xf32>
    %squeeze3A_9 = vector.shape_cast %slice3A_8 : vector<1x128xf32> to vector<128xf32>
    %mul3A_10 = arith.constant 9.99999974E-6 : f32
    %mul3A_11 = vector.broadcast %mul3A_10 : f32 to vector<128xf32>
    %mul3A_12 = arith.mulf %squeeze3A_9, %mul3A_11 : vector<128xf32>
    %mul3A_13 = arith.mulf %mul3A_7, %mul3A_7 : vector<128xf32>
    %sub3A = arith.subf %mul3A_12, %mul3A_13 : vector<128xf32>
    %get3A_14 = arith.constant 0 : index
    %get3A_15 = arith.constant 0 : index
    %get3A_16 = vector.load %arg0[%get3A_14, %get3A_15] : memref<6256x128xf32, #tpu.memory_space<vmem>>, vector<6256x128xf32>
    %broadcast_in_dim3A = vector.shape_cast %mul3A_7 : vector<128xf32> to vector<1x128xf32>
    %broadcast_in_dim3A_17 = vector.shape_cast %sub3A : vector<128xf32> to vector<1x128xf32>
    %get3A_18 = arith.constant 0 : index
    %get3A_19 = arith.constant 0 : index
    %get3A_20 = vector.load %arg3[%get3A_18, %get3A_19] : memref<1x128xf32, #tpu.memory_space<vmem>>, vector<1x128xf32>
    %get3A_21 = arith.constant 0 : index
    %get3A_22 = arith.constant 0 : index
    %get3A_23 = vector.load %arg4[%get3A_21, %get3A_22] : memref<1x128xf32, #tpu.memory_space<vmem>>, vector<1x128xf32>
    %sub3A_24 = vector.broadcast %broadcast_in_dim3A : vector<1x128xf32> to vector<6256x128xf32>
    %sub3A_25 = arith.subf %get3A_16, %sub3A_24 : vector<6256x128xf32>
    %add3A = arith.constant 9.99999974E-6 : f32
    %add3A_26 = vector.broadcast %add3A : f32 to vector<1x128xf32>
    %add3A_27 = arith.addf %broadcast_in_dim3A_17, %add3A_26 : vector<1x128xf32>
    %rsqrt3A = math.rsqrt %add3A_27 : vector<1x128xf32>
    %mul3A_28 = vector.broadcast %rsqrt3A : vector<1x128xf32> to vector<6256x128xf32>
    %mul3A_29 = arith.mulf %sub3A_25, %mul3A_28 : vector<6256x128xf32>
    %mul3A_30 = vector.broadcast %get3A_20 : vector<1x128xf32> to vector<6256x128xf32>
    %mul3A_31 = arith.mulf %mul3A_29, %mul3A_30 : vector<6256x128xf32>
    %add3A_32 = vector.broadcast %get3A_23 : vector<1x128xf32> to vector<6256x128xf32>
    %add3A_33 = arith.addf %mul3A_31, %add3A_32 : vector<6256x128xf32>
    %ge3A = arith.constant 0.000000e+00 : f32
    %ge3A_34 = vector.broadcast %ge3A : f32 to vector<6256x128xf32>
    %ge3A_35 = arith.cmpf oge, %add3A_33, %ge3A_34 : vector<6256x128xf32>
    %mul3A_36 = arith.constant 1.000000e-01 : f32
    %mul3A_37 = vector.broadcast %mul3A_36 : f32 to vector<6256x128xf32>
    %mul3A_38 = arith.mulf %mul3A_37, %add3A_33 : vector<6256x128xf32>
    %select_n3A = arith.select %ge3A_35, %add3A_33, %mul3A_38 : vector<6256x128xi1>, vector<6256x128xf32>
    %convert_element_type3A = arith.truncf %select_n3A : vector<6256x128xf32> to vector<6256x128xbf16>
    %get3A_39 = arith.constant 0 : index
    %get3A_40 = arith.constant 0 : index
    %get3A_41 = vector.load %arg5[%get3A_39, %get3A_40] : memref<128x48xf32, #tpu.memory_space<vmem>>, vector<128x48xf32>
    %convert_element_type3A_42 = arith.truncf %get3A_41 : vector<128x48xf32> to vector<128x48xbf16>
    %dot_general3A_43 = arith.constant dense<0.000000e+00> : vector<6256x48xf32>
    %dot_general3A_44 = tpu.matmul %convert_element_type3A, %convert_element_type3A_42, %dot_general3A_43 {dimension_numbers = #tpu.dot_dimension_numbers<[1], [0], [0], [1], [0, 0, 1, 1], [], []>, transpose_lhs_hint = false} : vector<6256x128xbf16>, vector<128x48xbf16>, vector<6256x48xf32> -> vector<6256x48xf32>
    %get3A_45 = arith.constant 0 : index
    %get3A_46 = arith.constant 0 : index
    %get3A_47 = vector.load %arg6[%get3A_45, %get3A_46] : memref<1x48xf32, #tpu.memory_space<vmem>>, vector<1x48xf32>
    %add3A_48 = vector.broadcast %get3A_47 : vector<1x48xf32> to vector<6256x48xf32>
    %add3A_49 = arith.addf %dot_general3A_44, %add3A_48 : vector<6256x48xf32>
    %slice3A_50 = vector.extract_strided_slice %add3A_49 {offsets = [0, 0], sizes = [6250, 48], strides = [1, 1]} : vector<6256x48xf32> to vector<6250x48xf32>
    %swap3A = arith.constant 0 : index
    %swap3A_51 = arith.constant 0 : index
    %swap3A_52 = vector.load %arg7[%swap3A, %swap3A_51] : memref<6250x48xf32, #tpu.memory_space<vmem>>, vector<6250x48xf32>
    tpu.vector_store %arg7[%swap3A, %swap3A_51], %slice3A_50 {strides = array<i32>} : memref<6250x48xf32, #tpu.memory_space<vmem>>, vector<6250x48xf32>,
    return
  }
}

</mosaic_0001>

<sc_bundles>
// kernel: kernel.16.cloned.1.call-start
scs
__scs_entry_jumppad:
0x0: {  	(pc) =	sbr.rel $0x88, $3  }
0x1: {  	(tag) =	ssettag $0x0;
	lr =	simm.s32 $0x1  }
0x2: {  	[smem:$0x3F80] =	sst lr;
	_ =	strace $0xD0000000  }
0x3: {  	_ = 	snop  }
0x4: {  	_ = 	snop  }
0x5: {  	_ = 	snop  }
0x6: {  	_ = 	snop  }
0x7: {  	_ = 	snop  }
__scs_overlays_trampoline_lowered:
0x8: {  	[smem:$0x3F8F] =	sst s0  }
0x9: {  	[smem:$0x3F90] =	sst s1  }
0xa: {  	[smem:$0x3F91] =	sst s2  }
0xb: {  	[smem:$0x3F92] =	sst s3  }
0xc: {  	[smem:$0x3F93] =	sst s4  }
0xd: {  	[smem:$0x3F94] =	sst s5  }
0xe: {  	[smem:$0x3F95] =	sst s6  }
0xf: {  	[smem:$0x3F96] =	sst s7  }
0x10: {  	[smem:$0x3F97] =	sst s8  }
0x11: {  	[smem:$0x3F98] =	sst s9;
	s0 =	simm.s32 @!p0 $0x0  }
0x12: {  	s1 =	sld [smem:$0x3F7E];
	s0 =	simm.s32 @p0 $0x1  }
0x13: {  	[smem:$0x3F99] =	sst s0;
	s0 =	simm.s32 @!p1 $0x0  }
0x14: {  	s2 =	sld [smem:$0x3F7D];
	s0 =	simm.s32 @p1 $0x1  }
0x15: {  	[smem:$0x3F9A] =	sst s0;
	s0 =	simm.s32 @!p2 $0x0  }
0x16: {  	s3 =	sld [smem:$0x3FDB];
	s0 =	simm.s32 @p2 $0x1  }
0x17: {  	s4 =	simm.s32 $0x1BF5;
	[smem:$0x3F9C] =	sst s0  }
0x18: {  	s0 =	sld [smem:$0x3F7F];
	_ =	swait.ge [sflag:s4], $0x0  }
0x19: {  	s7 =	sld [smem:$0x3F80]  }
0x1a: {  	s8 =	sadd.s32 $0xFFFFE003, lr  }
0x1b: {  	s9 =	sadd.s32 $0xFFFFFEF7, lr;
	s5 =	simm.s32 $0xFFFFFFFF;
	p2 =	slt.u32 s8, $0xFFFFF086  }
0x1c: {  	p1 =	slt.u32 s9, $0xF7A;
	s5 =	simm.s32 @!p2 $0x0  }
0x1d: {  	s5 =	simm.s32 @p1 $0x1;
	p0 =	seq.s32 s7, s2  }
0x1e: {  	s7 =	smul.u32 @!p0 $0xF7A, s2;
	p2 =	seq.s32 @!p0 s5, $0x0  }
0x1f: {  	s9 =	smul.u32 $0xF7A, s1;
	s8 =	simm.s32 @!p0 $0x1BF5;
	p2 =	por !p2, p0  }
0x20: {  	[sflag:s8] =	ssyncset.s32 @!p0 $0xFFFFF086;
	s6 =	sadd.s32 @!p0 s3, s7;
	s7 =	simm.s32 @!p0 $0x108  }
0x21: {  	s3 =	sadd.s32 s3, s9;
	s6 =	sadd.s32 @!p0 $0x88, s6;
	s7 =	simm.s32 @p2 $0x1082  }
0x22: {  	[simem:s7], [sflag:s8] =	dma.local @!p0 [hbm:s6], $0xF7A  }
0x23: {  	s9 =	sor.u32 $0xD0000000, s2;
	s6 =	simm.s32 $0x108;
	_ =	swait.ge @!p0 [sflag:s8], $0x0  }
0x24: {  	s3 =	sadd.s32 $0x88, s3;
	s6 =	simm.s32 @!p1 $0x1082;
	[sflag:s4] =	ssyncset.s32 $0xFFFFF086  }
0x25: {  	[simem:s6], [sflag:s4] =	dma.local [hbm:s3], $0xF7A  }
0x26: {  	[smem:$0x3F80] =	sst s1;
	(tag) =	ssettag s2;
	_ =	strace s9  }
0x27: {  	s1 =	sld [smem:$0x3F90]  }
0x28: {  	s2 =	sld [smem:$0x3F91]  }
0x29: {  	s4 =	sld [smem:$0x3F93]  }
0x2a: {  	p0 =	seq.s32 s5, $0x0;
	s5 =	sld [smem:$0x3F94]  }
0x2b: {  	s6 =	sld [smem:$0x3F95]  }
0x2c: {  	s7 =	sld [smem:$0x3F96]  }
0x2d: {  	s3 =	simm.s32 $0x108;
	s8 =	sld [smem:$0x3F97]  }
0x2e: {  	s3 =	simm.s32 @!p0 $0x1082;
	s9 =	sld [smem:$0x3F98]  }
0x2f: {  	lr =	sadd.s32 s0, s3;
	s0 =	sld [smem:$0x3F8F]  }
0x30: {  	s3 =	sld [smem:$0x3F92]  }
0x31: {  	[smem:$0x3F9B] =	sst s10  }
0x32: {  	s10 =	sld [smem:$0x3F99];
	_ =	sdelay $0x3  }
0x33: {  	p0 =	seq.s32 s10, $0x1;
	s10 =	sld [smem:$0x3F9B];
	_ =	sdelay $0x3  }
0x34: {  	[smem:$0x3F9B] =	sst s10  }
0x35: {  	s10 =	sld [smem:$0x3F9A];
	_ =	sdelay $0x3  }
0x36: {  	p1 =	seq.s32 s10, $0x1;
	s10 =	sld [smem:$0x3F9B];
	_ =	sdelay $0x3  }
0x37: {  	[smem:$0x3F9B] =	sst s10  }
0x38: {  	s10 =	sld [smem:$0x3F9C]  }
0x39: {  	_ = 	snop;
	(pc) =	sbr.ind lr, $3  }
0x3a: {  	_ = 	snop  }
0x3b: {  	_ = 	snop  }
0x3c: {  	p2 =	seq.s32 s10, $0x1;
	s10 =	sld [smem:$0x3F9B]  }
0x3d: {  	_ =	shalt  }
0x3e: {  	_ =	shalt  }
0x3f: {  	_ =	shalt  }
0x40: {  	_ =	shalt  }
0x41: {  	_ =	shalt  }
0x42: {  	_ =	shalt  }
0x43: {  	_ =	shalt  }
0x44: {  	_ =	shalt  }
0x45: {  	_ =	shalt  }
0x46: {  	_ =	shalt  }
0x47: {  	_ =	shalt  }
0x48: {  	_ =	shalt  }
0x49: {  	_ =	shalt  }
0x4a: {  	_ =	shalt  }
0x4b: {  	_ =	shalt  }
0x4c: {  	_ =	shalt  }
0x4d: {  	_ =	shalt  }
0x4e: {  	_ =	shalt  }
0x4f: {  	_ =	shalt  }
0x50: {  	_ =	shalt  }
0x51: {  	_ =	shalt  }
0x52: {  	_ =	shalt  }
0x53: {  	_ =	shalt  }
0x54: {  	_ =	shalt  }
0x55: {  	_ =	shalt  }
0x56: {  	_ =	shalt  }
0x57: {  	_ =	shalt  }
0x58: {  	_ =	shalt  }
0x59: {  	_ =	shalt  }
0x5a: {  	_ =	shalt  }
0x5b: {  	_ =	shalt  }
0x5c: {  	_ =	shalt  }
0x5d: {  	_ =	shalt  }
0x5e: {  	_ =	shalt  }
0x5f: {  	_ =	shalt  }
0x60: {  	_ =	shalt  }
0x61: {  	_ =	shalt  }
0x62: {  	_ =	shalt  }
0x63: {  	_ =	shalt  }
0x64: {  	_ =	shalt  }
0x65: {  	_ =	shalt  }
0x66: {  	_ =	shalt  }
0x67: {  	_ =	shalt  }
0x68: {  	_ =	shalt  }
0x69: {  	_ =	shalt  }
0x6a: {  	_ =	shalt  }
0x6b: {  	_ =	shalt  }
0x6c: {  	_ =	shalt  }
0x6d: {  	_ =	shalt  }
0x6e: {  	_ =	shalt  }
0x6f: {  	_ =	shalt  }
0x70: {  	_ =	shalt  }
0x71: {  	_ =	shalt  }
0x72: {  	_ =	shalt  }
0x73: {  	_ =	shalt  }
0x74: {  	_ =	shalt  }
0x75: {  	_ =	shalt  }
0x76: {  	_ =	shalt  }
0x77: {  	_ =	shalt  }
0x78: {  	_ =	shalt  }
0x79: {  	_ =	shalt  }
0x7a: {  	_ =	shalt  }
0x7b: {  	_ =	shalt  }
0x7c: {  	_ =	shalt  }
0x7d: {  	_ =	shalt  }
0x7e: {  	_ =	shalt  }
0x7f: {  	_ =	shalt  }
0x80: {  	_ =	shalt  }
0x81: {  	_ =	shalt  }
0x82: {  	_ =	shalt  }
0x83: {  	_ =	shalt  }
0x84: {  	_ =	shalt  }
0x85: {  	_ =	shalt  }
0x86: {  	_ =	shalt  }
0x87: {  	_ =	shalt  }
.Lfunc_end0:
.L_simem_size_0:
called_computation_lowered:
.L_overlay_start_0:
0x88: {  	s2 =	sld [smem:$0x3FD9]  }
0x89: {  	s3 =	sld [smem:$0x3FFE];
	_ =	sdelay $0x1  }
0x8a: {  	s1 =	srdreg.scid  }
0x8b: {  	s0 =	sand.u32 $0x1, s1  }
0x8c: {  	s17 =	sshll.u32 s0, $0xA;
	s2 =	sadd.s32 s3, s2  }
0x8d: {  	s2 =	sadd.s32 s2, s17  }
0x8e: {  	[smem:$0x3FA7] =	sst s2  }
0x8f: {  	_ = 	snop  }
0x90: {  	s2 =	sld [smem:$0x3FD0];
	(tm) =	ssettm $0x1  }
0x91: {  	s18 =	sld [smem:$0x3FFB];
	_ =	sdelay $0x3  }
0x92: {  	_ =	strace s18  }
0x93: {  	s3 =	sld [smem:$0x3FFC];
	_ =	sdelay $0x3  }
0x94: {  	_ =	strace s3  }
0x95: {  	s3 =	sld [smem:$0x3FFD];
	_ =	sdelay $0x3  }
0x96: {  	_ =	strace s3  }
0x97: {  	_ =	strace $0x8FFFFFFF  }
0x98: {  	s19 =	sld [smem:$0x3FDB];
	_ =	sdelay $0x1  }
0x99: {  	s4 =	simm.s32 $_scs_section_size  }
0x9a: {  	s5 =	simm.s32 $_size__tile_overlayer_lowered;
	s6 =	simm.s32 $_tile_overlayer_lowered  }
0x9b: {  	s22 =	simm.s32 $0x1BFF;
	s21 =	sshll.u32 s6, $0x1;
	s3 =	sadd.s32 s4, s19  }
0x9c: {  	s7 =	simm.s32 $0x0;
	s20 =	sshll.u32 s5, $0x1;
	s5 =	sadd.s32 s21, s3  }
0x9d: {  	[timem:s7], [sflag:s22] =	dma.local [hbm:s5], s20  }
0x9e: {  	_ =	swait.ge [sflag:s22], s20  }
0x9f: {  	s4 =	ssub.s32 $0x0, s20;
	[sflag:s22] =	ssyncset.done $0x0  }
0xa0: {  	[sflag:s22] =	ssyncadd.s32 s4;
	_ =	sdelay $0x1  }
0xa1: {  	s23 =	simm.s32 $0x1B8B  }
0xa2: {  	_ =	swait.ge [sflag:s23], $0x1  }
0xa3: {  	[sflag:s23] =	ssyncset.done $0x0  }
0xa4: {  	s25 =	simm.s32 $0x1B8E;
	s24 =	sld [smem:$0x3FFE];
	[sflag:s23] =	ssyncadd.s32 $0xFFFFFFFF  }
0xa5: {  	s26 =	simm.s32 $execute0_lowered;
	[smem:$0x3FD2] =	sst s25  }
0xa6: {  	s5 =	sshll.u32 s26, $0x1;
	_ =	strace $0x80000046;
	[dreg:$0x1] =	wrdreg $0xFFFFFFFF  }
0xa7: {  	s28 =	simm.s32 $_size_execute0_lowered;
	s3 =	sadd.s32 s3, s5;
	[dreg:$0x0] =	wrdreg $0x0  }
0xa8: {  	s5 =	sshll.u32 s28, $0x1;
	[dreg:$0x2] =	wrdreg s3  }
0xa9: {  	[dreg:$0x3] =	wrdreg s5  }
0xaa: {  	[dreg:$0x4] =	wrdreg $0xC0  }
0xab: {  	_ =	task [dreg:s7], $0x5FFFF  }
0xac: {  	[dreg:$0x1] =	wrdreg $0xFFFFFFFF  }
0xad: {  	[dreg:$0x0] =	wrdreg $0x60  }
0xae: {  	[dreg:$0x2] =	wrdreg s24  }
0xaf: {  	[dreg:$0x3] =	wrdreg s2  }
0xb0: {  	[dreg:$0x4] =	wrdreg $0xF8700  }
0xb1: {  	[dreg:$0x5] =	wrdreg $0x9  }
0xb2: {  	_ =	task.clear_ibuf [dreg:s7], $0x6FFFF;
	_ =	strace $0x90000046  }
0xb3: {  	s29 =	simm.s32 $0x9;
	_ =	strace $0x80000048  }
0xb4: {  	_ =	swait.ge [sflag:s29], $0x1  }
0xb5: {  	[sflag:s29] =	ssyncadd.s32 $0xFFFFFFFF  }
0xb6: {  	_ =	strace $0x90000048  }
0xb7: {  	_ =	sfence  }
0xb8: {  	s30 =	sld [smem:$0x0];
	_ =	sdelay $0x2  }
0xb9: {  	s31 =	sshll.u32 s1, $0xD;
	s1 =	sshrl.u32 s1, $0x2  }
0xba: {  	s3 =	sand.u32 $0x4000, s31;
	s1 =	sadd.s32 s1, s30  }
0xbb: {  	s0 =	sor.u32 s3, s0;
	s1 =	sshll.u32 s1, $0x11  }
0xbc: {  	s0 =	sor.u32 s1, s0  }
0xbd: {  	s0 =	sadd.s32 $0x8F2B, s0  }
0xbe: {  	[sflag:s0] =	ssyncadd.remote.s32 $0x1  }
0xbf: {  	_ =	sfence.sel $0xFFFF  }
0xc0: {  	[dreg:$0x0] =	wrdreg $0xFFFFFFFF;
	(pc) =	sbr.abs _section_cstart, $3  }
0xc1: {  	[dreg:$0x1] =	wrdreg $0xFFFFFFFF  }
0xc2: {  	_ =	task.clear_ibuf [dreg:s7], $0x2FFFF;
	_ =	strace $0x9FFFFFFF  }
0xc3: {  	(tm) =	ssettm $0x7FFFFFFF  }
tec
execute0_lowered:
.L_overlay_start_1:
0x0: {  	(tag) =	ssettag $0x1  }
0x1: {  	s1 =	srdreg.scid  }
0x2: {  	s1 =	sand.u32 $0x1, s1  }
0x3: {  	p0 =	seq.s32 s1, $0x1  }
.Ltmp0:
0x4: {  	s2 =	rddreg [dreg:$0x0];
	(pc) =	sbr.rel @p0 .LBB2_8-.Ltmp0, $4  }
0x5: {  	s5 =	rddreg [dreg:$0x1]  }
0x6: {  	s3 =	rddreg [dreg:$0x2];
	s4 =	simm.s32 $0x0  }
0x7: {  	[smem:$0x7FF] =	sst s4  }
0x8: {  	s0 =	rddreg [dreg:$0x3];
	_ =	strace $0x80000047;
	s1 =	stileid.u32  }
0x9: {  	v0 =	vimm.f32 $1.000000000e+00  }
0xa: {  	[tilespmem:$0x1C00] =	vst v0  }
0xb: {  	[tilespmem:$0x1C10] =	vst v0  }
0xc: {  	[tilespmem:$0x1C20] =	vst v0  }
0xd: {  	[tilespmem:$0x1C30] =	vst v0  }
0xe: {  	[tilespmem:$0x1C40] =	vst v0  }
0xf: {  	[tilespmem:$0x1C50] =	vst v0  }
0x10: {  	[tilespmem:$0x1C60] =	vst v0  }
0x11: {  	s7 =	simm.s32 $0x1C80;
	[tilespmem:$0x1C70] =	vst v0  }
0x12: {  	[tilespmem:s7], [sflag:$0x2] =	stream.linear.gather [hbm4b:s5+s4], $0x1870, $0x38;
	[tilespmem:$0x110E0] =	vst v63  }
0x13: {  	s6 =	smul.u32 $0x61C0, s1;
	s5 =	simm.s32 $0x2  }
0x14: {  	_ =	swait.ge [sflag:s5], $0x1870  }
0x15: {  	s8 =	smul.u32 $0x1870, s1;
	s6 =	sshrl.u32 s6, $0x2;
	[sflag:s5] =	ssyncset.done $0x0  }
0x16: {  	s9 =	sadd.s32 $0x20C00, s2;
	s6 =	sadd.s32 s6, s3;
	[sflag:s5] =	ssyncadd.s32 $0xFFFFE790  }
0x17: {  	[spmem:s6] =	stream.linear.scatter [tilespmem:s7], [sflag:$0x2], $0x1870, $0x38;
	[tilespmem:$0x110E0] =	vst v63  }
0x18: {  	s11 =	simm.s32 $0xE00;
	s12 =	simm.s32 $0x80;
	_ =	swait.ge [sflag:s5], $0x1870  }
0x19: {  	s13 =	simm.s32 $0x1C00;
	s10 =	sadd.s32 s8, s2;
	[sflag:s5] =	ssyncset.done $0x0  }
0x1a: {  	s8 =	sshll.u32 s1, $0x1;
	s7 =	sadd.s32 $0x8400, s2;
	[sflag:s5] =	ssyncadd.s32 $0xFFFFE790  }
0x1b: {  	s2 =	sadd.s32 $0x39400, s10;
	s10 =	simm.s32 $0x1;
	[bflag:$0x0] =	sbarrier.arrive $0xFFFF  }
.LBB2_2:
0x1c: {  	p0 =	sgt.u32 s4, $0x6;
	s14 =	simm.s32 $0x1;
	s15 =	sadd.s32 $0xFFFFFFF9, s4  }
0x1d: {  	s14 =	simm.s32 @!p0 $0x0;
	s15 =	smin.u32 s4, s15  }
0x1e: {  	s14 =	sor.u32 s14, s8;
	s15 =	smul.u32 $0x1C, s15  }
0x1f: {  	s14 =	smul.u32 $0xC4, s14;
	_ =	sdelay $0x1  }
0x20: {  	s14 =	sadd.s32 s15, s14  }
0x21: {  	s14 =	sshll.u32 s14, $0x4  }
0x22: {  	s16 =	simm.s32 $0x0;
	s22 =	sadd.s32 s7, s14  }
0x23: {  	[tilespmem:s16], [sflag:$0x2] =	stream.linear.gather [hbm4b:s22+s16], $0xE00, $0x38;
	[tilespmem:$0x110E0] =	vst v63  }
0x24: {  	_ =	swait.ge [sflag:s5], $0xE00  }
0x25: {  	[sflag:s5] =	ssyncset.done $0x0  }
0x26: {  	s14 =	sadd.s32 s14, s9;
	[sflag:s5] =	ssyncadd.s32 $0xFFFFF200  }
0x27: {  	[tilespmem:s11], [sflag:$0x2] =	stream.linear.gather [hbm4b:s14+s16], $0xE00, $0x38;
	[tilespmem:$0x110E0] =	vst v63  }
0x28: {  	_ =	swait.ge [sflag:s5], $0xE00  }
0x29: {  	[sflag:s5] =	ssyncset.done $0x0  }
0x2a: {  	s23 =	simm.s32 $0x0;
	[sflag:s5] =	ssyncadd.s32 $0xFFFFF200  }
0x2b: {  	[spmem:s3] =	stream.indirect.scatter.add.f32 [tilespmem:s13], [sflag:$0x1], $0x1, s23, s12, $0xb8;
	[tilespmem:$0x110E0] =	vst v63  }
0x2c: {  	s24 =	simm.s32 $0xE00  }
0x2d: {  	[spmem:s3] =	stream.indirect.scatter.add.f32 [tilespmem:s13], [sflag:$0x1], $0x1, s24, s12, $0xb8;
	[tilespmem:$0x110E0] =	vst v63  }
0x2e: {  	s25 =	simm.s32 $0x80  }
0x2f: {  	[spmem:s3] =	stream.indirect.scatter.add.f32 [tilespmem:s13], [sflag:$0x1], $0x1, s25, s12, $0xb8;
	[tilespmem:$0x110E0] =	vst v63  }
0x30: {  	s26 =	simm.s32 $0xE80  }
0x31: {  	[spmem:s3] =	stream.indirect.scatter.add.f32 [tilespmem:s13], [sflag:$0x1], $0x1, s26, s12, $0xb8;
	[tilespmem:$0x110E0] =	vst v63  }
0x32: {  	s28 =	simm.s32 $0x100  }
0x33: {  	[spmem:s3] =	stream.indirect.scatter.add.f32 [tilespmem:s13], [sflag:$0x1], $0x1, s28, s12, $0xb8;
	[tilespmem:$0x110E0] =	vst v63  }
0x34: {  	s29 =	simm.s32 $0xF00  }
0x35: {  	[spmem:s3] =	stream.indirect.scatter.add.f32 [tilespmem:s13], [sflag:$0x1], $0x1, s29, s12, $0xb8;
	[tilespmem:$0x110E0] =	vst v63  }
0x36: {  	s30 =	simm.s32 $0x180  }
0x37: {  	[spmem:s3] =	stream.indirect.scatter.add.f32 [tilespmem:s13], [sflag:$0x1], $0x1, s30, s12, $0xb8;
	[tilespmem:$0x110E0] =	vst v63  }
0x38: {  	s31 =	simm.s32 $0xF80  }
0x39: {  	[spmem:s3] =	stream.indirect.scatter.add.f32 [tilespmem:s13], [sflag:$0x1], $0x1, s31, s12, $0xb8;
	[tilespmem:$0x110E0] =	vst v63  }
0x3a: {  	_ =	swait.ge [sflag:s10], $0x80  }
0x3b: {  	[sflag:s10] =	ssyncset.done $0x0  }
0x3c: {  	[sflag:s10] =	ssyncadd.s32 $0xFFFFFF80  }
0x3d: {  	_ =	swait.ge [sflag:s10], $0x80  }
0x3e: {  	[sflag:s10] =	ssyncset.done $0x0  }
0x3f: {  	[sflag:s10] =	ssyncadd.s32 $0xFFFFFF80  }
0x40: {  	_ =	swait.ge [sflag:s10], $0x80  }
0x41: {  	[sflag:s10] =	ssyncset.done $0x0  }
0x42: {  	[sflag:s10] =	ssyncadd.s32 $0xFFFFFF80  }
0x43: {  	_ =	swait.ge [sflag:s10], $0x80  }
0x44: {  	[sflag:s10] =	ssyncset.done $0x0  }
0x45: {  	[sflag:s10] =	ssyncadd.s32 $0xFFFFFF80  }
0x46: {  	_ =	swait.ge [sflag:s10], $0x80  }
0x47: {  	[sflag:s10] =	ssyncset.done $0x0  }
0x48: {  	[sflag:s10] =	ssyncadd.s32 $0xFFFFFF80  }
0x49: {  	_ =	swait.ge [sflag:s10], $0x80  }
0x4a: {  	[sflag:s10] =	ssyncset.done $0x0  }
0x4b: {  	[sflag:s10] =	ssyncadd.s32 $0xFFFFFF80  }
0x4c: {  	_ =	swait.ge [sflag:s10], $0x80  }
0x4d: {  	[sflag:s10] =	ssyncset.done $0x0  }
0x4e: {  	[sflag:s10] =	ssyncadd.s32 $0xFFFFFF80  }
0x4f: {  	_ =	swait.ge [sflag:s10], $0x80  }
0x50: {  	s14 =	simm.s32 $0x800;
	s16 =	simm.s32 $0x1000;
	[sflag:s10] =	ssyncset.done $0x0  }
.LBB2_3:
0x51: {  	s17 =	sshra.s32 s14, $0x2  }
0x52: {  	[sflag:s10] =	ssyncadd.s32 $0xFFFFFF80;
	s14 =	smov.u32 s16;
	s15 =	sadd.s32 $0x800, s16  }
0x53: {  	[spmem:s3] =	stream.indirect.scatter.add.f32 [tilespmem:s13], [sflag:$0x1], $0x1, s17, s12, $0xb8;
	[tilespmem:$0x110E0] =	vst v63  }
0x54: {  	p0 =	sne.s32 s16, $0x3000;
	s16 =	sadd.s32 $0xE00, s17  }
0x55: {  	[spmem:s3] =	stream.indirect.scatter.add.f32 [tilespmem:s13], [sflag:$0x1], $0x1, s16, s12, $0xb8;
	[tilespmem:$0x110E0] =	vst v63  }
0x56: {  	s16 =	sadd.s32 $0x80, s17  }
0x57: {  	[spmem:s3] =	stream.indirect.scatter.add.f32 [tilespmem:s13], [sflag:$0x1], $0x1, s16, s12, $0xb8;
	[tilespmem:$0x110E0] =	vst v63  }
0x58: {  	s16 =	sadd.s32 $0xE80, s17  }
0x59: {  	[spmem:s3] =	stream.indirect.scatter.add.f32 [tilespmem:s13], [sflag:$0x1], $0x1, s16, s12, $0xb8;
	[tilespmem:$0x110E0] =	vst v63  }
0x5a: {  	s16 =	sadd.s32 $0x100, s17  }
0x5b: {  	[spmem:s3] =	stream.indirect.scatter.add.f32 [tilespmem:s13], [sflag:$0x1], $0x1, s16, s12, $0xb8;
	[tilespmem:$0x110E0] =	vst v63  }
0x5c: {  	s16 =	sadd.s32 $0xF00, s17  }
0x5d: {  	[spmem:s3] =	stream.indirect.scatter.add.f32 [tilespmem:s13], [sflag:$0x1], $0x1, s16, s12, $0xb8;
	[tilespmem:$0x110E0] =	vst v63  }
0x5e: {  	s16 =	sadd.s32 $0x180, s17  }
0x5f: {  	[spmem:s3] =	stream.indirect.scatter.add.f32 [tilespmem:s13], [sflag:$0x1], $0x1, s16, s12, $0xb8;
	[tilespmem:$0x110E0] =	vst v63  }
0x60: {  	s16 =	sadd.s32 $0xF80, s17  }
0x61: {  	[spmem:s3] =	stream.indirect.scatter.add.f32 [tilespmem:s13], [sflag:$0x1], $0x1, s16, s12, $0xb8;
	[tilespmem:$0x110E0] =	vst v63  }
0x62: {  	_ =	swait.ge [sflag:s10], $0x80  }
0x63: {  	[sflag:s10] =	ssyncset.done $0x0  }
0x64: {  	[sflag:s10] =	ssyncadd.s32 $0xFFFFFF80  }
0x65: {  	_ =	swait.ge [sflag:s10], $0x80  }
0x66: {  	[sflag:s10] =	ssyncset.done $0x0  }
0x67: {  	[sflag:s10] =	ssyncadd.s32 $0xFFFFFF80  }
0x68: {  	_ =	swait.ge [sflag:s10], $0x80  }
0x69: {  	[sflag:s10] =	ssyncset.done $0x0  }
0x6a: {  	[sflag:s10] =	ssyncadd.s32 $0xFFFFFF80  }
0x6b: {  	_ =	swait.ge [sflag:s10], $0x80  }
0x6c: {  	[sflag:s10] =	ssyncset.done $0x0  }
0x6d: {  	[sflag:s10] =	ssyncadd.s32 $0xFFFFFF80  }
0x6e: {  	_ =	swait.ge [sflag:s10], $0x80  }
0x6f: {  	[sflag:s10] =	ssyncset.done $0x0  }
0x70: {  	[sflag:s10] =	ssyncadd.s32 $0xFFFFFF80  }
0x71: {  	_ =	swait.ge [sflag:s10], $0x80  }
0x72: {  	[sflag:s10] =	ssyncset.done $0x0  }
0x73: {  	[sflag:s10] =	ssyncadd.s32 $0xFFFFFF80  }
.Ltmp1:
0x74: {  	_ =	swait.ge [sflag:s10], $0x80;
	(pc) =	sbr.rel @p0 .LBB2_3-.Ltmp1, $4  }
0x75: {  	[sflag:s10] =	ssyncset.done $0x0  }
0x76: {  	[sflag:s10] =	ssyncadd.s32 $0xFFFFFF80  }
0x77: {  	_ =	swait.ge [sflag:s10], $0x80  }
0x78: {  	s16 =	smov.u32 s15;
	[sflag:s10] =	ssyncset.done $0x0  }
0x79: {  	s14 =	sshra.s32 s14, $0x2;
	[sflag:s10] =	ssyncadd.s32 $0xFFFFFF80  }
0x7a: {  	[spmem:s3] =	stream.indirect.scatter.add.f32 [tilespmem:s13], [sflag:$0x1], $0x1, s14, s12, $0xb8;
	[tilespmem:$0x110E0] =	vst v63  }
0x7b: {  	s15 =	sadd.s32 $0xE00, s14  }
0x7c: {  	[spmem:s3] =	stream.indirect.scatter.add.f32 [tilespmem:s13], [sflag:$0x1], $0x1, s15, s12, $0xb8;
	[tilespmem:$0x110E0] =	vst v63  }
0x7d: {  	s26 =	sadd.s32 $0x80, s14  }
0x7e: {  	[spmem:s3] =	stream.indirect.scatter.add.f32 [tilespmem:s13], [sflag:$0x1], $0x1, s26, s12, $0xb8;
	[tilespmem:$0x110E0] =	vst v63  }
0x7f: {  	s28 =	sadd.s32 $0xE80, s14  }
0x80: {  	[spmem:s3] =	stream.indirect.scatter.add.f32 [tilespmem:s13], [sflag:$0x1], $0x1, s28, s12, $0xb8;
	[tilespmem:$0x110E0] =	vst v63  }
0x81: {  	s29 =	sadd.s32 $0x100, s14  }
0x82: {  	[spmem:s3] =	stream.indirect.scatter.add.f32 [tilespmem:s13], [sflag:$0x1], $0x1, s29, s12, $0xb8;
	[tilespmem:$0x110E0] =	vst v63  }
0x83: {  	s30 =	sadd.s32 $0xF00, s14  }
0x84: {  	[spmem:s3] =	stream.indirect.scatter.add.f32 [tilespmem:s13], [sflag:$0x1], $0x1, s30, s12, $0xb8;
	[tilespmem:$0x110E0] =	vst v63  }
0x85: {  	s31 =	sadd.s32 $0x180, s14  }
0x86: {  	[spmem:s3] =	stream.indirect.scatter.add.f32 [tilespmem:s13], [sflag:$0x1], $0x1, s31, s12, $0xb8;
	[tilespmem:$0x110E0] =	vst v63  }
0x87: {  	s14 =	sadd.s32 $0xF80, s14  }
0x88: {  	[spmem:s3] =	stream.indirect.scatter.add.f32 [tilespmem:s13], [sflag:$0x1], $0x1, s14, s12, $0xb8;
	[tilespmem:$0x110E0] =	vst v63  }
0x89: {  	_ =	swait.ge [sflag:s10], $0x80  }
0x8a: {  	[sflag:s10] =	ssyncset.done $0x0  }
0x8b: {  	[sflag:s10] =	ssyncadd.s32 $0xFFFFFF80  }
0x8c: {  	_ =	swait.ge [sflag:s10], $0x80  }
0x8d: {  	[sflag:s10] =	ssyncset.done $0x0  }
0x8e: {  	[sflag:s10] =	ssyncadd.s32 $0xFFFFFF80  }
0x8f: {  	_ =	swait.ge [sflag:s10], $0x80  }
0x90: {  	[sflag:s10] =	ssyncset.done $0x0  }
0x91: {  	[sflag:s10] =	ssyncadd.s32 $0xFFFFFF80  }
0x92: {  	_ =	swait.ge [sflag:s10], $0x80  }
0x93: {  	[sflag:s10] =	ssyncset.done $0x0  }
0x94: {  	[sflag:s10] =	ssyncadd.s32 $0xFFFFFF80  }
0x95: {  	_ =	swait.ge [sflag:s10], $0x80  }
0x96: {  	[sflag:s10] =	ssyncset.done $0x0  }
0x97: {  	[sflag:s10] =	ssyncadd.s32 $0xFFFFFF80  }
0x98: {  	_ =	swait.ge [sflag:s10], $0x80  }
0x99: {  	[sflag:s10] =	ssyncset.done $0x0  }
0x9a: {  	s4 =	sadd.s32 $0x1, s4;
	[sflag:s10] =	ssyncadd.s32 $0xFFFFFF80  }
0x9b: {  	p0 =	sne.s32 s4, $0xE;
	_ =	swait.ge [sflag:s10], $0x80  }
.Ltmp2:
0x9c: {  	[sflag:s10] =	ssyncset.done $0x0;
	(pc) =	sbr.rel @p0 .LBB2_2-.Ltmp2, $4  }
0x9d: {  	[sflag:s10] =	ssyncadd.s32 $0xFFFFFF80  }
0x9e: {  	_ =	swait.ge [sflag:s10], $0x80  }
0x9f: {  	[sflag:s10] =	ssyncset.done $0x0  }
0xa0: {  	[sflag:s10] =	ssyncadd.s32 $0xFFFFFF80  }
0xa1: {  	[bflag:$0x0] =	sbarrier.arrive $0xFFFF;
	s3 =	simm.s32 $0x1C80;
	s4 =	simm.s32 $0x2  }
0xa2: {  	[tilespmem:s3], [sflag:$0x2] =	stream.linear.gather [spmem:s6], $0x1870, $0x38;
	[tilespmem:$0x110E0] =	vst v63  }
0xa3: {  	_ =	swait.ge [sflag:s4], $0x1870  }
0xa4: {  	[sflag:s4] =	ssyncset.done $0x0  }
0xa5: {  	[sflag:s4] =	ssyncadd.s32 $0xFFFFE790  }
0xa6: {  	v0 =	vld [tilespmem:s3+$0x0];
	_ =	sdelay $0x4  }
0xa7: {  	v0 =	vmax.f32 v0, $1.000000000e+00  }
0xa8: {  	(erf) = vrcp.f32 v0;
	_ =	sdelay $0x1  }
0xa9: {  	s31 =	simm.s32 $0x0;
	v0 =	vlaneseq.u32  }
0xaa: {  	v1 =	vmov s31;
	v0 =	vmul.u32 $0x8, v0  }
0xab: {  	v1 =	vshll.u32 v1, $0x3  }
0xac: {  	v2 =	vor.u32 v0, v1  }
0xad: {  	v3 =	vor.u32 $0x1, v2  }
0xae: {  	v4 =	vor.u32 $0x2, v2  }
0xaf: {  	v5 =	vor.u32 $0x3, v2  }
0xb0: {  	s4 =	simm.s32 $0x34F0;
	v6 =	vor.u32 $0x4, v2;
	v1 =	vpop (erf)  }
0xb1: {  	v7 =	vor.u32 $0x5, v2;
	[tilespmem:v2+s4+$0x0] =	vst.idx.msk $0xffff, v1  }
0xb2: {  	[tilespmem:v3+s4+$0x0] =	vst.idx.msk $0xffff, v1;
	v3 =	vor.u32 $0x6, v2  }
0xb3: {  	[tilespmem:v4+s4+$0x0] =	vst.idx.msk $0xffff, v1  }
0xb4: {  	v2 =	vor.u32 $0x7, v2;
	[tilespmem:v5+s4+$0x0] =	vst.idx.msk $0xffff, v1  }
0xb5: {  	[tilespmem:v6+s4+$0x0] =	vst.idx.msk $0xffff, v1  }
0xb6: {  	[tilespmem:v7+s4+$0x0] =	vst.idx.msk $0xffff, v1  }
0xb7: {  	s5 =	simm.s32 $0x10;
	[tilespmem:v3+s4+$0x0] =	vst.idx.msk $0xffff, v1  }
.LBB2_6:
0xb8: {  	p0 =	sne.s32 s5, $0x1860  }
0xb9: {  	[tilespmem:v2+s4+$0x0] =	vst.idx.msk $0xffff, v1;
	s3 =	sadd.s32 $0x10, s3;
	s6 =	smov.u32 s5;
	s5 =	sadd.s32 $0x10, s5  }
0xba: {  	v1 =	vld [tilespmem:s3+$0x0];
	_ =	sdelay $0x4  }
0xbb: {  	v1 =	vmax.f32 v1, $1.000000000e+00  }
0xbc: {  	(erf) = vrcp.f32 v1;
	_ =	sdelay $0x2  }
0xbd: {  	v1 =	vmov s6  }
0xbe: {  	v1 =	vshll.u32 v1, $0x3  }
0xbf: {  	v2 =	vor.u32 v0, v1  }
0xc0: {  	v3 =	vor.u32 $0x1, v2  }
0xc1: {  	v4 =	vor.u32 $0x2, v2  }
0xc2: {  	v5 =	vor.u32 $0x3, v2  }
0xc3: {  	v6 =	vor.u32 $0x4, v2;
	v1 =	vpop (erf)  }
0xc4: {  	v7 =	vor.u32 $0x5, v2;
	[tilespmem:v2+s4+$0x0] =	vst.idx.msk $0xffff, v1  }
0xc5: {  	[tilespmem:v3+s4+$0x0] =	vst.idx.msk $0xffff, v1;
	v3 =	vor.u32 $0x6, v2  }
.Ltmp3:
0xc6: {  	v2 =	vor.u32 $0x7, v2;
	[tilespmem:v4+s4+$0x0] =	vst.idx.msk $0xffff, v1;
	(pc) =	sbr.rel @p0 .LBB2_6-.Ltmp3, $4  }
0xc7: {  	[tilespmem:v5+s4+$0x0] =	vst.idx.msk $0xffff, v1  }
0xc8: {  	[tilespmem:v6+s4+$0x0] =	vst.idx.msk $0xffff, v1  }
0xc9: {  	[tilespmem:v7+s4+$0x0] =	vst.idx.msk $0xffff, v1  }
0xca: {  	[tilespmem:v3+s4+$0x0] =	vst.idx.msk $0xffff, v1  }
0xcb: {  	_ =	sdelay $0x3  }
0xcc: {  	[tilespmem:v2+s4+$0x0] =	vst.idx.msk $0xffff, v1;
	s3 =	simm.s32 $0x0;
	s30 =	simm.s32 $0x34F0;
	s31 =	simm.s32 $0x2  }
0xcd: {  	[hbm4b:s2+s3] =	stream.linear.scatter [tilespmem:s30], [sflag:$0x2], $0xC380, $0x38;
	[tilespmem:$0x110E0] =	vst v63  }
0xce: {  	_ =	swait.ge [sflag:s31], $0xC380  }
0xcf: {  	[sflag:s31] =	ssyncset.done $0x0  }
0xd0: {  	[sflag:s31] =	ssyncadd.s32 $0xFFFF3C80  }
.LBB2_8:
0xd1: {  	_ =	sfence.sel $0x180000  }
0xd2: {  	[bflag:$0x0] =	sbarrier.arrive $0xFFFF  }
0xd3: {  	p0 =	sne.s32 s1, $0x0;
	_ =	strace $0x90000047  }
0xd4: {  	s0 =	sadd.s32 @!p0 $0x100000, s0;
	[bflag:$0x2] =	sbarrier.arrive $0xFFFF  }
0xd5: {  	[sflag:s0] =	ssyncadd.tile.s32 @!p0 $0x1;
	_ =	shalt  }
.Lfunc_end2:
_tile_overlayer_lowered:
.L_overlay_start_2:
0xd6: {  	(tag) =	ssettag $0x2  }
0xd7: {  	s0 =	rddreg [dreg:$0x0];
	s2 =	stileid.u32  }
0xd8: {  	s1 =	rddreg [dreg:$0x1];
	p0 =	sne.s32 s2, $0x0  }
0xd9: {  	s3 =	rddreg [dreg:$0x2];
	[bflag:$0x3] =	sbarrier.arrive $0xFFFF;
	s2 =	simm.s32 @!p0 $0x1C02  }
0xda: {  	[timem:s3], [sflag:s2] =	dma.local @!p0 [hbm:s0], s1  }
0xdb: {  	s0 =	simm.s32 @!p0 $0x2  }
0xdc: {  	_ =	swait.ge @!p0 [sflag:s0], s1  }
0xdd: {  	s1 =	ssub.s32 @!p0 $0x0, s1;
	[sflag:s0] =	ssyncset.done @!p0 $0x0  }
0xde: {  	[sflag:s0] =	ssyncadd.s32 @!p0 s1  }
0xdf: {  	[bflag:$0x3] =	sbarrier.arrive $0xFFFF  }
0xe0: {  	_ =	shalt  }

// kernel: kernel.19.cloned.1.call-start
scs
__scs_entry_jumppad:
0x0: {  	(pc) =	sbr.rel $0x88, $3  }
0x1: {  	(tag) =	ssettag $0x0;
	lr =	simm.s32 $0x1  }
0x2: {  	[smem:$0x3F80] =	sst lr;
	_ =	strace $0xD0000000  }
0x3: {  	_ = 	snop  }
0x4: {  	_ = 	snop  }
0x5: {  	_ = 	snop  }
0x6: {  	_ = 	snop  }
0x7: {  	_ = 	snop  }
__scs_overlays_trampoline_lowered:
0x8: {  	[smem:$0x3F8F] =	sst s0  }
0x9: {  	[smem:$0x3F90] =	sst s1  }
0xa: {  	[smem:$0x3F91] =	sst s2  }
0xb: {  	[smem:$0x3F92] =	sst s3  }
0xc: {  	[smem:$0x3F93] =	sst s4  }
0xd: {  	[smem:$0x3F94] =	sst s5  }
0xe: {  	[smem:$0x3F95] =	sst s6  }
0xf: {  	[smem:$0x3F96] =	sst s7  }
0x10: {  	[smem:$0x3F97] =	sst s8  }
0x11: {  	[smem:$0x3F98] =	sst s9;
	s0 =	simm.s32 @!p0 $0x0  }
0x12: {  	s1 =	sld [smem:$0x3F7E];
	s0 =	simm.s32 @p0 $0x1  }
0x13: {  	[smem:$0x3F99] =	sst s0;
	s0 =	simm.s32 @!p1 $0x0  }
0x14: {  	s2 =	sld [smem:$0x3F7D];
	s0 =	simm.s32 @p1 $0x1  }
0x15: {  	[smem:$0x3F9A] =	sst s0;
	s0 =	simm.s32 @!p2 $0x0  }
0x16: {  	s3 =	sld [smem:$0x3FDB];
	s0 =	simm.s32 @p2 $0x1  }
0x17: {  	s4 =	simm.s32 $0x1BF5;
	[smem:$0x3F9C] =	sst s0  }
0x18: {  	s0 =	sld [smem:$0x3F7F];
	_ =	swait.ge [sflag:s4], $0x0  }
0x19: {  	s7 =	sld [smem:$0x3F80]  }
0x1a: {  	s8 =	sadd.s32 $0xFFFFE003, lr  }
0x1b: {  	s9 =	sadd.s32 $0xFFFFFEF7, lr;
	s5 =	simm.s32 $0xFFFFFFFF;
	p2 =	slt.u32 s8, $0xFFFFF086  }
0x1c: {  	p1 =	slt.u32 s9, $0xF7A;
	s5 =	simm.s32 @!p2 $0x0  }
0x1d: {  	s5 =	simm.s32 @p1 $0x1;
	p0 =	seq.s32 s7, s2  }
0x1e: {  	s7 =	smul.u32 @!p0 $0xF7A, s2;
	p2 =	seq.s32 @!p0 s5, $0x0  }
0x1f: {  	s9 =	smul.u32 $0xF7A, s1;
	s8 =	simm.s32 @!p0 $0x1BF5;
	p2 =	por !p2, p0  }
0x20: {  	[sflag:s8] =	ssyncset.s32 @!p0 $0xFFFFF086;
	s6 =	sadd.s32 @!p0 s3, s7;
	s7 =	simm.s32 @!p0 $0x108  }
0x21: {  	s3 =	sadd.s32 s3, s9;
	s6 =	sadd.s32 @!p0 $0x88, s6;
	s7 =	simm.s32 @p2 $0x1082  }
0x22: {  	[simem:s7], [sflag:s8] =	dma.local @!p0 [hbm:s6], $0xF7A  }
0x23: {  	s9 =	sor.u32 $0xD0000000, s2;
	s6 =	simm.s32 $0x108;
	_ =	swait.ge @!p0 [sflag:s8], $0x0  }
0x24: {  	s3 =	sadd.s32 $0x88, s3;
	s6 =	simm.s32 @!p1 $0x1082;
	[sflag:s4] =	ssyncset.s32 $0xFFFFF086  }
0x25: {  	[simem:s6], [sflag:s4] =	dma.local [hbm:s3], $0xF7A  }
0x26: {  	[smem:$0x3F80] =	sst s1;
	(tag) =	ssettag s2;
	_ =	strace s9  }
0x27: {  	s1 =	sld [smem:$0x3F90]  }
0x28: {  	s2 =	sld [smem:$0x3F91]  }
0x29: {  	s4 =	sld [smem:$0x3F93]  }
0x2a: {  	p0 =	seq.s32 s5, $0x0;
	s5 =	sld [smem:$0x3F94]  }
0x2b: {  	s6 =	sld [smem:$0x3F95]  }
0x2c: {  	s7 =	sld [smem:$0x3F96]  }
0x2d: {  	s3 =	simm.s32 $0x108;
	s8 =	sld [smem:$0x3F97]  }
0x2e: {  	s3 =	simm.s32 @!p0 $0x1082;
	s9 =	sld [smem:$0x3F98]  }
0x2f: {  	lr =	sadd.s32 s0, s3;
	s0 =	sld [smem:$0x3F8F]  }
0x30: {  	s3 =	sld [smem:$0x3F92]  }
0x31: {  	[smem:$0x3F9B] =	sst s10  }
0x32: {  	s10 =	sld [smem:$0x3F99];
	_ =	sdelay $0x3  }
0x33: {  	p0 =	seq.s32 s10, $0x1;
	s10 =	sld [smem:$0x3F9B];
	_ =	sdelay $0x3  }
0x34: {  	[smem:$0x3F9B] =	sst s10  }
0x35: {  	s10 =	sld [smem:$0x3F9A];
	_ =	sdelay $0x3  }
0x36: {  	p1 =	seq.s32 s10, $0x1;
	s10 =	sld [smem:$0x3F9B];
	_ =	sdelay $0x3  }
0x37: {  	[smem:$0x3F9B] =	sst s10  }
0x38: {  	s10 =	sld [smem:$0x3F9C]  }
0x39: {  	_ = 	snop;
	(pc) =	sbr.ind lr, $3  }
0x3a: {  	_ = 	snop  }
0x3b: {  	_ = 	snop  }
0x3c: {  	p2 =	seq.s32 s10, $0x1;
	s10 =	sld [smem:$0x3F9B]  }
0x3d: {  	_ =	shalt  }
0x3e: {  	_ =	shalt  }
0x3f: {  	_ =	shalt  }
0x40: {  	_ =	shalt  }
0x41: {  	_ =	shalt  }
0x42: {  	_ =	shalt  }
0x43: {  	_ =	shalt  }
0x44: {  	_ =	shalt  }
0x45: {  	_ =	shalt  }
0x46: {  	_ =	shalt  }
0x47: {  	_ =	shalt  }
0x48: {  	_ =	shalt  }
0x49: {  	_ =	shalt  }
0x4a: {  	_ =	shalt  }
0x4b: {  	_ =	shalt  }
0x4c: {  	_ =	shalt  }
0x4d: {  	_ =	shalt  }
0x4e: {  	_ =	shalt  }
0x4f: {  	_ =	shalt  }
0x50: {  	_ =	shalt  }
0x51: {  	_ =	shalt  }
0x52: {  	_ =	shalt  }
0x53: {  	_ =	shalt  }
0x54: {  	_ =	shalt  }
0x55: {  	_ =	shalt  }
0x56: {  	_ =	shalt  }
0x57: {  	_ =	shalt  }
0x58: {  	_ =	shalt  }
0x59: {  	_ =	shalt  }
0x5a: {  	_ =	shalt  }
0x5b: {  	_ =	shalt  }
0x5c: {  	_ =	shalt  }
0x5d: {  	_ =	shalt  }
0x5e: {  	_ =	shalt  }
0x5f: {  	_ =	shalt  }
0x60: {  	_ =	shalt  }
0x61: {  	_ =	shalt  }
0x62: {  	_ =	shalt  }
0x63: {  	_ =	shalt  }
0x64: {  	_ =	shalt  }
0x65: {  	_ =	shalt  }
0x66: {  	_ =	shalt  }
0x67: {  	_ =	shalt  }
0x68: {  	_ =	shalt  }
0x69: {  	_ =	shalt  }
0x6a: {  	_ =	shalt  }
0x6b: {  	_ =	shalt  }
0x6c: {  	_ =	shalt  }
0x6d: {  	_ =	shalt  }
0x6e: {  	_ =	shalt  }
0x6f: {  	_ =	shalt  }
0x70: {  	_ =	shalt  }
0x71: {  	_ =	shalt  }
0x72: {  	_ =	shalt  }
0x73: {  	_ =	shalt  }
0x74: {  	_ =	shalt  }
0x75: {  	_ =	shalt  }
0x76: {  	_ =	shalt  }
0x77: {  	_ =	shalt  }
0x78: {  	_ =	shalt  }
0x79: {  	_ =	shalt  }
0x7a: {  	_ =	shalt  }
0x7b: {  	_ =	shalt  }
0x7c: {  	_ =	shalt  }
0x7d: {  	_ =	shalt  }
0x7e: {  	_ =	shalt  }
0x7f: {  	_ =	shalt  }
0x80: {  	_ =	shalt  }
0x81: {  	_ =	shalt  }
0x82: {  	_ =	shalt  }
0x83: {  	_ =	shalt  }
0x84: {  	_ =	shalt  }
0x85: {  	_ =	shalt  }
0x86: {  	_ =	shalt  }
0x87: {  	_ =	shalt  }
.Lfunc_end0:
.L_simem_size_0:
called_computation.1_lowered:
.L_overlay_start_0:
0x88: {  	s2 =	sld [smem:$0x3FD9]  }
0x89: {  	s3 =	sld [smem:$0x3FFE];
	_ =	sdelay $0x1  }
0x8a: {  	s1 =	srdreg.scid  }
0x8b: {  	s0 =	sand.u32 $0x1, s1  }
0x8c: {  	s17 =	sshll.u32 s0, $0xA;
	s2 =	sadd.s32 s3, s2  }
0x8d: {  	s2 =	sadd.s32 s2, s17  }
0x8e: {  	[smem:$0x3FA7] =	sst s2  }
0x8f: {  	_ = 	snop  }
0x90: {  	s2 =	sld [smem:$0x3FD0];
	(tm) =	ssettm $0x1  }
0x91: {  	s18 =	sld [smem:$0x3FFB];
	_ =	sdelay $0x3  }
0x92: {  	_ =	strace s18  }
0x93: {  	s3 =	sld [smem:$0x3FFC];
	_ =	sdelay $0x3  }
0x94: {  	_ =	strace s3  }
0x95: {  	s3 =	sld [smem:$0x3FFD];
	_ =	sdelay $0x3  }
0x96: {  	_ =	strace s3  }
0x97: {  	_ =	strace $0x8FFFFFFF  }
0x98: {  	s19 =	sld [smem:$0x3FDB];
	_ =	sdelay $0x1  }
0x99: {  	s4 =	simm.s32 $_scs_section_size  }
0x9a: {  	s5 =	simm.s32 $_size__tile_overlayer_lowered;
	s6 =	simm.s32 $_tile_overlayer_lowered  }
0x9b: {  	s22 =	simm.s32 $0x1BFF;
	s21 =	sshll.u32 s6, $0x1;
	s3 =	sadd.s32 s4, s19  }
0x9c: {  	s7 =	simm.s32 $0x0;
	s20 =	sshll.u32 s5, $0x1;
	s5 =	sadd.s32 s21, s3  }
0x9d: {  	[timem:s7], [sflag:s22] =	dma.local [hbm:s5], s20  }
0x9e: {  	_ =	swait.ge [sflag:s22], s20  }
0x9f: {  	s4 =	ssub.s32 $0x0, s20;
	[sflag:s22] =	ssyncset.done $0x0  }
0xa0: {  	[sflag:s22] =	ssyncadd.s32 s4;
	_ =	sdelay $0x1  }
0xa1: {  	s23 =	simm.s32 $0x1B8B  }
0xa2: {  	_ =	swait.ge [sflag:s23], $0x1  }
0xa3: {  	[sflag:s23] =	ssyncset.done $0x0  }
0xa4: {  	s25 =	simm.s32 $0x1B8E;
	s24 =	sld [smem:$0x3FFE];
	[sflag:s23] =	ssyncadd.s32 $0xFFFFFFFF  }
0xa5: {  	s26 =	simm.s32 $execute0_lowered;
	[smem:$0x3FD2] =	sst s25  }
0xa6: {  	s5 =	sshll.u32 s26, $0x1;
	_ =	strace $0x80000049;
	[dreg:$0x1] =	wrdreg $0xFFFFFFFF  }
0xa7: {  	s28 =	simm.s32 $_size_execute0_lowered;
	s3 =	sadd.s32 s3, s5;
	[dreg:$0x0] =	wrdreg $0x0  }
0xa8: {  	s5 =	sshll.u32 s28, $0x1;
	[dreg:$0x2] =	wrdreg s3  }
0xa9: {  	[dreg:$0x3] =	wrdreg s5  }
0xaa: {  	[dreg:$0x4] =	wrdreg $0xC0  }
0xab: {  	_ =	task [dreg:s7], $0x5FFFF  }
0xac: {  	[dreg:$0x1] =	wrdreg $0xFFFFFFFF  }
0xad: {  	[dreg:$0x0] =	wrdreg $0x60  }
0xae: {  	[dreg:$0x2] =	wrdreg s24  }
0xaf: {  	[dreg:$0x3] =	wrdreg s2  }
0xb0: {  	[dreg:$0x4] =	wrdreg $0xFF800  }
0xb1: {  	[dreg:$0x5] =	wrdreg $0x9  }
0xb2: {  	_ =	task.clear_ibuf [dreg:s7], $0x6FFFF;
	_ =	strace $0x90000049  }
0xb3: {  	s29 =	simm.s32 $0x9;
	_ =	strace $0x8000004B  }
0xb4: {  	_ =	swait.ge [sflag:s29], $0x1  }
0xb5: {  	[sflag:s29] =	ssyncadd.s32 $0xFFFFFFFF  }
0xb6: {  	_ =	strace $0x9000004B  }
0xb7: {  	_ =	sfence  }
0xb8: {  	s30 =	sld [smem:$0x0];
	_ =	sdelay $0x2  }
0xb9: {  	s31 =	sshll.u32 s1, $0xD;
	s1 =	sshrl.u32 s1, $0x2  }
0xba: {  	s3 =	sand.u32 $0x4000, s31;
	s1 =	sadd.s32 s1, s30  }
0xbb: {  	s0 =	sor.u32 s3, s0;
	s1 =	sshll.u32 s1, $0x11  }
0xbc: {  	s0 =	sor.u32 s1, s0  }
0xbd: {  	s0 =	sadd.s32 $0x8F2B, s0  }
0xbe: {  	[sflag:s0] =	ssyncadd.remote.s32 $0x1  }
0xbf: {  	_ =	sfence.sel $0xFFFF  }
0xc0: {  	[dreg:$0x0] =	wrdreg $0xFFFFFFFF;
	(pc) =	sbr.abs _section_cstart, $3  }
0xc1: {  	[dreg:$0x1] =	wrdreg $0xFFFFFFFF  }
0xc2: {  	_ =	task.clear_ibuf [dreg:s7], $0x2FFFF;
	_ =	strace $0x9FFFFFFF  }
0xc3: {  	(tm) =	ssettm $0x7FFFFFFF  }
tec
execute0_lowered:
.L_overlay_start_1:
0x0: {  	(tag) =	ssettag $0x1  }
0x1: {  	s9 =	rddreg [dreg:$0x0];
	s0 =	srdreg.scid  }
0x2: {  	s3 =	rddreg [dreg:$0x2];
	s26 =	stileid.u32;
	s1 =	simm.s32 $0x0  }
0x3: {  	s4 =	simm.s32 $0x3C00;
	s14 =	simm.s32 $0xE00;
	s15 =	simm.s32 $0x80  }
0x4: {  	s16 =	simm.s32 $0x1C00;
	s17 =	simm.s32 $0x2C00;
	s18 =	simm.s32 $0x2000  }
0x5: {  	s19 =	simm.s32 $0x3000;
	s20 =	simm.s32 $0x2400;
	s21 =	simm.s32 $0x3400  }
0x6: {  	s22 =	simm.s32 $0x2800;
	s23 =	simm.s32 $0x3800;
	s24 =	simm.s32 $0x1  }
0x7: {  	s25 =	simm.s32 $0x2;
	s7 =	sand.u32 $0x1, s0;
	s8 =	smul.u32 $0xC380, s26  }
0x8: {  	[smem:$0x7FF] =	sst s1;
	s5 =	sadd.s32 $0x51C00, s9;
	s10 =	smul.u32 $0x30E00, s26  }
0x9: {  	s12 =	sshll.u32 s26, $0x1;
	s26 =	simm.s32 $0x0;
	s6 =	smul.u32 $0xC3800, s7  }
0xa: {  	_ =	strace $0x8000004A;
	s28 =	ssub.s32 $0x2, s7;
	s12 =	sor.u32 s7, s12  }
0xb: {  	s13 =	sshrl.u32 s28, $0x1;
	s29 =	sshrl.u32 s10, $0x2;
	s8 =	sadd.s32 s8, s6  }
0xc: {  	s6 =	sadd.s32 $0x8400, s9;
	s13 =	ssub.s32 s28, s13;
	s8 =	sshrl.u32 s8, $0x3  }
0xd: {  	s2 =	sadd.s32 s29, s3;
	s31 =	smax.u32 s13, $0x1;
	s11 =	sadd.s32 s8, s9  }
0xe: {  	s13 =	simm.s32 $0x3;
	[dreg:$0x5] =	wrdreg s31;
	s30 =	sadd.s32 $0x6A400, s11  }
0xf: {  	s8 =	smul.u32 $0xC4, s12;
	s9 =	sadd.s32 $0x20C00, s9;
	[dreg:$0x4] =	wrdreg s30  }
.LBB2_1:
0x10: {  	s0 =	rddreg [dreg:$0x1]  }
0x11: {  	[tilespmem:s4], [sflag:$0x3] =	stream.linear.gather [hbm4b:s0+s1], $0xC380, $0x38;
	[tilespmem:$0x1C300] =	vst v63  }
0x12: {  	_ =	swait.ge [sflag:s13], $0xC380  }
0x13: {  	[sflag:s13] =	ssyncset.done $0x0  }
0x14: {  	[sflag:s13] =	ssyncadd.s32 $0xFFFF3C80  }
0x15: {  	[spmem:s2] =	stream.linear.scatter [tilespmem:s4], [sflag:$0x3], $0xC380, $0x38;
	[tilespmem:$0x1C300] =	vst v63  }
0x16: {  	_ =	swait.ge [sflag:s13], $0xC380  }
0x17: {  	[sflag:s13] =	ssyncset.done $0x0  }
0x18: {  	[sflag:s13] =	ssyncadd.s32 $0xFFFF3C80  }
0x19: {  	s12 =	smov.u32 s2;
	s28 =	simm.s32 $0x0;
	[bflag:$0x0] =	sbarrier.arrive $0xFFFF  }
.LBB2_2:
0x1a: {  	s29 =	smul.u32 $0x1C, s28;
	_ =	sdelay $0x1  }
0x1b: {  	s29 =	sadd.s32 s8, s29  }
0x1c: {  	s29 =	sshll.u32 s29, $0x4  }
0x1d: {  	s31 =	simm.s32 $0x0;
	s30 =	sadd.s32 s6, s29  }
0x1e: {  	[tilespmem:s31], [sflag:$0x3] =	stream.linear.gather [hbm4b:s30+s31], $0xE00, $0x38;
	[tilespmem:$0x1C300] =	vst v63  }
0x1f: {  	_ =	swait.ge [sflag:s13], $0xE00  }
0x20: {  	[sflag:s13] =	ssyncset.done $0x0  }
0x21: {  	s29 =	sadd.s32 s29, s9;
	[sflag:s13] =	ssyncadd.s32 $0xFFFFF200  }
0x22: {  	[tilespmem:s14], [sflag:$0x3] =	stream.linear.gather [hbm4b:s29+s31], $0xE00, $0x38;
	[tilespmem:$0x1C300] =	vst v63  }
0x23: {  	_ =	swait.ge [sflag:s13], $0xE00  }
0x24: {  	[sflag:s13] =	ssyncset.done $0x0  }
0x25: {  	s29 =	simm.s32 $0x0;
	[sflag:s13] =	ssyncadd.s32 $0xFFFFF200  }
0x26: {  	[tilespmem:s16], [sflag:$0x1] =	stream.indirect.gather [hbm4b:s5+s15], $0x8, s29, s15, $0xb8;
	[tilespmem:$0x1C300] =	vst v63  }
0x27: {  	s11 =	simm.s32 $0xE00  }
0x28: {  	[tilespmem:s17], [sflag:$0x1] =	stream.indirect.gather [hbm4b:s5+s15], $0x8, s11, s15, $0xb8;
	[tilespmem:$0x1C300] =	vst v63  }
0x29: {  	s31 =	simm.s32 $0x80  }
0x2a: {  	[tilespmem:s18], [sflag:$0x1] =	stream.indirect.gather [hbm4b:s5+s15], $0x8, s31, s15, $0xb8;
	[tilespmem:$0x1C300] =	vst v63  }
0x2b: {  	s0 =	simm.s32 $0xE80  }
0x2c: {  	[tilespmem:s19], [sflag:$0x1] =	stream.indirect.gather [hbm4b:s5+s15], $0x8, s0, s15, $0xb8;
	[tilespmem:$0x1C300] =	vst v63  }
0x2d: {  	s1 =	simm.s32 $0x100  }
0x2e: {  	[tilespmem:s20], [sflag:$0x1] =	stream.indirect.gather [hbm4b:s5+s15], $0x8, s1, s15, $0xb8;
	[tilespmem:$0x1C300] =	vst v63  }
0x2f: {  	s2 =	simm.s32 $0xF00  }
0x30: {  	[tilespmem:s21], [sflag:$0x1] =	stream.indirect.gather [hbm4b:s5+s15], $0x8, s2, s15, $0xb8;
	[tilespmem:$0x1C300] =	vst v63  }
0x31: {  	s4 =	simm.s32 $0x180  }
0x32: {  	[tilespmem:s22], [sflag:$0x1] =	stream.indirect.gather [hbm4b:s5+s15], $0x8, s4, s15, $0xb8;
	[tilespmem:$0x1C300] =	vst v63  }
0x33: {  	s10 =	simm.s32 $0xF80  }
0x34: {  	[tilespmem:s23], [sflag:$0x1] =	stream.indirect.gather [hbm4b:s5+s15], $0x8, s10, s15, $0xb8;
	[tilespmem:$0x1C300] =	vst v63  }
0x35: {  	_ =	swait.ge [sflag:s24], $0x400  }
0x36: {  	[sflag:s24] =	ssyncset.done $0x0  }
0x37: {  	[sflag:s24] =	ssyncadd.s32 $0xFFFFFC00  }
0x38: {  	[spmem:s3] =	stream.indirect.scatter.add.f32 [tilespmem:s16], [sflag:$0x2], $0x8, s11, s15, $0xb8;
	[tilespmem:$0x1C300] =	vst v63  }
0x39: {  	_ =	swait.ge [sflag:s24], $0x400  }
0x3a: {  	[sflag:s24] =	ssyncset.done $0x0  }
0x3b: {  	[sflag:s24] =	ssyncadd.s32 $0xFFFFFC00  }
0x3c: {  	[spmem:s3] =	stream.indirect.scatter.add.f32 [tilespmem:s17], [sflag:$0x2], $0x8, s29, s15, $0xb8;
	[tilespmem:$0x1C300] =	vst v63  }
0x3d: {  	_ =	swait.ge [sflag:s24], $0x400  }
0x3e: {  	[sflag:s24] =	ssyncset.done $0x0  }
0x3f: {  	[sflag:s24] =	ssyncadd.s32 $0xFFFFFC00  }
0x40: {  	[spmem:s3] =	stream.indirect.scatter.add.f32 [tilespmem:s18], [sflag:$0x2], $0x8, s0, s15, $0xb8;
	[tilespmem:$0x1C300] =	vst v63  }
0x41: {  	_ =	swait.ge [sflag:s24], $0x400  }
0x42: {  	[sflag:s24] =	ssyncset.done $0x0  }
0x43: {  	[sflag:s24] =	ssyncadd.s32 $0xFFFFFC00  }
0x44: {  	[spmem:s3] =	stream.indirect.scatter.add.f32 [tilespmem:s19], [sflag:$0x2], $0x8, s31, s15, $0xb8;
	[tilespmem:$0x1C300] =	vst v63  }
0x45: {  	_ =	swait.ge [sflag:s24], $0x400  }
0x46: {  	[sflag:s24] =	ssyncset.done $0x0  }
0x47: {  	[sflag:s24] =	ssyncadd.s32 $0xFFFFFC00  }
0x48: {  	[spmem:s3] =	stream.indirect.scatter.add.f32 [tilespmem:s20], [sflag:$0x2], $0x8, s2, s15, $0xb8;
	[tilespmem:$0x1C300] =	vst v63  }
0x49: {  	_ =	swait.ge [sflag:s24], $0x400  }
0x4a: {  	[sflag:s24] =	ssyncset.done $0x0  }
0x4b: {  	[sflag:s24] =	ssyncadd.s32 $0xFFFFFC00  }
0x4c: {  	[spmem:s3] =	stream.indirect.scatter.add.f32 [tilespmem:s21], [sflag:$0x2], $0x8, s1, s15, $0xb8;
	[tilespmem:$0x1C300] =	vst v63  }
0x4d: {  	_ =	swait.ge [sflag:s24], $0x400  }
0x4e: {  	[sflag:s24] =	ssyncset.done $0x0  }
0x4f: {  	[sflag:s24] =	ssyncadd.s32 $0xFFFFFC00  }
0x50: {  	[spmem:s3] =	stream.indirect.scatter.add.f32 [tilespmem:s22], [sflag:$0x2], $0x8, s10, s15, $0xb8;
	[tilespmem:$0x1C300] =	vst v63  }
0x51: {  	_ =	swait.ge [sflag:s24], $0x400  }
0x52: {  	[sflag:s24] =	ssyncset.done $0x0  }
0x53: {  	[sflag:s24] =	ssyncadd.s32 $0xFFFFFC00  }
0x54: {  	[spmem:s3] =	stream.indirect.scatter.add.f32 [tilespmem:s23], [sflag:$0x2], $0x8, s4, s15, $0xb8;
	[tilespmem:$0x1C300] =	vst v63  }
0x55: {  	_ =	swait.ge [sflag:s25], $0x400  }
0x56: {  	[sflag:s25] =	ssyncset.done $0x0  }
0x57: {  	[sflag:s25] =	ssyncadd.s32 $0xFFFFFC00  }
0x58: {  	_ =	swait.ge [sflag:s25], $0x400  }
0x59: {  	[sflag:s25] =	ssyncset.done $0x0  }
0x5a: {  	[sflag:s25] =	ssyncadd.s32 $0xFFFFFC00  }
0x5b: {  	_ =	swait.ge [sflag:s25], $0x400  }
0x5c: {  	[sflag:s25] =	ssyncset.done $0x0  }
0x5d: {  	[sflag:s25] =	ssyncadd.s32 $0xFFFFFC00  }
0x5e: {  	_ =	swait.ge [sflag:s25], $0x400  }
0x5f: {  	[sflag:s25] =	ssyncset.done $0x0  }
0x60: {  	[sflag:s25] =	ssyncadd.s32 $0xFFFFFC00  }
0x61: {  	_ =	swait.ge [sflag:s25], $0x400  }
0x62: {  	[sflag:s25] =	ssyncset.done $0x0  }
0x63: {  	[sflag:s25] =	ssyncadd.s32 $0xFFFFFC00  }
0x64: {  	_ =	swait.ge [sflag:s25], $0x400  }
0x65: {  	[sflag:s25] =	ssyncset.done $0x0  }
0x66: {  	[sflag:s25] =	ssyncadd.s32 $0xFFFFFC00  }
0x67: {  	_ =	swait.ge [sflag:s25], $0x400  }
0x68: {  	[sflag:s25] =	ssyncset.done $0x0  }
0x69: {  	[sflag:s25] =	ssyncadd.s32 $0xFFFFFC00  }
0x6a: {  	_ =	swait.ge [sflag:s25], $0x400  }
0x6b: {  	s29 =	simm.s32 $0x800;
	s31 =	simm.s32 $0x1000;
	[sflag:s25] =	ssyncset.done $0x0  }
.LBB2_3:
0x6c: {  	s0 =	sshra.s32 s29, $0x2  }
0x6d: {  	[sflag:s25] =	ssyncadd.s32 $0xFFFFFC00;
	s29 =	smov.u32 s31;
	s30 =	sadd.s32 $0x800, s31  }
0x6e: {  	[tilespmem:s16], [sflag:$0x1] =	stream.indirect.gather [hbm4b:s5+s15], $0x8, s0, s15, $0xb8;
	[tilespmem:$0x1C300] =	vst v63  }
0x6f: {  	p0 =	sne.s32 s31, $0x3000;
	s1 =	sadd.s32 $0xE00, s0  }
0x70: {  	[tilespmem:s17], [sflag:$0x1] =	stream.indirect.gather [hbm4b:s5+s15], $0x8, s1, s15, $0xb8;
	[tilespmem:$0x1C300] =	vst v63  }
0x71: {  	s2 =	sadd.s32 $0x80, s0  }
0x72: {  	[tilespmem:s18], [sflag:$0x1] =	stream.indirect.gather [hbm4b:s5+s15], $0x8, s2, s15, $0xb8;
	[tilespmem:$0x1C300] =	vst v63  }
0x73: {  	s4 =	sadd.s32 $0xE80, s0  }
0x74: {  	[tilespmem:s19], [sflag:$0x1] =	stream.indirect.gather [hbm4b:s5+s15], $0x8, s4, s15, $0xb8;
	[tilespmem:$0x1C300] =	vst v63  }
0x75: {  	s10 =	sadd.s32 $0x100, s0  }
0x76: {  	[tilespmem:s20], [sflag:$0x1] =	stream.indirect.gather [hbm4b:s5+s15], $0x8, s10, s15, $0xb8;
	[tilespmem:$0x1C300] =	vst v63  }
0x77: {  	s11 =	sadd.s32 $0xF00, s0  }
0x78: {  	[tilespmem:s21], [sflag:$0x1] =	stream.indirect.gather [hbm4b:s5+s15], $0x8, s11, s15, $0xb8;
	[tilespmem:$0x1C300] =	vst v63  }
0x79: {  	s31 =	sadd.s32 $0x180, s0  }
0x7a: {  	[tilespmem:s22], [sflag:$0x1] =	stream.indirect.gather [hbm4b:s5+s15], $0x8, s31, s15, $0xb8;
	[tilespmem:$0x1C300] =	vst v63  }
0x7b: {  	s7 =	sadd.s32 $0xF80, s0  }
0x7c: {  	[tilespmem:s23], [sflag:$0x1] =	stream.indirect.gather [hbm4b:s5+s15], $0x8, s7, s15, $0xb8;
	[tilespmem:$0x1C300] =	vst v63  }
0x7d: {  	_ =	swait.ge [sflag:s24], $0x400  }
0x7e: {  	[sflag:s24] =	ssyncset.done $0x0  }
0x7f: {  	[sflag:s24] =	ssyncadd.s32 $0xFFFFFC00  }
0x80: {  	[spmem:s3] =	stream.indirect.scatter.add.f32 [tilespmem:s16], [sflag:$0x2], $0x8, s1, s15, $0xb8;
	[tilespmem:$0x1C300] =	vst v63  }
0x81: {  	_ =	swait.ge [sflag:s24], $0x400  }
0x82: {  	[sflag:s24] =	ssyncset.done $0x0  }
0x83: {  	[sflag:s24] =	ssyncadd.s32 $0xFFFFFC00  }
0x84: {  	[spmem:s3] =	stream.indirect.scatter.add.f32 [tilespmem:s17], [sflag:$0x2], $0x8, s0, s15, $0xb8;
	[tilespmem:$0x1C300] =	vst v63  }
0x85: {  	_ =	swait.ge [sflag:s24], $0x400  }
0x86: {  	[sflag:s24] =	ssyncset.done $0x0  }
0x87: {  	[sflag:s24] =	ssyncadd.s32 $0xFFFFFC00  }
0x88: {  	[spmem:s3] =	stream.indirect.scatter.add.f32 [tilespmem:s18], [sflag:$0x2], $0x8, s4, s15, $0xb8;
	[tilespmem:$0x1C300] =	vst v63  }
0x89: {  	_ =	swait.ge [sflag:s24], $0x400  }
0x8a: {  	[sflag:s24] =	ssyncset.done $0x0  }
0x8b: {  	[sflag:s24] =	ssyncadd.s32 $0xFFFFFC00  }
0x8c: {  	[spmem:s3] =	stream.indirect.scatter.add.f32 [tilespmem:s19], [sflag:$0x2], $0x8, s2, s15, $0xb8;
	[tilespmem:$0x1C300] =	vst v63  }
0x8d: {  	_ =	swait.ge [sflag:s24], $0x400  }
0x8e: {  	[sflag:s24] =	ssyncset.done $0x0  }
0x8f: {  	[sflag:s24] =	ssyncadd.s32 $0xFFFFFC00  }
0x90: {  	[spmem:s3] =	stream.indirect.scatter.add.f32 [tilespmem:s20], [sflag:$0x2], $0x8, s11, s15, $0xb8;
	[tilespmem:$0x1C300] =	vst v63  }
0x91: {  	_ =	swait.ge [sflag:s24], $0x400  }
0x92: {  	[sflag:s24] =	ssyncset.done $0x0  }
0x93: {  	[sflag:s24] =	ssyncadd.s32 $0xFFFFFC00  }
0x94: {  	[spmem:s3] =	stream.indirect.scatter.add.f32 [tilespmem:s21], [sflag:$0x2], $0x8, s10, s15, $0xb8;
	[tilespmem:$0x1C300] =	vst v63  }
0x95: {  	_ =	swait.ge [sflag:s24], $0x400  }
0x96: {  	[sflag:s24] =	ssyncset.done $0x0  }
0x97: {  	[sflag:s24] =	ssyncadd.s32 $0xFFFFFC00  }
0x98: {  	[spmem:s3] =	stream.indirect.scatter.add.f32 [tilespmem:s22], [sflag:$0x2], $0x8, s7, s15, $0xb8;
	[tilespmem:$0x1C300] =	vst v63  }
0x99: {  	_ =	swait.ge [sflag:s24], $0x400  }
0x9a: {  	[sflag:s24] =	ssyncset.done $0x0  }
0x9b: {  	[sflag:s24] =	ssyncadd.s32 $0xFFFFFC00  }
0x9c: {  	[spmem:s3] =	stream.indirect.scatter.add.f32 [tilespmem:s23], [sflag:$0x2], $0x8, s31, s15, $0xb8;
	[tilespmem:$0x1C300] =	vst v63  }
0x9d: {  	_ =	swait.ge [sflag:s25], $0x400  }
0x9e: {  	[sflag:s25] =	ssyncset.done $0x0  }
0x9f: {  	[sflag:s25] =	ssyncadd.s32 $0xFFFFFC00  }
0xa0: {  	_ =	swait.ge [sflag:s25], $0x400  }
0xa1: {  	[sflag:s25] =	ssyncset.done $0x0  }
0xa2: {  	[sflag:s25] =	ssyncadd.s32 $0xFFFFFC00  }
0xa3: {  	_ =	swait.ge [sflag:s25], $0x400  }
0xa4: {  	[sflag:s25] =	ssyncset.done $0x0  }
0xa5: {  	[sflag:s25] =	ssyncadd.s32 $0xFFFFFC00  }
0xa6: {  	_ =	swait.ge [sflag:s25], $0x400  }
0xa7: {  	[sflag:s25] =	ssyncset.done $0x0  }
0xa8: {  	[sflag:s25] =	ssyncadd.s32 $0xFFFFFC00  }
0xa9: {  	_ =	swait.ge [sflag:s25], $0x400  }
0xaa: {  	[sflag:s25] =	ssyncset.done $0x0  }
0xab: {  	[sflag:s25] =	ssyncadd.s32 $0xFFFFFC00  }
0xac: {  	_ =	swait.ge [sflag:s25], $0x400  }
0xad: {  	[sflag:s25] =	ssyncset.done $0x0  }
0xae: {  	[sflag:s25] =	ssyncadd.s32 $0xFFFFFC00  }
.Ltmp0:
0xaf: {  	_ =	swait.ge [sflag:s25], $0x400;
	(pc) =	sbr.rel @p0 .LBB2_3-.Ltmp0, $4  }
0xb0: {  	[sflag:s25] =	ssyncset.done $0x0  }
0xb1: {  	[sflag:s25] =	ssyncadd.s32 $0xFFFFFC00  }
0xb2: {  	_ =	swait.ge [sflag:s25], $0x400  }
0xb3: {  	s31 =	smov.u32 s30;
	[sflag:s25] =	ssyncset.done $0x0  }
0xb4: {  	s0 =	sshra.s32 s29, $0x2;
	[sflag:s25] =	ssyncadd.s32 $0xFFFFFC00  }
0xb5: {  	[tilespmem:s16], [sflag:$0x1] =	stream.indirect.gather [hbm4b:s5+s15], $0x8, s0, s15, $0xb8;
	[tilespmem:$0x1C300] =	vst v63  }
0xb6: {  	s1 =	sadd.s32 $0xE00, s0  }
0xb7: {  	[tilespmem:s17], [sflag:$0x1] =	stream.indirect.gather [hbm4b:s5+s15], $0x8, s1, s15, $0xb8;
	[tilespmem:$0x1C300] =	vst v63  }
0xb8: {  	s2 =	sadd.s32 $0x80, s0  }
0xb9: {  	[tilespmem:s18], [sflag:$0x1] =	stream.indirect.gather [hbm4b:s5+s15], $0x8, s2, s15, $0xb8;
	[tilespmem:$0x1C300] =	vst v63  }
0xba: {  	s4 =	sadd.s32 $0xE80, s0  }
0xbb: {  	[tilespmem:s19], [sflag:$0x1] =	stream.indirect.gather [hbm4b:s5+s15], $0x8, s4, s15, $0xb8;
	[tilespmem:$0x1C300] =	vst v63  }
0xbc: {  	s7 =	sadd.s32 $0x100, s0  }
0xbd: {  	[tilespmem:s20], [sflag:$0x1] =	stream.indirect.gather [hbm4b:s5+s15], $0x8, s7, s15, $0xb8;
	[tilespmem:$0x1C300] =	vst v63  }
0xbe: {  	s10 =	sadd.s32 $0xF00, s0  }
0xbf: {  	[tilespmem:s21], [sflag:$0x1] =	stream.indirect.gather [hbm4b:s5+s15], $0x8, s10, s15, $0xb8;
	[tilespmem:$0x1C300] =	vst v63  }
0xc0: {  	s11 =	sadd.s32 $0x180, s0  }
0xc1: {  	[tilespmem:s22], [sflag:$0x1] =	stream.indirect.gather [hbm4b:s5+s15], $0x8, s11, s15, $0xb8;
	[tilespmem:$0x1C300] =	vst v63  }
0xc2: {  	s29 =	sadd.s32 $0xF80, s0  }
0xc3: {  	[tilespmem:s23], [sflag:$0x1] =	stream.indirect.gather [hbm4b:s5+s15], $0x8, s29, s15, $0xb8;
	[tilespmem:$0x1C300] =	vst v63  }
0xc4: {  	_ =	swait.ge [sflag:s24], $0x400  }
0xc5: {  	[sflag:s24] =	ssyncset.done $0x0  }
0xc6: {  	[sflag:s24] =	ssyncadd.s32 $0xFFFFFC00  }
0xc7: {  	[spmem:s3] =	stream.indirect.scatter.add.f32 [tilespmem:s16], [sflag:$0x2], $0x8, s1, s15, $0xb8;
	[tilespmem:$0x1C300] =	vst v63  }
0xc8: {  	_ =	swait.ge [sflag:s24], $0x400  }
0xc9: {  	[sflag:s24] =	ssyncset.done $0x0  }
0xca: {  	[sflag:s24] =	ssyncadd.s32 $0xFFFFFC00  }
0xcb: {  	[spmem:s3] =	stream.indirect.scatter.add.f32 [tilespmem:s17], [sflag:$0x2], $0x8, s0, s15, $0xb8;
	[tilespmem:$0x1C300] =	vst v63  }
0xcc: {  	_ =	swait.ge [sflag:s24], $0x400  }
0xcd: {  	[sflag:s24] =	ssyncset.done $0x0  }
0xce: {  	[sflag:s24] =	ssyncadd.s32 $0xFFFFFC00  }
0xcf: {  	[spmem:s3] =	stream.indirect.scatter.add.f32 [tilespmem:s18], [sflag:$0x2], $0x8, s4, s15, $0xb8;
	[tilespmem:$0x1C300] =	vst v63  }
0xd0: {  	_ =	swait.ge [sflag:s24], $0x400  }
0xd1: {  	[sflag:s24] =	ssyncset.done $0x0  }
0xd2: {  	[sflag:s24] =	ssyncadd.s32 $0xFFFFFC00  }
0xd3: {  	[spmem:s3] =	stream.indirect.scatter.add.f32 [tilespmem:s19], [sflag:$0x2], $0x8, s2, s15, $0xb8;
	[tilespmem:$0x1C300] =	vst v63  }
0xd4: {  	_ =	swait.ge [sflag:s24], $0x400  }
0xd5: {  	[sflag:s24] =	ssyncset.done $0x0  }
0xd6: {  	[sflag:s24] =	ssyncadd.s32 $0xFFFFFC00  }
0xd7: {  	[spmem:s3] =	stream.indirect.scatter.add.f32 [tilespmem:s20], [sflag:$0x2], $0x8, s10, s15, $0xb8;
	[tilespmem:$0x1C300] =	vst v63  }
0xd8: {  	_ =	swait.ge [sflag:s24], $0x400  }
0xd9: {  	[sflag:s24] =	ssyncset.done $0x0  }
0xda: {  	[sflag:s24] =	ssyncadd.s32 $0xFFFFFC00  }
0xdb: {  	[spmem:s3] =	stream.indirect.scatter.add.f32 [tilespmem:s21], [sflag:$0x2], $0x8, s7, s15, $0xb8;
	[tilespmem:$0x1C300] =	vst v63  }
0xdc: {  	_ =	swait.ge [sflag:s24], $0x400  }
0xdd: {  	[sflag:s24] =	ssyncset.done $0x0  }
0xde: {  	[sflag:s24] =	ssyncadd.s32 $0xFFFFFC00  }
0xdf: {  	[spmem:s3] =	stream.indirect.scatter.add.f32 [tilespmem:s22], [sflag:$0x2], $0x8, s29, s15, $0xb8;
	[tilespmem:$0x1C300] =	vst v63  }
0xe0: {  	_ =	swait.ge [sflag:s24], $0x400  }
0xe1: {  	[sflag:s24] =	ssyncset.done $0x0  }
0xe2: {  	[sflag:s24] =	ssyncadd.s32 $0xFFFFFC00  }
0xe3: {  	[spmem:s3] =	stream.indirect.scatter.add.f32 [tilespmem:s23], [sflag:$0x2], $0x8, s11, s15, $0xb8;
	[tilespmem:$0x1C300] =	vst v63  }
0xe4: {  	_ =	swait.ge [sflag:s25], $0x400  }
0xe5: {  	[sflag:s25] =	ssyncset.done $0x0  }
0xe6: {  	[sflag:s25] =	ssyncadd.s32 $0xFFFFFC00  }
0xe7: {  	_ =	swait.ge [sflag:s25], $0x400  }
0xe8: {  	[sflag:s25] =	ssyncset.done $0x0  }
0xe9: {  	[sflag:s25] =	ssyncadd.s32 $0xFFFFFC00  }
0xea: {  	_ =	swait.ge [sflag:s25], $0x400  }
0xeb: {  	[sflag:s25] =	ssyncset.done $0x0  }
0xec: {  	[sflag:s25] =	ssyncadd.s32 $0xFFFFFC00  }
0xed: {  	_ =	swait.ge [sflag:s25], $0x400  }
0xee: {  	[sflag:s25] =	ssyncset.done $0x0  }
0xef: {  	[sflag:s25] =	ssyncadd.s32 $0xFFFFFC00  }
0xf0: {  	_ =	swait.ge [sflag:s25], $0x400  }
0xf1: {  	[sflag:s25] =	ssyncset.done $0x0  }
0xf2: {  	[sflag:s25] =	ssyncadd.s32 $0xFFFFFC00  }
0xf3: {  	_ =	swait.ge [sflag:s25], $0x400  }
0xf4: {  	[sflag:s25] =	ssyncset.done $0x0  }
0xf5: {  	s28 =	sadd.s32 $0x1, s28;
	[sflag:s25] =	ssyncadd.s32 $0xFFFFFC00  }
0xf6: {  	p0 =	sne.s32 s28, $0x7;
	_ =	swait.ge [sflag:s25], $0x400  }
.Ltmp1:
0xf7: {  	[sflag:s25] =	ssyncset.done $0x0;
	(pc) =	sbr.rel @p0 .LBB2_2-.Ltmp1, $4  }
0xf8: {  	[sflag:s25] =	ssyncadd.s32 $0xFFFFFC00  }
0xf9: {  	_ =	swait.ge [sflag:s25], $0x400  }
0xfa: {  	[sflag:s25] =	ssyncset.done $0x0  }
0xfb: {  	[sflag:s25] =	ssyncadd.s32 $0xFFFFFC00  }
0xfc: {  	[bflag:$0x0] =	sbarrier.arrive $0xFFFF;
	s4 =	simm.s32 $0x3C00  }
0xfd: {  	[tilespmem:s4], [sflag:$0x3] =	stream.linear.gather [spmem:s12], $0xC380, $0x38;
	[tilespmem:$0x1C300] =	vst v63  }
0xfe: {  	_ =	swait.ge [sflag:s13], $0xC380  }
0xff: {  	[sflag:s13] =	ssyncset.done $0x0  }
0x100: {  	s1 =	simm.s32 $0x0;
	s0 =	rddreg [dreg:$0x4];
	[sflag:s13] =	ssyncadd.s32 $0xFFFF3C80  }
0x101: {  	[hbm4b:s0+s1] =	stream.linear.scatter [tilespmem:s4], [sflag:$0x3], $0xC380, $0x38;
	[tilespmem:$0x1C300] =	vst v63  }
0x102: {  	_ =	swait.ge [sflag:s13], $0xC380  }
0x103: {  	s26 =	sadd.s32 $0x1, s26;
	s31 =	rddreg [dreg:$0x5]  }
0x104: {  	p0 =	sne.s32 s26, s31  }
.Ltmp2:
0x105: {  	_ = 	snop;
	(pc) =	sbr.rel @p0 .LBB2_1-.Ltmp2, $3  }
0x106: {  	_ =	sdelay $0x1  }
0x107: {  	[sflag:s13] =	ssyncset.done $0x0  }
0x108: {  	s2 =	smov.u32 s12;
	[sflag:s13] =	ssyncadd.s32 $0xFFFF3C80  }
0x109: {  	_ =	sfence.sel $0x180000  }
0x10a: {  	[bflag:$0x0] =	sbarrier.arrive $0xFFFF  }
0x10b: {  	_ =	strace $0x9000004A  }
0x10c: {  	s0 =	stileid.u32;
	[bflag:$0x2] =	sbarrier.arrive $0xFFFF  }
0x10d: {  	p0 =	sne.s32 s0, $0x0;
	s0 =	rddreg [dreg:$0x3]  }
0x10e: {  	s0 =	sadd.s32 @!p0 $0x100000, s0  }
0x10f: {  	[sflag:s0] =	ssyncadd.tile.s32 @!p0 $0x1;
	_ =	shalt  }
.Lfunc_end2:
_tile_overlayer_lowered:
.L_overlay_start_2:
0x110: {  	(tag) =	ssettag $0x2  }
0x111: {  	s0 =	rddreg [dreg:$0x0];
	s2 =	stileid.u32  }
0x112: {  	s1 =	rddreg [dreg:$0x1];
	p0 =	sne.s32 s2, $0x0  }
0x113: {  	s3 =	rddreg [dreg:$0x2];
	[bflag:$0x3] =	sbarrier.arrive $0xFFFF;
	s2 =	simm.s32 @!p0 $0x1C03  }
0x114: {  	[timem:s3], [sflag:s2] =	dma.local @!p0 [hbm:s0], s1  }
0x115: {  	s0 =	simm.s32 @!p0 $0x3  }
0x116: {  	_ =	swait.ge @!p0 [sflag:s0], s1  }
0x117: {  	s1 =	ssub.s32 @!p0 $0x0, s1;
	[sflag:s0] =	ssyncset.done @!p0 $0x0  }
0x118: {  	[sflag:s0] =	ssyncadd.s32 @!p0 s1  }
0x119: {  	[bflag:$0x3] =	sbarrier.arrive $0xFFFF  }
0x11a: {  	_ =	shalt  }

// kernel: kernel.22.cloned.1.call-start
scs
__scs_entry_jumppad:
0x0: {  	(pc) =	sbr.rel $0x88, $3  }
0x1: {  	(tag) =	ssettag $0x0;
	lr =	simm.s32 $0x1  }
0x2: {  	[smem:$0x3F80] =	sst lr;
	_ =	strace $0xD0000000  }
0x3: {  	_ = 	snop  }
0x4: {  	_ = 	snop  }
0x5: {  	_ = 	snop  }
0x6: {  	_ = 	snop  }
0x7: {  	_ = 	snop  }
__scs_overlays_trampoline_lowered:
0x8: {  	[smem:$0x3F8F] =	sst s0  }
0x9: {  	[smem:$0x3F90] =	sst s1  }
0xa: {  	[smem:$0x3F91] =	sst s2  }
0xb: {  	[smem:$0x3F92] =	sst s3  }
0xc: {  	[smem:$0x3F93] =	sst s4  }
0xd: {  	[smem:$0x3F94] =	sst s5  }
0xe: {  	[smem:$0x3F95] =	sst s6  }
0xf: {  	[smem:$0x3F96] =	sst s7  }
0x10: {  	[smem:$0x3F97] =	sst s8  }
0x11: {  	[smem:$0x3F98] =	sst s9;
	s0 =	simm.s32 @!p0 $0x0  }
0x12: {  	s1 =	sld [smem:$0x3F7E];
	s0 =	simm.s32 @p0 $0x1  }
0x13: {  	[smem:$0x3F99] =	sst s0;
	s0 =	simm.s32 @!p1 $0x0  }
0x14: {  	s2 =	sld [smem:$0x3F7D];
	s0 =	simm.s32 @p1 $0x1  }
0x15: {  	[smem:$0x3F9A] =	sst s0;
	s0 =	simm.s32 @!p2 $0x0  }
0x16: {  	s3 =	sld [smem:$0x3FDB];
	s0 =	simm.s32 @p2 $0x1  }
0x17: {  	s4 =	simm.s32 $0x1BF5;
	[smem:$0x3F9C] =	sst s0  }
0x18: {  	s0 =	sld [smem:$0x3F7F];
	_ =	swait.ge [sflag:s4], $0x0  }
0x19: {  	s7 =	sld [smem:$0x3F80]  }
0x1a: {  	s8 =	sadd.s32 $0xFFFFE003, lr  }
0x1b: {  	s9 =	sadd.s32 $0xFFFFFEF7, lr;
	s5 =	simm.s32 $0xFFFFFFFF;
	p2 =	slt.u32 s8, $0xFFFFF086  }
0x1c: {  	p1 =	slt.u32 s9, $0xF7A;
	s5 =	simm.s32 @!p2 $0x0  }
0x1d: {  	s5 =	simm.s32 @p1 $0x1;
	p0 =	seq.s32 s7, s2  }
0x1e: {  	s7 =	smul.u32 @!p0 $0xF7A, s2;
	p2 =	seq.s32 @!p0 s5, $0x0  }
0x1f: {  	s9 =	smul.u32 $0xF7A, s1;
	s8 =	simm.s32 @!p0 $0x1BF5;
	p2 =	por !p2, p0  }
0x20: {  	[sflag:s8] =	ssyncset.s32 @!p0 $0xFFFFF086;
	s6 =	sadd.s32 @!p0 s3, s7;
	s7 =	simm.s32 @!p0 $0x108  }
0x21: {  	s3 =	sadd.s32 s3, s9;
	s6 =	sadd.s32 @!p0 $0x88, s6;
	s7 =	simm.s32 @p2 $0x1082  }
0x22: {  	[simem:s7], [sflag:s8] =	dma.local @!p0 [hbm:s6], $0xF7A  }
0x23: {  	s9 =	sor.u32 $0xD0000000, s2;
	s6 =	simm.s32 $0x108;
	_ =	swait.ge @!p0 [sflag:s8], $0x0  }
0x24: {  	s3 =	sadd.s32 $0x88, s3;
	s6 =	simm.s32 @!p1 $0x1082;
	[sflag:s4] =	ssyncset.s32 $0xFFFFF086  }
0x25: {  	[simem:s6], [sflag:s4] =	dma.local [hbm:s3], $0xF7A  }
0x26: {  	[smem:$0x3F80] =	sst s1;
	(tag) =	ssettag s2;
	_ =	strace s9  }
0x27: {  	s1 =	sld [smem:$0x3F90]  }
0x28: {  	s2 =	sld [smem:$0x3F91]  }
0x29: {  	s4 =	sld [smem:$0x3F93]  }
0x2a: {  	p0 =	seq.s32 s5, $0x0;
	s5 =	sld [smem:$0x3F94]  }
0x2b: {  	s6 =	sld [smem:$0x3F95]  }
0x2c: {  	s7 =	sld [smem:$0x3F96]  }
0x2d: {  	s3 =	simm.s32 $0x108;
	s8 =	sld [smem:$0x3F97]  }
0x2e: {  	s3 =	simm.s32 @!p0 $0x1082;
	s9 =	sld [smem:$0x3F98]  }
0x2f: {  	lr =	sadd.s32 s0, s3;
	s0 =	sld [smem:$0x3F8F]  }
0x30: {  	s3 =	sld [smem:$0x3F92]  }
0x31: {  	[smem:$0x3F9B] =	sst s10  }
0x32: {  	s10 =	sld [smem:$0x3F99];
	_ =	sdelay $0x3  }
0x33: {  	p0 =	seq.s32 s10, $0x1;
	s10 =	sld [smem:$0x3F9B];
	_ =	sdelay $0x3  }
0x34: {  	[smem:$0x3F9B] =	sst s10  }
0x35: {  	s10 =	sld [smem:$0x3F9A];
	_ =	sdelay $0x3  }
0x36: {  	p1 =	seq.s32 s10, $0x1;
	s10 =	sld [smem:$0x3F9B];
	_ =	sdelay $0x3  }
0x37: {  	[smem:$0x3F9B] =	sst s10  }
0x38: {  	s10 =	sld [smem:$0x3F9C]  }
0x39: {  	_ = 	snop;
	(pc) =	sbr.ind lr, $3  }
0x3a: {  	_ = 	snop  }
0x3b: {  	_ = 	snop  }
0x3c: {  	p2 =	seq.s32 s10, $0x1;
	s10 =	sld [smem:$0x3F9B]  }
0x3d: {  	_ =	shalt  }
0x3e: {  	_ =	shalt  }
0x3f: {  	_ =	shalt  }
0x40: {  	_ =	shalt  }
0x41: {  	_ =	shalt  }
0x42: {  	_ =	shalt  }
0x43: {  	_ =	shalt  }
0x44: {  	_ =	shalt  }
0x45: {  	_ =	shalt  }
0x46: {  	_ =	shalt  }
0x47: {  	_ =	shalt  }
0x48: {  	_ =	shalt  }
0x49: {  	_ =	shalt  }
0x4a: {  	_ =	shalt  }
0x4b: {  	_ =	shalt  }
0x4c: {  	_ =	shalt  }
0x4d: {  	_ =	shalt  }
0x4e: {  	_ =	shalt  }
0x4f: {  	_ =	shalt  }
0x50: {  	_ =	shalt  }
0x51: {  	_ =	shalt  }
0x52: {  	_ =	shalt  }
0x53: {  	_ =	shalt  }
0x54: {  	_ =	shalt  }
0x55: {  	_ =	shalt  }
0x56: {  	_ =	shalt  }
0x57: {  	_ =	shalt  }
0x58: {  	_ =	shalt  }
0x59: {  	_ =	shalt  }
0x5a: {  	_ =	shalt  }
0x5b: {  	_ =	shalt  }
0x5c: {  	_ =	shalt  }
0x5d: {  	_ =	shalt  }
0x5e: {  	_ =	shalt  }
0x5f: {  	_ =	shalt  }
0x60: {  	_ =	shalt  }
0x61: {  	_ =	shalt  }
0x62: {  	_ =	shalt  }
0x63: {  	_ =	shalt  }
0x64: {  	_ =	shalt  }
0x65: {  	_ =	shalt  }
0x66: {  	_ =	shalt  }
0x67: {  	_ =	shalt  }
0x68: {  	_ =	shalt  }
0x69: {  	_ =	shalt  }
0x6a: {  	_ =	shalt  }
0x6b: {  	_ =	shalt  }
0x6c: {  	_ =	shalt  }
0x6d: {  	_ =	shalt  }
0x6e: {  	_ =	shalt  }
0x6f: {  	_ =	shalt  }
0x70: {  	_ =	shalt  }
0x71: {  	_ =	shalt  }
0x72: {  	_ =	shalt  }
0x73: {  	_ =	shalt  }
0x74: {  	_ =	shalt  }
0x75: {  	_ =	shalt  }
0x76: {  	_ =	shalt  }
0x77: {  	_ =	shalt  }
0x78: {  	_ =	shalt  }
0x79: {  	_ =	shalt  }
0x7a: {  	_ =	shalt  }
0x7b: {  	_ =	shalt  }
0x7c: {  	_ =	shalt  }
0x7d: {  	_ =	shalt  }
0x7e: {  	_ =	shalt  }
0x7f: {  	_ =	shalt  }
0x80: {  	_ =	shalt  }
0x81: {  	_ =	shalt  }
0x82: {  	_ =	shalt  }
0x83: {  	_ =	shalt  }
0x84: {  	_ =	shalt  }
0x85: {  	_ =	shalt  }
0x86: {  	_ =	shalt  }
0x87: {  	_ =	shalt  }
.Lfunc_end0:
.L_simem_size_0:
called_computation.2_lowered:
.L_overlay_start_0:
0x88: {  	s2 =	sld [smem:$0x3FD9]  }
0x89: {  	s3 =	sld [smem:$0x3FFE];
	_ =	sdelay $0x1  }
0x8a: {  	s1 =	srdreg.scid  }
0x8b: {  	s0 =	sand.u32 $0x1, s1  }
0x8c: {  	s17 =	sshll.u32 s0, $0xA;
	s2 =	sadd.s32 s3, s2  }
0x8d: {  	s2 =	sadd.s32 s2, s17  }
0x8e: {  	[smem:$0x3FA7] =	sst s2  }
0x8f: {  	_ = 	snop  }
0x90: {  	s2 =	sld [smem:$0x3FD0];
	(tm) =	ssettm $0x1  }
0x91: {  	s18 =	sld [smem:$0x3FFB];
	_ =	sdelay $0x3  }
0x92: {  	_ =	strace s18  }
0x93: {  	s3 =	sld [smem:$0x3FFC];
	_ =	sdelay $0x3  }
0x94: {  	_ =	strace s3  }
0x95: {  	s3 =	sld [smem:$0x3FFD];
	_ =	sdelay $0x3  }
0x96: {  	_ =	strace s3  }
0x97: {  	_ =	strace $0x8FFFFFFF  }
0x98: {  	s19 =	sld [smem:$0x3FDB];
	_ =	sdelay $0x1  }
0x99: {  	s4 =	simm.s32 $_scs_section_size  }
0x9a: {  	s5 =	simm.s32 $_size__tile_overlayer_lowered;
	s6 =	simm.s32 $_tile_overlayer_lowered  }
0x9b: {  	s22 =	simm.s32 $0x1BFF;
	s21 =	sshll.u32 s6, $0x1;
	s3 =	sadd.s32 s4, s19  }
0x9c: {  	s7 =	simm.s32 $0x0;
	s20 =	sshll.u32 s5, $0x1;
	s5 =	sadd.s32 s21, s3  }
0x9d: {  	[timem:s7], [sflag:s22] =	dma.local [hbm:s5], s20  }
0x9e: {  	_ =	swait.ge [sflag:s22], s20  }
0x9f: {  	s4 =	ssub.s32 $0x0, s20;
	[sflag:s22] =	ssyncset.done $0x0  }
0xa0: {  	[sflag:s22] =	ssyncadd.s32 s4;
	_ =	sdelay $0x1  }
0xa1: {  	s23 =	simm.s32 $0x1B8B  }
0xa2: {  	_ =	swait.ge [sflag:s23], $0x1  }
0xa3: {  	[sflag:s23] =	ssyncset.done $0x0  }
0xa4: {  	s25 =	simm.s32 $0x1B8E;
	s24 =	sld [smem:$0x3FFE];
	[sflag:s23] =	ssyncadd.s32 $0xFFFFFFFF  }
0xa5: {  	s26 =	simm.s32 $execute0_lowered;
	[smem:$0x3FD2] =	sst s25  }
0xa6: {  	s5 =	sshll.u32 s26, $0x1;
	_ =	strace $0x8000004C;
	[dreg:$0x1] =	wrdreg $0xFFFFFFFF  }
0xa7: {  	s28 =	simm.s32 $_size_execute0_lowered;
	s3 =	sadd.s32 s3, s5;
	[dreg:$0x0] =	wrdreg $0x0  }
0xa8: {  	s5 =	sshll.u32 s28, $0x1;
	[dreg:$0x2] =	wrdreg s3  }
0xa9: {  	[dreg:$0x3] =	wrdreg s5  }
0xaa: {  	[dreg:$0x4] =	wrdreg $0xC0  }
0xab: {  	_ =	task [dreg:s7], $0x5FFFF  }
0xac: {  	[dreg:$0x1] =	wrdreg $0xFFFFFFFF  }
0xad: {  	[dreg:$0x0] =	wrdreg $0x60  }
0xae: {  	[dreg:$0x2] =	wrdreg s24  }
0xaf: {  	[dreg:$0x3] =	wrdreg s2  }
0xb0: {  	[dreg:$0x4] =	wrdreg $0xFF800  }
0xb1: {  	[dreg:$0x5] =	wrdreg $0x9  }
0xb2: {  	_ =	task.clear_ibuf [dreg:s7], $0x6FFFF;
	_ =	strace $0x9000004C  }
0xb3: {  	s29 =	simm.s32 $0x9;
	_ =	strace $0x8000004E  }
0xb4: {  	_ =	swait.ge [sflag:s29], $0x1  }
0xb5: {  	[sflag:s29] =	ssyncadd.s32 $0xFFFFFFFF  }
0xb6: {  	_ =	strace $0x9000004E  }
0xb7: {  	_ =	sfence  }
0xb8: {  	s30 =	sld [smem:$0x0];
	_ =	sdelay $0x2  }
0xb9: {  	s31 =	sshll.u32 s1, $0xD;
	s1 =	sshrl.u32 s1, $0x2  }
0xba: {  	s3 =	sand.u32 $0x4000, s31;
	s1 =	sadd.s32 s1, s30  }
0xbb: {  	s0 =	sor.u32 s3, s0;
	s1 =	sshll.u32 s1, $0x11  }
0xbc: {  	s0 =	sor.u32 s1, s0  }
0xbd: {  	s0 =	sadd.s32 $0x8F2B, s0  }
0xbe: {  	[sflag:s0] =	ssyncadd.remote.s32 $0x1  }
0xbf: {  	_ =	sfence.sel $0xFFFF  }
0xc0: {  	[dreg:$0x0] =	wrdreg $0xFFFFFFFF;
	(pc) =	sbr.abs _section_cstart, $3  }
0xc1: {  	[dreg:$0x1] =	wrdreg $0xFFFFFFFF  }
0xc2: {  	_ =	task.clear_ibuf [dreg:s7], $0x2FFFF;
	_ =	strace $0x9FFFFFFF  }
0xc3: {  	(tm) =	ssettm $0x7FFFFFFF  }
tec
execute0_lowered:
.L_overlay_start_1:
0x0: {  	(tag) =	ssettag $0x1  }
0x1: {  	s9 =	rddreg [dreg:$0x0];
	s0 =	srdreg.scid  }
0x2: {  	s3 =	rddreg [dreg:$0x2];
	s26 =	stileid.u32;
	s1 =	simm.s32 $0x0  }
0x3: {  	s4 =	simm.s32 $0x3C00;
	s14 =	simm.s32 $0xE00;
	s15 =	simm.s32 $0x80  }
0x4: {  	s16 =	simm.s32 $0x1C00;
	s17 =	simm.s32 $0x2C00;
	s18 =	simm.s32 $0x2000  }
0x5: {  	s19 =	simm.s32 $0x3000;
	s20 =	simm.s32 $0x2400;
	s21 =	simm.s32 $0x3400  }
0x6: {  	s22 =	simm.s32 $0x2800;
	s23 =	simm.s32 $0x3800;
	s24 =	simm.s32 $0x1  }
0x7: {  	s25 =	simm.s32 $0x2;
	s7 =	sand.u32 $0x1, s0;
	s8 =	smul.u32 $0xC380, s26  }
0x8: {  	[smem:$0x7FF] =	sst s1;
	s5 =	sadd.s32 $0x39400, s9;
	s10 =	smul.u32 $0x30E00, s26  }
0x9: {  	s12 =	sshll.u32 s26, $0x1;
	s26 =	simm.s32 $0x0;
	s6 =	smul.u32 $0xC3800, s7  }
0xa: {  	_ =	strace $0x8000004D;
	s28 =	ssub.s32 $0x2, s7;
	s12 =	sor.u32 s7, s12  }
0xb: {  	s13 =	sshrl.u32 s28, $0x1;
	s29 =	sshrl.u32 s10, $0x2;
	s8 =	sadd.s32 s8, s6  }
0xc: {  	s6 =	sadd.s32 $0x8400, s9;
	s13 =	ssub.s32 s28, s13;
	s8 =	sshrl.u32 s8, $0x3  }
0xd: {  	s2 =	sadd.s32 s29, s3;
	s31 =	smax.u32 s13, $0x1;
	s11 =	sadd.s32 s8, s9  }
0xe: {  	s13 =	simm.s32 $0x3;
	[dreg:$0x5] =	wrdreg s31;
	s30 =	sadd.s32 $0x51C00, s11  }
0xf: {  	s8 =	smul.u32 $0xC4, s12;
	s9 =	sadd.s32 $0x20C00, s9;
	[dreg:$0x4] =	wrdreg s30  }
.LBB2_1:
0x10: {  	s0 =	rddreg [dreg:$0x1]  }
0x11: {  	[tilespmem:s4], [sflag:$0x3] =	stream.linear.gather [hbm4b:s0+s1], $0xC380, $0x38;
	[tilespmem:$0x1C300] =	vst v63  }
0x12: {  	_ =	swait.ge [sflag:s13], $0xC380  }
0x13: {  	[sflag:s13] =	ssyncset.done $0x0  }
0x14: {  	[sflag:s13] =	ssyncadd.s32 $0xFFFF3C80  }
0x15: {  	[spmem:s2] =	stream.linear.scatter [tilespmem:s4], [sflag:$0x3], $0xC380, $0x38;
	[tilespmem:$0x1C300] =	vst v63  }
0x16: {  	_ =	swait.ge [sflag:s13], $0xC380  }
0x17: {  	[sflag:s13] =	ssyncset.done $0x0  }
0x18: {  	[sflag:s13] =	ssyncadd.s32 $0xFFFF3C80  }
0x19: {  	s12 =	smov.u32 s2;
	s28 =	simm.s32 $0x0;
	[bflag:$0x0] =	sbarrier.arrive $0xFFFF  }
.LBB2_2:
0x1a: {  	s29 =	smul.u32 $0x1C, s28;
	_ =	sdelay $0x1  }
0x1b: {  	s29 =	sadd.s32 s8, s29  }
0x1c: {  	s29 =	sshll.u32 s29, $0x4  }
0x1d: {  	s31 =	simm.s32 $0x0;
	s30 =	sadd.s32 s6, s29  }
0x1e: {  	[tilespmem:s31], [sflag:$0x3] =	stream.linear.gather [hbm4b:s30+s31], $0xE00, $0x38;
	[tilespmem:$0x1C300] =	vst v63  }
0x1f: {  	_ =	swait.ge [sflag:s13], $0xE00  }
0x20: {  	[sflag:s13] =	ssyncset.done $0x0  }
0x21: {  	s29 =	sadd.s32 s29, s9;
	[sflag:s13] =	ssyncadd.s32 $0xFFFFF200  }
0x22: {  	[tilespmem:s14], [sflag:$0x3] =	stream.linear.gather [hbm4b:s29+s31], $0xE00, $0x38;
	[tilespmem:$0x1C300] =	vst v63  }
0x23: {  	_ =	swait.ge [sflag:s13], $0xE00  }
0x24: {  	[sflag:s13] =	ssyncset.done $0x0  }
0x25: {  	s29 =	simm.s32 $0x0;
	[sflag:s13] =	ssyncadd.s32 $0xFFFFF200  }
0x26: {  	[tilespmem:s16], [sflag:$0x1] =	stream.indirect.gather [hbm4b:s5+s15], $0x8, s29, s15, $0xb8;
	[tilespmem:$0x1C300] =	vst v63  }
0x27: {  	s11 =	simm.s32 $0xE00  }
0x28: {  	[tilespmem:s17], [sflag:$0x1] =	stream.indirect.gather [hbm4b:s5+s15], $0x8, s11, s15, $0xb8;
	[tilespmem:$0x1C300] =	vst v63  }
0x29: {  	s31 =	simm.s32 $0x80  }
0x2a: {  	[tilespmem:s18], [sflag:$0x1] =	stream.indirect.gather [hbm4b:s5+s15], $0x8, s31, s15, $0xb8;
	[tilespmem:$0x1C300] =	vst v63  }
0x2b: {  	s0 =	simm.s32 $0xE80  }
0x2c: {  	[tilespmem:s19], [sflag:$0x1] =	stream.indirect.gather [hbm4b:s5+s15], $0x8, s0, s15, $0xb8;
	[tilespmem:$0x1C300] =	vst v63  }
0x2d: {  	s1 =	simm.s32 $0x100  }
0x2e: {  	[tilespmem:s20], [sflag:$0x1] =	stream.indirect.gather [hbm4b:s5+s15], $0x8, s1, s15, $0xb8;
	[tilespmem:$0x1C300] =	vst v63  }
0x2f: {  	s2 =	simm.s32 $0xF00  }
0x30: {  	[tilespmem:s21], [sflag:$0x1] =	stream.indirect.gather [hbm4b:s5+s15], $0x8, s2, s15, $0xb8;
	[tilespmem:$0x1C300] =	vst v63  }
0x31: {  	s4 =	simm.s32 $0x180  }
0x32: {  	[tilespmem:s22], [sflag:$0x1] =	stream.indirect.gather [hbm4b:s5+s15], $0x8, s4, s15, $0xb8;
	[tilespmem:$0x1C300] =	vst v63  }
0x33: {  	s10 =	simm.s32 $0xF80  }
0x34: {  	[tilespmem:s23], [sflag:$0x1] =	stream.indirect.gather [hbm4b:s5+s15], $0x8, s10, s15, $0xb8;
	[tilespmem:$0x1C300] =	vst v63  }
0x35: {  	_ =	swait.ge [sflag:s24], $0x400  }
0x36: {  	[sflag:s24] =	ssyncset.done $0x0  }
0x37: {  	[sflag:s24] =	ssyncadd.s32 $0xFFFFFC00  }
0x38: {  	[spmem:s3] =	stream.indirect.scatter.add.f32 [tilespmem:s16], [sflag:$0x2], $0x8, s11, s15, $0xb8;
	[tilespmem:$0x1C300] =	vst v63  }
0x39: {  	_ =	swait.ge [sflag:s24], $0x400  }
0x3a: {  	[sflag:s24] =	ssyncset.done $0x0  }
0x3b: {  	[sflag:s24] =	ssyncadd.s32 $0xFFFFFC00  }
0x3c: {  	[spmem:s3] =	stream.indirect.scatter.add.f32 [tilespmem:s17], [sflag:$0x2], $0x8, s29, s15, $0xb8;
	[tilespmem:$0x1C300] =	vst v63  }
0x3d: {  	_ =	swait.ge [sflag:s24], $0x400  }
0x3e: {  	[sflag:s24] =	ssyncset.done $0x0  }
0x3f: {  	[sflag:s24] =	ssyncadd.s32 $0xFFFFFC00  }
0x40: {  	[spmem:s3] =	stream.indirect.scatter.add.f32 [tilespmem:s18], [sflag:$0x2], $0x8, s0, s15, $0xb8;
	[tilespmem:$0x1C300] =	vst v63  }
0x41: {  	_ =	swait.ge [sflag:s24], $0x400  }
0x42: {  	[sflag:s24] =	ssyncset.done $0x0  }
0x43: {  	[sflag:s24] =	ssyncadd.s32 $0xFFFFFC00  }
0x44: {  	[spmem:s3] =	stream.indirect.scatter.add.f32 [tilespmem:s19], [sflag:$0x2], $0x8, s31, s15, $0xb8;
	[tilespmem:$0x1C300] =	vst v63  }
0x45: {  	_ =	swait.ge [sflag:s24], $0x400  }
0x46: {  	[sflag:s24] =	ssyncset.done $0x0  }
0x47: {  	[sflag:s24] =	ssyncadd.s32 $0xFFFFFC00  }
0x48: {  	[spmem:s3] =	stream.indirect.scatter.add.f32 [tilespmem:s20], [sflag:$0x2], $0x8, s2, s15, $0xb8;
	[tilespmem:$0x1C300] =	vst v63  }
0x49: {  	_ =	swait.ge [sflag:s24], $0x400  }
0x4a: {  	[sflag:s24] =	ssyncset.done $0x0  }
0x4b: {  	[sflag:s24] =	ssyncadd.s32 $0xFFFFFC00  }
0x4c: {  	[spmem:s3] =	stream.indirect.scatter.add.f32 [tilespmem:s21], [sflag:$0x2], $0x8, s1, s15, $0xb8;
	[tilespmem:$0x1C300] =	vst v63  }
0x4d: {  	_ =	swait.ge [sflag:s24], $0x400  }
0x4e: {  	[sflag:s24] =	ssyncset.done $0x0  }
0x4f: {  	[sflag:s24] =	ssyncadd.s32 $0xFFFFFC00  }
0x50: {  	[spmem:s3] =	stream.indirect.scatter.add.f32 [tilespmem:s22], [sflag:$0x2], $0x8, s10, s15, $0xb8;
	[tilespmem:$0x1C300] =	vst v63  }
0x51: {  	_ =	swait.ge [sflag:s24], $0x400  }
0x52: {  	[sflag:s24] =	ssyncset.done $0x0  }
0x53: {  	[sflag:s24] =	ssyncadd.s32 $0xFFFFFC00  }
0x54: {  	[spmem:s3] =	stream.indirect.scatter.add.f32 [tilespmem:s23], [sflag:$0x2], $0x8, s4, s15, $0xb8;
	[tilespmem:$0x1C300] =	vst v63  }
0x55: {  	_ =	swait.ge [sflag:s25], $0x400  }
0x56: {  	[sflag:s25] =	ssyncset.done $0x0  }
0x57: {  	[sflag:s25] =	ssyncadd.s32 $0xFFFFFC00  }
0x58: {  	_ =	swait.ge [sflag:s25], $0x400  }
0x59: {  	[sflag:s25] =	ssyncset.done $0x0  }
0x5a: {  	[sflag:s25] =	ssyncadd.s32 $0xFFFFFC00  }
0x5b: {  	_ =	swait.ge [sflag:s25], $0x400  }
0x5c: {  	[sflag:s25] =	ssyncset.done $0x0  }
0x5d: {  	[sflag:s25] =	ssyncadd.s32 $0xFFFFFC00  }
0x5e: {  	_ =	swait.ge [sflag:s25], $0x400  }
0x5f: {  	[sflag:s25] =	ssyncset.done $0x0  }
0x60: {  	[sflag:s25] =	ssyncadd.s32 $0xFFFFFC00  }
0x61: {  	_ =	swait.ge [sflag:s25], $0x400  }
0x62: {  	[sflag:s25] =	ssyncset.done $0x0  }
0x63: {  	[sflag:s25] =	ssyncadd.s32 $0xFFFFFC00  }
0x64: {  	_ =	swait.ge [sflag:s25], $0x400  }
0x65: {  	[sflag:s25] =	ssyncset.done $0x0  }
0x66: {  	[sflag:s25] =	ssyncadd.s32 $0xFFFFFC00  }
0x67: {  	_ =	swait.ge [sflag:s25], $0x400  }
0x68: {  	[sflag:s25] =	ssyncset.done $0x0  }
0x69: {  	[sflag:s25] =	ssyncadd.s32 $0xFFFFFC00  }
0x6a: {  	_ =	swait.ge [sflag:s25], $0x400  }
0x6b: {  	s29 =	simm.s32 $0x800;
	s31 =	simm.s32 $0x1000;
	[sflag:s25] =	ssyncset.done $0x0  }
.LBB2_3:
0x6c: {  	s0 =	sshra.s32 s29, $0x2  }
0x6d: {  	[sflag:s25] =	ssyncadd.s32 $0xFFFFFC00;
	s29 =	smov.u32 s31;
	s30 =	sadd.s32 $0x800, s31  }
0x6e: {  	[tilespmem:s16], [sflag:$0x1] =	stream.indirect.gather [hbm4b:s5+s15], $0x8, s0, s15, $0xb8;
	[tilespmem:$0x1C300] =	vst v63  }
0x6f: {  	p0 =	sne.s32 s31, $0x3000;
	s1 =	sadd.s32 $0xE00, s0  }
0x70: {  	[tilespmem:s17], [sflag:$0x1] =	stream.indirect.gather [hbm4b:s5+s15], $0x8, s1, s15, $0xb8;
	[tilespmem:$0x1C300] =	vst v63  }
0x71: {  	s2 =	sadd.s32 $0x80, s0  }
0x72: {  	[tilespmem:s18], [sflag:$0x1] =	stream.indirect.gather [hbm4b:s5+s15], $0x8, s2, s15, $0xb8;
	[tilespmem:$0x1C300] =	vst v63  }
0x73: {  	s4 =	sadd.s32 $0xE80, s0  }
0x74: {  	[tilespmem:s19], [sflag:$0x1] =	stream.indirect.gather [hbm4b:s5+s15], $0x8, s4, s15, $0xb8;
	[tilespmem:$0x1C300] =	vst v63  }
0x75: {  	s10 =	sadd.s32 $0x100, s0  }
0x76: {  	[tilespmem:s20], [sflag:$0x1] =	stream.indirect.gather [hbm4b:s5+s15], $0x8, s10, s15, $0xb8;
	[tilespmem:$0x1C300] =	vst v63  }
0x77: {  	s11 =	sadd.s32 $0xF00, s0  }
0x78: {  	[tilespmem:s21], [sflag:$0x1] =	stream.indirect.gather [hbm4b:s5+s15], $0x8, s11, s15, $0xb8;
	[tilespmem:$0x1C300] =	vst v63  }
0x79: {  	s31 =	sadd.s32 $0x180, s0  }
0x7a: {  	[tilespmem:s22], [sflag:$0x1] =	stream.indirect.gather [hbm4b:s5+s15], $0x8, s31, s15, $0xb8;
	[tilespmem:$0x1C300] =	vst v63  }
0x7b: {  	s7 =	sadd.s32 $0xF80, s0  }
0x7c: {  	[tilespmem:s23], [sflag:$0x1] =	stream.indirect.gather [hbm4b:s5+s15], $0x8, s7, s15, $0xb8;
	[tilespmem:$0x1C300] =	vst v63  }
0x7d: {  	_ =	swait.ge [sflag:s24], $0x400  }
0x7e: {  	[sflag:s24] =	ssyncset.done $0x0  }
0x7f: {  	[sflag:s24] =	ssyncadd.s32 $0xFFFFFC00  }
0x80: {  	[spmem:s3] =	stream.indirect.scatter.add.f32 [tilespmem:s16], [sflag:$0x2], $0x8, s1, s15, $0xb8;
	[tilespmem:$0x1C300] =	vst v63  }
0x81: {  	_ =	swait.ge [sflag:s24], $0x400  }
0x82: {  	[sflag:s24] =	ssyncset.done $0x0  }
0x83: {  	[sflag:s24] =	ssyncadd.s32 $0xFFFFFC00  }
0x84: {  	[spmem:s3] =	stream.indirect.scatter.add.f32 [tilespmem:s17], [sflag:$0x2], $0x8, s0, s15, $0xb8;
	[tilespmem:$0x1C300] =	vst v63  }
0x85: {  	_ =	swait.ge [sflag:s24], $0x400  }
0x86: {  	[sflag:s24] =	ssyncset.done $0x0  }
0x87: {  	[sflag:s24] =	ssyncadd.s32 $0xFFFFFC00  }
0x88: {  	[spmem:s3] =	stream.indirect.scatter.add.f32 [tilespmem:s18], [sflag:$0x2], $0x8, s4, s15, $0xb8;
	[tilespmem:$0x1C300] =	vst v63  }
0x89: {  	_ =	swait.ge [sflag:s24], $0x400  }
0x8a: {  	[sflag:s24] =	ssyncset.done $0x0  }
0x8b: {  	[sflag:s24] =	ssyncadd.s32 $0xFFFFFC00  }
0x8c: {  	[spmem:s3] =	stream.indirect.scatter.add.f32 [tilespmem:s19], [sflag:$0x2], $0x8, s2, s15, $0xb8;
	[tilespmem:$0x1C300] =	vst v63  }
0x8d: {  	_ =	swait.ge [sflag:s24], $0x400  }
0x8e: {  	[sflag:s24] =	ssyncset.done $0x0  }
0x8f: {  	[sflag:s24] =	ssyncadd.s32 $0xFFFFFC00  }
0x90: {  	[spmem:s3] =	stream.indirect.scatter.add.f32 [tilespmem:s20], [sflag:$0x2], $0x8, s11, s15, $0xb8;
	[tilespmem:$0x1C300] =	vst v63  }
0x91: {  	_ =	swait.ge [sflag:s24], $0x400  }
0x92: {  	[sflag:s24] =	ssyncset.done $0x0  }
0x93: {  	[sflag:s24] =	ssyncadd.s32 $0xFFFFFC00  }
0x94: {  	[spmem:s3] =	stream.indirect.scatter.add.f32 [tilespmem:s21], [sflag:$0x2], $0x8, s10, s15, $0xb8;
	[tilespmem:$0x1C300] =	vst v63  }
0x95: {  	_ =	swait.ge [sflag:s24], $0x400  }
0x96: {  	[sflag:s24] =	ssyncset.done $0x0  }
0x97: {  	[sflag:s24] =	ssyncadd.s32 $0xFFFFFC00  }
0x98: {  	[spmem:s3] =	stream.indirect.scatter.add.f32 [tilespmem:s22], [sflag:$0x2], $0x8, s7, s15, $0xb8;
	[tilespmem:$0x1C300] =	vst v63  }
0x99: {  	_ =	swait.ge [sflag:s24], $0x400  }
0x9a: {  	[sflag:s24] =	ssyncset.done $0x0  }
0x9b: {  	[sflag:s24] =	ssyncadd.s32 $0xFFFFFC00  }
0x9c: {  	[spmem:s3] =	stream.indirect.scatter.add.f32 [tilespmem:s23], [sflag:$0x2], $0x8, s31, s15, $0xb8;
	[tilespmem:$0x1C300] =	vst v63  }
0x9d: {  	_ =	swait.ge [sflag:s25], $0x400  }
0x9e: {  	[sflag:s25] =	ssyncset.done $0x0  }
0x9f: {  	[sflag:s25] =	ssyncadd.s32 $0xFFFFFC00  }
0xa0: {  	_ =	swait.ge [sflag:s25], $0x400  }
0xa1: {  	[sflag:s25] =	ssyncset.done $0x0  }
0xa2: {  	[sflag:s25] =	ssyncadd.s32 $0xFFFFFC00  }
0xa3: {  	_ =	swait.ge [sflag:s25], $0x400  }
0xa4: {  	[sflag:s25] =	ssyncset.done $0x0  }
0xa5: {  	[sflag:s25] =	ssyncadd.s32 $0xFFFFFC00  }
0xa6: {  	_ =	swait.ge [sflag:s25], $0x400  }
0xa7: {  	[sflag:s25] =	ssyncset.done $0x0  }
0xa8: {  	[sflag:s25] =	ssyncadd.s32 $0xFFFFFC00  }
0xa9: {  	_ =	swait.ge [sflag:s25], $0x400  }
0xaa: {  	[sflag:s25] =	ssyncset.done $0x0  }
0xab: {  	[sflag:s25] =	ssyncadd.s32 $0xFFFFFC00  }
0xac: {  	_ =	swait.ge [sflag:s25], $0x400  }
0xad: {  	[sflag:s25] =	ssyncset.done $0x0  }
0xae: {  	[sflag:s25] =	ssyncadd.s32 $0xFFFFFC00  }
.Ltmp0:
0xaf: {  	_ =	swait.ge [sflag:s25], $0x400;
	(pc) =	sbr.rel @p0 .LBB2_3-.Ltmp0, $4  }
0xb0: {  	[sflag:s25] =	ssyncset.done $0x0  }
0xb1: {  	[sflag:s25] =	ssyncadd.s32 $0xFFFFFC00  }
0xb2: {  	_ =	swait.ge [sflag:s25], $0x400  }
0xb3: {  	s31 =	smov.u32 s30;
	[sflag:s25] =	ssyncset.done $0x0  }
0xb4: {  	s0 =	sshra.s32 s29, $0x2;
	[sflag:s25] =	ssyncadd.s32 $0xFFFFFC00  }
0xb5: {  	[tilespmem:s16], [sflag:$0x1] =	stream.indirect.gather [hbm4b:s5+s15], $0x8, s0, s15, $0xb8;
	[tilespmem:$0x1C300] =	vst v63  }
0xb6: {  	s1 =	sadd.s32 $0xE00, s0  }
0xb7: {  	[tilespmem:s17], [sflag:$0x1] =	stream.indirect.gather [hbm4b:s5+s15], $0x8, s1, s15, $0xb8;
	[tilespmem:$0x1C300] =	vst v63  }
0xb8: {  	s2 =	sadd.s32 $0x80, s0  }
0xb9: {  	[tilespmem:s18], [sflag:$0x1] =	stream.indirect.gather [hbm4b:s5+s15], $0x8, s2, s15, $0xb8;
	[tilespmem:$0x1C300] =	vst v63  }
0xba: {  	s4 =	sadd.s32 $0xE80, s0  }
0xbb: {  	[tilespmem:s19], [sflag:$0x1] =	stream.indirect.gather [hbm4b:s5+s15], $0x8, s4, s15, $0xb8;
	[tilespmem:$0x1C300] =	vst v63  }
0xbc: {  	s7 =	sadd.s32 $0x100, s0  }
0xbd: {  	[tilespmem:s20], [sflag:$0x1] =	stream.indirect.gather [hbm4b:s5+s15], $0x8, s7, s15, $0xb8;
	[tilespmem:$0x1C300] =	vst v63  }
0xbe: {  	s10 =	sadd.s32 $0xF00, s0  }
0xbf: {  	[tilespmem:s21], [sflag:$0x1] =	stream.indirect.gather [hbm4b:s5+s15], $0x8, s10, s15, $0xb8;
	[tilespmem:$0x1C300] =	vst v63  }
0xc0: {  	s11 =	sadd.s32 $0x180, s0  }
0xc1: {  	[tilespmem:s22], [sflag:$0x1] =	stream.indirect.gather [hbm4b:s5+s15], $0x8, s11, s15, $0xb8;
	[tilespmem:$0x1C300] =	vst v63  }
0xc2: {  	s29 =	sadd.s32 $0xF80, s0  }
0xc3: {  	[tilespmem:s23], [sflag:$0x1] =	stream.indirect.gather [hbm4b:s5+s15], $0x8, s29, s15, $0xb8;
	[tilespmem:$0x1C300] =	vst v63  }
0xc4: {  	_ =	swait.ge [sflag:s24], $0x400  }
0xc5: {  	[sflag:s24] =	ssyncset.done $0x0  }
0xc6: {  	[sflag:s24] =	ssyncadd.s32 $0xFFFFFC00  }
0xc7: {  	[spmem:s3] =	stream.indirect.scatter.add.f32 [tilespmem:s16], [sflag:$0x2], $0x8, s1, s15, $0xb8;
	[tilespmem:$0x1C300] =	vst v63  }
0xc8: {  	_ =	swait.ge [sflag:s24], $0x400  }
0xc9: {  	[sflag:s24] =	ssyncset.done $0x0  }
0xca: {  	[sflag:s24] =	ssyncadd.s32 $0xFFFFFC00  }
0xcb: {  	[spmem:s3] =	stream.indirect.scatter.add.f32 [tilespmem:s17], [sflag:$0x2], $0x8, s0, s15, $0xb8;
	[tilespmem:$0x1C300] =	vst v63  }
0xcc: {  	_ =	swait.ge [sflag:s24], $0x400  }
0xcd: {  	[sflag:s24] =	ssyncset.done $0x0  }
0xce: {  	[sflag:s24] =	ssyncadd.s32 $0xFFFFFC00  }
0xcf: {  	[spmem:s3] =	stream.indirect.scatter.add.f32 [tilespmem:s18], [sflag:$0x2], $0x8, s4, s15, $0xb8;
	[tilespmem:$0x1C300] =	vst v63  }
0xd0: {  	_ =	swait.ge [sflag:s24], $0x400  }
0xd1: {  	[sflag:s24] =	ssyncset.done $0x0  }
0xd2: {  	[sflag:s24] =	ssyncadd.s32 $0xFFFFFC00  }
0xd3: {  	[spmem:s3] =	stream.indirect.scatter.add.f32 [tilespmem:s19], [sflag:$0x2], $0x8, s2, s15, $0xb8;
	[tilespmem:$0x1C300] =	vst v63  }
0xd4: {  	_ =	swait.ge [sflag:s24], $0x400  }
0xd5: {  	[sflag:s24] =	ssyncset.done $0x0  }
0xd6: {  	[sflag:s24] =	ssyncadd.s32 $0xFFFFFC00  }
0xd7: {  	[spmem:s3] =	stream.indirect.scatter.add.f32 [tilespmem:s20], [sflag:$0x2], $0x8, s10, s15, $0xb8;
	[tilespmem:$0x1C300] =	vst v63  }
0xd8: {  	_ =	swait.ge [sflag:s24], $0x400  }
0xd9: {  	[sflag:s24] =	ssyncset.done $0x0  }
0xda: {  	[sflag:s24] =	ssyncadd.s32 $0xFFFFFC00  }
0xdb: {  	[spmem:s3] =	stream.indirect.scatter.add.f32 [tilespmem:s21], [sflag:$0x2], $0x8, s7, s15, $0xb8;
	[tilespmem:$0x1C300] =	vst v63  }
0xdc: {  	_ =	swait.ge [sflag:s24], $0x400  }
0xdd: {  	[sflag:s24] =	ssyncset.done $0x0  }
0xde: {  	[sflag:s24] =	ssyncadd.s32 $0xFFFFFC00  }
0xdf: {  	[spmem:s3] =	stream.indirect.scatter.add.f32 [tilespmem:s22], [sflag:$0x2], $0x8, s29, s15, $0xb8;
	[tilespmem:$0x1C300] =	vst v63  }
0xe0: {  	_ =	swait.ge [sflag:s24], $0x400  }
0xe1: {  	[sflag:s24] =	ssyncset.done $0x0  }
0xe2: {  	[sflag:s24] =	ssyncadd.s32 $0xFFFFFC00  }
0xe3: {  	[spmem:s3] =	stream.indirect.scatter.add.f32 [tilespmem:s23], [sflag:$0x2], $0x8, s11, s15, $0xb8;
	[tilespmem:$0x1C300] =	vst v63  }
0xe4: {  	_ =	swait.ge [sflag:s25], $0x400  }
0xe5: {  	[sflag:s25] =	ssyncset.done $0x0  }
0xe6: {  	[sflag:s25] =	ssyncadd.s32 $0xFFFFFC00  }
0xe7: {  	_ =	swait.ge [sflag:s25], $0x400  }
0xe8: {  	[sflag:s25] =	ssyncset.done $0x0  }
0xe9: {  	[sflag:s25] =	ssyncadd.s32 $0xFFFFFC00  }
0xea: {  	_ =	swait.ge [sflag:s25], $0x400  }
0xeb: {  	[sflag:s25] =	ssyncset.done $0x0  }
0xec: {  	[sflag:s25] =	ssyncadd.s32 $0xFFFFFC00  }
0xed: {  	_ =	swait.ge [sflag:s25], $0x400  }
0xee: {  	[sflag:s25] =	ssyncset.done $0x0  }
0xef: {  	[sflag:s25] =	ssyncadd.s32 $0xFFFFFC00  }
0xf0: {  	_ =	swait.ge [sflag:s25], $0x400  }
0xf1: {  	[sflag:s25] =	ssyncset.done $0x0  }
0xf2: {  	[sflag:s25] =	ssyncadd.s32 $0xFFFFFC00  }
0xf3: {  	_ =	swait.ge [sflag:s25], $0x400  }
0xf4: {  	[sflag:s25] =	ssyncset.done $0x0  }
0xf5: {  	s28 =	sadd.s32 $0x1, s28;
	[sflag:s25] =	ssyncadd.s32 $0xFFFFFC00  }
0xf6: {  	p0 =	sne.s32 s28, $0x7;
	_ =	swait.ge [sflag:s25], $0x400  }
.Ltmp1:
0xf7: {  	[sflag:s25] =	ssyncset.done $0x0;
	(pc) =	sbr.rel @p0 .LBB2_2-.Ltmp1, $4  }
0xf8: {  	[sflag:s25] =	ssyncadd.s32 $0xFFFFFC00  }
0xf9: {  	_ =	swait.ge [sflag:s25], $0x400  }
0xfa: {  	[sflag:s25] =	ssyncset.done $0x0  }
0xfb: {  	[sflag:s25] =	ssyncadd.s32 $0xFFFFFC00  }
0xfc: {  	[bflag:$0x0] =	sbarrier.arrive $0xFFFF;
	s4 =	simm.s32 $0x3C00  }
0xfd: {  	[tilespmem:s4], [sflag:$0x3] =	stream.linear.gather [spmem:s12], $0xC380, $0x38;
	[tilespmem:$0x1C300] =	vst v63  }
0xfe: {  	_ =	swait.ge [sflag:s13], $0xC380  }
0xff: {  	[sflag:s13] =	ssyncset.done $0x0  }
0x100: {  	s1 =	simm.s32 $0x0;
	s0 =	rddreg [dreg:$0x4];
	[sflag:s13] =	ssyncadd.s32 $0xFFFF3C80  }
0x101: {  	[hbm4b:s0+s1] =	stream.linear.scatter [tilespmem:s4], [sflag:$0x3], $0xC380, $0x38;
	[tilespmem:$0x1C300] =	vst v63  }
0x102: {  	_ =	swait.ge [sflag:s13], $0xC380  }
0x103: {  	s26 =	sadd.s32 $0x1, s26;
	s31 =	rddreg [dreg:$0x5]  }
0x104: {  	p0 =	sne.s32 s26, s31  }
.Ltmp2:
0x105: {  	_ = 	snop;
	(pc) =	sbr.rel @p0 .LBB2_1-.Ltmp2, $3  }
0x106: {  	_ =	sdelay $0x1  }
0x107: {  	[sflag:s13] =	ssyncset.done $0x0  }
0x108: {  	s2 =	smov.u32 s12;
	[sflag:s13] =	ssyncadd.s32 $0xFFFF3C80  }
0x109: {  	_ =	sfence.sel $0x180000  }
0x10a: {  	[bflag:$0x0] =	sbarrier.arrive $0xFFFF  }
0x10b: {  	_ =	strace $0x9000004D  }
0x10c: {  	s0 =	stileid.u32;
	[bflag:$0x2] =	sbarrier.arrive $0xFFFF  }
0x10d: {  	p0 =	sne.s32 s0, $0x0;
	s0 =	rddreg [dreg:$0x3]  }
0x10e: {  	s0 =	sadd.s32 @!p0 $0x100000, s0  }
0x10f: {  	[sflag:s0] =	ssyncadd.tile.s32 @!p0 $0x1;
	_ =	shalt  }
.Lfunc_end2:
_tile_overlayer_lowered:
.L_overlay_start_2:
0x110: {  	(tag) =	ssettag $0x2  }
0x111: {  	s0 =	rddreg [dreg:$0x0];
	s2 =	stileid.u32  }
0x112: {  	s1 =	rddreg [dreg:$0x1];
	p0 =	sne.s32 s2, $0x0  }
0x113: {  	s3 =	rddreg [dreg:$0x2];
	[bflag:$0x3] =	sbarrier.arrive $0xFFFF;
	s2 =	simm.s32 @!p0 $0x1C03  }
0x114: {  	[timem:s3], [sflag:s2] =	dma.local @!p0 [hbm:s0], s1  }
0x115: {  	s0 =	simm.s32 @!p0 $0x3  }
0x116: {  	_ =	swait.ge @!p0 [sflag:s0], s1  }
0x117: {  	s1 =	ssub.s32 @!p0 $0x0, s1;
	[sflag:s0] =	ssyncset.done @!p0 $0x0  }
0x118: {  	[sflag:s0] =	ssyncadd.s32 @!p0 s1  }
0x119: {  	[bflag:$0x3] =	sbarrier.arrive $0xFFFF  }
0x11a: {  	_ =	shalt  }

// kernel: kernel.25.cloned.1.call-start
scs
__scs_entry_jumppad:
0x0: {  	(pc) =	sbr.rel $0x88, $3  }
0x1: {  	(tag) =	ssettag $0x0;
	lr =	simm.s32 $0x1  }
0x2: {  	[smem:$0x3F80] =	sst lr;
	_ =	strace $0xD0000000  }
0x3: {  	_ = 	snop  }
0x4: {  	_ = 	snop  }
0x5: {  	_ = 	snop  }
0x6: {  	_ = 	snop  }
0x7: {  	_ = 	snop  }
__scs_overlays_trampoline_lowered:
0x8: {  	[smem:$0x3F8F] =	sst s0  }
0x9: {  	[smem:$0x3F90] =	sst s1  }
0xa: {  	[smem:$0x3F91] =	sst s2  }
0xb: {  	[smem:$0x3F92] =	sst s3  }
0xc: {  	[smem:$0x3F93] =	sst s4  }
0xd: {  	[smem:$0x3F94] =	sst s5  }
0xe: {  	[smem:$0x3F95] =	sst s6  }
0xf: {  	[smem:$0x3F96] =	sst s7  }
0x10: {  	[smem:$0x3F97] =	sst s8  }
0x11: {  	[smem:$0x3F98] =	sst s9;
	s0 =	simm.s32 @!p0 $0x0  }
0x12: {  	s1 =	sld [smem:$0x3F7E];
	s0 =	simm.s32 @p0 $0x1  }
0x13: {  	[smem:$0x3F99] =	sst s0;
	s0 =	simm.s32 @!p1 $0x0  }
0x14: {  	s2 =	sld [smem:$0x3F7D];
	s0 =	simm.s32 @p1 $0x1  }
0x15: {  	[smem:$0x3F9A] =	sst s0;
	s0 =	simm.s32 @!p2 $0x0  }
0x16: {  	s3 =	sld [smem:$0x3FDB];
	s0 =	simm.s32 @p2 $0x1  }
0x17: {  	s4 =	simm.s32 $0x1BF5;
	[smem:$0x3F9C] =	sst s0  }
0x18: {  	s0 =	sld [smem:$0x3F7F];
	_ =	swait.ge [sflag:s4], $0x0  }
0x19: {  	s7 =	sld [smem:$0x3F80]  }
0x1a: {  	s8 =	sadd.s32 $0xFFFFE003, lr  }
0x1b: {  	s9 =	sadd.s32 $0xFFFFFEF7, lr;
	s5 =	simm.s32 $0xFFFFFFFF;
	p2 =	slt.u32 s8, $0xFFFFF086  }
0x1c: {  	p1 =	slt.u32 s9, $0xF7A;
	s5 =	simm.s32 @!p2 $0x0  }
0x1d: {  	s5 =	simm.s32 @p1 $0x1;
	p0 =	seq.s32 s7, s2  }
0x1e: {  	s7 =	smul.u32 @!p0 $0xF7A, s2;
	p2 =	seq.s32 @!p0 s5, $0x0  }
0x1f: {  	s9 =	smul.u32 $0xF7A, s1;
	s8 =	simm.s32 @!p0 $0x1BF5;
	p2 =	por !p2, p0  }
0x20: {  	[sflag:s8] =	ssyncset.s32 @!p0 $0xFFFFF086;
	s6 =	sadd.s32 @!p0 s3, s7;
	s7 =	simm.s32 @!p0 $0x108  }
0x21: {  	s3 =	sadd.s32 s3, s9;
	s6 =	sadd.s32 @!p0 $0x88, s6;
	s7 =	simm.s32 @p2 $0x1082  }
0x22: {  	[simem:s7], [sflag:s8] =	dma.local @!p0 [hbm:s6], $0xF7A  }
0x23: {  	s9 =	sor.u32 $0xD0000000, s2;
	s6 =	simm.s32 $0x108;
	_ =	swait.ge @!p0 [sflag:s8], $0x0  }
0x24: {  	s3 =	sadd.s32 $0x88, s3;
	s6 =	simm.s32 @!p1 $0x1082;
	[sflag:s4] =	ssyncset.s32 $0xFFFFF086  }
0x25: {  	[simem:s6], [sflag:s4] =	dma.local [hbm:s3], $0xF7A  }
0x26: {  	[smem:$0x3F80] =	sst s1;
	(tag) =	ssettag s2;
	_ =	strace s9  }
0x27: {  	s1 =	sld [smem:$0x3F90]  }
0x28: {  	s2 =	sld [smem:$0x3F91]  }
0x29: {  	s4 =	sld [smem:$0x3F93]  }
0x2a: {  	p0 =	seq.s32 s5, $0x0;
	s5 =	sld [smem:$0x3F94]  }
0x2b: {  	s6 =	sld [smem:$0x3F95]  }
0x2c: {  	s7 =	sld [smem:$0x3F96]  }
0x2d: {  	s3 =	simm.s32 $0x108;
	s8 =	sld [smem:$0x3F97]  }
0x2e: {  	s3 =	simm.s32 @!p0 $0x1082;
	s9 =	sld [smem:$0x3F98]  }
0x2f: {  	lr =	sadd.s32 s0, s3;
	s0 =	sld [smem:$0x3F8F]  }
0x30: {  	s3 =	sld [smem:$0x3F92]  }
0x31: {  	[smem:$0x3F9B] =	sst s10  }
0x32: {  	s10 =	sld [smem:$0x3F99];
	_ =	sdelay $0x3  }
0x33: {  	p0 =	seq.s32 s10, $0x1;
	s10 =	sld [smem:$0x3F9B];
	_ =	sdelay $0x3  }
0x34: {  	[smem:$0x3F9B] =	sst s10  }
0x35: {  	s10 =	sld [smem:$0x3F9A];
	_ =	sdelay $0x3  }
0x36: {  	p1 =	seq.s32 s10, $0x1;
	s10 =	sld [smem:$0x3F9B];
	_ =	sdelay $0x3  }
0x37: {  	[smem:$0x3F9B] =	sst s10  }
0x38: {  	s10 =	sld [smem:$0x3F9C]  }
0x39: {  	_ = 	snop;
	(pc) =	sbr.ind lr, $3  }
0x3a: {  	_ = 	snop  }
0x3b: {  	_ = 	snop  }
0x3c: {  	p2 =	seq.s32 s10, $0x1;
	s10 =	sld [smem:$0x3F9B]  }
0x3d: {  	_ =	shalt  }
0x3e: {  	_ =	shalt  }
0x3f: {  	_ =	shalt  }
0x40: {  	_ =	shalt  }
0x41: {  	_ =	shalt  }
0x42: {  	_ =	shalt  }
0x43: {  	_ =	shalt  }
0x44: {  	_ =	shalt  }
0x45: {  	_ =	shalt  }
0x46: {  	_ =	shalt  }
0x47: {  	_ =	shalt  }
0x48: {  	_ =	shalt  }
0x49: {  	_ =	shalt  }
0x4a: {  	_ =	shalt  }
0x4b: {  	_ =	shalt  }
0x4c: {  	_ =	shalt  }
0x4d: {  	_ =	shalt  }
0x4e: {  	_ =	shalt  }
0x4f: {  	_ =	shalt  }
0x50: {  	_ =	shalt  }
0x51: {  	_ =	shalt  }
0x52: {  	_ =	shalt  }
0x53: {  	_ =	shalt  }
0x54: {  	_ =	shalt  }
0x55: {  	_ =	shalt  }
0x56: {  	_ =	shalt  }
0x57: {  	_ =	shalt  }
0x58: {  	_ =	shalt  }
0x59: {  	_ =	shalt  }
0x5a: {  	_ =	shalt  }
0x5b: {  	_ =	shalt  }
0x5c: {  	_ =	shalt  }
0x5d: {  	_ =	shalt  }
0x5e: {  	_ =	shalt  }
0x5f: {  	_ =	shalt  }
0x60: {  	_ =	shalt  }
0x61: {  	_ =	shalt  }
0x62: {  	_ =	shalt  }
0x63: {  	_ =	shalt  }
0x64: {  	_ =	shalt  }
0x65: {  	_ =	shalt  }
0x66: {  	_ =	shalt  }
0x67: {  	_ =	shalt  }
0x68: {  	_ =	shalt  }
0x69: {  	_ =	shalt  }
0x6a: {  	_ =	shalt  }
0x6b: {  	_ =	shalt  }
0x6c: {  	_ =	shalt  }
0x6d: {  	_ =	shalt  }
0x6e: {  	_ =	shalt  }
0x6f: {  	_ =	shalt  }
0x70: {  	_ =	shalt  }
0x71: {  	_ =	shalt  }
0x72: {  	_ =	shalt  }
0x73: {  	_ =	shalt  }
0x74: {  	_ =	shalt  }
0x75: {  	_ =	shalt  }
0x76: {  	_ =	shalt  }
0x77: {  	_ =	shalt  }
0x78: {  	_ =	shalt  }
0x79: {  	_ =	shalt  }
0x7a: {  	_ =	shalt  }
0x7b: {  	_ =	shalt  }
0x7c: {  	_ =	shalt  }
0x7d: {  	_ =	shalt  }
0x7e: {  	_ =	shalt  }
0x7f: {  	_ =	shalt  }
0x80: {  	_ =	shalt  }
0x81: {  	_ =	shalt  }
0x82: {  	_ =	shalt  }
0x83: {  	_ =	shalt  }
0x84: {  	_ =	shalt  }
0x85: {  	_ =	shalt  }
0x86: {  	_ =	shalt  }
0x87: {  	_ =	shalt  }
.Lfunc_end0:
.L_simem_size_0:
called_computation.3_lowered:
.L_overlay_start_0:
0x88: {  	s2 =	sld [smem:$0x3FD9]  }
0x89: {  	s3 =	sld [smem:$0x3FFE];
	_ =	sdelay $0x1  }
0x8a: {  	s1 =	srdreg.scid  }
0x8b: {  	s0 =	sand.u32 $0x1, s1  }
0x8c: {  	s17 =	sshll.u32 s0, $0xA;
	s2 =	sadd.s32 s3, s2  }
0x8d: {  	s2 =	sadd.s32 s2, s17  }
0x8e: {  	[smem:$0x3FA7] =	sst s2  }
0x8f: {  	_ = 	snop  }
0x90: {  	s2 =	sld [smem:$0x3FD0];
	(tm) =	ssettm $0x1  }
0x91: {  	s18 =	sld [smem:$0x3FFB];
	_ =	sdelay $0x3  }
0x92: {  	_ =	strace s18  }
0x93: {  	s3 =	sld [smem:$0x3FFC];
	_ =	sdelay $0x3  }
0x94: {  	_ =	strace s3  }
0x95: {  	s3 =	sld [smem:$0x3FFD];
	_ =	sdelay $0x3  }
0x96: {  	_ =	strace s3  }
0x97: {  	_ =	strace $0x8FFFFFFF  }
0x98: {  	s19 =	sld [smem:$0x3FDB];
	_ =	sdelay $0x1  }
0x99: {  	s4 =	simm.s32 $_scs_section_size  }
0x9a: {  	s5 =	simm.s32 $_size__tile_overlayer_lowered;
	s6 =	simm.s32 $_tile_overlayer_lowered  }
0x9b: {  	s22 =	simm.s32 $0x1BFF;
	s21 =	sshll.u32 s6, $0x1;
	s3 =	sadd.s32 s4, s19  }
0x9c: {  	s7 =	simm.s32 $0x0;
	s20 =	sshll.u32 s5, $0x1;
	s5 =	sadd.s32 s21, s3  }
0x9d: {  	[timem:s7], [sflag:s22] =	dma.local [hbm:s5], s20  }
0x9e: {  	_ =	swait.ge [sflag:s22], s20  }
0x9f: {  	s4 =	ssub.s32 $0x0, s20;
	[sflag:s22] =	ssyncset.done $0x0  }
0xa0: {  	[sflag:s22] =	ssyncadd.s32 s4;
	_ =	sdelay $0x1  }
0xa1: {  	s23 =	simm.s32 $0x1B8B  }
0xa2: {  	_ =	swait.ge [sflag:s23], $0x1  }
0xa3: {  	[sflag:s23] =	ssyncset.done $0x0  }
0xa4: {  	s25 =	simm.s32 $0x1B8E;
	s24 =	sld [smem:$0x3FFE];
	[sflag:s23] =	ssyncadd.s32 $0xFFFFFFFF  }
0xa5: {  	s26 =	simm.s32 $execute0_lowered;
	[smem:$0x3FD2] =	sst s25  }
0xa6: {  	s5 =	sshll.u32 s26, $0x1;
	_ =	strace $0x8000004F;
	[dreg:$0x1] =	wrdreg $0xFFFFFFFF  }
0xa7: {  	s28 =	simm.s32 $_size_execute0_lowered;
	s3 =	sadd.s32 s3, s5;
	[dreg:$0x0] =	wrdreg $0x0  }
0xa8: {  	s5 =	sshll.u32 s28, $0x1;
	[dreg:$0x2] =	wrdreg s3  }
0xa9: {  	[dreg:$0x3] =	wrdreg s5  }
0xaa: {  	[dreg:$0x4] =	wrdreg $0xC0  }
0xab: {  	_ =	task [dreg:s7], $0x5FFFF  }
0xac: {  	[dreg:$0x1] =	wrdreg $0xFFFFFFFF  }
0xad: {  	[dreg:$0x0] =	wrdreg $0x60  }
0xae: {  	[dreg:$0x2] =	wrdreg s24  }
0xaf: {  	[dreg:$0x3] =	wrdreg s2  }
0xb0: {  	[dreg:$0x4] =	wrdreg $0xFF800  }
0xb1: {  	[dreg:$0x5] =	wrdreg $0x9  }
0xb2: {  	_ =	task.clear_ibuf [dreg:s7], $0x6FFFF;
	_ =	strace $0x9000004F  }
0xb3: {  	s29 =	simm.s32 $0x9;
	_ =	strace $0x80000051  }
0xb4: {  	_ =	swait.ge [sflag:s29], $0x1  }
0xb5: {  	[sflag:s29] =	ssyncadd.s32 $0xFFFFFFFF  }
0xb6: {  	_ =	strace $0x90000051  }
0xb7: {  	_ =	sfence  }
0xb8: {  	s30 =	sld [smem:$0x0];
	_ =	sdelay $0x2  }
0xb9: {  	s31 =	sshll.u32 s1, $0xD;
	s1 =	sshrl.u32 s1, $0x2  }
0xba: {  	s3 =	sand.u32 $0x4000, s31;
	s1 =	sadd.s32 s1, s30  }
0xbb: {  	s0 =	sor.u32 s3, s0;
	s1 =	sshll.u32 s1, $0x11  }
0xbc: {  	s0 =	sor.u32 s1, s0  }
0xbd: {  	s0 =	sadd.s32 $0x8F2B, s0  }
0xbe: {  	[sflag:s0] =	ssyncadd.remote.s32 $0x1  }
0xbf: {  	_ =	sfence.sel $0xFFFF  }
0xc0: {  	[dreg:$0x0] =	wrdreg $0xFFFFFFFF;
	(pc) =	sbr.abs _section_cstart, $3  }
0xc1: {  	[dreg:$0x1] =	wrdreg $0xFFFFFFFF  }
0xc2: {  	_ =	task.clear_ibuf [dreg:s7], $0x2FFFF;
	_ =	strace $0x9FFFFFFF  }
0xc3: {  	(tm) =	ssettm $0x7FFFFFFF  }
tec
execute0_lowered:
.L_overlay_start_1:
0x0: {  	(tag) =	ssettag $0x1  }
0x1: {  	s9 =	rddreg [dreg:$0x0];
	s0 =	srdreg.scid  }
0x2: {  	s3 =	rddreg [dreg:$0x2];
	s26 =	stileid.u32;
	s1 =	simm.s32 $0x0  }
0x3: {  	s4 =	simm.s32 $0x3C00;
	s14 =	simm.s32 $0xE00;
	s15 =	simm.s32 $0x80  }
0x4: {  	s16 =	simm.s32 $0x1C00;
	s17 =	simm.s32 $0x2C00;
	s18 =	simm.s32 $0x2000  }
0x5: {  	s19 =	simm.s32 $0x3000;
	s20 =	simm.s32 $0x2400;
	s21 =	simm.s32 $0x3400  }
0x6: {  	s22 =	simm.s32 $0x2800;
	s23 =	simm.s32 $0x3800;
	s24 =	simm.s32 $0x1  }
0x7: {  	s25 =	simm.s32 $0x2;
	s7 =	sand.u32 $0x1, s0;
	s8 =	smul.u32 $0xC380, s26  }
0x8: {  	[smem:$0x7FF] =	sst s1;
	s5 =	sadd.s32 $0x39400, s9;
	s10 =	smul.u32 $0x30E00, s26  }
0x9: {  	s12 =	sshll.u32 s26, $0x1;
	s26 =	simm.s32 $0x0;
	s6 =	smul.u32 $0xC3800, s7  }
0xa: {  	_ =	strace $0x80000050;
	s28 =	ssub.s32 $0x2, s7;
	s12 =	sor.u32 s7, s12  }
0xb: {  	s13 =	sshrl.u32 s28, $0x1;
	s29 =	sshrl.u32 s10, $0x2;
	s8 =	sadd.s32 s8, s6  }
0xc: {  	s6 =	sadd.s32 $0x8400, s9;
	s13 =	ssub.s32 s28, s13;
	s8 =	sshrl.u32 s8, $0x3  }
0xd: {  	s2 =	sadd.s32 s29, s3;
	s31 =	smax.u32 s13, $0x1;
	s11 =	sadd.s32 s8, s9  }
0xe: {  	s13 =	simm.s32 $0x3;
	[dreg:$0x5] =	wrdreg s31;
	s30 =	sadd.s32 $0x51C00, s11  }
0xf: {  	s8 =	smul.u32 $0xC4, s12;
	s9 =	sadd.s32 $0x20C00, s9;
	[dreg:$0x4] =	wrdreg s30  }
.LBB2_1:
0x10: {  	s0 =	rddreg [dreg:$0x1]  }
0x11: {  	[tilespmem:s4], [sflag:$0x3] =	stream.linear.gather [hbm4b:s0+s1], $0xC380, $0x38;
	[tilespmem:$0x1C300] =	vst v63  }
0x12: {  	_ =	swait.ge [sflag:s13], $0xC380  }
0x13: {  	[sflag:s13] =	ssyncset.done $0x0  }
0x14: {  	[sflag:s13] =	ssyncadd.s32 $0xFFFF3C80  }
0x15: {  	[spmem:s2] =	stream.linear.scatter [tilespmem:s4], [sflag:$0x3], $0xC380, $0x38;
	[tilespmem:$0x1C300] =	vst v63  }
0x16: {  	_ =	swait.ge [sflag:s13], $0xC380  }
0x17: {  	[sflag:s13] =	ssyncset.done $0x0  }
0x18: {  	[sflag:s13] =	ssyncadd.s32 $0xFFFF3C80  }
0x19: {  	s12 =	smov.u32 s2;
	s28 =	simm.s32 $0x0;
	[bflag:$0x0] =	sbarrier.arrive $0xFFFF  }
.LBB2_2:
0x1a: {  	s29 =	smul.u32 $0x1C, s28;
	_ =	sdelay $0x1  }
0x1b: {  	s29 =	sadd.s32 s8, s29  }
0x1c: {  	s29 =	sshll.u32 s29, $0x4  }
0x1d: {  	s31 =	simm.s32 $0x0;
	s30 =	sadd.s32 s6, s29  }
0x1e: {  	[tilespmem:s31], [sflag:$0x3] =	stream.linear.gather [hbm4b:s30+s31], $0xE00, $0x38;
	[tilespmem:$0x1C300] =	vst v63  }
0x1f: {  	_ =	swait.ge [sflag:s13], $0xE00  }
0x20: {  	[sflag:s13] =	ssyncset.done $0x0  }
0x21: {  	s29 =	sadd.s32 s29, s9;
	[sflag:s13] =	ssyncadd.s32 $0xFFFFF200  }
0x22: {  	[tilespmem:s14], [sflag:$0x3] =	stream.linear.gather [hbm4b:s29+s31], $0xE00, $0x38;
	[tilespmem:$0x1C300] =	vst v63  }
0x23: {  	_ =	swait.ge [sflag:s13], $0xE00  }
0x24: {  	[sflag:s13] =	ssyncset.done $0x0  }
0x25: {  	s29 =	simm.s32 $0x0;
	[sflag:s13] =	ssyncadd.s32 $0xFFFFF200  }
0x26: {  	[tilespmem:s16], [sflag:$0x1] =	stream.indirect.gather [hbm4b:s5+s15], $0x8, s29, s15, $0xb8;
	[tilespmem:$0x1C300] =	vst v63  }
0x27: {  	s11 =	simm.s32 $0xE00  }
0x28: {  	[tilespmem:s17], [sflag:$0x1] =	stream.indirect.gather [hbm4b:s5+s15], $0x8, s11, s15, $0xb8;
	[tilespmem:$0x1C300] =	vst v63  }
0x29: {  	s31 =	simm.s32 $0x80  }
0x2a: {  	[tilespmem:s18], [sflag:$0x1] =	stream.indirect.gather [hbm4b:s5+s15], $0x8, s31, s15, $0xb8;
	[tilespmem:$0x1C300] =	vst v63  }
0x2b: {  	s0 =	simm.s32 $0xE80  }
0x2c: {  	[tilespmem:s19], [sflag:$0x1] =	stream.indirect.gather [hbm4b:s5+s15], $0x8, s0, s15, $0xb8;
	[tilespmem:$0x1C300] =	vst v63  }
0x2d: {  	s1 =	simm.s32 $0x100  }
0x2e: {  	[tilespmem:s20], [sflag:$0x1] =	stream.indirect.gather [hbm4b:s5+s15], $0x8, s1, s15, $0xb8;
	[tilespmem:$0x1C300] =	vst v63  }
0x2f: {  	s2 =	simm.s32 $0xF00  }
0x30: {  	[tilespmem:s21], [sflag:$0x1] =	stream.indirect.gather [hbm4b:s5+s15], $0x8, s2, s15, $0xb8;
	[tilespmem:$0x1C300] =	vst v63  }
0x31: {  	s4 =	simm.s32 $0x180  }
0x32: {  	[tilespmem:s22], [sflag:$0x1] =	stream.indirect.gather [hbm4b:s5+s15], $0x8, s4, s15, $0xb8;
	[tilespmem:$0x1C300] =	vst v63  }
0x33: {  	s10 =	simm.s32 $0xF80  }
0x34: {  	[tilespmem:s23], [sflag:$0x1] =	stream.indirect.gather [hbm4b:s5+s15], $0x8, s10, s15, $0xb8;
	[tilespmem:$0x1C300] =	vst v63  }
0x35: {  	_ =	swait.ge [sflag:s24], $0x400  }
0x36: {  	[sflag:s24] =	ssyncset.done $0x0  }
0x37: {  	[sflag:s24] =	ssyncadd.s32 $0xFFFFFC00  }
0x38: {  	[spmem:s3] =	stream.indirect.scatter.add.f32 [tilespmem:s16], [sflag:$0x2], $0x8, s11, s15, $0xb8;
	[tilespmem:$0x1C300] =	vst v63  }
0x39: {  	_ =	swait.ge [sflag:s24], $0x400  }
0x3a: {  	[sflag:s24] =	ssyncset.done $0x0  }
0x3b: {  	[sflag:s24] =	ssyncadd.s32 $0xFFFFFC00  }
0x3c: {  	[spmem:s3] =	stream.indirect.scatter.add.f32 [tilespmem:s17], [sflag:$0x2], $0x8, s29, s15, $0xb8;
	[tilespmem:$0x1C300] =	vst v63  }
0x3d: {  	_ =	swait.ge [sflag:s24], $0x400  }
0x3e: {  	[sflag:s24] =	ssyncset.done $0x0  }
0x3f: {  	[sflag:s24] =	ssyncadd.s32 $0xFFFFFC00  }
0x40: {  	[spmem:s3] =	stream.indirect.scatter.add.f32 [tilespmem:s18], [sflag:$0x2], $0x8, s0, s15, $0xb8;
	[tilespmem:$0x1C300] =	vst v63  }
0x41: {  	_ =	swait.ge [sflag:s24], $0x400  }
0x42: {  	[sflag:s24] =	ssyncset.done $0x0  }
0x43: {  	[sflag:s24] =	ssyncadd.s32 $0xFFFFFC00  }
0x44: {  	[spmem:s3] =	stream.indirect.scatter.add.f32 [tilespmem:s19], [sflag:$0x2], $0x8, s31, s15, $0xb8;
	[tilespmem:$0x1C300] =	vst v63  }
0x45: {  	_ =	swait.ge [sflag:s24], $0x400  }
0x46: {  	[sflag:s24] =	ssyncset.done $0x0  }
0x47: {  	[sflag:s24] =	ssyncadd.s32 $0xFFFFFC00  }
0x48: {  	[spmem:s3] =	stream.indirect.scatter.add.f32 [tilespmem:s20], [sflag:$0x2], $0x8, s2, s15, $0xb8;
	[tilespmem:$0x1C300] =	vst v63  }
0x49: {  	_ =	swait.ge [sflag:s24], $0x400  }
0x4a: {  	[sflag:s24] =	ssyncset.done $0x0  }
0x4b: {  	[sflag:s24] =	ssyncadd.s32 $0xFFFFFC00  }
0x4c: {  	[spmem:s3] =	stream.indirect.scatter.add.f32 [tilespmem:s21], [sflag:$0x2], $0x8, s1, s15, $0xb8;
	[tilespmem:$0x1C300] =	vst v63  }
0x4d: {  	_ =	swait.ge [sflag:s24], $0x400  }
0x4e: {  	[sflag:s24] =	ssyncset.done $0x0  }
0x4f: {  	[sflag:s24] =	ssyncadd.s32 $0xFFFFFC00  }
0x50: {  	[spmem:s3] =	stream.indirect.scatter.add.f32 [tilespmem:s22], [sflag:$0x2], $0x8, s10, s15, $0xb8;
	[tilespmem:$0x1C300] =	vst v63  }
0x51: {  	_ =	swait.ge [sflag:s24], $0x400  }
0x52: {  	[sflag:s24] =	ssyncset.done $0x0  }
0x53: {  	[sflag:s24] =	ssyncadd.s32 $0xFFFFFC00  }
0x54: {  	[spmem:s3] =	stream.indirect.scatter.add.f32 [tilespmem:s23], [sflag:$0x2], $0x8, s4, s15, $0xb8;
	[tilespmem:$0x1C300] =	vst v63  }
0x55: {  	_ =	swait.ge [sflag:s25], $0x400  }
0x56: {  	[sflag:s25] =	ssyncset.done $0x0  }
0x57: {  	[sflag:s25] =	ssyncadd.s32 $0xFFFFFC00  }
0x58: {  	_ =	swait.ge [sflag:s25], $0x400  }
0x59: {  	[sflag:s25] =	ssyncset.done $0x0  }
0x5a: {  	[sflag:s25] =	ssyncadd.s32 $0xFFFFFC00  }
0x5b: {  	_ =	swait.ge [sflag:s25], $0x400  }
0x5c: {  	[sflag:s25] =	ssyncset.done $0x0  }
0x5d: {  	[sflag:s25] =	ssyncadd.s32 $0xFFFFFC00  }
0x5e: {  	_ =	swait.ge [sflag:s25], $0x400  }
0x5f: {  	[sflag:s25] =	ssyncset.done $0x0  }
0x60: {  	[sflag:s25] =	ssyncadd.s32 $0xFFFFFC00  }
0x61: {  	_ =	swait.ge [sflag:s25], $0x400  }
0x62: {  	[sflag:s25] =	ssyncset.done $0x0  }
0x63: {  	[sflag:s25] =	ssyncadd.s32 $0xFFFFFC00  }
0x64: {  	_ =	swait.ge [sflag:s25], $0x400  }
0x65: {  	[sflag:s25] =	ssyncset.done $0x0  }
0x66: {  	[sflag:s25] =	ssyncadd.s32 $0xFFFFFC00  }
0x67: {  	_ =	swait.ge [sflag:s25], $0x400  }
0x68: {  	[sflag:s25] =	ssyncset.done $0x0  }
0x69: {  	[sflag:s25] =	ssyncadd.s32 $0xFFFFFC00  }
0x6a: {  	_ =	swait.ge [sflag:s25], $0x400  }
0x6b: {  	s29 =	simm.s32 $0x800;
	s31 =	simm.s32 $0x1000;
	[sflag:s25] =	ssyncset.done $0x0  }
.LBB2_3:
0x6c: {  	s0 =	sshra.s32 s29, $0x2  }
0x6d: {  	[sflag:s25] =	ssyncadd.s32 $0xFFFFFC00;
	s29 =	smov.u32 s31;
	s30 =	sadd.s32 $0x800, s31  }
0x6e: {  	[tilespmem:s16], [sflag:$0x1] =	stream.indirect.gather [hbm4b:s5+s15], $0x8, s0, s15, $0xb8;
	[tilespmem:$0x1C300] =	vst v63  }
0x6f: {  	p0 =	sne.s32 s31, $0x3000;
	s1 =	sadd.s32 $0xE00, s0  }
0x70: {  	[tilespmem:s17], [sflag:$0x1] =	stream.indirect.gather [hbm4b:s5+s15], $0x8, s1, s15, $0xb8;
	[tilespmem:$0x1C300] =	vst v63  }
0x71: {  	s2 =	sadd.s32 $0x80, s0  }
0x72: {  	[tilespmem:s18], [sflag:$0x1] =	stream.indirect.gather [hbm4b:s5+s15], $0x8, s2, s15, $0xb8;
	[tilespmem:$0x1C300] =	vst v63  }
0x73: {  	s4 =	sadd.s32 $0xE80, s0  }
0x74: {  	[tilespmem:s19], [sflag:$0x1] =	stream.indirect.gather [hbm4b:s5+s15], $0x8, s4, s15, $0xb8;
	[tilespmem:$0x1C300] =	vst v63  }
0x75: {  	s10 =	sadd.s32 $0x100, s0  }
0x76: {  	[tilespmem:s20], [sflag:$0x1] =	stream.indirect.gather [hbm4b:s5+s15], $0x8, s10, s15, $0xb8;
	[tilespmem:$0x1C300] =	vst v63  }
0x77: {  	s11 =	sadd.s32 $0xF00, s0  }
0x78: {  	[tilespmem:s21], [sflag:$0x1] =	stream.indirect.gather [hbm4b:s5+s15], $0x8, s11, s15, $0xb8;
	[tilespmem:$0x1C300] =	vst v63  }
0x79: {  	s31 =	sadd.s32 $0x180, s0  }
0x7a: {  	[tilespmem:s22], [sflag:$0x1] =	stream.indirect.gather [hbm4b:s5+s15], $0x8, s31, s15, $0xb8;
	[tilespmem:$0x1C300] =	vst v63  }
0x7b: {  	s7 =	sadd.s32 $0xF80, s0  }
0x7c: {  	[tilespmem:s23], [sflag:$0x1] =	stream.indirect.gather [hbm4b:s5+s15], $0x8, s7, s15, $0xb8;
	[tilespmem:$0x1C300] =	vst v63  }
0x7d: {  	_ =	swait.ge [sflag:s24], $0x400  }
0x7e: {  	[sflag:s24] =	ssyncset.done $0x0  }
0x7f: {  	[sflag:s24] =	ssyncadd.s32 $0xFFFFFC00  }
0x80: {  	[spmem:s3] =	stream.indirect.scatter.add.f32 [tilespmem:s16], [sflag:$0x2], $0x8, s1, s15, $0xb8;
	[tilespmem:$0x1C300] =	vst v63  }
0x81: {  	_ =	swait.ge [sflag:s24], $0x400  }
0x82: {  	[sflag:s24] =	ssyncset.done $0x0  }
0x83: {  	[sflag:s24] =	ssyncadd.s32 $0xFFFFFC00  }
0x84: {  	[spmem:s3] =	stream.indirect.scatter.add.f32 [tilespmem:s17], [sflag:$0x2], $0x8, s0, s15, $0xb8;
	[tilespmem:$0x1C300] =	vst v63  }
0x85: {  	_ =	swait.ge [sflag:s24], $0x400  }
0x86: {  	[sflag:s24] =	ssyncset.done $0x0  }
0x87: {  	[sflag:s24] =	ssyncadd.s32 $0xFFFFFC00  }
0x88: {  	[spmem:s3] =	stream.indirect.scatter.add.f32 [tilespmem:s18], [sflag:$0x2], $0x8, s4, s15, $0xb8;
	[tilespmem:$0x1C300] =	vst v63  }
0x89: {  	_ =	swait.ge [sflag:s24], $0x400  }
0x8a: {  	[sflag:s24] =	ssyncset.done $0x0  }
0x8b: {  	[sflag:s24] =	ssyncadd.s32 $0xFFFFFC00  }
0x8c: {  	[spmem:s3] =	stream.indirect.scatter.add.f32 [tilespmem:s19], [sflag:$0x2], $0x8, s2, s15, $0xb8;
	[tilespmem:$0x1C300] =	vst v63  }
0x8d: {  	_ =	swait.ge [sflag:s24], $0x400  }
0x8e: {  	[sflag:s24] =	ssyncset.done $0x0  }
0x8f: {  	[sflag:s24] =	ssyncadd.s32 $0xFFFFFC00  }
0x90: {  	[spmem:s3] =	stream.indirect.scatter.add.f32 [tilespmem:s20], [sflag:$0x2], $0x8, s11, s15, $0xb8;
	[tilespmem:$0x1C300] =	vst v63  }
0x91: {  	_ =	swait.ge [sflag:s24], $0x400  }
0x92: {  	[sflag:s24] =	ssyncset.done $0x0  }
0x93: {  	[sflag:s24] =	ssyncadd.s32 $0xFFFFFC00  }
0x94: {  	[spmem:s3] =	stream.indirect.scatter.add.f32 [tilespmem:s21], [sflag:$0x2], $0x8, s10, s15, $0xb8;
	[tilespmem:$0x1C300] =	vst v63  }
0x95: {  	_ =	swait.ge [sflag:s24], $0x400  }
0x96: {  	[sflag:s24] =	ssyncset.done $0x0  }
0x97: {  	[sflag:s24] =	ssyncadd.s32 $0xFFFFFC00  }
0x98: {  	[spmem:s3] =	stream.indirect.scatter.add.f32 [tilespmem:s22], [sflag:$0x2], $0x8, s7, s15, $0xb8;
	[tilespmem:$0x1C300] =	vst v63  }
0x99: {  	_ =	swait.ge [sflag:s24], $0x400  }
0x9a: {  	[sflag:s24] =	ssyncset.done $0x0  }
0x9b: {  	[sflag:s24] =	ssyncadd.s32 $0xFFFFFC00  }
0x9c: {  	[spmem:s3] =	stream.indirect.scatter.add.f32 [tilespmem:s23], [sflag:$0x2], $0x8, s31, s15, $0xb8;
	[tilespmem:$0x1C300] =	vst v63  }
0x9d: {  	_ =	swait.ge [sflag:s25], $0x400  }
0x9e: {  	[sflag:s25] =	ssyncset.done $0x0  }
0x9f: {  	[sflag:s25] =	ssyncadd.s32 $0xFFFFFC00  }
0xa0: {  	_ =	swait.ge [sflag:s25], $0x400  }
0xa1: {  	[sflag:s25] =	ssyncset.done $0x0  }
0xa2: {  	[sflag:s25] =	ssyncadd.s32 $0xFFFFFC00  }
0xa3: {  	_ =	swait.ge [sflag:s25], $0x400  }
0xa4: {  	[sflag:s25] =	ssyncset.done $0x0  }
0xa5: {  	[sflag:s25] =	ssyncadd.s32 $0xFFFFFC00  }
0xa6: {  	_ =	swait.ge [sflag:s25], $0x400  }
0xa7: {  	[sflag:s25] =	ssyncset.done $0x0  }
0xa8: {  	[sflag:s25] =	ssyncadd.s32 $0xFFFFFC00  }
0xa9: {  	_ =	swait.ge [sflag:s25], $0x400  }
0xaa: {  	[sflag:s25] =	ssyncset.done $0x0  }
0xab: {  	[sflag:s25] =	ssyncadd.s32 $0xFFFFFC00  }
0xac: {  	_ =	swait.ge [sflag:s25], $0x400  }
0xad: {  	[sflag:s25] =	ssyncset.done $0x0  }
0xae: {  	[sflag:s25] =	ssyncadd.s32 $0xFFFFFC00  }
.Ltmp0:
0xaf: {  	_ =	swait.ge [sflag:s25], $0x400;
	(pc) =	sbr.rel @p0 .LBB2_3-.Ltmp0, $4  }
0xb0: {  	[sflag:s25] =	ssyncset.done $0x0  }
0xb1: {  	[sflag:s25] =	ssyncadd.s32 $0xFFFFFC00  }
0xb2: {  	_ =	swait.ge [sflag:s25], $0x400  }
0xb3: {  	s31 =	smov.u32 s30;
	[sflag:s25] =	ssyncset.done $0x0  }
0xb4: {  	s0 =	sshra.s32 s29, $0x2;
	[sflag:s25] =	ssyncadd.s32 $0xFFFFFC00  }
0xb5: {  	[tilespmem:s16], [sflag:$0x1] =	stream.indirect.gather [hbm4b:s5+s15], $0x8, s0, s15, $0xb8;
	[tilespmem:$0x1C300] =	vst v63  }
0xb6: {  	s1 =	sadd.s32 $0xE00, s0  }
0xb7: {  	[tilespmem:s17], [sflag:$0x1] =	stream.indirect.gather [hbm4b:s5+s15], $0x8, s1, s15, $0xb8;
	[tilespmem:$0x1C300] =	vst v63  }
0xb8: {  	s2 =	sadd.s32 $0x80, s0  }
0xb9: {  	[tilespmem:s18], [sflag:$0x1] =	stream.indirect.gather [hbm4b:s5+s15], $0x8, s2, s15, $0xb8;
	[tilespmem:$0x1C300] =	vst v63  }
0xba: {  	s4 =	sadd.s32 $0xE80, s0  }
0xbb: {  	[tilespmem:s19], [sflag:$0x1] =	stream.indirect.gather [hbm4b:s5+s15], $0x8, s4, s15, $0xb8;
	[tilespmem:$0x1C300] =	vst v63  }
0xbc: {  	s7 =	sadd.s32 $0x100, s0  }
0xbd: {  	[tilespmem:s20], [sflag:$0x1] =	stream.indirect.gather [hbm4b:s5+s15], $0x8, s7, s15, $0xb8;
	[tilespmem:$0x1C300] =	vst v63  }
0xbe: {  	s10 =	sadd.s32 $0xF00, s0  }
0xbf: {  	[tilespmem:s21], [sflag:$0x1] =	stream.indirect.gather [hbm4b:s5+s15], $0x8, s10, s15, $0xb8;
	[tilespmem:$0x1C300] =	vst v63  }
0xc0: {  	s11 =	sadd.s32 $0x180, s0  }
0xc1: {  	[tilespmem:s22], [sflag:$0x1] =	stream.indirect.gather [hbm4b:s5+s15], $0x8, s11, s15, $0xb8;
	[tilespmem:$0x1C300] =	vst v63  }
0xc2: {  	s29 =	sadd.s32 $0xF80, s0  }
0xc3: {  	[tilespmem:s23], [sflag:$0x1] =	stream.indirect.gather [hbm4b:s5+s15], $0x8, s29, s15, $0xb8;
	[tilespmem:$0x1C300] =	vst v63  }
0xc4: {  	_ =	swait.ge [sflag:s24], $0x400  }
0xc5: {  	[sflag:s24] =	ssyncset.done $0x0  }
0xc6: {  	[sflag:s24] =	ssyncadd.s32 $0xFFFFFC00  }
0xc7: {  	[spmem:s3] =	stream.indirect.scatter.add.f32 [tilespmem:s16], [sflag:$0x2], $0x8, s1, s15, $0xb8;
	[tilespmem:$0x1C300] =	vst v63  }
0xc8: {  	_ =	swait.ge [sflag:s24], $0x400  }
0xc9: {  	[sflag:s24] =	ssyncset.done $0x0  }
0xca: {  	[sflag:s24] =	ssyncadd.s32 $0xFFFFFC00  }
0xcb: {  	[spmem:s3] =	stream.indirect.scatter.add.f32 [tilespmem:s17], [sflag:$0x2], $0x8, s0, s15, $0xb8;
	[tilespmem:$0x1C300] =	vst v63  }
0xcc: {  	_ =	swait.ge [sflag:s24], $0x400  }
0xcd: {  	[sflag:s24] =	ssyncset.done $0x0  }
0xce: {  	[sflag:s24] =	ssyncadd.s32 $0xFFFFFC00  }
0xcf: {  	[spmem:s3] =	stream.indirect.scatter.add.f32 [tilespmem:s18], [sflag:$0x2], $0x8, s4, s15, $0xb8;
	[tilespmem:$0x1C300] =	vst v63  }
0xd0: {  	_ =	swait.ge [sflag:s24], $0x400  }
0xd1: {  	[sflag:s24] =	ssyncset.done $0x0  }
0xd2: {  	[sflag:s24] =	ssyncadd.s32 $0xFFFFFC00  }
0xd3: {  	[spmem:s3] =	stream.indirect.scatter.add.f32 [tilespmem:s19], [sflag:$0x2], $0x8, s2, s15, $0xb8;
	[tilespmem:$0x1C300] =	vst v63  }
0xd4: {  	_ =	swait.ge [sflag:s24], $0x400  }
0xd5: {  	[sflag:s24] =	ssyncset.done $0x0  }
0xd6: {  	[sflag:s24] =	ssyncadd.s32 $0xFFFFFC00  }
0xd7: {  	[spmem:s3] =	stream.indirect.scatter.add.f32 [tilespmem:s20], [sflag:$0x2], $0x8, s10, s15, $0xb8;
	[tilespmem:$0x1C300] =	vst v63  }
0xd8: {  	_ =	swait.ge [sflag:s24], $0x400  }
0xd9: {  	[sflag:s24] =	ssyncset.done $0x0  }
0xda: {  	[sflag:s24] =	ssyncadd.s32 $0xFFFFFC00  }
0xdb: {  	[spmem:s3] =	stream.indirect.scatter.add.f32 [tilespmem:s21], [sflag:$0x2], $0x8, s7, s15, $0xb8;
	[tilespmem:$0x1C300] =	vst v63  }
0xdc: {  	_ =	swait.ge [sflag:s24], $0x400  }
0xdd: {  	[sflag:s24] =	ssyncset.done $0x0  }
0xde: {  	[sflag:s24] =	ssyncadd.s32 $0xFFFFFC00  }
0xdf: {  	[spmem:s3] =	stream.indirect.scatter.add.f32 [tilespmem:s22], [sflag:$0x2], $0x8, s29, s15, $0xb8;
	[tilespmem:$0x1C300] =	vst v63  }
0xe0: {  	_ =	swait.ge [sflag:s24], $0x400  }
0xe1: {  	[sflag:s24] =	ssyncset.done $0x0  }
0xe2: {  	[sflag:s24] =	ssyncadd.s32 $0xFFFFFC00  }
0xe3: {  	[spmem:s3] =	stream.indirect.scatter.add.f32 [tilespmem:s23], [sflag:$0x2], $0x8, s11, s15, $0xb8;
	[tilespmem:$0x1C300] =	vst v63  }
0xe4: {  	_ =	swait.ge [sflag:s25], $0x400  }
0xe5: {  	[sflag:s25] =	ssyncset.done $0x0  }
0xe6: {  	[sflag:s25] =	ssyncadd.s32 $0xFFFFFC00  }
0xe7: {  	_ =	swait.ge [sflag:s25], $0x400  }
0xe8: {  	[sflag:s25] =	ssyncset.done $0x0  }
0xe9: {  	[sflag:s25] =	ssyncadd.s32 $0xFFFFFC00  }
0xea: {  	_ =	swait.ge [sflag:s25], $0x400  }
0xeb: {  	[sflag:s25] =	ssyncset.done $0x0  }
0xec: {  	[sflag:s25] =	ssyncadd.s32 $0xFFFFFC00  }
0xed: {  	_ =	swait.ge [sflag:s25], $0x400  }
0xee: {  	[sflag:s25] =	ssyncset.done $0x0  }
0xef: {  	[sflag:s25] =	ssyncadd.s32 $0xFFFFFC00  }
0xf0: {  	_ =	swait.ge [sflag:s25], $0x400  }
0xf1: {  	[sflag:s25] =	ssyncset.done $0x0  }
0xf2: {  	[sflag:s25] =	ssyncadd.s32 $0xFFFFFC00  }
0xf3: {  	_ =	swait.ge [sflag:s25], $0x400  }
0xf4: {  	[sflag:s25] =	ssyncset.done $0x0  }
0xf5: {  	s28 =	sadd.s32 $0x1, s28;
	[sflag:s25] =	ssyncadd.s32 $0xFFFFFC00  }
0xf6: {  	p0 =	sne.s32 s28, $0x7;
	_ =	swait.ge [sflag:s25], $0x400  }
.Ltmp1:
0xf7: {  	[sflag:s25] =	ssyncset.done $0x0;
	(pc) =	sbr.rel @p0 .LBB2_2-.Ltmp1, $4  }
0xf8: {  	[sflag:s25] =	ssyncadd.s32 $0xFFFFFC00  }
0xf9: {  	_ =	swait.ge [sflag:s25], $0x400  }
0xfa: {  	[sflag:s25] =	ssyncset.done $0x0  }
0xfb: {  	[sflag:s25] =	ssyncadd.s32 $0xFFFFFC00  }
0xfc: {  	[bflag:$0x0] =	sbarrier.arrive $0xFFFF;
	s4 =	simm.s32 $0x3C00  }
0xfd: {  	[tilespmem:s4], [sflag:$0x3] =	stream.linear.gather [spmem:s12], $0xC380, $0x38;
	[tilespmem:$0x1C300] =	vst v63  }
0xfe: {  	_ =	swait.ge [sflag:s13], $0xC380  }
0xff: {  	[sflag:s13] =	ssyncset.done $0x0  }
0x100: {  	s1 =	simm.s32 $0x0;
	s0 =	rddreg [dreg:$0x4];
	[sflag:s13] =	ssyncadd.s32 $0xFFFF3C80  }
0x101: {  	[hbm4b:s0+s1] =	stream.linear.scatter [tilespmem:s4], [sflag:$0x3], $0xC380, $0x38;
	[tilespmem:$0x1C300] =	vst v63  }
0x102: {  	_ =	swait.ge [sflag:s13], $0xC380  }
0x103: {  	s26 =	sadd.s32 $0x1, s26;
	s31 =	rddreg [dreg:$0x5]  }
0x104: {  	p0 =	sne.s32 s26, s31  }
.Ltmp2:
0x105: {  	_ = 	snop;
	(pc) =	sbr.rel @p0 .LBB2_1-.Ltmp2, $3  }
0x106: {  	_ =	sdelay $0x1  }
0x107: {  	[sflag:s13] =	ssyncset.done $0x0  }
0x108: {  	s2 =	smov.u32 s12;
	[sflag:s13] =	ssyncadd.s32 $0xFFFF3C80  }
0x109: {  	_ =	sfence.sel $0x180000  }
0x10a: {  	[bflag:$0x0] =	sbarrier.arrive $0xFFFF  }
0x10b: {  	_ =	strace $0x90000050  }
0x10c: {  	s0 =	stileid.u32;
	[bflag:$0x2] =	sbarrier.arrive $0xFFFF  }
0x10d: {  	p0 =	sne.s32 s0, $0x0;
	s0 =	rddreg [dreg:$0x3]  }
0x10e: {  	s0 =	sadd.s32 @!p0 $0x100000, s0  }
0x10f: {  	[sflag:s0] =	ssyncadd.tile.s32 @!p0 $0x1;
	_ =	shalt  }
.Lfunc_end2:
_tile_overlayer_lowered:
.L_overlay_start_2:
0x110: {  	(tag) =	ssettag $0x2  }
0x111: {  	s0 =	rddreg [dreg:$0x0];
	s2 =	stileid.u32  }
0x112: {  	s1 =	rddreg [dreg:$0x1];
	p0 =	sne.s32 s2, $0x0  }
0x113: {  	s3 =	rddreg [dreg:$0x2];
	[bflag:$0x3] =	sbarrier.arrive $0xFFFF;
	s2 =	simm.s32 @!p0 $0x1C03  }
0x114: {  	[timem:s3], [sflag:s2] =	dma.local @!p0 [hbm:s0], s1  }
0x115: {  	s0 =	simm.s32 @!p0 $0x3  }
0x116: {  	_ =	swait.ge @!p0 [sflag:s0], s1  }
0x117: {  	s1 =	ssub.s32 @!p0 $0x0, s1;
	[sflag:s0] =	ssyncset.done @!p0 $0x0  }
0x118: {  	[sflag:s0] =	ssyncadd.s32 @!p0 s1  }
0x119: {  	[bflag:$0x3] =	sbarrier.arrive $0xFFFF  }
0x11a: {  	_ =	shalt  }

</sc_bundles>
